<compile_context>
chip_gen: v7x
topology: tpu7x:2x2x1
jax: 0.10.2.dev20260603
libtpu: 0.0.44.dev20260713+nightly
codegen_flags: <defaults>
</compile_context>

<pallas_src>
import functools

import jax
import jax.numpy as jnp
from jax import lax
from jax.experimental import pallas as pl
from jax.experimental.pallas import tpu as pltpu
from jax.experimental.pallas import tpu_sc as plsc

PHASES = 4
PB = 8
K = 4
BR = 256


def _sc_gather(pos_p, pos_table, rows_p, D):
    NC, NS = 2, 16
    NW = NC * NS
    rows_per_w = rows_p // NW
    R = 8
    n_chunks = rows_per_w // R
    assert n_chunks % PB == 0 and n_chunks >= PB

    mesh = plsc.VectorSubcoreMesh(core_axis_name="c", subcore_axis_name="s")

    @functools.partial(
        pl.kernel,
        mesh=mesh,
        out_type=jax.ShapeDtypeStruct((rows_p, D), jnp.float32),
        scratch_types=[
            pltpu.VMEM((rows_per_w,), jnp.int32),
            [pltpu.VMEM((R, D), jnp.float32)] * PB,
            [pltpu.SemaphoreType.DMA] * PB,
            [pltpu.SemaphoreType.DMA] * PB,
        ],
    )
    def gather_k(pos_hbm, tab_hbm, pe_hbm, idx_v, pe_s, gsem, osem):
        wid = lax.axis_index("s") * NC + lax.axis_index("c")
        base = wid * rows_per_w

        pltpu.sync_copy(pos_hbm.at[pl.ds(base, rows_per_w)], idx_v)

        def start_in(c, b):
            pltpu.async_copy(tab_hbm.at[idx_v.at[pl.ds(c * R, R)]],
                             pe_s[b], gsem[b])

        def wait_in(b):
            pltpu.make_async_copy(tab_hbm.at[idx_v.at[pl.ds(0, R)]],
                                  pe_s[b], gsem[b]).wait()

        def wait_out(b):
            pltpu.make_async_copy(pe_s[b], pe_hbm.at[pl.ds(0, R), :],
                                  osem[b]).wait()

        for c0 in range(K):
            start_in(c0, c0 % PB)

        @pl.loop(0, n_chunks, step=PB)
        def _(ci):
            for b in range(PB):
                c = ci + b
                wait_in(b)
                pltpu.async_copy(pe_s[b], pe_hbm.at[pl.ds(base + c * R, R), :],
                                 osem[b])
                b2 = (b + K) % PB

                @pl.when(c >= PB - K)
                def _():
                    wait_out(b2)

                @pl.when(c + K < n_chunks)
                def _():
                    start_in(c + K, b2)

        for c0 in range(n_chunks - K, n_chunks):
            wait_out(c0 % PB)

    return gather_k(pos_p, pos_table)


def kernel(x, positions, pos_table):
    B, S, D = x.shape
    N = B * S
    xf = x.reshape(N, D)
    posf = positions.reshape(N).astype(jnp.int32)
    rows_p = N // PHASES
    nblk = rows_p // BR

    def add_body(x_ref, pe_ref, o_ref):
        o_ref[...] = x_ref[...] + pe_ref[...]

    def add_body_acc(buf_ref, x_ref, pe_ref, o_ref):
        o_ref[...] = x_ref[...] + pe_ref[...]

    buf = None
    for p in range(PHASES):
        pos_p = lax.slice(posf, (p * rows_p,), ((p + 1) * rows_p,))
        pe_p = _sc_gather(pos_p, pos_table, rows_p, D)
        off = p * nblk
        x_spec = pl.BlockSpec((BR, D), lambda i, off=off: (i + off, 0))
        pe_spec = pl.BlockSpec((BR, D), lambda i: (i, 0))
        out_spec = pl.BlockSpec((BR, D), lambda i, off=off: (i + off, 0))
        out_type = jax.ShapeDtypeStruct((N, D), jnp.float32)
        if buf is None:
            buf = pl.pallas_call(
                add_body,
                grid=(nblk,),
                in_specs=[x_spec, pe_spec],
                out_specs=out_spec,
                out_shape=out_type,
            )(xf, pe_p)
        else:
            buf = pl.pallas_call(
                add_body_acc,
                grid=(nblk,),
                in_specs=[pl.BlockSpec(memory_space=pl.ANY),
                          x_spec, pe_spec],
                out_specs=out_spec,
                out_shape=out_type,
                input_output_aliases={0: 0},
            )(buf, xf, pe_p)

    return buf.reshape(B, S, D)

# --- scband reference (transcript-rebuilt; emitter-appended) ---
"""Pipeline reference for scband-learned-positional-encoding-90099823935935 (READ-ONLY COPY).

The authoritative reference and input builder live on the scoring server;
editing this copy changes nothing except your own understanding.
"""

import jax, jax.numpy as jnp
import numpy as np

D_MODEL = 1024
MAX_SEQ = 8192
BATCH = 4
SEQ = 8192

def setup_inputs(seed: int = 0) -> dict:
    key = jax.random.key(seed)
    k1, k2, k3 = jax.random.split(key, 3)
    x = jax.random.normal(k1, (BATCH, SEQ, D_MODEL), dtype=jnp.float32)
    positions = jax.random.randint(k2, (BATCH, SEQ), 0, MAX_SEQ, dtype=jnp.int64 if jax.config.jax_enable_x64 else jnp.int32)
    pos_table = jax.random.normal(k3, (MAX_SEQ, D_MODEL), dtype=jnp.float32) * 0.02
    return {"x": x, "positions": positions, "pos_table": pos_table}

def reference(x, positions, pos_table):
    # pe = position_embeddings(positions): gather rows of table
    pe = jnp.take(pos_table, positions, axis=0)  # (B, S, D)
    out = x + pe
    # dropout p=0.0 -> identity
    return out

if __name__ == "__main__":
    import jax
    _d = setup_inputs()
    print(jax.jit(kernel)(*tuple(_d.values())))

</pallas_src>

<mosaic_0001>
#map = affine_map<(d0, d1) -> (0)>
#map1 = affine_map<(d0, d1) -> (0, 0)>
module attributes {stable_mosaic.version = 14 : i64} {
  func.func @gather_k(%arg0: i32, %arg1: i32, %arg2: memref<8192xi32, #tpu.memory_space<hbm>>, %arg3: memref<8192x1024xf32, #tpu.memory_space<hbm>>, %arg4: memref<8192x1024xf32, #tpu.memory_space<hbm>>, %arg5: memref<256xi32, #tpu.memory_space<vmem>>, %arg6: memref<8x1024xf32, #tpu.memory_space<vmem>>, %arg7: memref<8x1024xf32, #tpu.memory_space<vmem>>, %arg8: memref<8x1024xf32, #tpu.memory_space<vmem>>, %arg9: memref<8x1024xf32, #tpu.memory_space<vmem>>, %arg10: memref<8x1024xf32, #tpu.memory_space<vmem>>, %arg11: memref<8x1024xf32, #tpu.memory_space<vmem>>, %arg12: memref<8x1024xf32, #tpu.memory_space<vmem>>, %arg13: memref<8x1024xf32, #tpu.memory_space<vmem>>, %arg14: memref<!tpu.dma_semaphore, #tpu.memory_space<semaphore_mem>>, %arg15: memref<!tpu.dma_semaphore, #tpu.memory_space<semaphore_mem>>, %arg16: memref<!tpu.dma_semaphore, #tpu.memory_space<semaphore_mem>>, %arg17: memref<!tpu.dma_semaphore, #tpu.memory_space<semaphore_mem>>, %arg18: memref<!tpu.dma_semaphore, #tpu.memory_space<semaphore_mem>>, %arg19: memref<!tpu.dma_semaphore, #tpu.memory_space<semaphore_mem>>, %arg20: memref<!tpu.dma_semaphore, #tpu.memory_space<semaphore_mem>>, %arg21: memref<!tpu.dma_semaphore, #tpu.memory_space<semaphore_mem>>, %arg22: memref<!tpu.dma_semaphore, #tpu.memory_space<semaphore_mem>>, %arg23: memref<!tpu.dma_semaphore, #tpu.memory_space<semaphore_mem>>, %arg24: memref<!tpu.dma_semaphore, #tpu.memory_space<semaphore_mem>>, %arg25: memref<!tpu.dma_semaphore, #tpu.memory_space<semaphore_mem>>, %arg26: memref<!tpu.dma_semaphore, #tpu.memory_space<semaphore_mem>>, %arg27: memref<!tpu.dma_semaphore, #tpu.memory_space<semaphore_mem>>, %arg28: memref<!tpu.dma_semaphore, #tpu.memory_space<semaphore_mem>>, %arg29: memref<!tpu.dma_semaphore, #tpu.memory_space<semaphore_mem>>) attributes {dimension_semantics = [#tpu.dimension_semantics<core_parallel>, #tpu.dimension_semantics<subcore_parallel>], iteration_bounds = array<i64: 2, 16>, scalar_prefetch = 0 : i64, scratch_operands = 25 : i64, tpu.core_type = #tpu.core_type<sc_vector_subcore>, window_params = [{transform_indices = #map}, {transform_indices = #map1}, {transform_indices = #map1}]} {
    %mul3A = arith.constant 2 : i32
    %mul3A_0 = arith.muli %arg1, %mul3A : i32
    %add3A = arith.addi %mul3A_0, %arg0 : i32
    %mul3A_1 = arith.constant 256 : i32
    %mul3A_2 = arith.muli %add3A, %mul3A_1 : i32
    "tpu.region"() ({
      %run_scoped3A = tpu.sem_alloc : memref<!tpu.dma_semaphore, #tpu.memory_space<semaphore_mem>>
      %dma_start3A_49 = tpu.memref_slice %arg2[%mul3A_2] : memref<8192xi32, #tpu.memory_space<hbm>> -> memref<256xi32, #tpu.memory_space<hbm>>
      %dma_start3A_50 = tpu.memref_slice %arg2[%mul3A_2] : memref<8192xi32, #tpu.memory_space<hbm>> -> memref<256xi32, #tpu.memory_space<hbm>>
      tpu.enqueue_dma source(%dma_start3A_50 : memref<256xi32, #tpu.memory_space<hbm>>) target(%arg5 : memref<256xi32, #tpu.memory_space<vmem>>) target_semaphore(%run_scoped3A : memref<!tpu.dma_semaphore, #tpu.memory_space<semaphore_mem>>)
      %dma_wait3A_51 = tpu.memref_slice %arg2[%mul3A_2] : memref<8192xi32, #tpu.memory_space<hbm>> -> memref<256xi32, #tpu.memory_space<hbm>>
      %dma_wait3A_52 = tpu.memref_slice %arg2[%mul3A_2] : memref<8192xi32, #tpu.memory_space<hbm>> -> memref<256xi32, #tpu.memory_space<hbm>>
      tpu.wait_dma2 semaphore(%run_scoped3A : memref<!tpu.dma_semaphore, #tpu.memory_space<semaphore_mem>>) src(%dma_wait3A_52 : memref<256xi32, #tpu.memory_space<hbm>>) dst(%arg5 : memref<256xi32, #tpu.memory_space<vmem>>)
      tpu.yield
    }) : () -> ()
    %dma_start3A = arith.constant 0 : i32
    %dma_start3A_3 = tpu.memref_slice %arg5[%dma_start3A] : memref<256xi32, #tpu.memory_space<vmem>> -> memref<8xi32, #tpu.memory_space<vmem>>
    %dma_start3A_4 = arith.constant 0 : i32
    %dma_start3A_5 = arith.constant 0 : i32
    %dma_start3A_6 = tpu.memref_slice %arg3[%dma_start3A_4, %dma_start3A_5] : memref<8192x1024xf32, #tpu.memory_space<hbm>> -> memref<8192x1024xf32, #tpu.memory_space<hbm>>
    tpu.enqueue_indirect_dma source(%dma_start3A_6 : memref<8192x1024xf32, #tpu.memory_space<hbm>>) target(%arg6 : memref<8x1024xf32, #tpu.memory_space<vmem>>) offsets(%dma_start3A_3 : memref<8xi32, #tpu.memory_space<vmem>>) semaphore(%arg14 : memref<!tpu.dma_semaphore, #tpu.memory_space<semaphore_mem>>)
    %dma_start3A_7 = arith.constant 8 : i32
    %dma_start3A_8 = tpu.memref_slice %arg5[%dma_start3A_7] : memref<256xi32, #tpu.memory_space<vmem>> -> memref<8xi32, #tpu.memory_space<vmem>>
    %dma_start3A_9 = arith.constant 0 : i32
    %dma_start3A_10 = arith.constant 0 : i32
    %dma_start3A_11 = tpu.memref_slice %arg3[%dma_start3A_9, %dma_start3A_10] : memref<8192x1024xf32, #tpu.memory_space<hbm>> -> memref<8192x1024xf32, #tpu.memory_space<hbm>>
    tpu.enqueue_indirect_dma source(%dma_start3A_11 : memref<8192x1024xf32, #tpu.memory_space<hbm>>) target(%arg7 : memref<8x1024xf32, #tpu.memory_space<vmem>>) offsets(%dma_start3A_8 : memref<8xi32, #tpu.memory_space<vmem>>) semaphore(%arg15 : memref<!tpu.dma_semaphore, #tpu.memory_space<semaphore_mem>>)
    %dma_start3A_12 = arith.constant 16 : i32
    %dma_start3A_13 = tpu.memref_slice %arg5[%dma_start3A_12] : memref<256xi32, #tpu.memory_space<vmem>> -> memref<8xi32, #tpu.memory_space<vmem>>
    %dma_start3A_14 = arith.constant 0 : i32
    %dma_start3A_15 = arith.constant 0 : i32
    %dma_start3A_16 = tpu.memref_slice %arg3[%dma_start3A_14, %dma_start3A_15] : memref<8192x1024xf32, #tpu.memory_space<hbm>> -> memref<8192x1024xf32, #tpu.memory_space<hbm>>
    tpu.enqueue_indirect_dma source(%dma_start3A_16 : memref<8192x1024xf32, #tpu.memory_space<hbm>>) target(%arg8 : memref<8x1024xf32, #tpu.memory_space<vmem>>) offsets(%dma_start3A_13 : memref<8xi32, #tpu.memory_space<vmem>>) semaphore(%arg16 : memref<!tpu.dma_semaphore, #tpu.memory_space<semaphore_mem>>)
    %dma_start3A_17 = arith.constant 24 : i32
    %dma_start3A_18 = tpu.memref_slice %arg5[%dma_start3A_17] : memref<256xi32, #tpu.memory_space<vmem>> -> memref<8xi32, #tpu.memory_space<vmem>>
    %dma_start3A_19 = arith.constant 0 : i32
    %dma_start3A_20 = arith.constant 0 : i32
    %dma_start3A_21 = tpu.memref_slice %arg3[%dma_start3A_19, %dma_start3A_20] : memref<8192x1024xf32, #tpu.memory_space<hbm>> -> memref<8192x1024xf32, #tpu.memory_space<hbm>>
    tpu.enqueue_indirect_dma source(%dma_start3A_21 : memref<8192x1024xf32, #tpu.memory_space<hbm>>) target(%arg9 : memref<8x1024xf32, #tpu.memory_space<vmem>>) offsets(%dma_start3A_18 : memref<8xi32, #tpu.memory_space<vmem>>) semaphore(%arg17 : memref<!tpu.dma_semaphore, #tpu.memory_space<semaphore_mem>>)
    %scan3A = arith.constant 0 : i32
    %scan3A_22 = arith.constant 4 : i32
    %scan3A_23 = arith.addi %scan3A, %scan3A_22 : i32
    %scan3A_24 = arith.constant 1 : i32
    scf.for %scan3A_49 = %scan3A to %scan3A_23 step %scan3A_24  : i32 {
      %mul3A_50 = arith.constant 8 : i32
      %mul3A_51 = arith.muli %scan3A_49, %mul3A_50 : i32
      %add3A_52 = arith.constant 0 : i32
      %add3A_53 = arith.addi %add3A_52, %mul3A_51 : i32
      %add3A_54 = arith.constant 0 : i32
      %add3A_55 = arith.addi %add3A_53, %add3A_54 : i32
      %dma_wait3A_56 = arith.constant 0 : i32
      %dma_wait3A_57 = tpu.memref_slice %arg5[%dma_wait3A_56] : memref<256xi32, #tpu.memory_space<vmem>> -> memref<8xi32, #tpu.memory_space<vmem>>
      %dma_wait3A_58 = arith.constant 0 : i32
      %dma_wait3A_59 = arith.constant 0 : i32
      %dma_wait3A_60 = tpu.memref_slice %arg3[%dma_wait3A_58, %dma_wait3A_59] : memref<8192x1024xf32, #tpu.memory_space<hbm>> -> memref<8192x1024xf32, #tpu.memory_space<hbm>>
      tpu.wait_indirect_dma semaphore(%arg14 : memref<!tpu.dma_semaphore, #tpu.memory_space<semaphore_mem>>) src(%dma_wait3A_60 : memref<8192x1024xf32, #tpu.memory_space<hbm>>) dst(%arg6 : memref<8x1024xf32, #tpu.memory_space<vmem>>)
      %mul3A_61 = arith.constant 8 : i32
      %mul3A_62 = arith.muli %add3A_55, %mul3A_61 : i32
      %add3A_63 = arith.addi %mul3A_2, %mul3A_62 : i32
      %dma_start3A_64 = arith.constant 0 : i32
      %dma_start3A_65 = tpu.memref_slice %arg4[%add3A_63, %dma_start3A_64] : memref<8192x1024xf32, #tpu.memory_space<hbm>> -> memref<8x1024xf32, #tpu.memory_space<hbm>>
      %dma_start3A_66 = arith.constant 0 : i32
      %dma_start3A_67 = tpu.memref_slice %arg4[%add3A_63, %dma_start3A_66] : memref<8192x1024xf32, #tpu.memory_space<hbm>> -> memref<8x1024xf32, #tpu.memory_space<hbm>>
      tpu.enqueue_dma source(%arg6 : memref<8x1024xf32, #tpu.memory_space<vmem>>) target(%dma_start3A_67 : memref<8x1024xf32, #tpu.memory_space<hbm>>) target_semaphore(%arg22 : memref<!tpu.dma_semaphore, #tpu.memory_space<semaphore_mem>>)
      %ge3A = arith.constant 4 : i32
      %ge3A_68 = arith.cmpi sge, %add3A_55, %ge3A : i32
      %convert_element_type3A = arith.extui %ge3A_68 : i1 to i32
      %cond3A = arith.constant 0 : i32
      %cond3A_69 = arith.cmpi ne, %convert_element_type3A, %cond3A : i32
      scf.if %cond3A_69 {
        %dma_wait3A_258 = arith.constant 0 : i32
        %dma_wait3A_259 = arith.constant 0 : i32
        %dma_wait3A_260 = tpu.memref_slice %arg4[%dma_wait3A_258, %dma_wait3A_259] : memref<8192x1024xf32, #tpu.memory_space<hbm>> -> memref<8x1024xf32, #tpu.memory_space<hbm>>
        %dma_wait3A_261 = arith.constant 0 : i32
        %dma_wait3A_262 = arith.constant 0 : i32
        %dma_wait3A_263 = tpu.memref_slice %arg4[%dma_wait3A_261, %dma_wait3A_262] : memref<8192x1024xf32, #tpu.memory_space<hbm>> -> memref<8x1024xf32, #tpu.memory_space<hbm>>
        tpu.wait_dma2 semaphore(%arg26 : memref<!tpu.dma_semaphore, #tpu.memory_space<semaphore_mem>>) src(%arg10 : memref<8x1024xf32, #tpu.memory_space<vmem>>) dst(%dma_wait3A_263 : memref<8x1024xf32, #tpu.memory_space<hbm>>)
      } else {
      }
      %add3A_70 = arith.constant 4 : i32
      %add3A_71 = arith.addi %add3A_55, %add3A_70 : i32
      %lt3A = arith.constant 32 : i32
      %lt3A_72 = arith.cmpi slt, %add3A_71, %lt3A : i32
      %convert_element_type3A_73 = arith.extui %lt3A_72 : i1 to i32
      %cond3A_74 = arith.constant 0 : i32
      %cond3A_75 = arith.cmpi ne, %convert_element_type3A_73, %cond3A_74 : i32
      scf.if %cond3A_75 {
        %add3A_258 = arith.constant 4 : i32
        %add3A_259 = arith.addi %add3A_55, %add3A_258 : i32
        %mul3A_260 = arith.constant 8 : i32
        %mul3A_261 = arith.muli %add3A_259, %mul3A_260 : i32
        %dma_start3A_262 = tpu.memref_slice %arg5[%mul3A_261] : memref<256xi32, #tpu.memory_space<vmem>> -> memref<8xi32, #tpu.memory_space<vmem>>
        %dma_start3A_263 = arith.constant 0 : i32
        %dma_start3A_264 = arith.constant 0 : i32
        %dma_start3A_265 = tpu.memref_slice %arg3[%dma_start3A_263, %dma_start3A_264] : memref<8192x1024xf32, #tpu.memory_space<hbm>> -> memref<8192x1024xf32, #tpu.memory_space<hbm>>
        tpu.enqueue_indirect_dma source(%dma_start3A_265 : memref<8192x1024xf32, #tpu.memory_space<hbm>>) target(%arg10 : memref<8x1024xf32, #tpu.memory_space<vmem>>) offsets(%dma_start3A_262 : memref<8xi32, #tpu.memory_space<vmem>>) semaphore(%arg18 : memref<!tpu.dma_semaphore, #tpu.memory_space<semaphore_mem>>)
      } else {
      }
      %add3A_76 = arith.constant 1 : i32
      %add3A_77 = arith.addi %add3A_53, %add3A_76 : i32
      %dma_wait3A_78 = arith.constant 0 : i32
      %dma_wait3A_79 = tpu.memref_slice %arg5[%dma_wait3A_78] : memref<256xi32, #tpu.memory_space<vmem>> -> memref<8xi32, #tpu.memory_space<vmem>>
      %dma_wait3A_80 = arith.constant 0 : i32
      %dma_wait3A_81 = arith.constant 0 : i32
      %dma_wait3A_82 = tpu.memref_slice %arg3[%dma_wait3A_80, %dma_wait3A_81] : memref<8192x1024xf32, #tpu.memory_space<hbm>> -> memref<8192x1024xf32, #tpu.memory_space<hbm>>
      tpu.wait_indirect_dma semaphore(%arg15 : memref<!tpu.dma_semaphore, #tpu.memory_space<semaphore_mem>>) src(%dma_wait3A_82 : memref<8192x1024xf32, #tpu.memory_space<hbm>>) dst(%arg7 : memref<8x1024xf32, #tpu.memory_space<vmem>>)
      %mul3A_83 = arith.constant 8 : i32
      %mul3A_84 = arith.muli %add3A_77, %mul3A_83 : i32
      %add3A_85 = arith.addi %mul3A_2, %mul3A_84 : i32
      %dma_start3A_86 = arith.constant 0 : i32
      %dma_start3A_87 = tpu.memref_slice %arg4[%add3A_85, %dma_start3A_86] : memref<8192x1024xf32, #tpu.memory_space<hbm>> -> memref<8x1024xf32, #tpu.memory_space<hbm>>
      %dma_start3A_88 = arith.constant 0 : i32
      %dma_start3A_89 = tpu.memref_slice %arg4[%add3A_85, %dma_start3A_88] : memref<8192x1024xf32, #tpu.memory_space<hbm>> -> memref<8x1024xf32, #tpu.memory_space<hbm>>
      tpu.enqueue_dma source(%arg7 : memref<8x1024xf32, #tpu.memory_space<vmem>>) target(%dma_start3A_89 : memref<8x1024xf32, #tpu.memory_space<hbm>>) target_semaphore(%arg23 : memref<!tpu.dma_semaphore, #tpu.memory_space<semaphore_mem>>)
      %ge3A_90 = arith.constant 4 : i32
      %ge3A_91 = arith.cmpi sge, %add3A_77, %ge3A_90 : i32
      %convert_element_type3A_92 = arith.extui %ge3A_91 : i1 to i32
      %cond3A_93 = arith.constant 0 : i32
      %cond3A_94 = arith.cmpi ne, %convert_element_type3A_92, %cond3A_93 : i32
      scf.if %cond3A_94 {
        %dma_wait3A_258 = arith.constant 0 : i32
        %dma_wait3A_259 = arith.constant 0 : i32
        %dma_wait3A_260 = tpu.memref_slice %arg4[%dma_wait3A_258, %dma_wait3A_259] : memref<8192x1024xf32, #tpu.memory_space<hbm>> -> memref<8x1024xf32, #tpu.memory_space<hbm>>
        %dma_wait3A_261 = arith.constant 0 : i32
        %dma_wait3A_262 = arith.constant 0 : i32
        %dma_wait3A_263 = tpu.memref_slice %arg4[%dma_wait3A_261, %dma_wait3A_262] : memref<8192x1024xf32, #tpu.memory_space<hbm>> -> memref<8x1024xf32, #tpu.memory_space<hbm>>
        tpu.wait_dma2 semaphore(%arg27 : memref<!tpu.dma_semaphore, #tpu.memory_space<semaphore_mem>>) src(%arg11 : memref<8x1024xf32, #tpu.memory_space<vmem>>) dst(%dma_wait3A_263 : memref<8x1024xf32, #tpu.memory_space<hbm>>)
      } else {
      }
      %add3A_95 = arith.constant 4 : i32
      %add3A_96 = arith.addi %add3A_77, %add3A_95 : i32
      %lt3A_97 = arith.constant 32 : i32
      %lt3A_98 = arith.cmpi slt, %add3A_96, %lt3A_97 : i32
      %convert_element_type3A_99 = arith.extui %lt3A_98 : i1 to i32
      %cond3A_100 = arith.constant 0 : i32
      %cond3A_101 = arith.cmpi ne, %convert_element_type3A_99, %cond3A_100 : i32
      scf.if %cond3A_101 {
        %add3A_258 = arith.constant 4 : i32
        %add3A_259 = arith.addi %add3A_77, %add3A_258 : i32
        %mul3A_260 = arith.constant 8 : i32
        %mul3A_261 = arith.muli %add3A_259, %mul3A_260 : i32
        %dma_start3A_262 = tpu.memref_slice %arg5[%mul3A_261] : memref<256xi32, #tpu.memory_space<vmem>> -> memref<8xi32, #tpu.memory_space<vmem>>
        %dma_start3A_263 = arith.constant 0 : i32
        %dma_start3A_264 = arith.constant 0 : i32
        %dma_start3A_265 = tpu.memref_slice %arg3[%dma_start3A_263, %dma_start3A_264] : memref<8192x1024xf32, #tpu.memory_space<hbm>> -> memref<8192x1024xf32, #tpu.memory_space<hbm>>
        tpu.enqueue_indirect_dma source(%dma_start3A_265 : memref<8192x1024xf32, #tpu.memory_space<hbm>>) target(%arg11 : memref<8x1024xf32, #tpu.memory_space<vmem>>) offsets(%dma_start3A_262 : memref<8xi32, #tpu.memory_space<vmem>>) semaphore(%arg19 : memref<!tpu.dma_semaphore, #tpu.memory_space<semaphore_mem>>)
      } else {
      }
      %add3A_102 = arith.constant 2 : i32
      %add3A_103 = arith.addi %add3A_53, %add3A_102 : i32
      %dma_wait3A_104 = arith.constant 0 : i32
      %dma_wait3A_105 = tpu.memref_slice %arg5[%dma_wait3A_104] : memref<256xi32, #tpu.memory_space<vmem>> -> memref<8xi32, #tpu.memory_space<vmem>>
      %dma_wait3A_106 = arith.constant 0 : i32
      %dma_wait3A_107 = arith.constant 0 : i32
      %dma_wait3A_108 = tpu.memref_slice %arg3[%dma_wait3A_106, %dma_wait3A_107] : memref<8192x1024xf32, #tpu.memory_space<hbm>> -> memref<8192x1024xf32, #tpu.memory_space<hbm>>
      tpu.wait_indirect_dma semaphore(%arg16 : memref<!tpu.dma_semaphore, #tpu.memory_space<semaphore_mem>>) src(%dma_wait3A_108 : memref<8192x1024xf32, #tpu.memory_space<hbm>>) dst(%arg8 : memref<8x1024xf32, #tpu.memory_space<vmem>>)
      %mul3A_109 = arith.constant 8 : i32
      %mul3A_110 = arith.muli %add3A_103, %mul3A_109 : i32
      %add3A_111 = arith.addi %mul3A_2, %mul3A_110 : i32
      %dma_start3A_112 = arith.constant 0 : i32
      %dma_start3A_113 = tpu.memref_slice %arg4[%add3A_111, %dma_start3A_112] : memref<8192x1024xf32, #tpu.memory_space<hbm>> -> memref<8x1024xf32, #tpu.memory_space<hbm>>
      %dma_start3A_114 = arith.constant 0 : i32
      %dma_start3A_115 = tpu.memref_slice %arg4[%add3A_111, %dma_start3A_114] : memref<8192x1024xf32, #tpu.memory_space<hbm>> -> memref<8x1024xf32, #tpu.memory_space<hbm>>
      tpu.enqueue_dma source(%arg8 : memref<8x1024xf32, #tpu.memory_space<vmem>>) target(%dma_start3A_115 : memref<8x1024xf32, #tpu.memory_space<hbm>>) target_semaphore(%arg24 : memref<!tpu.dma_semaphore, #tpu.memory_space<semaphore_mem>>)
      %ge3A_116 = arith.constant 4 : i32
      %ge3A_117 = arith.cmpi sge, %add3A_103, %ge3A_116 : i32
      %convert_element_type3A_118 = arith.extui %ge3A_117 : i1 to i32
      %cond3A_119 = arith.constant 0 : i32
      %cond3A_120 = arith.cmpi ne, %convert_element_type3A_118, %cond3A_119 : i32
      scf.if %cond3A_120 {
        %dma_wait3A_258 = arith.constant 0 : i32
        %dma_wait3A_259 = arith.constant 0 : i32
        %dma_wait3A_260 = tpu.memref_slice %arg4[%dma_wait3A_258, %dma_wait3A_259] : memref<8192x1024xf32, #tpu.memory_space<hbm>> -> memref<8x1024xf32, #tpu.memory_space<hbm>>
        %dma_wait3A_261 = arith.constant 0 : i32
        %dma_wait3A_262 = arith.constant 0 : i32
        %dma_wait3A_263 = tpu.memref_slice %arg4[%dma_wait3A_261, %dma_wait3A_262] : memref<8192x1024xf32, #tpu.memory_space<hbm>> -> memref<8x1024xf32, #tpu.memory_space<hbm>>
        tpu.wait_dma2 semaphore(%arg28 : memref<!tpu.dma_semaphore, #tpu.memory_space<semaphore_mem>>) src(%arg12 : memref<8x1024xf32, #tpu.memory_space<vmem>>) dst(%dma_wait3A_263 : memref<8x1024xf32, #tpu.memory_space<hbm>>)
      } else {
      }
      %add3A_121 = arith.constant 4 : i32
      %add3A_122 = arith.addi %add3A_103, %add3A_121 : i32
      %lt3A_123 = arith.constant 32 : i32
      %lt3A_124 = arith.cmpi slt, %add3A_122, %lt3A_123 : i32
      %convert_element_type3A_125 = arith.extui %lt3A_124 : i1 to i32
      %cond3A_126 = arith.constant 0 : i32
      %cond3A_127 = arith.cmpi ne, %convert_element_type3A_125, %cond3A_126 : i32
      scf.if %cond3A_127 {
        %add3A_258 = arith.constant 4 : i32
        %add3A_259 = arith.addi %add3A_103, %add3A_258 : i32
        %mul3A_260 = arith.constant 8 : i32
        %mul3A_261 = arith.muli %add3A_259, %mul3A_260 : i32
        %dma_start3A_262 = tpu.memref_slice %arg5[%mul3A_261] : memref<256xi32, #tpu.memory_space<vmem>> -> memref<8xi32, #tpu.memory_space<vmem>>
        %dma_start3A_263 = arith.constant 0 : i32
        %dma_start3A_264 = arith.constant 0 : i32
        %dma_start3A_265 = tpu.memref_slice %arg3[%dma_start3A_263, %dma_start3A_264] : memref<8192x1024xf32, #tpu.memory_space<hbm>> -> memref<8192x1024xf32, #tpu.memory_space<hbm>>
        tpu.enqueue_indirect_dma source(%dma_start3A_265 : memref<8192x1024xf32, #tpu.memory_space<hbm>>) target(%arg12 : memref<8x1024xf32, #tpu.memory_space<vmem>>) offsets(%dma_start3A_262 : memref<8xi32, #tpu.memory_space<vmem>>) semaphore(%arg20 : memref<!tpu.dma_semaphore, #tpu.memory_space<semaphore_mem>>)
      } else {
      }
      %add3A_128 = arith.constant 3 : i32
      %add3A_129 = arith.addi %add3A_53, %add3A_128 : i32
      %dma_wait3A_130 = arith.constant 0 : i32
      %dma_wait3A_131 = tpu.memref_slice %arg5[%dma_wait3A_130] : memref<256xi32, #tpu.memory_space<vmem>> -> memref<8xi32, #tpu.memory_space<vmem>>
      %dma_wait3A_132 = arith.constant 0 : i32
      %dma_wait3A_133 = arith.constant 0 : i32
      %dma_wait3A_134 = tpu.memref_slice %arg3[%dma_wait3A_132, %dma_wait3A_133] : memref<8192x1024xf32, #tpu.memory_space<hbm>> -> memref<8192x1024xf32, #tpu.memory_space<hbm>>
      tpu.wait_indirect_dma semaphore(%arg17 : memref<!tpu.dma_semaphore, #tpu.memory_space<semaphore_mem>>) src(%dma_wait3A_134 : memref<8192x1024xf32, #tpu.memory_space<hbm>>) dst(%arg9 : memref<8x1024xf32, #tpu.memory_space<vmem>>)
      %mul3A_135 = arith.constant 8 : i32
      %mul3A_136 = arith.muli %add3A_129, %mul3A_135 : i32
      %add3A_137 = arith.addi %mul3A_2, %mul3A_136 : i32
      %dma_start3A_138 = arith.constant 0 : i32
      %dma_start3A_139 = tpu.memref_slice %arg4[%add3A_137, %dma_start3A_138] : memref<8192x1024xf32, #tpu.memory_space<hbm>> -> memref<8x1024xf32, #tpu.memory_space<hbm>>
      %dma_start3A_140 = arith.constant 0 : i32
      %dma_start3A_141 = tpu.memref_slice %arg4[%add3A_137, %dma_start3A_140] : memref<8192x1024xf32, #tpu.memory_space<hbm>> -> memref<8x1024xf32, #tpu.memory_space<hbm>>
      tpu.enqueue_dma source(%arg9 : memref<8x1024xf32, #tpu.memory_space<vmem>>) target(%dma_start3A_141 : memref<8x1024xf32, #tpu.memory_space<hbm>>) target_semaphore(%arg25 : memref<!tpu.dma_semaphore, #tpu.memory_space<semaphore_mem>>)
      %ge3A_142 = arith.constant 4 : i32
      %ge3A_143 = arith.cmpi sge, %add3A_129, %ge3A_142 : i32
      %convert_element_type3A_144 = arith.extui %ge3A_143 : i1 to i32
      %cond3A_145 = arith.constant 0 : i32
      %cond3A_146 = arith.cmpi ne, %convert_element_type3A_144, %cond3A_145 : i32
      scf.if %cond3A_146 {
        %dma_wait3A_258 = arith.constant 0 : i32
        %dma_wait3A_259 = arith.constant 0 : i32
        %dma_wait3A_260 = tpu.memref_slice %arg4[%dma_wait3A_258, %dma_wait3A_259] : memref<8192x1024xf32, #tpu.memory_space<hbm>> -> memref<8x1024xf32, #tpu.memory_space<hbm>>
        %dma_wait3A_261 = arith.constant 0 : i32
        %dma_wait3A_262 = arith.constant 0 : i32
        %dma_wait3A_263 = tpu.memref_slice %arg4[%dma_wait3A_261, %dma_wait3A_262] : memref<8192x1024xf32, #tpu.memory_space<hbm>> -> memref<8x1024xf32, #tpu.memory_space<hbm>>
        tpu.wait_dma2 semaphore(%arg29 : memref<!tpu.dma_semaphore, #tpu.memory_space<semaphore_mem>>) src(%arg13 : memref<8x1024xf32, #tpu.memory_space<vmem>>) dst(%dma_wait3A_263 : memref<8x1024xf32, #tpu.memory_space<hbm>>)
      } else {
      }
      %add3A_147 = arith.constant 4 : i32
      %add3A_148 = arith.addi %add3A_129, %add3A_147 : i32
      %lt3A_149 = arith.constant 32 : i32
      %lt3A_150 = arith.cmpi slt, %add3A_148, %lt3A_149 : i32
      %convert_element_type3A_151 = arith.extui %lt3A_150 : i1 to i32
      %cond3A_152 = arith.constant 0 : i32
      %cond3A_153 = arith.cmpi ne, %convert_element_type3A_151, %cond3A_152 : i32
      scf.if %cond3A_153 {
        %add3A_258 = arith.constant 4 : i32
        %add3A_259 = arith.addi %add3A_129, %add3A_258 : i32
        %mul3A_260 = arith.constant 8 : i32
        %mul3A_261 = arith.muli %add3A_259, %mul3A_260 : i32
        %dma_start3A_262 = tpu.memref_slice %arg5[%mul3A_261] : memref<256xi32, #tpu.memory_space<vmem>> -> memref<8xi32, #tpu.memory_space<vmem>>
        %dma_start3A_263 = arith.constant 0 : i32
        %dma_start3A_264 = arith.constant 0 : i32
        %dma_start3A_265 = tpu.memref_slice %arg3[%dma_start3A_263, %dma_start3A_264] : memref<8192x1024xf32, #tpu.memory_space<hbm>> -> memref<8192x1024xf32, #tpu.memory_space<hbm>>
        tpu.enqueue_indirect_dma source(%dma_start3A_265 : memref<8192x1024xf32, #tpu.memory_space<hbm>>) target(%arg13 : memref<8x1024xf32, #tpu.memory_space<vmem>>) offsets(%dma_start3A_262 : memref<8xi32, #tpu.memory_space<vmem>>) semaphore(%arg21 : memref<!tpu.dma_semaphore, #tpu.memory_space<semaphore_mem>>)
      } else {
      }
      %add3A_154 = arith.constant 4 : i32
      %add3A_155 = arith.addi %add3A_53, %add3A_154 : i32
      %dma_wait3A_156 = arith.constant 0 : i32
      %dma_wait3A_157 = tpu.memref_slice %arg5[%dma_wait3A_156] : memref<256xi32, #tpu.memory_space<vmem>> -> memref<8xi32, #tpu.memory_space<vmem>>
      %dma_wait3A_158 = arith.constant 0 : i32
      %dma_wait3A_159 = arith.constant 0 : i32
      %dma_wait3A_160 = tpu.memref_slice %arg3[%dma_wait3A_158, %dma_wait3A_159] : memref<8192x1024xf32, #tpu.memory_space<hbm>> -> memref<8192x1024xf32, #tpu.memory_space<hbm>>
      tpu.wait_indirect_dma semaphore(%arg18 : memref<!tpu.dma_semaphore, #tpu.memory_space<semaphore_mem>>) src(%dma_wait3A_160 : memref<8192x1024xf32, #tpu.memory_space<hbm>>) dst(%arg10 : memref<8x1024xf32, #tpu.memory_space<vmem>>)
      %mul3A_161 = arith.constant 8 : i32
      %mul3A_162 = arith.muli %add3A_155, %mul3A_161 : i32
      %add3A_163 = arith.addi %mul3A_2, %mul3A_162 : i32
      %dma_start3A_164 = arith.constant 0 : i32
      %dma_start3A_165 = tpu.memref_slice %arg4[%add3A_163, %dma_start3A_164] : memref<8192x1024xf32, #tpu.memory_space<hbm>> -> memref<8x1024xf32, #tpu.memory_space<hbm>>
      %dma_start3A_166 = arith.constant 0 : i32
      %dma_start3A_167 = tpu.memref_slice %arg4[%add3A_163, %dma_start3A_166] : memref<8192x1024xf32, #tpu.memory_space<hbm>> -> memref<8x1024xf32, #tpu.memory_space<hbm>>
      tpu.enqueue_dma source(%arg10 : memref<8x1024xf32, #tpu.memory_space<vmem>>) target(%dma_start3A_167 : memref<8x1024xf32, #tpu.memory_space<hbm>>) target_semaphore(%arg26 : memref<!tpu.dma_semaphore, #tpu.memory_space<semaphore_mem>>)
      %ge3A_168 = arith.constant 4 : i32
      %ge3A_169 = arith.cmpi sge, %add3A_155, %ge3A_168 : i32
      %convert_element_type3A_170 = arith.extui %ge3A_169 : i1 to i32
      %cond3A_171 = arith.constant 0 : i32
      %cond3A_172 = arith.cmpi ne, %convert_element_type3A_170, %cond3A_171 : i32
      scf.if %cond3A_172 {
        %dma_wait3A_258 = arith.constant 0 : i32
        %dma_wait3A_259 = arith.constant 0 : i32
        %dma_wait3A_260 = tpu.memref_slice %arg4[%dma_wait3A_258, %dma_wait3A_259] : memref<8192x1024xf32, #tpu.memory_space<hbm>> -> memref<8x1024xf32, #tpu.memory_space<hbm>>
        %dma_wait3A_261 = arith.constant 0 : i32
        %dma_wait3A_262 = arith.constant 0 : i32
        %dma_wait3A_263 = tpu.memref_slice %arg4[%dma_wait3A_261, %dma_wait3A_262] : memref<8192x1024xf32, #tpu.memory_space<hbm>> -> memref<8x1024xf32, #tpu.memory_space<hbm>>
        tpu.wait_dma2 semaphore(%arg22 : memref<!tpu.dma_semaphore, #tpu.memory_space<semaphore_mem>>) src(%arg6 : memref<8x1024xf32, #tpu.memory_space<vmem>>) dst(%dma_wait3A_263 : memref<8x1024xf32, #tpu.memory_space<hbm>>)
      } else {
      }
      %add3A_173 = arith.constant 4 : i32
      %add3A_174 = arith.addi %add3A_155, %add3A_173 : i32
      %lt3A_175 = arith.constant 32 : i32
      %lt3A_176 = arith.cmpi slt, %add3A_174, %lt3A_175 : i32
      %convert_element_type3A_177 = arith.extui %lt3A_176 : i1 to i32
      %cond3A_178 = arith.constant 0 : i32
      %cond3A_179 = arith.cmpi ne, %convert_element_type3A_177, %cond3A_178 : i32
      scf.if %cond3A_179 {
        %add3A_258 = arith.constant 4 : i32
        %add3A_259 = arith.addi %add3A_155, %add3A_258 : i32
        %mul3A_260 = arith.constant 8 : i32
        %mul3A_261 = arith.muli %add3A_259, %mul3A_260 : i32
        %dma_start3A_262 = tpu.memref_slice %arg5[%mul3A_261] : memref<256xi32, #tpu.memory_space<vmem>> -> memref<8xi32, #tpu.memory_space<vmem>>
        %dma_start3A_263 = arith.constant 0 : i32
        %dma_start3A_264 = arith.constant 0 : i32
        %dma_start3A_265 = tpu.memref_slice %arg3[%dma_start3A_263, %dma_start3A_264] : memref<8192x1024xf32, #tpu.memory_space<hbm>> -> memref<8192x1024xf32, #tpu.memory_space<hbm>>
        tpu.enqueue_indirect_dma source(%dma_start3A_265 : memref<8192x1024xf32, #tpu.memory_space<hbm>>) target(%arg6 : memref<8x1024xf32, #tpu.memory_space<vmem>>) offsets(%dma_start3A_262 : memref<8xi32, #tpu.memory_space<vmem>>) semaphore(%arg14 : memref<!tpu.dma_semaphore, #tpu.memory_space<semaphore_mem>>)
      } else {
      }
      %add3A_180 = arith.constant 5 : i32
      %add3A_181 = arith.addi %add3A_53, %add3A_180 : i32
      %dma_wait3A_182 = arith.constant 0 : i32
      %dma_wait3A_183 = tpu.memref_slice %arg5[%dma_wait3A_182] : memref<256xi32, #tpu.memory_space<vmem>> -> memref<8xi32, #tpu.memory_space<vmem>>
      %dma_wait3A_184 = arith.constant 0 : i32
      %dma_wait3A_185 = arith.constant 0 : i32
      %dma_wait3A_186 = tpu.memref_slice %arg3[%dma_wait3A_184, %dma_wait3A_185] : memref<8192x1024xf32, #tpu.memory_space<hbm>> -> memref<8192x1024xf32, #tpu.memory_space<hbm>>
      tpu.wait_indirect_dma semaphore(%arg19 : memref<!tpu.dma_semaphore, #tpu.memory_space<semaphore_mem>>) src(%dma_wait3A_186 : memref<8192x1024xf32, #tpu.memory_space<hbm>>) dst(%arg11 : memref<8x1024xf32, #tpu.memory_space<vmem>>)
      %mul3A_187 = arith.constant 8 : i32
      %mul3A_188 = arith.muli %add3A_181, %mul3A_187 : i32
      %add3A_189 = arith.addi %mul3A_2, %mul3A_188 : i32
      %dma_start3A_190 = arith.constant 0 : i32
      %dma_start3A_191 = tpu.memref_slice %arg4[%add3A_189, %dma_start3A_190] : memref<8192x1024xf32, #tpu.memory_space<hbm>> -> memref<8x1024xf32, #tpu.memory_space<hbm>>
      %dma_start3A_192 = arith.constant 0 : i32
      %dma_start3A_193 = tpu.memref_slice %arg4[%add3A_189, %dma_start3A_192] : memref<8192x1024xf32, #tpu.memory_space<hbm>> -> memref<8x1024xf32, #tpu.memory_space<hbm>>
      tpu.enqueue_dma source(%arg11 : memref<8x1024xf32, #tpu.memory_space<vmem>>) target(%dma_start3A_193 : memref<8x1024xf32, #tpu.memory_space<hbm>>) target_semaphore(%arg27 : memref<!tpu.dma_semaphore, #tpu.memory_space<semaphore_mem>>)
      %ge3A_194 = arith.constant 4 : i32
      %ge3A_195 = arith.cmpi sge, %add3A_181, %ge3A_194 : i32
      %convert_element_type3A_196 = arith.extui %ge3A_195 : i1 to i32
      %cond3A_197 = arith.constant 0 : i32
      %cond3A_198 = arith.cmpi ne, %convert_element_type3A_196, %cond3A_197 : i32
      scf.if %cond3A_198 {
        %dma_wait3A_258 = arith.constant 0 : i32
        %dma_wait3A_259 = arith.constant 0 : i32
        %dma_wait3A_260 = tpu.memref_slice %arg4[%dma_wait3A_258, %dma_wait3A_259] : memref<8192x1024xf32, #tpu.memory_space<hbm>> -> memref<8x1024xf32, #tpu.memory_space<hbm>>
        %dma_wait3A_261 = arith.constant 0 : i32
        %dma_wait3A_262 = arith.constant 0 : i32
        %dma_wait3A_263 = tpu.memref_slice %arg4[%dma_wait3A_261, %dma_wait3A_262] : memref<8192x1024xf32, #tpu.memory_space<hbm>> -> memref<8x1024xf32, #tpu.memory_space<hbm>>
        tpu.wait_dma2 semaphore(%arg23 : memref<!tpu.dma_semaphore, #tpu.memory_space<semaphore_mem>>) src(%arg7 : memref<8x1024xf32, #tpu.memory_space<vmem>>) dst(%dma_wait3A_263 : memref<8x1024xf32, #tpu.memory_space<hbm>>)
      } else {
      }
      %add3A_199 = arith.constant 4 : i32
      %add3A_200 = arith.addi %add3A_181, %add3A_199 : i32
      %lt3A_201 = arith.constant 32 : i32
      %lt3A_202 = arith.cmpi slt, %add3A_200, %lt3A_201 : i32
      %convert_element_type3A_203 = arith.extui %lt3A_202 : i1 to i32
      %cond3A_204 = arith.constant 0 : i32
      %cond3A_205 = arith.cmpi ne, %convert_element_type3A_203, %cond3A_204 : i32
      scf.if %cond3A_205 {
        %add3A_258 = arith.constant 4 : i32
        %add3A_259 = arith.addi %add3A_181, %add3A_258 : i32
        %mul3A_260 = arith.constant 8 : i32
        %mul3A_261 = arith.muli %add3A_259, %mul3A_260 : i32
        %dma_start3A_262 = tpu.memref_slice %arg5[%mul3A_261] : memref<256xi32, #tpu.memory_space<vmem>> -> memref<8xi32, #tpu.memory_space<vmem>>
        %dma_start3A_263 = arith.constant 0 : i32
        %dma_start3A_264 = arith.constant 0 : i32
        %dma_start3A_265 = tpu.memref_slice %arg3[%dma_start3A_263, %dma_start3A_264] : memref<8192x1024xf32, #tpu.memory_space<hbm>> -> memref<8192x1024xf32, #tpu.memory_space<hbm>>
        tpu.enqueue_indirect_dma source(%dma_start3A_265 : memref<8192x1024xf32, #tpu.memory_space<hbm>>) target(%arg7 : memref<8x1024xf32, #tpu.memory_space<vmem>>) offsets(%dma_start3A_262 : memref<8xi32, #tpu.memory_space<vmem>>) semaphore(%arg15 : memref<!tpu.dma_semaphore, #tpu.memory_space<semaphore_mem>>)
      } else {
      }
      %add3A_206 = arith.constant 6 : i32
      %add3A_207 = arith.addi %add3A_53, %add3A_206 : i32
      %dma_wait3A_208 = arith.constant 0 : i32
      %dma_wait3A_209 = tpu.memref_slice %arg5[%dma_wait3A_208] : memref<256xi32, #tpu.memory_space<vmem>> -> memref<8xi32, #tpu.memory_space<vmem>>
      %dma_wait3A_210 = arith.constant 0 : i32
      %dma_wait3A_211 = arith.constant 0 : i32
      %dma_wait3A_212 = tpu.memref_slice %arg3[%dma_wait3A_210, %dma_wait3A_211] : memref<8192x1024xf32, #tpu.memory_space<hbm>> -> memref<8192x1024xf32, #tpu.memory_space<hbm>>
      tpu.wait_indirect_dma semaphore(%arg20 : memref<!tpu.dma_semaphore, #tpu.memory_space<semaphore_mem>>) src(%dma_wait3A_212 : memref<8192x1024xf32, #tpu.memory_space<hbm>>) dst(%arg12 : memref<8x1024xf32, #tpu.memory_space<vmem>>)
      %mul3A_213 = arith.constant 8 : i32
      %mul3A_214 = arith.muli %add3A_207, %mul3A_213 : i32
      %add3A_215 = arith.addi %mul3A_2, %mul3A_214 : i32
      %dma_start3A_216 = arith.constant 0 : i32
      %dma_start3A_217 = tpu.memref_slice %arg4[%add3A_215, %dma_start3A_216] : memref<8192x1024xf32, #tpu.memory_space<hbm>> -> memref<8x1024xf32, #tpu.memory_space<hbm>>
      %dma_start3A_218 = arith.constant 0 : i32
      %dma_start3A_219 = tpu.memref_slice %arg4[%add3A_215, %dma_start3A_218] : memref<8192x1024xf32, #tpu.memory_space<hbm>> -> memref<8x1024xf32, #tpu.memory_space<hbm>>
      tpu.enqueue_dma source(%arg12 : memref<8x1024xf32, #tpu.memory_space<vmem>>) target(%dma_start3A_219 : memref<8x1024xf32, #tpu.memory_space<hbm>>) target_semaphore(%arg28 : memref<!tpu.dma_semaphore, #tpu.memory_space<semaphore_mem>>)
      %ge3A_220 = arith.constant 4 : i32
      %ge3A_221 = arith.cmpi sge, %add3A_207, %ge3A_220 : i32
      %convert_element_type3A_222 = arith.extui %ge3A_221 : i1 to i32
      %cond3A_223 = arith.constant 0 : i32
      %cond3A_224 = arith.cmpi ne, %convert_element_type3A_222, %cond3A_223 : i32
      scf.if %cond3A_224 {
        %dma_wait3A_258 = arith.constant 0 : i32
        %dma_wait3A_259 = arith.constant 0 : i32
        %dma_wait3A_260 = tpu.memref_slice %arg4[%dma_wait3A_258, %dma_wait3A_259] : memref<8192x1024xf32, #tpu.memory_space<hbm>> -> memref<8x1024xf32, #tpu.memory_space<hbm>>
        %dma_wait3A_261 = arith.constant 0 : i32
        %dma_wait3A_262 = arith.constant 0 : i32
        %dma_wait3A_263 = tpu.memref_slice %arg4[%dma_wait3A_261, %dma_wait3A_262] : memref<8192x1024xf32, #tpu.memory_space<hbm>> -> memref<8x1024xf32, #tpu.memory_space<hbm>>
        tpu.wait_dma2 semaphore(%arg24 : memref<!tpu.dma_semaphore, #tpu.memory_space<semaphore_mem>>) src(%arg8 : memref<8x1024xf32, #tpu.memory_space<vmem>>) dst(%dma_wait3A_263 : memref<8x1024xf32, #tpu.memory_space<hbm>>)
      } else {
      }
      %add3A_225 = arith.constant 4 : i32
      %add3A_226 = arith.addi %add3A_207, %add3A_225 : i32
      %lt3A_227 = arith.constant 32 : i32
      %lt3A_228 = arith.cmpi slt, %add3A_226, %lt3A_227 : i32
      %convert_element_type3A_229 = arith.extui %lt3A_228 : i1 to i32
      %cond3A_230 = arith.constant 0 : i32
      %cond3A_231 = arith.cmpi ne, %convert_element_type3A_229, %cond3A_230 : i32
      scf.if %cond3A_231 {
        %add3A_258 = arith.constant 4 : i32
        %add3A_259 = arith.addi %add3A_207, %add3A_258 : i32
        %mul3A_260 = arith.constant 8 : i32
        %mul3A_261 = arith.muli %add3A_259, %mul3A_260 : i32
        %dma_start3A_262 = tpu.memref_slice %arg5[%mul3A_261] : memref<256xi32, #tpu.memory_space<vmem>> -> memref<8xi32, #tpu.memory_space<vmem>>
        %dma_start3A_263 = arith.constant 0 : i32
        %dma_start3A_264 = arith.constant 0 : i32
        %dma_start3A_265 = tpu.memref_slice %arg3[%dma_start3A_263, %dma_start3A_264] : memref<8192x1024xf32, #tpu.memory_space<hbm>> -> memref<8192x1024xf32, #tpu.memory_space<hbm>>
        tpu.enqueue_indirect_dma source(%dma_start3A_265 : memref<8192x1024xf32, #tpu.memory_space<hbm>>) target(%arg8 : memref<8x1024xf32, #tpu.memory_space<vmem>>) offsets(%dma_start3A_262 : memref<8xi32, #tpu.memory_space<vmem>>) semaphore(%arg16 : memref<!tpu.dma_semaphore, #tpu.memory_space<semaphore_mem>>)
      } else {
      }
      %add3A_232 = arith.constant 7 : i32
      %add3A_233 = arith.addi %add3A_53, %add3A_232 : i32
      %dma_wait3A_234 = arith.constant 0 : i32
      %dma_wait3A_235 = tpu.memref_slice %arg5[%dma_wait3A_234] : memref<256xi32, #tpu.memory_space<vmem>> -> memref<8xi32, #tpu.memory_space<vmem>>
      %dma_wait3A_236 = arith.constant 0 : i32
      %dma_wait3A_237 = arith.constant 0 : i32
      %dma_wait3A_238 = tpu.memref_slice %arg3[%dma_wait3A_236, %dma_wait3A_237] : memref<8192x1024xf32, #tpu.memory_space<hbm>> -> memref<8192x1024xf32, #tpu.memory_space<hbm>>
      tpu.wait_indirect_dma semaphore(%arg21 : memref<!tpu.dma_semaphore, #tpu.memory_space<semaphore_mem>>) src(%dma_wait3A_238 : memref<8192x1024xf32, #tpu.memory_space<hbm>>) dst(%arg13 : memref<8x1024xf32, #tpu.memory_space<vmem>>)
      %mul3A_239 = arith.constant 8 : i32
      %mul3A_240 = arith.muli %add3A_233, %mul3A_239 : i32
      %add3A_241 = arith.addi %mul3A_2, %mul3A_240 : i32
      %dma_start3A_242 = arith.constant 0 : i32
      %dma_start3A_243 = tpu.memref_slice %arg4[%add3A_241, %dma_start3A_242] : memref<8192x1024xf32, #tpu.memory_space<hbm>> -> memref<8x1024xf32, #tpu.memory_space<hbm>>
      %dma_start3A_244 = arith.constant 0 : i32
      %dma_start3A_245 = tpu.memref_slice %arg4[%add3A_241, %dma_start3A_244] : memref<8192x1024xf32, #tpu.memory_space<hbm>> -> memref<8x1024xf32, #tpu.memory_space<hbm>>
      tpu.enqueue_dma source(%arg13 : memref<8x1024xf32, #tpu.memory_space<vmem>>) target(%dma_start3A_245 : memref<8x1024xf32, #tpu.memory_space<hbm>>) target_semaphore(%arg29 : memref<!tpu.dma_semaphore, #tpu.memory_space<semaphore_mem>>)
      %ge3A_246 = arith.constant 4 : i32
      %ge3A_247 = arith.cmpi sge, %add3A_233, %ge3A_246 : i32
      %convert_element_type3A_248 = arith.extui %ge3A_247 : i1 to i32
      %cond3A_249 = arith.constant 0 : i32
      %cond3A_250 = arith.cmpi ne, %convert_element_type3A_248, %cond3A_249 : i32
      scf.if %cond3A_250 {
        %dma_wait3A_258 = arith.constant 0 : i32
        %dma_wait3A_259 = arith.constant 0 : i32
        %dma_wait3A_260 = tpu.memref_slice %arg4[%dma_wait3A_258, %dma_wait3A_259] : memref<8192x1024xf32, #tpu.memory_space<hbm>> -> memref<8x1024xf32, #tpu.memory_space<hbm>>
        %dma_wait3A_261 = arith.constant 0 : i32
        %dma_wait3A_262 = arith.constant 0 : i32
        %dma_wait3A_263 = tpu.memref_slice %arg4[%dma_wait3A_261, %dma_wait3A_262] : memref<8192x1024xf32, #tpu.memory_space<hbm>> -> memref<8x1024xf32, #tpu.memory_space<hbm>>
        tpu.wait_dma2 semaphore(%arg25 : memref<!tpu.dma_semaphore, #tpu.memory_space<semaphore_mem>>) src(%arg9 : memref<8x1024xf32, #tpu.memory_space<vmem>>) dst(%dma_wait3A_263 : memref<8x1024xf32, #tpu.memory_space<hbm>>)
      } else {
      }
      %add3A_251 = arith.constant 4 : i32
      %add3A_252 = arith.addi %add3A_233, %add3A_251 : i32
      %lt3A_253 = arith.constant 32 : i32
      %lt3A_254 = arith.cmpi slt, %add3A_252, %lt3A_253 : i32
      %convert_element_type3A_255 = arith.extui %lt3A_254 : i1 to i32
      %cond3A_256 = arith.constant 0 : i32
      %cond3A_257 = arith.cmpi ne, %convert_element_type3A_255, %cond3A_256 : i32
      scf.if %cond3A_257 {
        %add3A_258 = arith.constant 4 : i32
        %add3A_259 = arith.addi %add3A_233, %add3A_258 : i32
        %mul3A_260 = arith.constant 8 : i32
        %mul3A_261 = arith.muli %add3A_259, %mul3A_260 : i32
        %dma_start3A_262 = tpu.memref_slice %arg5[%mul3A_261] : memref<256xi32, #tpu.memory_space<vmem>> -> memref<8xi32, #tpu.memory_space<vmem>>
        %dma_start3A_263 = arith.constant 0 : i32
        %dma_start3A_264 = arith.constant 0 : i32
        %dma_start3A_265 = tpu.memref_slice %arg3[%dma_start3A_263, %dma_start3A_264] : memref<8192x1024xf32, #tpu.memory_space<hbm>> -> memref<8192x1024xf32, #tpu.memory_space<hbm>>
        tpu.enqueue_indirect_dma source(%dma_start3A_265 : memref<8192x1024xf32, #tpu.memory_space<hbm>>) target(%arg9 : memref<8x1024xf32, #tpu.memory_space<vmem>>) offsets(%dma_start3A_262 : memref<8xi32, #tpu.memory_space<vmem>>) semaphore(%arg17 : memref<!tpu.dma_semaphore, #tpu.memory_space<semaphore_mem>>)
      } else {
      }
    }
    %scan3A_25 = arith.constant 4 : i32
    %dma_wait3A = arith.constant 0 : i32
    %dma_wait3A_26 = arith.constant 0 : i32
    %dma_wait3A_27 = tpu.memref_slice %arg4[%dma_wait3A, %dma_wait3A_26] : memref<8192x1024xf32, #tpu.memory_space<hbm>> -> memref<8x1024xf32, #tpu.memory_space<hbm>>
    %dma_wait3A_28 = arith.constant 0 : i32
    %dma_wait3A_29 = arith.constant 0 : i32
    %dma_wait3A_30 = tpu.memref_slice %arg4[%dma_wait3A_28, %dma_wait3A_29] : memref<8192x1024xf32, #tpu.memory_space<hbm>> -> memref<8x1024xf32, #tpu.memory_space<hbm>>
    tpu.wait_dma2 semaphore(%arg26 : memref<!tpu.dma_semaphore, #tpu.memory_space<semaphore_mem>>) src(%arg10 : memref<8x1024xf32, #tpu.memory_space<vmem>>) dst(%dma_wait3A_30 : memref<8x1024xf32, #tpu.memory_space<hbm>>)
    %dma_wait3A_31 = arith.constant 0 : i32
    %dma_wait3A_32 = arith.constant 0 : i32
    %dma_wait3A_33 = tpu.memref_slice %arg4[%dma_wait3A_31, %dma_wait3A_32] : memref<8192x1024xf32, #tpu.memory_space<hbm>> -> memref<8x1024xf32, #tpu.memory_space<hbm>>
    %dma_wait3A_34 = arith.constant 0 : i32
    %dma_wait3A_35 = arith.constant 0 : i32
    %dma_wait3A_36 = tpu.memref_slice %arg4[%dma_wait3A_34, %dma_wait3A_35] : memref<8192x1024xf32, #tpu.memory_space<hbm>> -> memref<8x1024xf32, #tpu.memory_space<hbm>>
    tpu.wait_dma2 semaphore(%arg27 : memref<!tpu.dma_semaphore, #tpu.memory_space<semaphore_mem>>) src(%arg11 : memref<8x1024xf32, #tpu.memory_space<vmem>>) dst(%dma_wait3A_36 : memref<8x1024xf32, #tpu.memory_space<hbm>>)
    %dma_wait3A_37 = arith.constant 0 : i32
    %dma_wait3A_38 = arith.constant 0 : i32
    %dma_wait3A_39 = tpu.memref_slice %arg4[%dma_wait3A_37, %dma_wait3A_38] : memref<8192x1024xf32, #tpu.memory_space<hbm>> -> memref<8x1024xf32, #tpu.memory_space<hbm>>
    %dma_wait3A_40 = arith.constant 0 : i32
    %dma_wait3A_41 = arith.constant 0 : i32
    %dma_wait3A_42 = tpu.memref_slice %arg4[%dma_wait3A_40, %dma_wait3A_41] : memref<8192x1024xf32, #tpu.memory_space<hbm>> -> memref<8x1024xf32, #tpu.memory_space<hbm>>
    tpu.wait_dma2 semaphore(%arg28 : memref<!tpu.dma_semaphore, #tpu.memory_space<semaphore_mem>>) src(%arg12 : memref<8x1024xf32, #tpu.memory_space<vmem>>) dst(%dma_wait3A_42 : memref<8x1024xf32, #tpu.memory_space<hbm>>)
    %dma_wait3A_43 = arith.constant 0 : i32
    %dma_wait3A_44 = arith.constant 0 : i32
    %dma_wait3A_45 = tpu.memref_slice %arg4[%dma_wait3A_43, %dma_wait3A_44] : memref<8192x1024xf32, #tpu.memory_space<hbm>> -> memref<8x1024xf32, #tpu.memory_space<hbm>>
    %dma_wait3A_46 = arith.constant 0 : i32
    %dma_wait3A_47 = arith.constant 0 : i32
    %dma_wait3A_48 = tpu.memref_slice %arg4[%dma_wait3A_46, %dma_wait3A_47] : memref<8192x1024xf32, #tpu.memory_space<hbm>> -> memref<8x1024xf32, #tpu.memory_space<hbm>>
    tpu.wait_dma2 semaphore(%arg29 : memref<!tpu.dma_semaphore, #tpu.memory_space<semaphore_mem>>) src(%arg13 : memref<8x1024xf32, #tpu.memory_space<vmem>>) dst(%dma_wait3A_48 : memref<8x1024xf32, #tpu.memory_space<hbm>>)
    return
  }
}

#map = affine_map<(d0, d1) -> (0)>
#map1 = affine_map<(d0, d1) -> (0, 0)>
module attributes {stable_mosaic.version = 14 : i64} {
  func.func @gather_k(%arg0: i32, %arg1: i32, %arg2: memref<8192xi32, #tpu.memory_space<hbm>>, %arg3: memref<8192x1024xf32, #tpu.memory_space<hbm>>, %arg4: memref<8192x1024xf32, #tpu.memory_space<hbm>>, %arg5: memref<256xi32, #tpu.memory_space<vmem>>, %arg6: memref<8x1024xf32, #tpu.memory_space<vmem>>, %arg7: memref<8x1024xf32, #tpu.memory_space<vmem>>, %arg8: memref<8x1024xf32, #tpu.memory_space<vmem>>, %arg9: memref<8x1024xf32, #tpu.memory_space<vmem>>, %arg10: memref<8x1024xf32, #tpu.memory_space<vmem>>, %arg11: memref<8x1024xf32, #tpu.memory_space<vmem>>, %arg12: memref<8x1024xf32, #tpu.memory_space<vmem>>, %arg13: memref<8x1024xf32, #tpu.memory_space<vmem>>, %arg14: memref<!tpu.dma_semaphore, #tpu.memory_space<semaphore_mem>>, %arg15: memref<!tpu.dma_semaphore, #tpu.memory_space<semaphore_mem>>, %arg16: memref<!tpu.dma_semaphore, #tpu.memory_space<semaphore_mem>>, %arg17: memref<!tpu.dma_semaphore, #tpu.memory_space<semaphore_mem>>, %arg18: memref<!tpu.dma_semaphore, #tpu.memory_space<semaphore_mem>>, %arg19: memref<!tpu.dma_semaphore, #tpu.memory_space<semaphore_mem>>, %arg20: memref<!tpu.dma_semaphore, #tpu.memory_space<semaphore_mem>>, %arg21: memref<!tpu.dma_semaphore, #tpu.memory_space<semaphore_mem>>, %arg22: memref<!tpu.dma_semaphore, #tpu.memory_space<semaphore_mem>>, %arg23: memref<!tpu.dma_semaphore, #tpu.memory_space<semaphore_mem>>, %arg24: memref<!tpu.dma_semaphore, #tpu.memory_space<semaphore_mem>>, %arg25: memref<!tpu.dma_semaphore, #tpu.memory_space<semaphore_mem>>, %arg26: memref<!tpu.dma_semaphore, #tpu.memory_space<semaphore_mem>>, %arg27: memref<!tpu.dma_semaphore, #tpu.memory_space<semaphore_mem>>, %arg28: memref<!tpu.dma_semaphore, #tpu.memory_space<semaphore_mem>>, %arg29: memref<!tpu.dma_semaphore, #tpu.memory_space<semaphore_mem>>) attributes {dimension_semantics = [#tpu.dimension_semantics<core_parallel>, #tpu.dimension_semantics<subcore_parallel>], iteration_bounds = array<i64: 2, 16>, scalar_prefetch = 0 : i64, scratch_operands = 25 : i64, tpu.core_type = #tpu.core_type<sc_vector_subcore>, window_params = [{transform_indices = #map}, {transform_indices = #map1}, {transform_indices = #map1}]} {
    %mul3A = arith.constant 2 : i32
    %mul3A_0 = arith.muli %arg1, %mul3A : i32
    %add3A = arith.addi %mul3A_0, %arg0 : i32
    %mul3A_1 = arith.constant 256 : i32
    %mul3A_2 = arith.muli %add3A, %mul3A_1 : i32
    "tpu.region"() ({
      %run_scoped3A = tpu.sem_alloc : memref<!tpu.dma_semaphore, #tpu.memory_space<semaphore_mem>>
      %dma_start3A_49 = tpu.memref_slice %arg2[%mul3A_2] : memref<8192xi32, #tpu.memory_space<hbm>> -> memref<256xi32, #tpu.memory_space<hbm>>
      %dma_start3A_50 = tpu.memref_slice %arg2[%mul3A_2] : memref<8192xi32, #tpu.memory_space<hbm>> -> memref<256xi32, #tpu.memory_space<hbm>>
      tpu.enqueue_dma source(%dma_start3A_50 : memref<256xi32, #tpu.memory_space<hbm>>) target(%arg5 : memref<256xi32, #tpu.memory_space<vmem>>) target_semaphore(%run_scoped3A : memref<!tpu.dma_semaphore, #tpu.memory_space<semaphore_mem>>)
      %dma_wait3A_51 = tpu.memref_slice %arg2[%mul3A_2] : memref<8192xi32, #tpu.memory_space<hbm>> -> memref<256xi32, #tpu.memory_space<hbm>>
      %dma_wait3A_52 = tpu.memref_slice %arg2[%mul3A_2] : memref<8192xi32, #tpu.memory_space<hbm>> -> memref<256xi32, #tpu.memory_space<hbm>>
      tpu.wait_dma2 semaphore(%run_scoped3A : memref<!tpu.dma_semaphore, #tpu.memory_space<semaphore_mem>>) src(%dma_wait3A_52 : memref<256xi32, #tpu.memory_space<hbm>>) dst(%arg5 : memref<256xi32, #tpu.memory_space<vmem>>)
      tpu.yield
    }) : () -> ()
    %dma_start3A = arith.constant 0 : i32
    %dma_start3A_3 = tpu.memref_slice %arg5[%dma_start3A] : memref<256xi32, #tpu.memory_space<vmem>> -> memref<8xi32, #tpu.memory_space<vmem>>
    %dma_start3A_4 = arith.constant 0 : i32
    %dma_start3A_5 = arith.constant 0 : i32
    %dma_start3A_6 = tpu.memref_slice %arg3[%dma_start3A_4, %dma_start3A_5] : memref<8192x1024xf32, #tpu.memory_space<hbm>> -> memref<8192x1024xf32, #tpu.memory_space<hbm>>
    tpu.enqueue_indirect_dma source(%dma_start3A_6 : memref<8192x1024xf32, #tpu.memory_space<hbm>>) target(%arg6 : memref<8x1024xf32, #tpu.memory_space<vmem>>) offsets(%dma_start3A_3 : memref<8xi32, #tpu.memory_space<vmem>>) semaphore(%arg14 : memref<!tpu.dma_semaphore, #tpu.memory_space<semaphore_mem>>)
    %dma_start3A_7 = arith.constant 8 : i32
    %dma_start3A_8 = tpu.memref_slice %arg5[%dma_start3A_7] : memref<256xi32, #tpu.memory_space<vmem>> -> memref<8xi32, #tpu.memory_space<vmem>>
    %dma_start3A_9 = arith.constant 0 : i32
    %dma_start3A_10 = arith.constant 0 : i32
    %dma_start3A_11 = tpu.memref_slice %arg3[%dma_start3A_9, %dma_start3A_10] : memref<8192x1024xf32, #tpu.memory_space<hbm>> -> memref<8192x1024xf32, #tpu.memory_space<hbm>>
    tpu.enqueue_indirect_dma source(%dma_start3A_11 : memref<8192x1024xf32, #tpu.memory_space<hbm>>) target(%arg7 : memref<8x1024xf32, #tpu.memory_space<vmem>>) offsets(%dma_start3A_8 : memref<8xi32, #tpu.memory_space<vmem>>) semaphore(%arg15 : memref<!tpu.dma_semaphore, #tpu.memory_space<semaphore_mem>>)
    %dma_start3A_12 = arith.constant 16 : i32
    %dma_start3A_13 = tpu.memref_slice %arg5[%dma_start3A_12] : memref<256xi32, #tpu.memory_space<vmem>> -> memref<8xi32, #tpu.memory_space<vmem>>
    %dma_start3A_14 = arith.constant 0 : i32
    %dma_start3A_15 = arith.constant 0 : i32
    %dma_start3A_16 = tpu.memref_slice %arg3[%dma_start3A_14, %dma_start3A_15] : memref<8192x1024xf32, #tpu.memory_space<hbm>> -> memref<8192x1024xf32, #tpu.memory_space<hbm>>
    tpu.enqueue_indirect_dma source(%dma_start3A_16 : memref<8192x1024xf32, #tpu.memory_space<hbm>>) target(%arg8 : memref<8x1024xf32, #tpu.memory_space<vmem>>) offsets(%dma_start3A_13 : memref<8xi32, #tpu.memory_space<vmem>>) semaphore(%arg16 : memref<!tpu.dma_semaphore, #tpu.memory_space<semaphore_mem>>)
    %dma_start3A_17 = arith.constant 24 : i32
    %dma_start3A_18 = tpu.memref_slice %arg5[%dma_start3A_17] : memref<256xi32, #tpu.memory_space<vmem>> -> memref<8xi32, #tpu.memory_space<vmem>>
    %dma_start3A_19 = arith.constant 0 : i32
    %dma_start3A_20 = arith.constant 0 : i32
    %dma_start3A_21 = tpu.memref_slice %arg3[%dma_start3A_19, %dma_start3A_20] : memref<8192x1024xf32, #tpu.memory_space<hbm>> -> memref<8192x1024xf32, #tpu.memory_space<hbm>>
    tpu.enqueue_indirect_dma source(%dma_start3A_21 : memref<8192x1024xf32, #tpu.memory_space<hbm>>) target(%arg9 : memref<8x1024xf32, #tpu.memory_space<vmem>>) offsets(%dma_start3A_18 : memref<8xi32, #tpu.memory_space<vmem>>) semaphore(%arg17 : memref<!tpu.dma_semaphore, #tpu.memory_space<semaphore_mem>>)
    %scan3A = arith.constant 0 : i32
    %scan3A_22 = arith.constant 4 : i32
    %scan3A_23 = arith.addi %scan3A, %scan3A_22 : i32
    %scan3A_24 = arith.constant 1 : i32
    scf.for %scan3A_49 = %scan3A to %scan3A_23 step %scan3A_24  : i32 {
      %mul3A_50 = arith.constant 8 : i32
      %mul3A_51 = arith.muli %scan3A_49, %mul3A_50 : i32
      %add3A_52 = arith.constant 0 : i32
      %add3A_53 = arith.addi %add3A_52, %mul3A_51 : i32
      %add3A_54 = arith.constant 0 : i32
      %add3A_55 = arith.addi %add3A_53, %add3A_54 : i32
      %dma_wait3A_56 = arith.constant 0 : i32
      %dma_wait3A_57 = tpu.memref_slice %arg5[%dma_wait3A_56] : memref<256xi32, #tpu.memory_space<vmem>> -> memref<8xi32, #tpu.memory_space<vmem>>
      %dma_wait3A_58 = arith.constant 0 : i32
      %dma_wait3A_59 = arith.constant 0 : i32
      %dma_wait3A_60 = tpu.memref_slice %arg3[%dma_wait3A_58, %dma_wait3A_59] : memref<8192x1024xf32, #tpu.memory_space<hbm>> -> memref<8192x1024xf32, #tpu.memory_space<hbm>>
      tpu.wait_indirect_dma semaphore(%arg14 : memref<!tpu.dma_semaphore, #tpu.memory_space<semaphore_mem>>) src(%dma_wait3A_60 : memref<8192x1024xf32, #tpu.memory_space<hbm>>) dst(%arg6 : memref<8x1024xf32, #tpu.memory_space<vmem>>)
      %mul3A_61 = arith.constant 8 : i32
      %mul3A_62 = arith.muli %add3A_55, %mul3A_61 : i32
      %add3A_63 = arith.addi %mul3A_2, %mul3A_62 : i32
      %dma_start3A_64 = arith.constant 0 : i32
      %dma_start3A_65 = tpu.memref_slice %arg4[%add3A_63, %dma_start3A_64] : memref<8192x1024xf32, #tpu.memory_space<hbm>> -> memref<8x1024xf32, #tpu.memory_space<hbm>>
      %dma_start3A_66 = arith.constant 0 : i32
      %dma_start3A_67 = tpu.memref_slice %arg4[%add3A_63, %dma_start3A_66] : memref<8192x1024xf32, #tpu.memory_space<hbm>> -> memref<8x1024xf32, #tpu.memory_space<hbm>>
      tpu.enqueue_dma source(%arg6 : memref<8x1024xf32, #tpu.memory_space<vmem>>) target(%dma_start3A_67 : memref<8x1024xf32, #tpu.memory_space<hbm>>) target_semaphore(%arg22 : memref<!tpu.dma_semaphore, #tpu.memory_space<semaphore_mem>>)
      %ge3A = arith.constant 4 : i32
      %ge3A_68 = arith.cmpi sge, %add3A_55, %ge3A : i32
      %convert_element_type3A = arith.extui %ge3A_68 : i1 to i32
      %cond3A = arith.constant 0 : i32
      %cond3A_69 = arith.cmpi ne, %convert_element_type3A, %cond3A : i32
      scf.if %cond3A_69 {
        %dma_wait3A_258 = arith.constant 0 : i32
        %dma_wait3A_259 = arith.constant 0 : i32
        %dma_wait3A_260 = tpu.memref_slice %arg4[%dma_wait3A_258, %dma_wait3A_259] : memref<8192x1024xf32, #tpu.memory_space<hbm>> -> memref<8x1024xf32, #tpu.memory_space<hbm>>
        %dma_wait3A_261 = arith.constant 0 : i32
        %dma_wait3A_262 = arith.constant 0 : i32
        %dma_wait3A_263 = tpu.memref_slice %arg4[%dma_wait3A_261, %dma_wait3A_262] : memref<8192x1024xf32, #tpu.memory_space<hbm>> -> memref<8x1024xf32, #tpu.memory_space<hbm>>
        tpu.wait_dma2 semaphore(%arg26 : memref<!tpu.dma_semaphore, #tpu.memory_space<semaphore_mem>>) src(%arg10 : memref<8x1024xf32, #tpu.memory_space<vmem>>) dst(%dma_wait3A_263 : memref<8x1024xf32, #tpu.memory_space<hbm>>)
      } else {
      }
      %add3A_70 = arith.constant 4 : i32
      %add3A_71 = arith.addi %add3A_55, %add3A_70 : i32
      %lt3A = arith.constant 32 : i32
      %lt3A_72 = arith.cmpi slt, %add3A_71, %lt3A : i32
      %convert_element_type3A_73 = arith.extui %lt3A_72 : i1 to i32
      %cond3A_74 = arith.constant 0 : i32
      %cond3A_75 = arith.cmpi ne, %convert_element_type3A_73, %cond3A_74 : i32
      scf.if %cond3A_75 {
        %add3A_258 = arith.constant 4 : i32
        %add3A_259 = arith.addi %add3A_55, %add3A_258 : i32
        %mul3A_260 = arith.constant 8 : i32
        %mul3A_261 = arith.muli %add3A_259, %mul3A_260 : i32
        %dma_start3A_262 = tpu.memref_slice %arg5[%mul3A_261] : memref<256xi32, #tpu.memory_space<vmem>> -> memref<8xi32, #tpu.memory_space<vmem>>
        %dma_start3A_263 = arith.constant 0 : i32
        %dma_start3A_264 = arith.constant 0 : i32
        %dma_start3A_265 = tpu.memref_slice %arg3[%dma_start3A_263, %dma_start3A_264] : memref<8192x1024xf32, #tpu.memory_space<hbm>> -> memref<8192x1024xf32, #tpu.memory_space<hbm>>
        tpu.enqueue_indirect_dma source(%dma_start3A_265 : memref<8192x1024xf32, #tpu.memory_space<hbm>>) target(%arg10 : memref<8x1024xf32, #tpu.memory_space<vmem>>) offsets(%dma_start3A_262 : memref<8xi32, #tpu.memory_space<vmem>>) semaphore(%arg18 : memref<!tpu.dma_semaphore, #tpu.memory_space<semaphore_mem>>)
      } else {
      }
      %add3A_76 = arith.constant 1 : i32
      %add3A_77 = arith.addi %add3A_53, %add3A_76 : i32
      %dma_wait3A_78 = arith.constant 0 : i32
      %dma_wait3A_79 = tpu.memref_slice %arg5[%dma_wait3A_78] : memref<256xi32, #tpu.memory_space<vmem>> -> memref<8xi32, #tpu.memory_space<vmem>>
      %dma_wait3A_80 = arith.constant 0 : i32
      %dma_wait3A_81 = arith.constant 0 : i32
      %dma_wait3A_82 = tpu.memref_slice %arg3[%dma_wait3A_80, %dma_wait3A_81] : memref<8192x1024xf32, #tpu.memory_space<hbm>> -> memref<8192x1024xf32, #tpu.memory_space<hbm>>
      tpu.wait_indirect_dma semaphore(%arg15 : memref<!tpu.dma_semaphore, #tpu.memory_space<semaphore_mem>>) src(%dma_wait3A_82 : memref<8192x1024xf32, #tpu.memory_space<hbm>>) dst(%arg7 : memref<8x1024xf32, #tpu.memory_space<vmem>>)
      %mul3A_83 = arith.constant 8 : i32
      %mul3A_84 = arith.muli %add3A_77, %mul3A_83 : i32
      %add3A_85 = arith.addi %mul3A_2, %mul3A_84 : i32
      %dma_start3A_86 = arith.constant 0 : i32
      %dma_start3A_87 = tpu.memref_slice %arg4[%add3A_85, %dma_start3A_86] : memref<8192x1024xf32, #tpu.memory_space<hbm>> -> memref<8x1024xf32, #tpu.memory_space<hbm>>
      %dma_start3A_88 = arith.constant 0 : i32
      %dma_start3A_89 = tpu.memref_slice %arg4[%add3A_85, %dma_start3A_88] : memref<8192x1024xf32, #tpu.memory_space<hbm>> -> memref<8x1024xf32, #tpu.memory_space<hbm>>
      tpu.enqueue_dma source(%arg7 : memref<8x1024xf32, #tpu.memory_space<vmem>>) target(%dma_start3A_89 : memref<8x1024xf32, #tpu.memory_space<hbm>>) target_semaphore(%arg23 : memref<!tpu.dma_semaphore, #tpu.memory_space<semaphore_mem>>)
      %ge3A_90 = arith.constant 4 : i32
      %ge3A_91 = arith.cmpi sge, %add3A_77, %ge3A_90 : i32
      %convert_element_type3A_92 = arith.extui %ge3A_91 : i1 to i32
      %cond3A_93 = arith.constant 0 : i32
      %cond3A_94 = arith.cmpi ne, %convert_element_type3A_92, %cond3A_93 : i32
      scf.if %cond3A_94 {
        %dma_wait3A_258 = arith.constant 0 : i32
        %dma_wait3A_259 = arith.constant 0 : i32
        %dma_wait3A_260 = tpu.memref_slice %arg4[%dma_wait3A_258, %dma_wait3A_259] : memref<8192x1024xf32, #tpu.memory_space<hbm>> -> memref<8x1024xf32, #tpu.memory_space<hbm>>
        %dma_wait3A_261 = arith.constant 0 : i32
        %dma_wait3A_262 = arith.constant 0 : i32
        %dma_wait3A_263 = tpu.memref_slice %arg4[%dma_wait3A_261, %dma_wait3A_262] : memref<8192x1024xf32, #tpu.memory_space<hbm>> -> memref<8x1024xf32, #tpu.memory_space<hbm>>
        tpu.wait_dma2 semaphore(%arg27 : memref<!tpu.dma_semaphore, #tpu.memory_space<semaphore_mem>>) src(%arg11 : memref<8x1024xf32, #tpu.memory_space<vmem>>) dst(%dma_wait3A_263 : memref<8x1024xf32, #tpu.memory_space<hbm>>)
      } else {
      }
      %add3A_95 = arith.constant 4 : i32
      %add3A_96 = arith.addi %add3A_77, %add3A_95 : i32
      %lt3A_97 = arith.constant 32 : i32
      %lt3A_98 = arith.cmpi slt, %add3A_96, %lt3A_97 : i32
      %convert_element_type3A_99 = arith.extui %lt3A_98 : i1 to i32
      %cond3A_100 = arith.constant 0 : i32
      %cond3A_101 = arith.cmpi ne, %convert_element_type3A_99, %cond3A_100 : i32
      scf.if %cond3A_101 {
        %add3A_258 = arith.constant 4 : i32
        %add3A_259 = arith.addi %add3A_77, %add3A_258 : i32
        %mul3A_260 = arith.constant 8 : i32
        %mul3A_261 = arith.muli %add3A_259, %mul3A_260 : i32
        %dma_start3A_262 = tpu.memref_slice %arg5[%mul3A_261] : memref<256xi32, #tpu.memory_space<vmem>> -> memref<8xi32, #tpu.memory_space<vmem>>
        %dma_start3A_263 = arith.constant 0 : i32
        %dma_start3A_264 = arith.constant 0 : i32
        %dma_start3A_265 = tpu.memref_slice %arg3[%dma_start3A_263, %dma_start3A_264] : memref<8192x1024xf32, #tpu.memory_space<hbm>> -> memref<8192x1024xf32, #tpu.memory_space<hbm>>
        tpu.enqueue_indirect_dma source(%dma_start3A_265 : memref<8192x1024xf32, #tpu.memory_space<hbm>>) target(%arg11 : memref<8x1024xf32, #tpu.memory_space<vmem>>) offsets(%dma_start3A_262 : memref<8xi32, #tpu.memory_space<vmem>>) semaphore(%arg19 : memref<!tpu.dma_semaphore, #tpu.memory_space<semaphore_mem>>)
      } else {
      }
      %add3A_102 = arith.constant 2 : i32
      %add3A_103 = arith.addi %add3A_53, %add3A_102 : i32
      %dma_wait3A_104 = arith.constant 0 : i32
      %dma_wait3A_105 = tpu.memref_slice %arg5[%dma_wait3A_104] : memref<256xi32, #tpu.memory_space<vmem>> -> memref<8xi32, #tpu.memory_space<vmem>>
      %dma_wait3A_106 = arith.constant 0 : i32
      %dma_wait3A_107 = arith.constant 0 : i32
      %dma_wait3A_108 = tpu.memref_slice %arg3[%dma_wait3A_106, %dma_wait3A_107] : memref<8192x1024xf32, #tpu.memory_space<hbm>> -> memref<8192x1024xf32, #tpu.memory_space<hbm>>
      tpu.wait_indirect_dma semaphore(%arg16 : memref<!tpu.dma_semaphore, #tpu.memory_space<semaphore_mem>>) src(%dma_wait3A_108 : memref<8192x1024xf32, #tpu.memory_space<hbm>>) dst(%arg8 : memref<8x1024xf32, #tpu.memory_space<vmem>>)
      %mul3A_109 = arith.constant 8 : i32
      %mul3A_110 = arith.muli %add3A_103, %mul3A_109 : i32
      %add3A_111 = arith.addi %mul3A_2, %mul3A_110 : i32
      %dma_start3A_112 = arith.constant 0 : i32
      %dma_start3A_113 = tpu.memref_slice %arg4[%add3A_111, %dma_start3A_112] : memref<8192x1024xf32, #tpu.memory_space<hbm>> -> memref<8x1024xf32, #tpu.memory_space<hbm>>
      %dma_start3A_114 = arith.constant 0 : i32
      %dma_start3A_115 = tpu.memref_slice %arg4[%add3A_111, %dma_start3A_114] : memref<8192x1024xf32, #tpu.memory_space<hbm>> -> memref<8x1024xf32, #tpu.memory_space<hbm>>
      tpu.enqueue_dma source(%arg8 : memref<8x1024xf32, #tpu.memory_space<vmem>>) target(%dma_start3A_115 : memref<8x1024xf32, #tpu.memory_space<hbm>>) target_semaphore(%arg24 : memref<!tpu.dma_semaphore, #tpu.memory_space<semaphore_mem>>)
      %ge3A_116 = arith.constant 4 : i32
      %ge3A_117 = arith.cmpi sge, %add3A_103, %ge3A_116 : i32
      %convert_element_type3A_118 = arith.extui %ge3A_117 : i1 to i32
      %cond3A_119 = arith.constant 0 : i32
      %cond3A_120 = arith.cmpi ne, %convert_element_type3A_118, %cond3A_119 : i32
      scf.if %cond3A_120 {
        %dma_wait3A_258 = arith.constant 0 : i32
        %dma_wait3A_259 = arith.constant 0 : i32
        %dma_wait3A_260 = tpu.memref_slice %arg4[%dma_wait3A_258, %dma_wait3A_259] : memref<8192x1024xf32, #tpu.memory_space<hbm>> -> memref<8x1024xf32, #tpu.memory_space<hbm>>
        %dma_wait3A_261 = arith.constant 0 : i32
        %dma_wait3A_262 = arith.constant 0 : i32
        %dma_wait3A_263 = tpu.memref_slice %arg4[%dma_wait3A_261, %dma_wait3A_262] : memref<8192x1024xf32, #tpu.memory_space<hbm>> -> memref<8x1024xf32, #tpu.memory_space<hbm>>
        tpu.wait_dma2 semaphore(%arg28 : memref<!tpu.dma_semaphore, #tpu.memory_space<semaphore_mem>>) src(%arg12 : memref<8x1024xf32, #tpu.memory_space<vmem>>) dst(%dma_wait3A_263 : memref<8x1024xf32, #tpu.memory_space<hbm>>)
      } else {
      }
      %add3A_121 = arith.constant 4 : i32
      %add3A_122 = arith.addi %add3A_103, %add3A_121 : i32
      %lt3A_123 = arith.constant 32 : i32
      %lt3A_124 = arith.cmpi slt, %add3A_122, %lt3A_123 : i32
      %convert_element_type3A_125 = arith.extui %lt3A_124 : i1 to i32
      %cond3A_126 = arith.constant 0 : i32
      %cond3A_127 = arith.cmpi ne, %convert_element_type3A_125, %cond3A_126 : i32
      scf.if %cond3A_127 {
        %add3A_258 = arith.constant 4 : i32
        %add3A_259 = arith.addi %add3A_103, %add3A_258 : i32
        %mul3A_260 = arith.constant 8 : i32
        %mul3A_261 = arith.muli %add3A_259, %mul3A_260 : i32
        %dma_start3A_262 = tpu.memref_slice %arg5[%mul3A_261] : memref<256xi32, #tpu.memory_space<vmem>> -> memref<8xi32, #tpu.memory_space<vmem>>
        %dma_start3A_263 = arith.constant 0 : i32
        %dma_start3A_264 = arith.constant 0 : i32
        %dma_start3A_265 = tpu.memref_slice %arg3[%dma_start3A_263, %dma_start3A_264] : memref<8192x1024xf32, #tpu.memory_space<hbm>> -> memref<8192x1024xf32, #tpu.memory_space<hbm>>
        tpu.enqueue_indirect_dma source(%dma_start3A_265 : memref<8192x1024xf32, #tpu.memory_space<hbm>>) target(%arg12 : memref<8x1024xf32, #tpu.memory_space<vmem>>) offsets(%dma_start3A_262 : memref<8xi32, #tpu.memory_space<vmem>>) semaphore(%arg20 : memref<!tpu.dma_semaphore, #tpu.memory_space<semaphore_mem>>)
      } else {
      }
      %add3A_128 = arith.constant 3 : i32
      %add3A_129 = arith.addi %add3A_53, %add3A_128 : i32
      %dma_wait3A_130 = arith.constant 0 : i32
      %dma_wait3A_131 = tpu.memref_slice %arg5[%dma_wait3A_130] : memref<256xi32, #tpu.memory_space<vmem>> -> memref<8xi32, #tpu.memory_space<vmem>>
      %dma_wait3A_132 = arith.constant 0 : i32
      %dma_wait3A_133 = arith.constant 0 : i32
      %dma_wait3A_134 = tpu.memref_slice %arg3[%dma_wait3A_132, %dma_wait3A_133] : memref<8192x1024xf32, #tpu.memory_space<hbm>> -> memref<8192x1024xf32, #tpu.memory_space<hbm>>
      tpu.wait_indirect_dma semaphore(%arg17 : memref<!tpu.dma_semaphore, #tpu.memory_space<semaphore_mem>>) src(%dma_wait3A_134 : memref<8192x1024xf32, #tpu.memory_space<hbm>>) dst(%arg9 : memref<8x1024xf32, #tpu.memory_space<vmem>>)
      %mul3A_135 = arith.constant 8 : i32
      %mul3A_136 = arith.muli %add3A_129, %mul3A_135 : i32
      %add3A_137 = arith.addi %mul3A_2, %mul3A_136 : i32
      %dma_start3A_138 = arith.constant 0 : i32
      %dma_start3A_139 = tpu.memref_slice %arg4[%add3A_137, %dma_start3A_138] : memref<8192x1024xf32, #tpu.memory_space<hbm>> -> memref<8x1024xf32, #tpu.memory_space<hbm>>
      %dma_start3A_140 = arith.constant 0 : i32
      %dma_start3A_141 = tpu.memref_slice %arg4[%add3A_137, %dma_start3A_140] : memref<8192x1024xf32, #tpu.memory_space<hbm>> -> memref<8x1024xf32, #tpu.memory_space<hbm>>
      tpu.enqueue_dma source(%arg9 : memref<8x1024xf32, #tpu.memory_space<vmem>>) target(%dma_start3A_141 : memref<8x1024xf32, #tpu.memory_space<hbm>>) target_semaphore(%arg25 : memref<!tpu.dma_semaphore, #tpu.memory_space<semaphore_mem>>)
      %ge3A_142 = arith.constant 4 : i32
      %ge3A_143 = arith.cmpi sge, %add3A_129, %ge3A_142 : i32
      %convert_element_type3A_144 = arith.extui %ge3A_143 : i1 to i32
      %cond3A_145 = arith.constant 0 : i32
      %cond3A_146 = arith.cmpi ne, %convert_element_type3A_144, %cond3A_145 : i32
      scf.if %cond3A_146 {
        %dma_wait3A_258 = arith.constant 0 : i32
        %dma_wait3A_259 = arith.constant 0 : i32
        %dma_wait3A_260 = tpu.memref_slice %arg4[%dma_wait3A_258, %dma_wait3A_259] : memref<8192x1024xf32, #tpu.memory_space<hbm>> -> memref<8x1024xf32, #tpu.memory_space<hbm>>
        %dma_wait3A_261 = arith.constant 0 : i32
        %dma_wait3A_262 = arith.constant 0 : i32
        %dma_wait3A_263 = tpu.memref_slice %arg4[%dma_wait3A_261, %dma_wait3A_262] : memref<8192x1024xf32, #tpu.memory_space<hbm>> -> memref<8x1024xf32, #tpu.memory_space<hbm>>
        tpu.wait_dma2 semaphore(%arg29 : memref<!tpu.dma_semaphore, #tpu.memory_space<semaphore_mem>>) src(%arg13 : memref<8x1024xf32, #tpu.memory_space<vmem>>) dst(%dma_wait3A_263 : memref<8x1024xf32, #tpu.memory_space<hbm>>)
      } else {
      }
      %add3A_147 = arith.constant 4 : i32
      %add3A_148 = arith.addi %add3A_129, %add3A_147 : i32
      %lt3A_149 = arith.constant 32 : i32
      %lt3A_150 = arith.cmpi slt, %add3A_148, %lt3A_149 : i32
      %convert_element_type3A_151 = arith.extui %lt3A_150 : i1 to i32
      %cond3A_152 = arith.constant 0 : i32
      %cond3A_153 = arith.cmpi ne, %convert_element_type3A_151, %cond3A_152 : i32
      scf.if %cond3A_153 {
        %add3A_258 = arith.constant 4 : i32
        %add3A_259 = arith.addi %add3A_129, %add3A_258 : i32
        %mul3A_260 = arith.constant 8 : i32
        %mul3A_261 = arith.muli %add3A_259, %mul3A_260 : i32
        %dma_start3A_262 = tpu.memref_slice %arg5[%mul3A_261] : memref<256xi32, #tpu.memory_space<vmem>> -> memref<8xi32, #tpu.memory_space<vmem>>
        %dma_start3A_263 = arith.constant 0 : i32
        %dma_start3A_264 = arith.constant 0 : i32
        %dma_start3A_265 = tpu.memref_slice %arg3[%dma_start3A_263, %dma_start3A_264] : memref<8192x1024xf32, #tpu.memory_space<hbm>> -> memref<8192x1024xf32, #tpu.memory_space<hbm>>
        tpu.enqueue_indirect_dma source(%dma_start3A_265 : memref<8192x1024xf32, #tpu.memory_space<hbm>>) target(%arg13 : memref<8x1024xf32, #tpu.memory_space<vmem>>) offsets(%dma_start3A_262 : memref<8xi32, #tpu.memory_space<vmem>>) semaphore(%arg21 : memref<!tpu.dma_semaphore, #tpu.memory_space<semaphore_mem>>)
      } else {
      }
      %add3A_154 = arith.constant 4 : i32
      %add3A_155 = arith.addi %add3A_53, %add3A_154 : i32
      %dma_wait3A_156 = arith.constant 0 : i32
      %dma_wait3A_157 = tpu.memref_slice %arg5[%dma_wait3A_156] : memref<256xi32, #tpu.memory_space<vmem>> -> memref<8xi32, #tpu.memory_space<vmem>>
      %dma_wait3A_158 = arith.constant 0 : i32
      %dma_wait3A_159 = arith.constant 0 : i32
      %dma_wait3A_160 = tpu.memref_slice %arg3[%dma_wait3A_158, %dma_wait3A_159] : memref<8192x1024xf32, #tpu.memory_space<hbm>> -> memref<8192x1024xf32, #tpu.memory_space<hbm>>
      tpu.wait_indirect_dma semaphore(%arg18 : memref<!tpu.dma_semaphore, #tpu.memory_space<semaphore_mem>>) src(%dma_wait3A_160 : memref<8192x1024xf32, #tpu.memory_space<hbm>>) dst(%arg10 : memref<8x1024xf32, #tpu.memory_space<vmem>>)
      %mul3A_161 = arith.constant 8 : i32
      %mul3A_162 = arith.muli %add3A_155, %mul3A_161 : i32
      %add3A_163 = arith.addi %mul3A_2, %mul3A_162 : i32
      %dma_start3A_164 = arith.constant 0 : i32
      %dma_start3A_165 = tpu.memref_slice %arg4[%add3A_163, %dma_start3A_164] : memref<8192x1024xf32, #tpu.memory_space<hbm>> -> memref<8x1024xf32, #tpu.memory_space<hbm>>
      %dma_start3A_166 = arith.constant 0 : i32
      %dma_start3A_167 = tpu.memref_slice %arg4[%add3A_163, %dma_start3A_166] : memref<8192x1024xf32, #tpu.memory_space<hbm>> -> memref<8x1024xf32, #tpu.memory_space<hbm>>
      tpu.enqueue_dma source(%arg10 : memref<8x1024xf32, #tpu.memory_space<vmem>>) target(%dma_start3A_167 : memref<8x1024xf32, #tpu.memory_space<hbm>>) target_semaphore(%arg26 : memref<!tpu.dma_semaphore, #tpu.memory_space<semaphore_mem>>)
      %ge3A_168 = arith.constant 4 : i32
      %ge3A_169 = arith.cmpi sge, %add3A_155, %ge3A_168 : i32
      %convert_element_type3A_170 = arith.extui %ge3A_169 : i1 to i32
      %cond3A_171 = arith.constant 0 : i32
      %cond3A_172 = arith.cmpi ne, %convert_element_type3A_170, %cond3A_171 : i32
      scf.if %cond3A_172 {
        %dma_wait3A_258 = arith.constant 0 : i32
        %dma_wait3A_259 = arith.constant 0 : i32
        %dma_wait3A_260 = tpu.memref_slice %arg4[%dma_wait3A_258, %dma_wait3A_259] : memref<8192x1024xf32, #tpu.memory_space<hbm>> -> memref<8x1024xf32, #tpu.memory_space<hbm>>
        %dma_wait3A_261 = arith.constant 0 : i32
        %dma_wait3A_262 = arith.constant 0 : i32
        %dma_wait3A_263 = tpu.memref_slice %arg4[%dma_wait3A_261, %dma_wait3A_262] : memref<8192x1024xf32, #tpu.memory_space<hbm>> -> memref<8x1024xf32, #tpu.memory_space<hbm>>
        tpu.wait_dma2 semaphore(%arg22 : memref<!tpu.dma_semaphore, #tpu.memory_space<semaphore_mem>>) src(%arg6 : memref<8x1024xf32, #tpu.memory_space<vmem>>) dst(%dma_wait3A_263 : memref<8x1024xf32, #tpu.memory_space<hbm>>)
      } else {
      }
      %add3A_173 = arith.constant 4 : i32
      %add3A_174 = arith.addi %add3A_155, %add3A_173 : i32
      %lt3A_175 = arith.constant 32 : i32
      %lt3A_176 = arith.cmpi slt, %add3A_174, %lt3A_175 : i32
      %convert_element_type3A_177 = arith.extui %lt3A_176 : i1 to i32
      %cond3A_178 = arith.constant 0 : i32
      %cond3A_179 = arith.cmpi ne, %convert_element_type3A_177, %cond3A_178 : i32
      scf.if %cond3A_179 {
        %add3A_258 = arith.constant 4 : i32
        %add3A_259 = arith.addi %add3A_155, %add3A_258 : i32
        %mul3A_260 = arith.constant 8 : i32
        %mul3A_261 = arith.muli %add3A_259, %mul3A_260 : i32
        %dma_start3A_262 = tpu.memref_slice %arg5[%mul3A_261] : memref<256xi32, #tpu.memory_space<vmem>> -> memref<8xi32, #tpu.memory_space<vmem>>
        %dma_start3A_263 = arith.constant 0 : i32
        %dma_start3A_264 = arith.constant 0 : i32
        %dma_start3A_265 = tpu.memref_slice %arg3[%dma_start3A_263, %dma_start3A_264] : memref<8192x1024xf32, #tpu.memory_space<hbm>> -> memref<8192x1024xf32, #tpu.memory_space<hbm>>
        tpu.enqueue_indirect_dma source(%dma_start3A_265 : memref<8192x1024xf32, #tpu.memory_space<hbm>>) target(%arg6 : memref<8x1024xf32, #tpu.memory_space<vmem>>) offsets(%dma_start3A_262 : memref<8xi32, #tpu.memory_space<vmem>>) semaphore(%arg14 : memref<!tpu.dma_semaphore, #tpu.memory_space<semaphore_mem>>)
      } else {
      }
      %add3A_180 = arith.constant 5 : i32
      %add3A_181 = arith.addi %add3A_53, %add3A_180 : i32
      %dma_wait3A_182 = arith.constant 0 : i32
      %dma_wait3A_183 = tpu.memref_slice %arg5[%dma_wait3A_182] : memref<256xi32, #tpu.memory_space<vmem>> -> memref<8xi32, #tpu.memory_space<vmem>>
      %dma_wait3A_184 = arith.constant 0 : i32
      %dma_wait3A_185 = arith.constant 0 : i32
      %dma_wait3A_186 = tpu.memref_slice %arg3[%dma_wait3A_184, %dma_wait3A_185] : memref<8192x1024xf32, #tpu.memory_space<hbm>> -> memref<8192x1024xf32, #tpu.memory_space<hbm>>
      tpu.wait_indirect_dma semaphore(%arg19 : memref<!tpu.dma_semaphore, #tpu.memory_space<semaphore_mem>>) src(%dma_wait3A_186 : memref<8192x1024xf32, #tpu.memory_space<hbm>>) dst(%arg11 : memref<8x1024xf32, #tpu.memory_space<vmem>>)
      %mul3A_187 = arith.constant 8 : i32
      %mul3A_188 = arith.muli %add3A_181, %mul3A_187 : i32
      %add3A_189 = arith.addi %mul3A_2, %mul3A_188 : i32
      %dma_start3A_190 = arith.constant 0 : i32
      %dma_start3A_191 = tpu.memref_slice %arg4[%add3A_189, %dma_start3A_190] : memref<8192x1024xf32, #tpu.memory_space<hbm>> -> memref<8x1024xf32, #tpu.memory_space<hbm>>
      %dma_start3A_192 = arith.constant 0 : i32
      %dma_start3A_193 = tpu.memref_slice %arg4[%add3A_189, %dma_start3A_192] : memref<8192x1024xf32, #tpu.memory_space<hbm>> -> memref<8x1024xf32, #tpu.memory_space<hbm>>
      tpu.enqueue_dma source(%arg11 : memref<8x1024xf32, #tpu.memory_space<vmem>>) target(%dma_start3A_193 : memref<8x1024xf32, #tpu.memory_space<hbm>>) target_semaphore(%arg27 : memref<!tpu.dma_semaphore, #tpu.memory_space<semaphore_mem>>)
      %ge3A_194 = arith.constant 4 : i32
      %ge3A_195 = arith.cmpi sge, %add3A_181, %ge3A_194 : i32
      %convert_element_type3A_196 = arith.extui %ge3A_195 : i1 to i32
      %cond3A_197 = arith.constant 0 : i32
      %cond3A_198 = arith.cmpi ne, %convert_element_type3A_196, %cond3A_197 : i32
      scf.if %cond3A_198 {
        %dma_wait3A_258 = arith.constant 0 : i32
        %dma_wait3A_259 = arith.constant 0 : i32
        %dma_wait3A_260 = tpu.memref_slice %arg4[%dma_wait3A_258, %dma_wait3A_259] : memref<8192x1024xf32, #tpu.memory_space<hbm>> -> memref<8x1024xf32, #tpu.memory_space<hbm>>
        %dma_wait3A_261 = arith.constant 0 : i32
        %dma_wait3A_262 = arith.constant 0 : i32
        %dma_wait3A_263 = tpu.memref_slice %arg4[%dma_wait3A_261, %dma_wait3A_262] : memref<8192x1024xf32, #tpu.memory_space<hbm>> -> memref<8x1024xf32, #tpu.memory_space<hbm>>
        tpu.wait_dma2 semaphore(%arg23 : memref<!tpu.dma_semaphore, #tpu.memory_space<semaphore_mem>>) src(%arg7 : memref<8x1024xf32, #tpu.memory_space<vmem>>) dst(%dma_wait3A_263 : memref<8x1024xf32, #tpu.memory_space<hbm>>)
      } else {
      }
      %add3A_199 = arith.constant 4 : i32
      %add3A_200 = arith.addi %add3A_181, %add3A_199 : i32
      %lt3A_201 = arith.constant 32 : i32
      %lt3A_202 = arith.cmpi slt, %add3A_200, %lt3A_201 : i32
      %convert_element_type3A_203 = arith.extui %lt3A_202 : i1 to i32
      %cond3A_204 = arith.constant 0 : i32
      %cond3A_205 = arith.cmpi ne, %convert_element_type3A_203, %cond3A_204 : i32
      scf.if %cond3A_205 {
        %add3A_258 = arith.constant 4 : i32
        %add3A_259 = arith.addi %add3A_181, %add3A_258 : i32
        %mul3A_260 = arith.constant 8 : i32
        %mul3A_261 = arith.muli %add3A_259, %mul3A_260 : i32
        %dma_start3A_262 = tpu.memref_slice %arg5[%mul3A_261] : memref<256xi32, #tpu.memory_space<vmem>> -> memref<8xi32, #tpu.memory_space<vmem>>
        %dma_start3A_263 = arith.constant 0 : i32
        %dma_start3A_264 = arith.constant 0 : i32
        %dma_start3A_265 = tpu.memref_slice %arg3[%dma_start3A_263, %dma_start3A_264] : memref<8192x1024xf32, #tpu.memory_space<hbm>> -> memref<8192x1024xf32, #tpu.memory_space<hbm>>
        tpu.enqueue_indirect_dma source(%dma_start3A_265 : memref<8192x1024xf32, #tpu.memory_space<hbm>>) target(%arg7 : memref<8x1024xf32, #tpu.memory_space<vmem>>) offsets(%dma_start3A_262 : memref<8xi32, #tpu.memory_space<vmem>>) semaphore(%arg15 : memref<!tpu.dma_semaphore, #tpu.memory_space<semaphore_mem>>)
      } else {
      }
      %add3A_206 = arith.constant 6 : i32
      %add3A_207 = arith.addi %add3A_53, %add3A_206 : i32
      %dma_wait3A_208 = arith.constant 0 : i32
      %dma_wait3A_209 = tpu.memref_slice %arg5[%dma_wait3A_208] : memref<256xi32, #tpu.memory_space<vmem>> -> memref<8xi32, #tpu.memory_space<vmem>>
      %dma_wait3A_210 = arith.constant 0 : i32
      %dma_wait3A_211 = arith.constant 0 : i32
      %dma_wait3A_212 = tpu.memref_slice %arg3[%dma_wait3A_210, %dma_wait3A_211] : memref<8192x1024xf32, #tpu.memory_space<hbm>> -> memref<8192x1024xf32, #tpu.memory_space<hbm>>
      tpu.wait_indirect_dma semaphore(%arg20 : memref<!tpu.dma_semaphore, #tpu.memory_space<semaphore_mem>>) src(%dma_wait3A_212 : memref<8192x1024xf32, #tpu.memory_space<hbm>>) dst(%arg12 : memref<8x1024xf32, #tpu.memory_space<vmem>>)
      %mul3A_213 = arith.constant 8 : i32
      %mul3A_214 = arith.muli %add3A_207, %mul3A_213 : i32
      %add3A_215 = arith.addi %mul3A_2, %mul3A_214 : i32
      %dma_start3A_216 = arith.constant 0 : i32
      %dma_start3A_217 = tpu.memref_slice %arg4[%add3A_215, %dma_start3A_216] : memref<8192x1024xf32, #tpu.memory_space<hbm>> -> memref<8x1024xf32, #tpu.memory_space<hbm>>
      %dma_start3A_218 = arith.constant 0 : i32
      %dma_start3A_219 = tpu.memref_slice %arg4[%add3A_215, %dma_start3A_218] : memref<8192x1024xf32, #tpu.memory_space<hbm>> -> memref<8x1024xf32, #tpu.memory_space<hbm>>
      tpu.enqueue_dma source(%arg12 : memref<8x1024xf32, #tpu.memory_space<vmem>>) target(%dma_start3A_219 : memref<8x1024xf32, #tpu.memory_space<hbm>>) target_semaphore(%arg28 : memref<!tpu.dma_semaphore, #tpu.memory_space<semaphore_mem>>)
      %ge3A_220 = arith.constant 4 : i32
      %ge3A_221 = arith.cmpi sge, %add3A_207, %ge3A_220 : i32
      %convert_element_type3A_222 = arith.extui %ge3A_221 : i1 to i32
      %cond3A_223 = arith.constant 0 : i32
      %cond3A_224 = arith.cmpi ne, %convert_element_type3A_222, %cond3A_223 : i32
      scf.if %cond3A_224 {
        %dma_wait3A_258 = arith.constant 0 : i32
        %dma_wait3A_259 = arith.constant 0 : i32
        %dma_wait3A_260 = tpu.memref_slice %arg4[%dma_wait3A_258, %dma_wait3A_259] : memref<8192x1024xf32, #tpu.memory_space<hbm>> -> memref<8x1024xf32, #tpu.memory_space<hbm>>
        %dma_wait3A_261 = arith.constant 0 : i32
        %dma_wait3A_262 = arith.constant 0 : i32
        %dma_wait3A_263 = tpu.memref_slice %arg4[%dma_wait3A_261, %dma_wait3A_262] : memref<8192x1024xf32, #tpu.memory_space<hbm>> -> memref<8x1024xf32, #tpu.memory_space<hbm>>
        tpu.wait_dma2 semaphore(%arg24 : memref<!tpu.dma_semaphore, #tpu.memory_space<semaphore_mem>>) src(%arg8 : memref<8x1024xf32, #tpu.memory_space<vmem>>) dst(%dma_wait3A_263 : memref<8x1024xf32, #tpu.memory_space<hbm>>)
      } else {
      }
      %add3A_225 = arith.constant 4 : i32
      %add3A_226 = arith.addi %add3A_207, %add3A_225 : i32
      %lt3A_227 = arith.constant 32 : i32
      %lt3A_228 = arith.cmpi slt, %add3A_226, %lt3A_227 : i32
      %convert_element_type3A_229 = arith.extui %lt3A_228 : i1 to i32
      %cond3A_230 = arith.constant 0 : i32
      %cond3A_231 = arith.cmpi ne, %convert_element_type3A_229, %cond3A_230 : i32
      scf.if %cond3A_231 {
        %add3A_258 = arith.constant 4 : i32
        %add3A_259 = arith.addi %add3A_207, %add3A_258 : i32
        %mul3A_260 = arith.constant 8 : i32
        %mul3A_261 = arith.muli %add3A_259, %mul3A_260 : i32
        %dma_start3A_262 = tpu.memref_slice %arg5[%mul3A_261] : memref<256xi32, #tpu.memory_space<vmem>> -> memref<8xi32, #tpu.memory_space<vmem>>
        %dma_start3A_263 = arith.constant 0 : i32
        %dma_start3A_264 = arith.constant 0 : i32
        %dma_start3A_265 = tpu.memref_slice %arg3[%dma_start3A_263, %dma_start3A_264] : memref<8192x1024xf32, #tpu.memory_space<hbm>> -> memref<8192x1024xf32, #tpu.memory_space<hbm>>
        tpu.enqueue_indirect_dma source(%dma_start3A_265 : memref<8192x1024xf32, #tpu.memory_space<hbm>>) target(%arg8 : memref<8x1024xf32, #tpu.memory_space<vmem>>) offsets(%dma_start3A_262 : memref<8xi32, #tpu.memory_space<vmem>>) semaphore(%arg16 : memref<!tpu.dma_semaphore, #tpu.memory_space<semaphore_mem>>)
      } else {
      }
      %add3A_232 = arith.constant 7 : i32
      %add3A_233 = arith.addi %add3A_53, %add3A_232 : i32
      %dma_wait3A_234 = arith.constant 0 : i32
      %dma_wait3A_235 = tpu.memref_slice %arg5[%dma_wait3A_234] : memref<256xi32, #tpu.memory_space<vmem>> -> memref<8xi32, #tpu.memory_space<vmem>>
      %dma_wait3A_236 = arith.constant 0 : i32
      %dma_wait3A_237 = arith.constant 0 : i32
      %dma_wait3A_238 = tpu.memref_slice %arg3[%dma_wait3A_236, %dma_wait3A_237] : memref<8192x1024xf32, #tpu.memory_space<hbm>> -> memref<8192x1024xf32, #tpu.memory_space<hbm>>
      tpu.wait_indirect_dma semaphore(%arg21 : memref<!tpu.dma_semaphore, #tpu.memory_space<semaphore_mem>>) src(%dma_wait3A_238 : memref<8192x1024xf32, #tpu.memory_space<hbm>>) dst(%arg13 : memref<8x1024xf32, #tpu.memory_space<vmem>>)
      %mul3A_239 = arith.constant 8 : i32
      %mul3A_240 = arith.muli %add3A_233, %mul3A_239 : i32
      %add3A_241 = arith.addi %mul3A_2, %mul3A_240 : i32
      %dma_start3A_242 = arith.constant 0 : i32
      %dma_start3A_243 = tpu.memref_slice %arg4[%add3A_241, %dma_start3A_242] : memref<8192x1024xf32, #tpu.memory_space<hbm>> -> memref<8x1024xf32, #tpu.memory_space<hbm>>
      %dma_start3A_244 = arith.constant 0 : i32
      %dma_start3A_245 = tpu.memref_slice %arg4[%add3A_241, %dma_start3A_244] : memref<8192x1024xf32, #tpu.memory_space<hbm>> -> memref<8x1024xf32, #tpu.memory_space<hbm>>
      tpu.enqueue_dma source(%arg13 : memref<8x1024xf32, #tpu.memory_space<vmem>>) target(%dma_start3A_245 : memref<8x1024xf32, #tpu.memory_space<hbm>>) target_semaphore(%arg29 : memref<!tpu.dma_semaphore, #tpu.memory_space<semaphore_mem>>)
      %ge3A_246 = arith.constant 4 : i32
      %ge3A_247 = arith.cmpi sge, %add3A_233, %ge3A_246 : i32
      %convert_element_type3A_248 = arith.extui %ge3A_247 : i1 to i32
      %cond3A_249 = arith.constant 0 : i32
      %cond3A_250 = arith.cmpi ne, %convert_element_type3A_248, %cond3A_249 : i32
      scf.if %cond3A_250 {
        %dma_wait3A_258 = arith.constant 0 : i32
        %dma_wait3A_259 = arith.constant 0 : i32
        %dma_wait3A_260 = tpu.memref_slice %arg4[%dma_wait3A_258, %dma_wait3A_259] : memref<8192x1024xf32, #tpu.memory_space<hbm>> -> memref<8x1024xf32, #tpu.memory_space<hbm>>
        %dma_wait3A_261 = arith.constant 0 : i32
        %dma_wait3A_262 = arith.constant 0 : i32
        %dma_wait3A_263 = tpu.memref_slice %arg4[%dma_wait3A_261, %dma_wait3A_262] : memref<8192x1024xf32, #tpu.memory_space<hbm>> -> memref<8x1024xf32, #tpu.memory_space<hbm>>
        tpu.wait_dma2 semaphore(%arg25 : memref<!tpu.dma_semaphore, #tpu.memory_space<semaphore_mem>>) src(%arg9 : memref<8x1024xf32, #tpu.memory_space<vmem>>) dst(%dma_wait3A_263 : memref<8x1024xf32, #tpu.memory_space<hbm>>)
      } else {
      }
      %add3A_251 = arith.constant 4 : i32
      %add3A_252 = arith.addi %add3A_233, %add3A_251 : i32
      %lt3A_253 = arith.constant 32 : i32
      %lt3A_254 = arith.cmpi slt, %add3A_252, %lt3A_253 : i32
      %convert_element_type3A_255 = arith.extui %lt3A_254 : i1 to i32
      %cond3A_256 = arith.constant 0 : i32
      %cond3A_257 = arith.cmpi ne, %convert_element_type3A_255, %cond3A_256 : i32
      scf.if %cond3A_257 {
        %add3A_258 = arith.constant 4 : i32
        %add3A_259 = arith.addi %add3A_233, %add3A_258 : i32
        %mul3A_260 = arith.constant 8 : i32
        %mul3A_261 = arith.muli %add3A_259, %mul3A_260 : i32
        %dma_start3A_262 = tpu.memref_slice %arg5[%mul3A_261] : memref<256xi32, #tpu.memory_space<vmem>> -> memref<8xi32, #tpu.memory_space<vmem>>
        %dma_start3A_263 = arith.constant 0 : i32
        %dma_start3A_264 = arith.constant 0 : i32
        %dma_start3A_265 = tpu.memref_slice %arg3[%dma_start3A_263, %dma_start3A_264] : memref<8192x1024xf32, #tpu.memory_space<hbm>> -> memref<8192x1024xf32, #tpu.memory_space<hbm>>
        tpu.enqueue_indirect_dma source(%dma_start3A_265 : memref<8192x1024xf32, #tpu.memory_space<hbm>>) target(%arg9 : memref<8x1024xf32, #tpu.memory_space<vmem>>) offsets(%dma_start3A_262 : memref<8xi32, #tpu.memory_space<vmem>>) semaphore(%arg17 : memref<!tpu.dma_semaphore, #tpu.memory_space<semaphore_mem>>)
      } else {
      }
    }
    %scan3A_25 = arith.constant 4 : i32
    %dma_wait3A = arith.constant 0 : i32
    %dma_wait3A_26 = arith.constant 0 : i32
    %dma_wait3A_27 = tpu.memref_slice %arg4[%dma_wait3A, %dma_wait3A_26] : memref<8192x1024xf32, #tpu.memory_space<hbm>> -> memref<8x1024xf32, #tpu.memory_space<hbm>>
    %dma_wait3A_28 = arith.constant 0 : i32
    %dma_wait3A_29 = arith.constant 0 : i32
    %dma_wait3A_30 = tpu.memref_slice %arg4[%dma_wait3A_28, %dma_wait3A_29] : memref<8192x1024xf32, #tpu.memory_space<hbm>> -> memref<8x1024xf32, #tpu.memory_space<hbm>>
    tpu.wait_dma2 semaphore(%arg26 : memref<!tpu.dma_semaphore, #tpu.memory_space<semaphore_mem>>) src(%arg10 : memref<8x1024xf32, #tpu.memory_space<vmem>>) dst(%dma_wait3A_30 : memref<8x1024xf32, #tpu.memory_space<hbm>>)
    %dma_wait3A_31 = arith.constant 0 : i32
    %dma_wait3A_32 = arith.constant 0 : i32
    %dma_wait3A_33 = tpu.memref_slice %arg4[%dma_wait3A_31, %dma_wait3A_32] : memref<8192x1024xf32, #tpu.memory_space<hbm>> -> memref<8x1024xf32, #tpu.memory_space<hbm>>
    %dma_wait3A_34 = arith.constant 0 : i32
    %dma_wait3A_35 = arith.constant 0 : i32
    %dma_wait3A_36 = tpu.memref_slice %arg4[%dma_wait3A_34, %dma_wait3A_35] : memref<8192x1024xf32, #tpu.memory_space<hbm>> -> memref<8x1024xf32, #tpu.memory_space<hbm>>
    tpu.wait_dma2 semaphore(%arg27 : memref<!tpu.dma_semaphore, #tpu.memory_space<semaphore_mem>>) src(%arg11 : memref<8x1024xf32, #tpu.memory_space<vmem>>) dst(%dma_wait3A_36 : memref<8x1024xf32, #tpu.memory_space<hbm>>)
    %dma_wait3A_37 = arith.constant 0 : i32
    %dma_wait3A_38 = arith.constant 0 : i32
    %dma_wait3A_39 = tpu.memref_slice %arg4[%dma_wait3A_37, %dma_wait3A_38] : memref<8192x1024xf32, #tpu.memory_space<hbm>> -> memref<8x1024xf32, #tpu.memory_space<hbm>>
    %dma_wait3A_40 = arith.constant 0 : i32
    %dma_wait3A_41 = arith.constant 0 : i32
    %dma_wait3A_42 = tpu.memref_slice %arg4[%dma_wait3A_40, %dma_wait3A_41] : memref<8192x1024xf32, #tpu.memory_space<hbm>> -> memref<8x1024xf32, #tpu.memory_space<hbm>>
    tpu.wait_dma2 semaphore(%arg28 : memref<!tpu.dma_semaphore, #tpu.memory_space<semaphore_mem>>) src(%arg12 : memref<8x1024xf32, #tpu.memory_space<vmem>>) dst(%dma_wait3A_42 : memref<8x1024xf32, #tpu.memory_space<hbm>>)
    %dma_wait3A_43 = arith.constant 0 : i32
    %dma_wait3A_44 = arith.constant 0 : i32
    %dma_wait3A_45 = tpu.memref_slice %arg4[%dma_wait3A_43, %dma_wait3A_44] : memref<8192x1024xf32, #tpu.memory_space<hbm>> -> memref<8x1024xf32, #tpu.memory_space<hbm>>
    %dma_wait3A_46 = arith.constant 0 : i32
    %dma_wait3A_47 = arith.constant 0 : i32
    %dma_wait3A_48 = tpu.memref_slice %arg4[%dma_wait3A_46, %dma_wait3A_47] : memref<8192x1024xf32, #tpu.memory_space<hbm>> -> memref<8x1024xf32, #tpu.memory_space<hbm>>
    tpu.wait_dma2 semaphore(%arg29 : memref<!tpu.dma_semaphore, #tpu.memory_space<semaphore_mem>>) src(%arg13 : memref<8x1024xf32, #tpu.memory_space<vmem>>) dst(%dma_wait3A_48 : memref<8x1024xf32, #tpu.memory_space<hbm>>)
    return
  }
}

#map = affine_map<(d0, d1) -> (0)>
#map1 = affine_map<(d0, d1) -> (0, 0)>
module attributes {stable_mosaic.version = 14 : i64} {
  func.func @gather_k(%arg0: i32, %arg1: i32, %arg2: memref<8192xi32, #tpu.memory_space<hbm>>, %arg3: memref<8192x1024xf32, #tpu.memory_space<hbm>>, %arg4: memref<8192x1024xf32, #tpu.memory_space<hbm>>, %arg5: memref<256xi32, #tpu.memory_space<vmem>>, %arg6: memref<8x1024xf32, #tpu.memory_space<vmem>>, %arg7: memref<8x1024xf32, #tpu.memory_space<vmem>>, %arg8: memref<8x1024xf32, #tpu.memory_space<vmem>>, %arg9: memref<8x1024xf32, #tpu.memory_space<vmem>>, %arg10: memref<8x1024xf32, #tpu.memory_space<vmem>>, %arg11: memref<8x1024xf32, #tpu.memory_space<vmem>>, %arg12: memref<8x1024xf32, #tpu.memory_space<vmem>>, %arg13: memref<8x1024xf32, #tpu.memory_space<vmem>>, %arg14: memref<!tpu.dma_semaphore, #tpu.memory_space<semaphore_mem>>, %arg15: memref<!tpu.dma_semaphore, #tpu.memory_space<semaphore_mem>>, %arg16: memref<!tpu.dma_semaphore, #tpu.memory_space<semaphore_mem>>, %arg17: memref<!tpu.dma_semaphore, #tpu.memory_space<semaphore_mem>>, %arg18: memref<!tpu.dma_semaphore, #tpu.memory_space<semaphore_mem>>, %arg19: memref<!tpu.dma_semaphore, #tpu.memory_space<semaphore_mem>>, %arg20: memref<!tpu.dma_semaphore, #tpu.memory_space<semaphore_mem>>, %arg21: memref<!tpu.dma_semaphore, #tpu.memory_space<semaphore_mem>>, %arg22: memref<!tpu.dma_semaphore, #tpu.memory_space<semaphore_mem>>, %arg23: memref<!tpu.dma_semaphore, #tpu.memory_space<semaphore_mem>>, %arg24: memref<!tpu.dma_semaphore, #tpu.memory_space<semaphore_mem>>, %arg25: memref<!tpu.dma_semaphore, #tpu.memory_space<semaphore_mem>>, %arg26: memref<!tpu.dma_semaphore, #tpu.memory_space<semaphore_mem>>, %arg27: memref<!tpu.dma_semaphore, #tpu.memory_space<semaphore_mem>>, %arg28: memref<!tpu.dma_semaphore, #tpu.memory_space<semaphore_mem>>, %arg29: memref<!tpu.dma_semaphore, #tpu.memory_space<semaphore_mem>>) attributes {dimension_semantics = [#tpu.dimension_semantics<core_parallel>, #tpu.dimension_semantics<subcore_parallel>], iteration_bounds = array<i64: 2, 16>, scalar_prefetch = 0 : i64, scratch_operands = 25 : i64, tpu.core_type = #tpu.core_type<sc_vector_subcore>, window_params = [{transform_indices = #map}, {transform_indices = #map1}, {transform_indices = #map1}]} {
    %mul3A = arith.constant 2 : i32
    %mul3A_0 = arith.muli %arg1, %mul3A : i32
    %add3A = arith.addi %mul3A_0, %arg0 : i32
    %mul3A_1 = arith.constant 256 : i32
    %mul3A_2 = arith.muli %add3A, %mul3A_1 : i32
    "tpu.region"() ({
      %run_scoped3A = tpu.sem_alloc : memref<!tpu.dma_semaphore, #tpu.memory_space<semaphore_mem>>
      %dma_start3A_49 = tpu.memref_slice %arg2[%mul3A_2] : memref<8192xi32, #tpu.memory_space<hbm>> -> memref<256xi32, #tpu.memory_space<hbm>>
      %dma_start3A_50 = tpu.memref_slice %arg2[%mul3A_2] : memref<8192xi32, #tpu.memory_space<hbm>> -> memref<256xi32, #tpu.memory_space<hbm>>
      tpu.enqueue_dma source(%dma_start3A_50 : memref<256xi32, #tpu.memory_space<hbm>>) target(%arg5 : memref<256xi32, #tpu.memory_space<vmem>>) target_semaphore(%run_scoped3A : memref<!tpu.dma_semaphore, #tpu.memory_space<semaphore_mem>>)
      %dma_wait3A_51 = tpu.memref_slice %arg2[%mul3A_2] : memref<8192xi32, #tpu.memory_space<hbm>> -> memref<256xi32, #tpu.memory_space<hbm>>
      %dma_wait3A_52 = tpu.memref_slice %arg2[%mul3A_2] : memref<8192xi32, #tpu.memory_space<hbm>> -> memref<256xi32, #tpu.memory_space<hbm>>
      tpu.wait_dma2 semaphore(%run_scoped3A : memref<!tpu.dma_semaphore, #tpu.memory_space<semaphore_mem>>) src(%dma_wait3A_52 : memref<256xi32, #tpu.memory_space<hbm>>) dst(%arg5 : memref<256xi32, #tpu.memory_space<vmem>>)
      tpu.yield
    }) : () -> ()
    %dma_start3A = arith.constant 0 : i32
    %dma_start3A_3 = tpu.memref_slice %arg5[%dma_start3A] : memref<256xi32, #tpu.memory_space<vmem>> -> memref<8xi32, #tpu.memory_space<vmem>>
    %dma_start3A_4 = arith.constant 0 : i32
    %dma_start3A_5 = arith.constant 0 : i32
    %dma_start3A_6 = tpu.memref_slice %arg3[%dma_start3A_4, %dma_start3A_5] : memref<8192x1024xf32, #tpu.memory_space<hbm>> -> memref<8192x1024xf32, #tpu.memory_space<hbm>>
    tpu.enqueue_indirect_dma source(%dma_start3A_6 : memref<8192x1024xf32, #tpu.memory_space<hbm>>) target(%arg6 : memref<8x1024xf32, #tpu.memory_space<vmem>>) offsets(%dma_start3A_3 : memref<8xi32, #tpu.memory_space<vmem>>) semaphore(%arg14 : memref<!tpu.dma_semaphore, #tpu.memory_space<semaphore_mem>>)
    %dma_start3A_7 = arith.constant 8 : i32
    %dma_start3A_8 = tpu.memref_slice %arg5[%dma_start3A_7] : memref<256xi32, #tpu.memory_space<vmem>> -> memref<8xi32, #tpu.memory_space<vmem>>
    %dma_start3A_9 = arith.constant 0 : i32
    %dma_start3A_10 = arith.constant 0 : i32
    %dma_start3A_11 = tpu.memref_slice %arg3[%dma_start3A_9, %dma_start3A_10] : memref<8192x1024xf32, #tpu.memory_space<hbm>> -> memref<8192x1024xf32, #tpu.memory_space<hbm>>
    tpu.enqueue_indirect_dma source(%dma_start3A_11 : memref<8192x1024xf32, #tpu.memory_space<hbm>>) target(%arg7 : memref<8x1024xf32, #tpu.memory_space<vmem>>) offsets(%dma_start3A_8 : memref<8xi32, #tpu.memory_space<vmem>>) semaphore(%arg15 : memref<!tpu.dma_semaphore, #tpu.memory_space<semaphore_mem>>)
    %dma_start3A_12 = arith.constant 16 : i32
    %dma_start3A_13 = tpu.memref_slice %arg5[%dma_start3A_12] : memref<256xi32, #tpu.memory_space<vmem>> -> memref<8xi32, #tpu.memory_space<vmem>>
    %dma_start3A_14 = arith.constant 0 : i32
    %dma_start3A_15 = arith.constant 0 : i32
    %dma_start3A_16 = tpu.memref_slice %arg3[%dma_start3A_14, %dma_start3A_15] : memref<8192x1024xf32, #tpu.memory_space<hbm>> -> memref<8192x1024xf32, #tpu.memory_space<hbm>>
    tpu.enqueue_indirect_dma source(%dma_start3A_16 : memref<8192x1024xf32, #tpu.memory_space<hbm>>) target(%arg8 : memref<8x1024xf32, #tpu.memory_space<vmem>>) offsets(%dma_start3A_13 : memref<8xi32, #tpu.memory_space<vmem>>) semaphore(%arg16 : memref<!tpu.dma_semaphore, #tpu.memory_space<semaphore_mem>>)
    %dma_start3A_17 = arith.constant 24 : i32
    %dma_start3A_18 = tpu.memref_slice %arg5[%dma_start3A_17] : memref<256xi32, #tpu.memory_space<vmem>> -> memref<8xi32, #tpu.memory_space<vmem>>
    %dma_start3A_19 = arith.constant 0 : i32
    %dma_start3A_20 = arith.constant 0 : i32
    %dma_start3A_21 = tpu.memref_slice %arg3[%dma_start3A_19, %dma_start3A_20] : memref<8192x1024xf32, #tpu.memory_space<hbm>> -> memref<8192x1024xf32, #tpu.memory_space<hbm>>
    tpu.enqueue_indirect_dma source(%dma_start3A_21 : memref<8192x1024xf32, #tpu.memory_space<hbm>>) target(%arg9 : memref<8x1024xf32, #tpu.memory_space<vmem>>) offsets(%dma_start3A_18 : memref<8xi32, #tpu.memory_space<vmem>>) semaphore(%arg17 : memref<!tpu.dma_semaphore, #tpu.memory_space<semaphore_mem>>)
    %scan3A = arith.constant 0 : i32
    %scan3A_22 = arith.constant 4 : i32
    %scan3A_23 = arith.addi %scan3A, %scan3A_22 : i32
    %scan3A_24 = arith.constant 1 : i32
    scf.for %scan3A_49 = %scan3A to %scan3A_23 step %scan3A_24  : i32 {
      %mul3A_50 = arith.constant 8 : i32
      %mul3A_51 = arith.muli %scan3A_49, %mul3A_50 : i32
      %add3A_52 = arith.constant 0 : i32
      %add3A_53 = arith.addi %add3A_52, %mul3A_51 : i32
      %add3A_54 = arith.constant 0 : i32
      %add3A_55 = arith.addi %add3A_53, %add3A_54 : i32
      %dma_wait3A_56 = arith.constant 0 : i32
      %dma_wait3A_57 = tpu.memref_slice %arg5[%dma_wait3A_56] : memref<256xi32, #tpu.memory_space<vmem>> -> memref<8xi32, #tpu.memory_space<vmem>>
      %dma_wait3A_58 = arith.constant 0 : i32
      %dma_wait3A_59 = arith.constant 0 : i32
      %dma_wait3A_60 = tpu.memref_slice %arg3[%dma_wait3A_58, %dma_wait3A_59] : memref<8192x1024xf32, #tpu.memory_space<hbm>> -> memref<8192x1024xf32, #tpu.memory_space<hbm>>
      tpu.wait_indirect_dma semaphore(%arg14 : memref<!tpu.dma_semaphore, #tpu.memory_space<semaphore_mem>>) src(%dma_wait3A_60 : memref<8192x1024xf32, #tpu.memory_space<hbm>>) dst(%arg6 : memref<8x1024xf32, #tpu.memory_space<vmem>>)
      %mul3A_61 = arith.constant 8 : i32
      %mul3A_62 = arith.muli %add3A_55, %mul3A_61 : i32
      %add3A_63 = arith.addi %mul3A_2, %mul3A_62 : i32
      %dma_start3A_64 = arith.constant 0 : i32
      %dma_start3A_65 = tpu.memref_slice %arg4[%add3A_63, %dma_start3A_64] : memref<8192x1024xf32, #tpu.memory_space<hbm>> -> memref<8x1024xf32, #tpu.memory_space<hbm>>
      %dma_start3A_66 = arith.constant 0 : i32
      %dma_start3A_67 = tpu.memref_slice %arg4[%add3A_63, %dma_start3A_66] : memref<8192x1024xf32, #tpu.memory_space<hbm>> -> memref<8x1024xf32, #tpu.memory_space<hbm>>
      tpu.enqueue_dma source(%arg6 : memref<8x1024xf32, #tpu.memory_space<vmem>>) target(%dma_start3A_67 : memref<8x1024xf32, #tpu.memory_space<hbm>>) target_semaphore(%arg22 : memref<!tpu.dma_semaphore, #tpu.memory_space<semaphore_mem>>)
      %ge3A = arith.constant 4 : i32
      %ge3A_68 = arith.cmpi sge, %add3A_55, %ge3A : i32
      %convert_element_type3A = arith.extui %ge3A_68 : i1 to i32
      %cond3A = arith.constant 0 : i32
      %cond3A_69 = arith.cmpi ne, %convert_element_type3A, %cond3A : i32
      scf.if %cond3A_69 {
        %dma_wait3A_258 = arith.constant 0 : i32
        %dma_wait3A_259 = arith.constant 0 : i32
        %dma_wait3A_260 = tpu.memref_slice %arg4[%dma_wait3A_258, %dma_wait3A_259] : memref<8192x1024xf32, #tpu.memory_space<hbm>> -> memref<8x1024xf32, #tpu.memory_space<hbm>>
        %dma_wait3A_261 = arith.constant 0 : i32
        %dma_wait3A_262 = arith.constant 0 : i32
        %dma_wait3A_263 = tpu.memref_slice %arg4[%dma_wait3A_261, %dma_wait3A_262] : memref<8192x1024xf32, #tpu.memory_space<hbm>> -> memref<8x1024xf32, #tpu.memory_space<hbm>>
        tpu.wait_dma2 semaphore(%arg26 : memref<!tpu.dma_semaphore, #tpu.memory_space<semaphore_mem>>) src(%arg10 : memref<8x1024xf32, #tpu.memory_space<vmem>>) dst(%dma_wait3A_263 : memref<8x1024xf32, #tpu.memory_space<hbm>>)
      } else {
      }
      %add3A_70 = arith.constant 4 : i32
      %add3A_71 = arith.addi %add3A_55, %add3A_70 : i32
      %lt3A = arith.constant 32 : i32
      %lt3A_72 = arith.cmpi slt, %add3A_71, %lt3A : i32
      %convert_element_type3A_73 = arith.extui %lt3A_72 : i1 to i32
      %cond3A_74 = arith.constant 0 : i32
      %cond3A_75 = arith.cmpi ne, %convert_element_type3A_73, %cond3A_74 : i32
      scf.if %cond3A_75 {
        %add3A_258 = arith.constant 4 : i32
        %add3A_259 = arith.addi %add3A_55, %add3A_258 : i32
        %mul3A_260 = arith.constant 8 : i32
        %mul3A_261 = arith.muli %add3A_259, %mul3A_260 : i32
        %dma_start3A_262 = tpu.memref_slice %arg5[%mul3A_261] : memref<256xi32, #tpu.memory_space<vmem>> -> memref<8xi32, #tpu.memory_space<vmem>>
        %dma_start3A_263 = arith.constant 0 : i32
        %dma_start3A_264 = arith.constant 0 : i32
        %dma_start3A_265 = tpu.memref_slice %arg3[%dma_start3A_263, %dma_start3A_264] : memref<8192x1024xf32, #tpu.memory_space<hbm>> -> memref<8192x1024xf32, #tpu.memory_space<hbm>>
        tpu.enqueue_indirect_dma source(%dma_start3A_265 : memref<8192x1024xf32, #tpu.memory_space<hbm>>) target(%arg10 : memref<8x1024xf32, #tpu.memory_space<vmem>>) offsets(%dma_start3A_262 : memref<8xi32, #tpu.memory_space<vmem>>) semaphore(%arg18 : memref<!tpu.dma_semaphore, #tpu.memory_space<semaphore_mem>>)
      } else {
      }
      %add3A_76 = arith.constant 1 : i32
      %add3A_77 = arith.addi %add3A_53, %add3A_76 : i32
      %dma_wait3A_78 = arith.constant 0 : i32
      %dma_wait3A_79 = tpu.memref_slice %arg5[%dma_wait3A_78] : memref<256xi32, #tpu.memory_space<vmem>> -> memref<8xi32, #tpu.memory_space<vmem>>
      %dma_wait3A_80 = arith.constant 0 : i32
      %dma_wait3A_81 = arith.constant 0 : i32
      %dma_wait3A_82 = tpu.memref_slice %arg3[%dma_wait3A_80, %dma_wait3A_81] : memref<8192x1024xf32, #tpu.memory_space<hbm>> -> memref<8192x1024xf32, #tpu.memory_space<hbm>>
      tpu.wait_indirect_dma semaphore(%arg15 : memref<!tpu.dma_semaphore, #tpu.memory_space<semaphore_mem>>) src(%dma_wait3A_82 : memref<8192x1024xf32, #tpu.memory_space<hbm>>) dst(%arg7 : memref<8x1024xf32, #tpu.memory_space<vmem>>)
      %mul3A_83 = arith.constant 8 : i32
      %mul3A_84 = arith.muli %add3A_77, %mul3A_83 : i32
      %add3A_85 = arith.addi %mul3A_2, %mul3A_84 : i32
      %dma_start3A_86 = arith.constant 0 : i32
      %dma_start3A_87 = tpu.memref_slice %arg4[%add3A_85, %dma_start3A_86] : memref<8192x1024xf32, #tpu.memory_space<hbm>> -> memref<8x1024xf32, #tpu.memory_space<hbm>>
      %dma_start3A_88 = arith.constant 0 : i32
      %dma_start3A_89 = tpu.memref_slice %arg4[%add3A_85, %dma_start3A_88] : memref<8192x1024xf32, #tpu.memory_space<hbm>> -> memref<8x1024xf32, #tpu.memory_space<hbm>>
      tpu.enqueue_dma source(%arg7 : memref<8x1024xf32, #tpu.memory_space<vmem>>) target(%dma_start3A_89 : memref<8x1024xf32, #tpu.memory_space<hbm>>) target_semaphore(%arg23 : memref<!tpu.dma_semaphore, #tpu.memory_space<semaphore_mem>>)
      %ge3A_90 = arith.constant 4 : i32
      %ge3A_91 = arith.cmpi sge, %add3A_77, %ge3A_90 : i32
      %convert_element_type3A_92 = arith.extui %ge3A_91 : i1 to i32
      %cond3A_93 = arith.constant 0 : i32
      %cond3A_94 = arith.cmpi ne, %convert_element_type3A_92, %cond3A_93 : i32
      scf.if %cond3A_94 {
        %dma_wait3A_258 = arith.constant 0 : i32
        %dma_wait3A_259 = arith.constant 0 : i32
        %dma_wait3A_260 = tpu.memref_slice %arg4[%dma_wait3A_258, %dma_wait3A_259] : memref<8192x1024xf32, #tpu.memory_space<hbm>> -> memref<8x1024xf32, #tpu.memory_space<hbm>>
        %dma_wait3A_261 = arith.constant 0 : i32
        %dma_wait3A_262 = arith.constant 0 : i32
        %dma_wait3A_263 = tpu.memref_slice %arg4[%dma_wait3A_261, %dma_wait3A_262] : memref<8192x1024xf32, #tpu.memory_space<hbm>> -> memref<8x1024xf32, #tpu.memory_space<hbm>>
        tpu.wait_dma2 semaphore(%arg27 : memref<!tpu.dma_semaphore, #tpu.memory_space<semaphore_mem>>) src(%arg11 : memref<8x1024xf32, #tpu.memory_space<vmem>>) dst(%dma_wait3A_263 : memref<8x1024xf32, #tpu.memory_space<hbm>>)
      } else {
      }
      %add3A_95 = arith.constant 4 : i32
      %add3A_96 = arith.addi %add3A_77, %add3A_95 : i32
      %lt3A_97 = arith.constant 32 : i32
      %lt3A_98 = arith.cmpi slt, %add3A_96, %lt3A_97 : i32
      %convert_element_type3A_99 = arith.extui %lt3A_98 : i1 to i32
      %cond3A_100 = arith.constant 0 : i32
      %cond3A_101 = arith.cmpi ne, %convert_element_type3A_99, %cond3A_100 : i32
      scf.if %cond3A_101 {
        %add3A_258 = arith.constant 4 : i32
        %add3A_259 = arith.addi %add3A_77, %add3A_258 : i32
        %mul3A_260 = arith.constant 8 : i32
        %mul3A_261 = arith.muli %add3A_259, %mul3A_260 : i32
        %dma_start3A_262 = tpu.memref_slice %arg5[%mul3A_261] : memref<256xi32, #tpu.memory_space<vmem>> -> memref<8xi32, #tpu.memory_space<vmem>>
        %dma_start3A_263 = arith.constant 0 : i32
        %dma_start3A_264 = arith.constant 0 : i32
        %dma_start3A_265 = tpu.memref_slice %arg3[%dma_start3A_263, %dma_start3A_264] : memref<8192x1024xf32, #tpu.memory_space<hbm>> -> memref<8192x1024xf32, #tpu.memory_space<hbm>>
        tpu.enqueue_indirect_dma source(%dma_start3A_265 : memref<8192x1024xf32, #tpu.memory_space<hbm>>) target(%arg11 : memref<8x1024xf32, #tpu.memory_space<vmem>>) offsets(%dma_start3A_262 : memref<8xi32, #tpu.memory_space<vmem>>) semaphore(%arg19 : memref<!tpu.dma_semaphore, #tpu.memory_space<semaphore_mem>>)
      } else {
      }
      %add3A_102 = arith.constant 2 : i32
      %add3A_103 = arith.addi %add3A_53, %add3A_102 : i32
      %dma_wait3A_104 = arith.constant 0 : i32
      %dma_wait3A_105 = tpu.memref_slice %arg5[%dma_wait3A_104] : memref<256xi32, #tpu.memory_space<vmem>> -> memref<8xi32, #tpu.memory_space<vmem>>
      %dma_wait3A_106 = arith.constant 0 : i32
      %dma_wait3A_107 = arith.constant 0 : i32
      %dma_wait3A_108 = tpu.memref_slice %arg3[%dma_wait3A_106, %dma_wait3A_107] : memref<8192x1024xf32, #tpu.memory_space<hbm>> -> memref<8192x1024xf32, #tpu.memory_space<hbm>>
      tpu.wait_indirect_dma semaphore(%arg16 : memref<!tpu.dma_semaphore, #tpu.memory_space<semaphore_mem>>) src(%dma_wait3A_108 : memref<8192x1024xf32, #tpu.memory_space<hbm>>) dst(%arg8 : memref<8x1024xf32, #tpu.memory_space<vmem>>)
      %mul3A_109 = arith.constant 8 : i32
      %mul3A_110 = arith.muli %add3A_103, %mul3A_109 : i32
      %add3A_111 = arith.addi %mul3A_2, %mul3A_110 : i32
      %dma_start3A_112 = arith.constant 0 : i32
      %dma_start3A_113 = tpu.memref_slice %arg4[%add3A_111, %dma_start3A_112] : memref<8192x1024xf32, #tpu.memory_space<hbm>> -> memref<8x1024xf32, #tpu.memory_space<hbm>>
      %dma_start3A_114 = arith.constant 0 : i32
      %dma_start3A_115 = tpu.memref_slice %arg4[%add3A_111, %dma_start3A_114] : memref<8192x1024xf32, #tpu.memory_space<hbm>> -> memref<8x1024xf32, #tpu.memory_space<hbm>>
      tpu.enqueue_dma source(%arg8 : memref<8x1024xf32, #tpu.memory_space<vmem>>) target(%dma_start3A_115 : memref<8x1024xf32, #tpu.memory_space<hbm>>) target_semaphore(%arg24 : memref<!tpu.dma_semaphore, #tpu.memory_space<semaphore_mem>>)
      %ge3A_116 = arith.constant 4 : i32
      %ge3A_117 = arith.cmpi sge, %add3A_103, %ge3A_116 : i32
      %convert_element_type3A_118 = arith.extui %ge3A_117 : i1 to i32
      %cond3A_119 = arith.constant 0 : i32
      %cond3A_120 = arith.cmpi ne, %convert_element_type3A_118, %cond3A_119 : i32
      scf.if %cond3A_120 {
        %dma_wait3A_258 = arith.constant 0 : i32
        %dma_wait3A_259 = arith.constant 0 : i32
        %dma_wait3A_260 = tpu.memref_slice %arg4[%dma_wait3A_258, %dma_wait3A_259] : memref<8192x1024xf32, #tpu.memory_space<hbm>> -> memref<8x1024xf32, #tpu.memory_space<hbm>>
        %dma_wait3A_261 = arith.constant 0 : i32
        %dma_wait3A_262 = arith.constant 0 : i32
        %dma_wait3A_263 = tpu.memref_slice %arg4[%dma_wait3A_261, %dma_wait3A_262] : memref<8192x1024xf32, #tpu.memory_space<hbm>> -> memref<8x1024xf32, #tpu.memory_space<hbm>>
        tpu.wait_dma2 semaphore(%arg28 : memref<!tpu.dma_semaphore, #tpu.memory_space<semaphore_mem>>) src(%arg12 : memref<8x1024xf32, #tpu.memory_space<vmem>>) dst(%dma_wait3A_263 : memref<8x1024xf32, #tpu.memory_space<hbm>>)
      } else {
      }
      %add3A_121 = arith.constant 4 : i32
      %add3A_122 = arith.addi %add3A_103, %add3A_121 : i32
      %lt3A_123 = arith.constant 32 : i32
      %lt3A_124 = arith.cmpi slt, %add3A_122, %lt3A_123 : i32
      %convert_element_type3A_125 = arith.extui %lt3A_124 : i1 to i32
      %cond3A_126 = arith.constant 0 : i32
      %cond3A_127 = arith.cmpi ne, %convert_element_type3A_125, %cond3A_126 : i32
      scf.if %cond3A_127 {
        %add3A_258 = arith.constant 4 : i32
        %add3A_259 = arith.addi %add3A_103, %add3A_258 : i32
        %mul3A_260 = arith.constant 8 : i32
        %mul3A_261 = arith.muli %add3A_259, %mul3A_260 : i32
        %dma_start3A_262 = tpu.memref_slice %arg5[%mul3A_261] : memref<256xi32, #tpu.memory_space<vmem>> -> memref<8xi32, #tpu.memory_space<vmem>>
        %dma_start3A_263 = arith.constant 0 : i32
        %dma_start3A_264 = arith.constant 0 : i32
        %dma_start3A_265 = tpu.memref_slice %arg3[%dma_start3A_263, %dma_start3A_264] : memref<8192x1024xf32, #tpu.memory_space<hbm>> -> memref<8192x1024xf32, #tpu.memory_space<hbm>>
        tpu.enqueue_indirect_dma source(%dma_start3A_265 : memref<8192x1024xf32, #tpu.memory_space<hbm>>) target(%arg12 : memref<8x1024xf32, #tpu.memory_space<vmem>>) offsets(%dma_start3A_262 : memref<8xi32, #tpu.memory_space<vmem>>) semaphore(%arg20 : memref<!tpu.dma_semaphore, #tpu.memory_space<semaphore_mem>>)
      } else {
      }
      %add3A_128 = arith.constant 3 : i32
      %add3A_129 = arith.addi %add3A_53, %add3A_128 : i32
      %dma_wait3A_130 = arith.constant 0 : i32
      %dma_wait3A_131 = tpu.memref_slice %arg5[%dma_wait3A_130] : memref<256xi32, #tpu.memory_space<vmem>> -> memref<8xi32, #tpu.memory_space<vmem>>
      %dma_wait3A_132 = arith.constant 0 : i32
      %dma_wait3A_133 = arith.constant 0 : i32
      %dma_wait3A_134 = tpu.memref_slice %arg3[%dma_wait3A_132, %dma_wait3A_133] : memref<8192x1024xf32, #tpu.memory_space<hbm>> -> memref<8192x1024xf32, #tpu.memory_space<hbm>>
      tpu.wait_indirect_dma semaphore(%arg17 : memref<!tpu.dma_semaphore, #tpu.memory_space<semaphore_mem>>) src(%dma_wait3A_134 : memref<8192x1024xf32, #tpu.memory_space<hbm>>) dst(%arg9 : memref<8x1024xf32, #tpu.memory_space<vmem>>)
      %mul3A_135 = arith.constant 8 : i32
      %mul3A_136 = arith.muli %add3A_129, %mul3A_135 : i32
      %add3A_137 = arith.addi %mul3A_2, %mul3A_136 : i32
      %dma_start3A_138 = arith.constant 0 : i32
      %dma_start3A_139 = tpu.memref_slice %arg4[%add3A_137, %dma_start3A_138] : memref<8192x1024xf32, #tpu.memory_space<hbm>> -> memref<8x1024xf32, #tpu.memory_space<hbm>>
      %dma_start3A_140 = arith.constant 0 : i32
      %dma_start3A_141 = tpu.memref_slice %arg4[%add3A_137, %dma_start3A_140] : memref<8192x1024xf32, #tpu.memory_space<hbm>> -> memref<8x1024xf32, #tpu.memory_space<hbm>>
      tpu.enqueue_dma source(%arg9 : memref<8x1024xf32, #tpu.memory_space<vmem>>) target(%dma_start3A_141 : memref<8x1024xf32, #tpu.memory_space<hbm>>) target_semaphore(%arg25 : memref<!tpu.dma_semaphore, #tpu.memory_space<semaphore_mem>>)
      %ge3A_142 = arith.constant 4 : i32
      %ge3A_143 = arith.cmpi sge, %add3A_129, %ge3A_142 : i32
      %convert_element_type3A_144 = arith.extui %ge3A_143 : i1 to i32
      %cond3A_145 = arith.constant 0 : i32
      %cond3A_146 = arith.cmpi ne, %convert_element_type3A_144, %cond3A_145 : i32
      scf.if %cond3A_146 {
        %dma_wait3A_258 = arith.constant 0 : i32
        %dma_wait3A_259 = arith.constant 0 : i32
        %dma_wait3A_260 = tpu.memref_slice %arg4[%dma_wait3A_258, %dma_wait3A_259] : memref<8192x1024xf32, #tpu.memory_space<hbm>> -> memref<8x1024xf32, #tpu.memory_space<hbm>>
        %dma_wait3A_261 = arith.constant 0 : i32
        %dma_wait3A_262 = arith.constant 0 : i32
        %dma_wait3A_263 = tpu.memref_slice %arg4[%dma_wait3A_261, %dma_wait3A_262] : memref<8192x1024xf32, #tpu.memory_space<hbm>> -> memref<8x1024xf32, #tpu.memory_space<hbm>>
        tpu.wait_dma2 semaphore(%arg29 : memref<!tpu.dma_semaphore, #tpu.memory_space<semaphore_mem>>) src(%arg13 : memref<8x1024xf32, #tpu.memory_space<vmem>>) dst(%dma_wait3A_263 : memref<8x1024xf32, #tpu.memory_space<hbm>>)
      } else {
      }
      %add3A_147 = arith.constant 4 : i32
      %add3A_148 = arith.addi %add3A_129, %add3A_147 : i32
      %lt3A_149 = arith.constant 32 : i32
      %lt3A_150 = arith.cmpi slt, %add3A_148, %lt3A_149 : i32
      %convert_element_type3A_151 = arith.extui %lt3A_150 : i1 to i32
      %cond3A_152 = arith.constant 0 : i32
      %cond3A_153 = arith.cmpi ne, %convert_element_type3A_151, %cond3A_152 : i32
      scf.if %cond3A_153 {
        %add3A_258 = arith.constant 4 : i32
        %add3A_259 = arith.addi %add3A_129, %add3A_258 : i32
        %mul3A_260 = arith.constant 8 : i32
        %mul3A_261 = arith.muli %add3A_259, %mul3A_260 : i32
        %dma_start3A_262 = tpu.memref_slice %arg5[%mul3A_261] : memref<256xi32, #tpu.memory_space<vmem>> -> memref<8xi32, #tpu.memory_space<vmem>>
        %dma_start3A_263 = arith.constant 0 : i32
        %dma_start3A_264 = arith.constant 0 : i32
        %dma_start3A_265 = tpu.memref_slice %arg3[%dma_start3A_263, %dma_start3A_264] : memref<8192x1024xf32, #tpu.memory_space<hbm>> -> memref<8192x1024xf32, #tpu.memory_space<hbm>>
        tpu.enqueue_indirect_dma source(%dma_start3A_265 : memref<8192x1024xf32, #tpu.memory_space<hbm>>) target(%arg13 : memref<8x1024xf32, #tpu.memory_space<vmem>>) offsets(%dma_start3A_262 : memref<8xi32, #tpu.memory_space<vmem>>) semaphore(%arg21 : memref<!tpu.dma_semaphore, #tpu.memory_space<semaphore_mem>>)
      } else {
      }
      %add3A_154 = arith.constant 4 : i32
      %add3A_155 = arith.addi %add3A_53, %add3A_154 : i32
      %dma_wait3A_156 = arith.constant 0 : i32
      %dma_wait3A_157 = tpu.memref_slice %arg5[%dma_wait3A_156] : memref<256xi32, #tpu.memory_space<vmem>> -> memref<8xi32, #tpu.memory_space<vmem>>
      %dma_wait3A_158 = arith.constant 0 : i32
      %dma_wait3A_159 = arith.constant 0 : i32
      %dma_wait3A_160 = tpu.memref_slice %arg3[%dma_wait3A_158, %dma_wait3A_159] : memref<8192x1024xf32, #tpu.memory_space<hbm>> -> memref<8192x1024xf32, #tpu.memory_space<hbm>>
      tpu.wait_indirect_dma semaphore(%arg18 : memref<!tpu.dma_semaphore, #tpu.memory_space<semaphore_mem>>) src(%dma_wait3A_160 : memref<8192x1024xf32, #tpu.memory_space<hbm>>) dst(%arg10 : memref<8x1024xf32, #tpu.memory_space<vmem>>)
      %mul3A_161 = arith.constant 8 : i32
      %mul3A_162 = arith.muli %add3A_155, %mul3A_161 : i32
      %add3A_163 = arith.addi %mul3A_2, %mul3A_162 : i32
      %dma_start3A_164 = arith.constant 0 : i32
      %dma_start3A_165 = tpu.memref_slice %arg4[%add3A_163, %dma_start3A_164] : memref<8192x1024xf32, #tpu.memory_space<hbm>> -> memref<8x1024xf32, #tpu.memory_space<hbm>>
      %dma_start3A_166 = arith.constant 0 : i32
      %dma_start3A_167 = tpu.memref_slice %arg4[%add3A_163, %dma_start3A_166] : memref<8192x1024xf32, #tpu.memory_space<hbm>> -> memref<8x1024xf32, #tpu.memory_space<hbm>>
      tpu.enqueue_dma source(%arg10 : memref<8x1024xf32, #tpu.memory_space<vmem>>) target(%dma_start3A_167 : memref<8x1024xf32, #tpu.memory_space<hbm>>) target_semaphore(%arg26 : memref<!tpu.dma_semaphore, #tpu.memory_space<semaphore_mem>>)
      %ge3A_168 = arith.constant 4 : i32
      %ge3A_169 = arith.cmpi sge, %add3A_155, %ge3A_168 : i32
      %convert_element_type3A_170 = arith.extui %ge3A_169 : i1 to i32
      %cond3A_171 = arith.constant 0 : i32
      %cond3A_172 = arith.cmpi ne, %convert_element_type3A_170, %cond3A_171 : i32
      scf.if %cond3A_172 {
        %dma_wait3A_258 = arith.constant 0 : i32
        %dma_wait3A_259 = arith.constant 0 : i32
        %dma_wait3A_260 = tpu.memref_slice %arg4[%dma_wait3A_258, %dma_wait3A_259] : memref<8192x1024xf32, #tpu.memory_space<hbm>> -> memref<8x1024xf32, #tpu.memory_space<hbm>>
        %dma_wait3A_261 = arith.constant 0 : i32
        %dma_wait3A_262 = arith.constant 0 : i32
        %dma_wait3A_263 = tpu.memref_slice %arg4[%dma_wait3A_261, %dma_wait3A_262] : memref<8192x1024xf32, #tpu.memory_space<hbm>> -> memref<8x1024xf32, #tpu.memory_space<hbm>>
        tpu.wait_dma2 semaphore(%arg22 : memref<!tpu.dma_semaphore, #tpu.memory_space<semaphore_mem>>) src(%arg6 : memref<8x1024xf32, #tpu.memory_space<vmem>>) dst(%dma_wait3A_263 : memref<8x1024xf32, #tpu.memory_space<hbm>>)
      } else {
      }
      %add3A_173 = arith.constant 4 : i32
      %add3A_174 = arith.addi %add3A_155, %add3A_173 : i32
      %lt3A_175 = arith.constant 32 : i32
      %lt3A_176 = arith.cmpi slt, %add3A_174, %lt3A_175 : i32
      %convert_element_type3A_177 = arith.extui %lt3A_176 : i1 to i32
      %cond3A_178 = arith.constant 0 : i32
      %cond3A_179 = arith.cmpi ne, %convert_element_type3A_177, %cond3A_178 : i32
      scf.if %cond3A_179 {
        %add3A_258 = arith.constant 4 : i32
        %add3A_259 = arith.addi %add3A_155, %add3A_258 : i32
        %mul3A_260 = arith.constant 8 : i32
        %mul3A_261 = arith.muli %add3A_259, %mul3A_260 : i32
        %dma_start3A_262 = tpu.memref_slice %arg5[%mul3A_261] : memref<256xi32, #tpu.memory_space<vmem>> -> memref<8xi32, #tpu.memory_space<vmem>>
        %dma_start3A_263 = arith.constant 0 : i32
        %dma_start3A_264 = arith.constant 0 : i32
        %dma_start3A_265 = tpu.memref_slice %arg3[%dma_start3A_263, %dma_start3A_264] : memref<8192x1024xf32, #tpu.memory_space<hbm>> -> memref<8192x1024xf32, #tpu.memory_space<hbm>>
        tpu.enqueue_indirect_dma source(%dma_start3A_265 : memref<8192x1024xf32, #tpu.memory_space<hbm>>) target(%arg6 : memref<8x1024xf32, #tpu.memory_space<vmem>>) offsets(%dma_start3A_262 : memref<8xi32, #tpu.memory_space<vmem>>) semaphore(%arg14 : memref<!tpu.dma_semaphore, #tpu.memory_space<semaphore_mem>>)
      } else {
      }
      %add3A_180 = arith.constant 5 : i32
      %add3A_181 = arith.addi %add3A_53, %add3A_180 : i32
      %dma_wait3A_182 = arith.constant 0 : i32
      %dma_wait3A_183 = tpu.memref_slice %arg5[%dma_wait3A_182] : memref<256xi32, #tpu.memory_space<vmem>> -> memref<8xi32, #tpu.memory_space<vmem>>
      %dma_wait3A_184 = arith.constant 0 : i32
      %dma_wait3A_185 = arith.constant 0 : i32
      %dma_wait3A_186 = tpu.memref_slice %arg3[%dma_wait3A_184, %dma_wait3A_185] : memref<8192x1024xf32, #tpu.memory_space<hbm>> -> memref<8192x1024xf32, #tpu.memory_space<hbm>>
      tpu.wait_indirect_dma semaphore(%arg19 : memref<!tpu.dma_semaphore, #tpu.memory_space<semaphore_mem>>) src(%dma_wait3A_186 : memref<8192x1024xf32, #tpu.memory_space<hbm>>) dst(%arg11 : memref<8x1024xf32, #tpu.memory_space<vmem>>)
      %mul3A_187 = arith.constant 8 : i32
      %mul3A_188 = arith.muli %add3A_181, %mul3A_187 : i32
      %add3A_189 = arith.addi %mul3A_2, %mul3A_188 : i32
      %dma_start3A_190 = arith.constant 0 : i32
      %dma_start3A_191 = tpu.memref_slice %arg4[%add3A_189, %dma_start3A_190] : memref<8192x1024xf32, #tpu.memory_space<hbm>> -> memref<8x1024xf32, #tpu.memory_space<hbm>>
      %dma_start3A_192 = arith.constant 0 : i32
      %dma_start3A_193 = tpu.memref_slice %arg4[%add3A_189, %dma_start3A_192] : memref<8192x1024xf32, #tpu.memory_space<hbm>> -> memref<8x1024xf32, #tpu.memory_space<hbm>>
      tpu.enqueue_dma source(%arg11 : memref<8x1024xf32, #tpu.memory_space<vmem>>) target(%dma_start3A_193 : memref<8x1024xf32, #tpu.memory_space<hbm>>) target_semaphore(%arg27 : memref<!tpu.dma_semaphore, #tpu.memory_space<semaphore_mem>>)
      %ge3A_194 = arith.constant 4 : i32
      %ge3A_195 = arith.cmpi sge, %add3A_181, %ge3A_194 : i32
      %convert_element_type3A_196 = arith.extui %ge3A_195 : i1 to i32
      %cond3A_197 = arith.constant 0 : i32
      %cond3A_198 = arith.cmpi ne, %convert_element_type3A_196, %cond3A_197 : i32
      scf.if %cond3A_198 {
        %dma_wait3A_258 = arith.constant 0 : i32
        %dma_wait3A_259 = arith.constant 0 : i32
        %dma_wait3A_260 = tpu.memref_slice %arg4[%dma_wait3A_258, %dma_wait3A_259] : memref<8192x1024xf32, #tpu.memory_space<hbm>> -> memref<8x1024xf32, #tpu.memory_space<hbm>>
        %dma_wait3A_261 = arith.constant 0 : i32
        %dma_wait3A_262 = arith.constant 0 : i32
        %dma_wait3A_263 = tpu.memref_slice %arg4[%dma_wait3A_261, %dma_wait3A_262] : memref<8192x1024xf32, #tpu.memory_space<hbm>> -> memref<8x1024xf32, #tpu.memory_space<hbm>>
        tpu.wait_dma2 semaphore(%arg23 : memref<!tpu.dma_semaphore, #tpu.memory_space<semaphore_mem>>) src(%arg7 : memref<8x1024xf32, #tpu.memory_space<vmem>>) dst(%dma_wait3A_263 : memref<8x1024xf32, #tpu.memory_space<hbm>>)
      } else {
      }
      %add3A_199 = arith.constant 4 : i32
      %add3A_200 = arith.addi %add3A_181, %add3A_199 : i32
      %lt3A_201 = arith.constant 32 : i32
      %lt3A_202 = arith.cmpi slt, %add3A_200, %lt3A_201 : i32
      %convert_element_type3A_203 = arith.extui %lt3A_202 : i1 to i32
      %cond3A_204 = arith.constant 0 : i32
      %cond3A_205 = arith.cmpi ne, %convert_element_type3A_203, %cond3A_204 : i32
      scf.if %cond3A_205 {
        %add3A_258 = arith.constant 4 : i32
        %add3A_259 = arith.addi %add3A_181, %add3A_258 : i32
        %mul3A_260 = arith.constant 8 : i32
        %mul3A_261 = arith.muli %add3A_259, %mul3A_260 : i32
        %dma_start3A_262 = tpu.memref_slice %arg5[%mul3A_261] : memref<256xi32, #tpu.memory_space<vmem>> -> memref<8xi32, #tpu.memory_space<vmem>>
        %dma_start3A_263 = arith.constant 0 : i32
        %dma_start3A_264 = arith.constant 0 : i32
        %dma_start3A_265 = tpu.memref_slice %arg3[%dma_start3A_263, %dma_start3A_264] : memref<8192x1024xf32, #tpu.memory_space<hbm>> -> memref<8192x1024xf32, #tpu.memory_space<hbm>>
        tpu.enqueue_indirect_dma source(%dma_start3A_265 : memref<8192x1024xf32, #tpu.memory_space<hbm>>) target(%arg7 : memref<8x1024xf32, #tpu.memory_space<vmem>>) offsets(%dma_start3A_262 : memref<8xi32, #tpu.memory_space<vmem>>) semaphore(%arg15 : memref<!tpu.dma_semaphore, #tpu.memory_space<semaphore_mem>>)
      } else {
      }
      %add3A_206 = arith.constant 6 : i32
      %add3A_207 = arith.addi %add3A_53, %add3A_206 : i32
      %dma_wait3A_208 = arith.constant 0 : i32
      %dma_wait3A_209 = tpu.memref_slice %arg5[%dma_wait3A_208] : memref<256xi32, #tpu.memory_space<vmem>> -> memref<8xi32, #tpu.memory_space<vmem>>
      %dma_wait3A_210 = arith.constant 0 : i32
      %dma_wait3A_211 = arith.constant 0 : i32
      %dma_wait3A_212 = tpu.memref_slice %arg3[%dma_wait3A_210, %dma_wait3A_211] : memref<8192x1024xf32, #tpu.memory_space<hbm>> -> memref<8192x1024xf32, #tpu.memory_space<hbm>>
      tpu.wait_indirect_dma semaphore(%arg20 : memref<!tpu.dma_semaphore, #tpu.memory_space<semaphore_mem>>) src(%dma_wait3A_212 : memref<8192x1024xf32, #tpu.memory_space<hbm>>) dst(%arg12 : memref<8x1024xf32, #tpu.memory_space<vmem>>)
      %mul3A_213 = arith.constant 8 : i32
      %mul3A_214 = arith.muli %add3A_207, %mul3A_213 : i32
      %add3A_215 = arith.addi %mul3A_2, %mul3A_214 : i32
      %dma_start3A_216 = arith.constant 0 : i32
      %dma_start3A_217 = tpu.memref_slice %arg4[%add3A_215, %dma_start3A_216] : memref<8192x1024xf32, #tpu.memory_space<hbm>> -> memref<8x1024xf32, #tpu.memory_space<hbm>>
      %dma_start3A_218 = arith.constant 0 : i32
      %dma_start3A_219 = tpu.memref_slice %arg4[%add3A_215, %dma_start3A_218] : memref<8192x1024xf32, #tpu.memory_space<hbm>> -> memref<8x1024xf32, #tpu.memory_space<hbm>>
      tpu.enqueue_dma source(%arg12 : memref<8x1024xf32, #tpu.memory_space<vmem>>) target(%dma_start3A_219 : memref<8x1024xf32, #tpu.memory_space<hbm>>) target_semaphore(%arg28 : memref<!tpu.dma_semaphore, #tpu.memory_space<semaphore_mem>>)
      %ge3A_220 = arith.constant 4 : i32
      %ge3A_221 = arith.cmpi sge, %add3A_207, %ge3A_220 : i32
      %convert_element_type3A_222 = arith.extui %ge3A_221 : i1 to i32
      %cond3A_223 = arith.constant 0 : i32
      %cond3A_224 = arith.cmpi ne, %convert_element_type3A_222, %cond3A_223 : i32
      scf.if %cond3A_224 {
        %dma_wait3A_258 = arith.constant 0 : i32
        %dma_wait3A_259 = arith.constant 0 : i32
        %dma_wait3A_260 = tpu.memref_slice %arg4[%dma_wait3A_258, %dma_wait3A_259] : memref<8192x1024xf32, #tpu.memory_space<hbm>> -> memref<8x1024xf32, #tpu.memory_space<hbm>>
        %dma_wait3A_261 = arith.constant 0 : i32
        %dma_wait3A_262 = arith.constant 0 : i32
        %dma_wait3A_263 = tpu.memref_slice %arg4[%dma_wait3A_261, %dma_wait3A_262] : memref<8192x1024xf32, #tpu.memory_space<hbm>> -> memref<8x1024xf32, #tpu.memory_space<hbm>>
        tpu.wait_dma2 semaphore(%arg24 : memref<!tpu.dma_semaphore, #tpu.memory_space<semaphore_mem>>) src(%arg8 : memref<8x1024xf32, #tpu.memory_space<vmem>>) dst(%dma_wait3A_263 : memref<8x1024xf32, #tpu.memory_space<hbm>>)
      } else {
      }
      %add3A_225 = arith.constant 4 : i32
      %add3A_226 = arith.addi %add3A_207, %add3A_225 : i32
      %lt3A_227 = arith.constant 32 : i32
      %lt3A_228 = arith.cmpi slt, %add3A_226, %lt3A_227 : i32
      %convert_element_type3A_229 = arith.extui %lt3A_228 : i1 to i32
      %cond3A_230 = arith.constant 0 : i32
      %cond3A_231 = arith.cmpi ne, %convert_element_type3A_229, %cond3A_230 : i32
      scf.if %cond3A_231 {
        %add3A_258 = arith.constant 4 : i32
        %add3A_259 = arith.addi %add3A_207, %add3A_258 : i32
        %mul3A_260 = arith.constant 8 : i32
        %mul3A_261 = arith.muli %add3A_259, %mul3A_260 : i32
        %dma_start3A_262 = tpu.memref_slice %arg5[%mul3A_261] : memref<256xi32, #tpu.memory_space<vmem>> -> memref<8xi32, #tpu.memory_space<vmem>>
        %dma_start3A_263 = arith.constant 0 : i32
        %dma_start3A_264 = arith.constant 0 : i32
        %dma_start3A_265 = tpu.memref_slice %arg3[%dma_start3A_263, %dma_start3A_264] : memref<8192x1024xf32, #tpu.memory_space<hbm>> -> memref<8192x1024xf32, #tpu.memory_space<hbm>>
        tpu.enqueue_indirect_dma source(%dma_start3A_265 : memref<8192x1024xf32, #tpu.memory_space<hbm>>) target(%arg8 : memref<8x1024xf32, #tpu.memory_space<vmem>>) offsets(%dma_start3A_262 : memref<8xi32, #tpu.memory_space<vmem>>) semaphore(%arg16 : memref<!tpu.dma_semaphore, #tpu.memory_space<semaphore_mem>>)
      } else {
      }
      %add3A_232 = arith.constant 7 : i32
      %add3A_233 = arith.addi %add3A_53, %add3A_232 : i32
      %dma_wait3A_234 = arith.constant 0 : i32
      %dma_wait3A_235 = tpu.memref_slice %arg5[%dma_wait3A_234] : memref<256xi32, #tpu.memory_space<vmem>> -> memref<8xi32, #tpu.memory_space<vmem>>
      %dma_wait3A_236 = arith.constant 0 : i32
      %dma_wait3A_237 = arith.constant 0 : i32
      %dma_wait3A_238 = tpu.memref_slice %arg3[%dma_wait3A_236, %dma_wait3A_237] : memref<8192x1024xf32, #tpu.memory_space<hbm>> -> memref<8192x1024xf32, #tpu.memory_space<hbm>>
      tpu.wait_indirect_dma semaphore(%arg21 : memref<!tpu.dma_semaphore, #tpu.memory_space<semaphore_mem>>) src(%dma_wait3A_238 : memref<8192x1024xf32, #tpu.memory_space<hbm>>) dst(%arg13 : memref<8x1024xf32, #tpu.memory_space<vmem>>)
      %mul3A_239 = arith.constant 8 : i32
      %mul3A_240 = arith.muli %add3A_233, %mul3A_239 : i32
      %add3A_241 = arith.addi %mul3A_2, %mul3A_240 : i32
      %dma_start3A_242 = arith.constant 0 : i32
      %dma_start3A_243 = tpu.memref_slice %arg4[%add3A_241, %dma_start3A_242] : memref<8192x1024xf32, #tpu.memory_space<hbm>> -> memref<8x1024xf32, #tpu.memory_space<hbm>>
      %dma_start3A_244 = arith.constant 0 : i32
      %dma_start3A_245 = tpu.memref_slice %arg4[%add3A_241, %dma_start3A_244] : memref<8192x1024xf32, #tpu.memory_space<hbm>> -> memref<8x1024xf32, #tpu.memory_space<hbm>>
      tpu.enqueue_dma source(%arg13 : memref<8x1024xf32, #tpu.memory_space<vmem>>) target(%dma_start3A_245 : memref<8x1024xf32, #tpu.memory_space<hbm>>) target_semaphore(%arg29 : memref<!tpu.dma_semaphore, #tpu.memory_space<semaphore_mem>>)
      %ge3A_246 = arith.constant 4 : i32
      %ge3A_247 = arith.cmpi sge, %add3A_233, %ge3A_246 : i32
      %convert_element_type3A_248 = arith.extui %ge3A_247 : i1 to i32
      %cond3A_249 = arith.constant 0 : i32
      %cond3A_250 = arith.cmpi ne, %convert_element_type3A_248, %cond3A_249 : i32
      scf.if %cond3A_250 {
        %dma_wait3A_258 = arith.constant 0 : i32
        %dma_wait3A_259 = arith.constant 0 : i32
        %dma_wait3A_260 = tpu.memref_slice %arg4[%dma_wait3A_258, %dma_wait3A_259] : memref<8192x1024xf32, #tpu.memory_space<hbm>> -> memref<8x1024xf32, #tpu.memory_space<hbm>>
        %dma_wait3A_261 = arith.constant 0 : i32
        %dma_wait3A_262 = arith.constant 0 : i32
        %dma_wait3A_263 = tpu.memref_slice %arg4[%dma_wait3A_261, %dma_wait3A_262] : memref<8192x1024xf32, #tpu.memory_space<hbm>> -> memref<8x1024xf32, #tpu.memory_space<hbm>>
        tpu.wait_dma2 semaphore(%arg25 : memref<!tpu.dma_semaphore, #tpu.memory_space<semaphore_mem>>) src(%arg9 : memref<8x1024xf32, #tpu.memory_space<vmem>>) dst(%dma_wait3A_263 : memref<8x1024xf32, #tpu.memory_space<hbm>>)
      } else {
      }
      %add3A_251 = arith.constant 4 : i32
      %add3A_252 = arith.addi %add3A_233, %add3A_251 : i32
      %lt3A_253 = arith.constant 32 : i32
      %lt3A_254 = arith.cmpi slt, %add3A_252, %lt3A_253 : i32
      %convert_element_type3A_255 = arith.extui %lt3A_254 : i1 to i32
      %cond3A_256 = arith.constant 0 : i32
      %cond3A_257 = arith.cmpi ne, %convert_element_type3A_255, %cond3A_256 : i32
      scf.if %cond3A_257 {
        %add3A_258 = arith.constant 4 : i32
        %add3A_259 = arith.addi %add3A_233, %add3A_258 : i32
        %mul3A_260 = arith.constant 8 : i32
        %mul3A_261 = arith.muli %add3A_259, %mul3A_260 : i32
        %dma_start3A_262 = tpu.memref_slice %arg5[%mul3A_261] : memref<256xi32, #tpu.memory_space<vmem>> -> memref<8xi32, #tpu.memory_space<vmem>>
        %dma_start3A_263 = arith.constant 0 : i32
        %dma_start3A_264 = arith.constant 0 : i32
        %dma_start3A_265 = tpu.memref_slice %arg3[%dma_start3A_263, %dma_start3A_264] : memref<8192x1024xf32, #tpu.memory_space<hbm>> -> memref<8192x1024xf32, #tpu.memory_space<hbm>>
        tpu.enqueue_indirect_dma source(%dma_start3A_265 : memref<8192x1024xf32, #tpu.memory_space<hbm>>) target(%arg9 : memref<8x1024xf32, #tpu.memory_space<vmem>>) offsets(%dma_start3A_262 : memref<8xi32, #tpu.memory_space<vmem>>) semaphore(%arg17 : memref<!tpu.dma_semaphore, #tpu.memory_space<semaphore_mem>>)
      } else {
      }
    }
    %scan3A_25 = arith.constant 4 : i32
    %dma_wait3A = arith.constant 0 : i32
    %dma_wait3A_26 = arith.constant 0 : i32
    %dma_wait3A_27 = tpu.memref_slice %arg4[%dma_wait3A, %dma_wait3A_26] : memref<8192x1024xf32, #tpu.memory_space<hbm>> -> memref<8x1024xf32, #tpu.memory_space<hbm>>
    %dma_wait3A_28 = arith.constant 0 : i32
    %dma_wait3A_29 = arith.constant 0 : i32
    %dma_wait3A_30 = tpu.memref_slice %arg4[%dma_wait3A_28, %dma_wait3A_29] : memref<8192x1024xf32, #tpu.memory_space<hbm>> -> memref<8x1024xf32, #tpu.memory_space<hbm>>
    tpu.wait_dma2 semaphore(%arg26 : memref<!tpu.dma_semaphore, #tpu.memory_space<semaphore_mem>>) src(%arg10 : memref<8x1024xf32, #tpu.memory_space<vmem>>) dst(%dma_wait3A_30 : memref<8x1024xf32, #tpu.memory_space<hbm>>)
    %dma_wait3A_31 = arith.constant 0 : i32
    %dma_wait3A_32 = arith.constant 0 : i32
    %dma_wait3A_33 = tpu.memref_slice %arg4[%dma_wait3A_31, %dma_wait3A_32] : memref<8192x1024xf32, #tpu.memory_space<hbm>> -> memref<8x1024xf32, #tpu.memory_space<hbm>>
    %dma_wait3A_34 = arith.constant 0 : i32
    %dma_wait3A_35 = arith.constant 0 : i32
    %dma_wait3A_36 = tpu.memref_slice %arg4[%dma_wait3A_34, %dma_wait3A_35] : memref<8192x1024xf32, #tpu.memory_space<hbm>> -> memref<8x1024xf32, #tpu.memory_space<hbm>>
    tpu.wait_dma2 semaphore(%arg27 : memref<!tpu.dma_semaphore, #tpu.memory_space<semaphore_mem>>) src(%arg11 : memref<8x1024xf32, #tpu.memory_space<vmem>>) dst(%dma_wait3A_36 : memref<8x1024xf32, #tpu.memory_space<hbm>>)
    %dma_wait3A_37 = arith.constant 0 : i32
    %dma_wait3A_38 = arith.constant 0 : i32
    %dma_wait3A_39 = tpu.memref_slice %arg4[%dma_wait3A_37, %dma_wait3A_38] : memref<8192x1024xf32, #tpu.memory_space<hbm>> -> memref<8x1024xf32, #tpu.memory_space<hbm>>
    %dma_wait3A_40 = arith.constant 0 : i32
    %dma_wait3A_41 = arith.constant 0 : i32
    %dma_wait3A_42 = tpu.memref_slice %arg4[%dma_wait3A_40, %dma_wait3A_41] : memref<8192x1024xf32, #tpu.memory_space<hbm>> -> memref<8x1024xf32, #tpu.memory_space<hbm>>
    tpu.wait_dma2 semaphore(%arg28 : memref<!tpu.dma_semaphore, #tpu.memory_space<semaphore_mem>>) src(%arg12 : memref<8x1024xf32, #tpu.memory_space<vmem>>) dst(%dma_wait3A_42 : memref<8x1024xf32, #tpu.memory_space<hbm>>)
    %dma_wait3A_43 = arith.constant 0 : i32
    %dma_wait3A_44 = arith.constant 0 : i32
    %dma_wait3A_45 = tpu.memref_slice %arg4[%dma_wait3A_43, %dma_wait3A_44] : memref<8192x1024xf32, #tpu.memory_space<hbm>> -> memref<8x1024xf32, #tpu.memory_space<hbm>>
    %dma_wait3A_46 = arith.constant 0 : i32
    %dma_wait3A_47 = arith.constant 0 : i32
    %dma_wait3A_48 = tpu.memref_slice %arg4[%dma_wait3A_46, %dma_wait3A_47] : memref<8192x1024xf32, #tpu.memory_space<hbm>> -> memref<8x1024xf32, #tpu.memory_space<hbm>>
    tpu.wait_dma2 semaphore(%arg29 : memref<!tpu.dma_semaphore, #tpu.memory_space<semaphore_mem>>) src(%arg13 : memref<8x1024xf32, #tpu.memory_space<vmem>>) dst(%dma_wait3A_48 : memref<8x1024xf32, #tpu.memory_space<hbm>>)
    return
  }
}

#map = affine_map<(d0, d1) -> (0)>
#map1 = affine_map<(d0, d1) -> (0, 0)>
module attributes {stable_mosaic.version = 14 : i64} {
  func.func @gather_k(%arg0: i32, %arg1: i32, %arg2: memref<8192xi32, #tpu.memory_space<hbm>>, %arg3: memref<8192x1024xf32, #tpu.memory_space<hbm>>, %arg4: memref<8192x1024xf32, #tpu.memory_space<hbm>>, %arg5: memref<256xi32, #tpu.memory_space<vmem>>, %arg6: memref<8x1024xf32, #tpu.memory_space<vmem>>, %arg7: memref<8x1024xf32, #tpu.memory_space<vmem>>, %arg8: memref<8x1024xf32, #tpu.memory_space<vmem>>, %arg9: memref<8x1024xf32, #tpu.memory_space<vmem>>, %arg10: memref<8x1024xf32, #tpu.memory_space<vmem>>, %arg11: memref<8x1024xf32, #tpu.memory_space<vmem>>, %arg12: memref<8x1024xf32, #tpu.memory_space<vmem>>, %arg13: memref<8x1024xf32, #tpu.memory_space<vmem>>, %arg14: memref<!tpu.dma_semaphore, #tpu.memory_space<semaphore_mem>>, %arg15: memref<!tpu.dma_semaphore, #tpu.memory_space<semaphore_mem>>, %arg16: memref<!tpu.dma_semaphore, #tpu.memory_space<semaphore_mem>>, %arg17: memref<!tpu.dma_semaphore, #tpu.memory_space<semaphore_mem>>, %arg18: memref<!tpu.dma_semaphore, #tpu.memory_space<semaphore_mem>>, %arg19: memref<!tpu.dma_semaphore, #tpu.memory_space<semaphore_mem>>, %arg20: memref<!tpu.dma_semaphore, #tpu.memory_space<semaphore_mem>>, %arg21: memref<!tpu.dma_semaphore, #tpu.memory_space<semaphore_mem>>, %arg22: memref<!tpu.dma_semaphore, #tpu.memory_space<semaphore_mem>>, %arg23: memref<!tpu.dma_semaphore, #tpu.memory_space<semaphore_mem>>, %arg24: memref<!tpu.dma_semaphore, #tpu.memory_space<semaphore_mem>>, %arg25: memref<!tpu.dma_semaphore, #tpu.memory_space<semaphore_mem>>, %arg26: memref<!tpu.dma_semaphore, #tpu.memory_space<semaphore_mem>>, %arg27: memref<!tpu.dma_semaphore, #tpu.memory_space<semaphore_mem>>, %arg28: memref<!tpu.dma_semaphore, #tpu.memory_space<semaphore_mem>>, %arg29: memref<!tpu.dma_semaphore, #tpu.memory_space<semaphore_mem>>) attributes {dimension_semantics = [#tpu.dimension_semantics<core_parallel>, #tpu.dimension_semantics<subcore_parallel>], iteration_bounds = array<i64: 2, 16>, scalar_prefetch = 0 : i64, scratch_operands = 25 : i64, tpu.core_type = #tpu.core_type<sc_vector_subcore>, window_params = [{transform_indices = #map}, {transform_indices = #map1}, {transform_indices = #map1}]} {
    %mul3A = arith.constant 2 : i32
    %mul3A_0 = arith.muli %arg1, %mul3A : i32
    %add3A = arith.addi %mul3A_0, %arg0 : i32
    %mul3A_1 = arith.constant 256 : i32
    %mul3A_2 = arith.muli %add3A, %mul3A_1 : i32
    "tpu.region"() ({
      %run_scoped3A = tpu.sem_alloc : memref<!tpu.dma_semaphore, #tpu.memory_space<semaphore_mem>>
      %dma_start3A_49 = tpu.memref_slice %arg2[%mul3A_2] : memref<8192xi32, #tpu.memory_space<hbm>> -> memref<256xi32, #tpu.memory_space<hbm>>
      %dma_start3A_50 = tpu.memref_slice %arg2[%mul3A_2] : memref<8192xi32, #tpu.memory_space<hbm>> -> memref<256xi32, #tpu.memory_space<hbm>>
      tpu.enqueue_dma source(%dma_start3A_50 : memref<256xi32, #tpu.memory_space<hbm>>) target(%arg5 : memref<256xi32, #tpu.memory_space<vmem>>) target_semaphore(%run_scoped3A : memref<!tpu.dma_semaphore, #tpu.memory_space<semaphore_mem>>)
      %dma_wait3A_51 = tpu.memref_slice %arg2[%mul3A_2] : memref<8192xi32, #tpu.memory_space<hbm>> -> memref<256xi32, #tpu.memory_space<hbm>>
      %dma_wait3A_52 = tpu.memref_slice %arg2[%mul3A_2] : memref<8192xi32, #tpu.memory_space<hbm>> -> memref<256xi32, #tpu.memory_space<hbm>>
      tpu.wait_dma2 semaphore(%run_scoped3A : memref<!tpu.dma_semaphore, #tpu.memory_space<semaphore_mem>>) src(%dma_wait3A_52 : memref<256xi32, #tpu.memory_space<hbm>>) dst(%arg5 : memref<256xi32, #tpu.memory_space<vmem>>)
      tpu.yield
    }) : () -> ()
    %dma_start3A = arith.constant 0 : i32
    %dma_start3A_3 = tpu.memref_slice %arg5[%dma_start3A] : memref<256xi32, #tpu.memory_space<vmem>> -> memref<8xi32, #tpu.memory_space<vmem>>
    %dma_start3A_4 = arith.constant 0 : i32
    %dma_start3A_5 = arith.constant 0 : i32
    %dma_start3A_6 = tpu.memref_slice %arg3[%dma_start3A_4, %dma_start3A_5] : memref<8192x1024xf32, #tpu.memory_space<hbm>> -> memref<8192x1024xf32, #tpu.memory_space<hbm>>
    tpu.enqueue_indirect_dma source(%dma_start3A_6 : memref<8192x1024xf32, #tpu.memory_space<hbm>>) target(%arg6 : memref<8x1024xf32, #tpu.memory_space<vmem>>) offsets(%dma_start3A_3 : memref<8xi32, #tpu.memory_space<vmem>>) semaphore(%arg14 : memref<!tpu.dma_semaphore, #tpu.memory_space<semaphore_mem>>)
    %dma_start3A_7 = arith.constant 8 : i32
    %dma_start3A_8 = tpu.memref_slice %arg5[%dma_start3A_7] : memref<256xi32, #tpu.memory_space<vmem>> -> memref<8xi32, #tpu.memory_space<vmem>>
    %dma_start3A_9 = arith.constant 0 : i32
    %dma_start3A_10 = arith.constant 0 : i32
    %dma_start3A_11 = tpu.memref_slice %arg3[%dma_start3A_9, %dma_start3A_10] : memref<8192x1024xf32, #tpu.memory_space<hbm>> -> memref<8192x1024xf32, #tpu.memory_space<hbm>>
    tpu.enqueue_indirect_dma source(%dma_start3A_11 : memref<8192x1024xf32, #tpu.memory_space<hbm>>) target(%arg7 : memref<8x1024xf32, #tpu.memory_space<vmem>>) offsets(%dma_start3A_8 : memref<8xi32, #tpu.memory_space<vmem>>) semaphore(%arg15 : memref<!tpu.dma_semaphore, #tpu.memory_space<semaphore_mem>>)
    %dma_start3A_12 = arith.constant 16 : i32
    %dma_start3A_13 = tpu.memref_slice %arg5[%dma_start3A_12] : memref<256xi32, #tpu.memory_space<vmem>> -> memref<8xi32, #tpu.memory_space<vmem>>
    %dma_start3A_14 = arith.constant 0 : i32
    %dma_start3A_15 = arith.constant 0 : i32
    %dma_start3A_16 = tpu.memref_slice %arg3[%dma_start3A_14, %dma_start3A_15] : memref<8192x1024xf32, #tpu.memory_space<hbm>> -> memref<8192x1024xf32, #tpu.memory_space<hbm>>
    tpu.enqueue_indirect_dma source(%dma_start3A_16 : memref<8192x1024xf32, #tpu.memory_space<hbm>>) target(%arg8 : memref<8x1024xf32, #tpu.memory_space<vmem>>) offsets(%dma_start3A_13 : memref<8xi32, #tpu.memory_space<vmem>>) semaphore(%arg16 : memref<!tpu.dma_semaphore, #tpu.memory_space<semaphore_mem>>)
    %dma_start3A_17 = arith.constant 24 : i32
    %dma_start3A_18 = tpu.memref_slice %arg5[%dma_start3A_17] : memref<256xi32, #tpu.memory_space<vmem>> -> memref<8xi32, #tpu.memory_space<vmem>>
    %dma_start3A_19 = arith.constant 0 : i32
    %dma_start3A_20 = arith.constant 0 : i32
    %dma_start3A_21 = tpu.memref_slice %arg3[%dma_start3A_19, %dma_start3A_20] : memref<8192x1024xf32, #tpu.memory_space<hbm>> -> memref<8192x1024xf32, #tpu.memory_space<hbm>>
    tpu.enqueue_indirect_dma source(%dma_start3A_21 : memref<8192x1024xf32, #tpu.memory_space<hbm>>) target(%arg9 : memref<8x1024xf32, #tpu.memory_space<vmem>>) offsets(%dma_start3A_18 : memref<8xi32, #tpu.memory_space<vmem>>) semaphore(%arg17 : memref<!tpu.dma_semaphore, #tpu.memory_space<semaphore_mem>>)
    %scan3A = arith.constant 0 : i32
    %scan3A_22 = arith.constant 4 : i32
    %scan3A_23 = arith.addi %scan3A, %scan3A_22 : i32
    %scan3A_24 = arith.constant 1 : i32
    scf.for %scan3A_49 = %scan3A to %scan3A_23 step %scan3A_24  : i32 {
      %mul3A_50 = arith.constant 8 : i32
      %mul3A_51 = arith.muli %scan3A_49, %mul3A_50 : i32
      %add3A_52 = arith.constant 0 : i32
      %add3A_53 = arith.addi %add3A_52, %mul3A_51 : i32
      %add3A_54 = arith.constant 0 : i32
      %add3A_55 = arith.addi %add3A_53, %add3A_54 : i32
      %dma_wait3A_56 = arith.constant 0 : i32
      %dma_wait3A_57 = tpu.memref_slice %arg5[%dma_wait3A_56] : memref<256xi32, #tpu.memory_space<vmem>> -> memref<8xi32, #tpu.memory_space<vmem>>
      %dma_wait3A_58 = arith.constant 0 : i32
      %dma_wait3A_59 = arith.constant 0 : i32
      %dma_wait3A_60 = tpu.memref_slice %arg3[%dma_wait3A_58, %dma_wait3A_59] : memref<8192x1024xf32, #tpu.memory_space<hbm>> -> memref<8192x1024xf32, #tpu.memory_space<hbm>>
      tpu.wait_indirect_dma semaphore(%arg14 : memref<!tpu.dma_semaphore, #tpu.memory_space<semaphore_mem>>) src(%dma_wait3A_60 : memref<8192x1024xf32, #tpu.memory_space<hbm>>) dst(%arg6 : memref<8x1024xf32, #tpu.memory_space<vmem>>)
      %mul3A_61 = arith.constant 8 : i32
      %mul3A_62 = arith.muli %add3A_55, %mul3A_61 : i32
      %add3A_63 = arith.addi %mul3A_2, %mul3A_62 : i32
      %dma_start3A_64 = arith.constant 0 : i32
      %dma_start3A_65 = tpu.memref_slice %arg4[%add3A_63, %dma_start3A_64] : memref<8192x1024xf32, #tpu.memory_space<hbm>> -> memref<8x1024xf32, #tpu.memory_space<hbm>>
      %dma_start3A_66 = arith.constant 0 : i32
      %dma_start3A_67 = tpu.memref_slice %arg4[%add3A_63, %dma_start3A_66] : memref<8192x1024xf32, #tpu.memory_space<hbm>> -> memref<8x1024xf32, #tpu.memory_space<hbm>>
      tpu.enqueue_dma source(%arg6 : memref<8x1024xf32, #tpu.memory_space<vmem>>) target(%dma_start3A_67 : memref<8x1024xf32, #tpu.memory_space<hbm>>) target_semaphore(%arg22 : memref<!tpu.dma_semaphore, #tpu.memory_space<semaphore_mem>>)
      %ge3A = arith.constant 4 : i32
      %ge3A_68 = arith.cmpi sge, %add3A_55, %ge3A : i32
      %convert_element_type3A = arith.extui %ge3A_68 : i1 to i32
      %cond3A = arith.constant 0 : i32
      %cond3A_69 = arith.cmpi ne, %convert_element_type3A, %cond3A : i32
      scf.if %cond3A_69 {
        %dma_wait3A_258 = arith.constant 0 : i32
        %dma_wait3A_259 = arith.constant 0 : i32
        %dma_wait3A_260 = tpu.memref_slice %arg4[%dma_wait3A_258, %dma_wait3A_259] : memref<8192x1024xf32, #tpu.memory_space<hbm>> -> memref<8x1024xf32, #tpu.memory_space<hbm>>
        %dma_wait3A_261 = arith.constant 0 : i32
        %dma_wait3A_262 = arith.constant 0 : i32
        %dma_wait3A_263 = tpu.memref_slice %arg4[%dma_wait3A_261, %dma_wait3A_262] : memref<8192x1024xf32, #tpu.memory_space<hbm>> -> memref<8x1024xf32, #tpu.memory_space<hbm>>
        tpu.wait_dma2 semaphore(%arg26 : memref<!tpu.dma_semaphore, #tpu.memory_space<semaphore_mem>>) src(%arg10 : memref<8x1024xf32, #tpu.memory_space<vmem>>) dst(%dma_wait3A_263 : memref<8x1024xf32, #tpu.memory_space<hbm>>)
      } else {
      }
      %add3A_70 = arith.constant 4 : i32
      %add3A_71 = arith.addi %add3A_55, %add3A_70 : i32
      %lt3A = arith.constant 32 : i32
      %lt3A_72 = arith.cmpi slt, %add3A_71, %lt3A : i32
      %convert_element_type3A_73 = arith.extui %lt3A_72 : i1 to i32
      %cond3A_74 = arith.constant 0 : i32
      %cond3A_75 = arith.cmpi ne, %convert_element_type3A_73, %cond3A_74 : i32
      scf.if %cond3A_75 {
        %add3A_258 = arith.constant 4 : i32
        %add3A_259 = arith.addi %add3A_55, %add3A_258 : i32
        %mul3A_260 = arith.constant 8 : i32
        %mul3A_261 = arith.muli %add3A_259, %mul3A_260 : i32
        %dma_start3A_262 = tpu.memref_slice %arg5[%mul3A_261] : memref<256xi32, #tpu.memory_space<vmem>> -> memref<8xi32, #tpu.memory_space<vmem>>
        %dma_start3A_263 = arith.constant 0 : i32
        %dma_start3A_264 = arith.constant 0 : i32
        %dma_start3A_265 = tpu.memref_slice %arg3[%dma_start3A_263, %dma_start3A_264] : memref<8192x1024xf32, #tpu.memory_space<hbm>> -> memref<8192x1024xf32, #tpu.memory_space<hbm>>
        tpu.enqueue_indirect_dma source(%dma_start3A_265 : memref<8192x1024xf32, #tpu.memory_space<hbm>>) target(%arg10 : memref<8x1024xf32, #tpu.memory_space<vmem>>) offsets(%dma_start3A_262 : memref<8xi32, #tpu.memory_space<vmem>>) semaphore(%arg18 : memref<!tpu.dma_semaphore, #tpu.memory_space<semaphore_mem>>)
      } else {
      }
      %add3A_76 = arith.constant 1 : i32
      %add3A_77 = arith.addi %add3A_53, %add3A_76 : i32
      %dma_wait3A_78 = arith.constant 0 : i32
      %dma_wait3A_79 = tpu.memref_slice %arg5[%dma_wait3A_78] : memref<256xi32, #tpu.memory_space<vmem>> -> memref<8xi32, #tpu.memory_space<vmem>>
      %dma_wait3A_80 = arith.constant 0 : i32
      %dma_wait3A_81 = arith.constant 0 : i32
      %dma_wait3A_82 = tpu.memref_slice %arg3[%dma_wait3A_80, %dma_wait3A_81] : memref<8192x1024xf32, #tpu.memory_space<hbm>> -> memref<8192x1024xf32, #tpu.memory_space<hbm>>
      tpu.wait_indirect_dma semaphore(%arg15 : memref<!tpu.dma_semaphore, #tpu.memory_space<semaphore_mem>>) src(%dma_wait3A_82 : memref<8192x1024xf32, #tpu.memory_space<hbm>>) dst(%arg7 : memref<8x1024xf32, #tpu.memory_space<vmem>>)
      %mul3A_83 = arith.constant 8 : i32
      %mul3A_84 = arith.muli %add3A_77, %mul3A_83 : i32
      %add3A_85 = arith.addi %mul3A_2, %mul3A_84 : i32
      %dma_start3A_86 = arith.constant 0 : i32
      %dma_start3A_87 = tpu.memref_slice %arg4[%add3A_85, %dma_start3A_86] : memref<8192x1024xf32, #tpu.memory_space<hbm>> -> memref<8x1024xf32, #tpu.memory_space<hbm>>
      %dma_start3A_88 = arith.constant 0 : i32
      %dma_start3A_89 = tpu.memref_slice %arg4[%add3A_85, %dma_start3A_88] : memref<8192x1024xf32, #tpu.memory_space<hbm>> -> memref<8x1024xf32, #tpu.memory_space<hbm>>
      tpu.enqueue_dma source(%arg7 : memref<8x1024xf32, #tpu.memory_space<vmem>>) target(%dma_start3A_89 : memref<8x1024xf32, #tpu.memory_space<hbm>>) target_semaphore(%arg23 : memref<!tpu.dma_semaphore, #tpu.memory_space<semaphore_mem>>)
      %ge3A_90 = arith.constant 4 : i32
      %ge3A_91 = arith.cmpi sge, %add3A_77, %ge3A_90 : i32
      %convert_element_type3A_92 = arith.extui %ge3A_91 : i1 to i32
      %cond3A_93 = arith.constant 0 : i32
      %cond3A_94 = arith.cmpi ne, %convert_element_type3A_92, %cond3A_93 : i32
      scf.if %cond3A_94 {
        %dma_wait3A_258 = arith.constant 0 : i32
        %dma_wait3A_259 = arith.constant 0 : i32
        %dma_wait3A_260 = tpu.memref_slice %arg4[%dma_wait3A_258, %dma_wait3A_259] : memref<8192x1024xf32, #tpu.memory_space<hbm>> -> memref<8x1024xf32, #tpu.memory_space<hbm>>
        %dma_wait3A_261 = arith.constant 0 : i32
        %dma_wait3A_262 = arith.constant 0 : i32
        %dma_wait3A_263 = tpu.memref_slice %arg4[%dma_wait3A_261, %dma_wait3A_262] : memref<8192x1024xf32, #tpu.memory_space<hbm>> -> memref<8x1024xf32, #tpu.memory_space<hbm>>
        tpu.wait_dma2 semaphore(%arg27 : memref<!tpu.dma_semaphore, #tpu.memory_space<semaphore_mem>>) src(%arg11 : memref<8x1024xf32, #tpu.memory_space<vmem>>) dst(%dma_wait3A_263 : memref<8x1024xf32, #tpu.memory_space<hbm>>)
      } else {
      }
      %add3A_95 = arith.constant 4 : i32
      %add3A_96 = arith.addi %add3A_77, %add3A_95 : i32
      %lt3A_97 = arith.constant 32 : i32
      %lt3A_98 = arith.cmpi slt, %add3A_96, %lt3A_97 : i32
      %convert_element_type3A_99 = arith.extui %lt3A_98 : i1 to i32
      %cond3A_100 = arith.constant 0 : i32
      %cond3A_101 = arith.cmpi ne, %convert_element_type3A_99, %cond3A_100 : i32
      scf.if %cond3A_101 {
        %add3A_258 = arith.constant 4 : i32
        %add3A_259 = arith.addi %add3A_77, %add3A_258 : i32
        %mul3A_260 = arith.constant 8 : i32
        %mul3A_261 = arith.muli %add3A_259, %mul3A_260 : i32
        %dma_start3A_262 = tpu.memref_slice %arg5[%mul3A_261] : memref<256xi32, #tpu.memory_space<vmem>> -> memref<8xi32, #tpu.memory_space<vmem>>
        %dma_start3A_263 = arith.constant 0 : i32
        %dma_start3A_264 = arith.constant 0 : i32
        %dma_start3A_265 = tpu.memref_slice %arg3[%dma_start3A_263, %dma_start3A_264] : memref<8192x1024xf32, #tpu.memory_space<hbm>> -> memref<8192x1024xf32, #tpu.memory_space<hbm>>
        tpu.enqueue_indirect_dma source(%dma_start3A_265 : memref<8192x1024xf32, #tpu.memory_space<hbm>>) target(%arg11 : memref<8x1024xf32, #tpu.memory_space<vmem>>) offsets(%dma_start3A_262 : memref<8xi32, #tpu.memory_space<vmem>>) semaphore(%arg19 : memref<!tpu.dma_semaphore, #tpu.memory_space<semaphore_mem>>)
      } else {
      }
      %add3A_102 = arith.constant 2 : i32
      %add3A_103 = arith.addi %add3A_53, %add3A_102 : i32
      %dma_wait3A_104 = arith.constant 0 : i32
      %dma_wait3A_105 = tpu.memref_slice %arg5[%dma_wait3A_104] : memref<256xi32, #tpu.memory_space<vmem>> -> memref<8xi32, #tpu.memory_space<vmem>>
      %dma_wait3A_106 = arith.constant 0 : i32
      %dma_wait3A_107 = arith.constant 0 : i32
      %dma_wait3A_108 = tpu.memref_slice %arg3[%dma_wait3A_106, %dma_wait3A_107] : memref<8192x1024xf32, #tpu.memory_space<hbm>> -> memref<8192x1024xf32, #tpu.memory_space<hbm>>
      tpu.wait_indirect_dma semaphore(%arg16 : memref<!tpu.dma_semaphore, #tpu.memory_space<semaphore_mem>>) src(%dma_wait3A_108 : memref<8192x1024xf32, #tpu.memory_space<hbm>>) dst(%arg8 : memref<8x1024xf32, #tpu.memory_space<vmem>>)
      %mul3A_109 = arith.constant 8 : i32
      %mul3A_110 = arith.muli %add3A_103, %mul3A_109 : i32
      %add3A_111 = arith.addi %mul3A_2, %mul3A_110 : i32
      %dma_start3A_112 = arith.constant 0 : i32
      %dma_start3A_113 = tpu.memref_slice %arg4[%add3A_111, %dma_start3A_112] : memref<8192x1024xf32, #tpu.memory_space<hbm>> -> memref<8x1024xf32, #tpu.memory_space<hbm>>
      %dma_start3A_114 = arith.constant 0 : i32
      %dma_start3A_115 = tpu.memref_slice %arg4[%add3A_111, %dma_start3A_114] : memref<8192x1024xf32, #tpu.memory_space<hbm>> -> memref<8x1024xf32, #tpu.memory_space<hbm>>
      tpu.enqueue_dma source(%arg8 : memref<8x1024xf32, #tpu.memory_space<vmem>>) target(%dma_start3A_115 : memref<8x1024xf32, #tpu.memory_space<hbm>>) target_semaphore(%arg24 : memref<!tpu.dma_semaphore, #tpu.memory_space<semaphore_mem>>)
      %ge3A_116 = arith.constant 4 : i32
      %ge3A_117 = arith.cmpi sge, %add3A_103, %ge3A_116 : i32
      %convert_element_type3A_118 = arith.extui %ge3A_117 : i1 to i32
      %cond3A_119 = arith.constant 0 : i32
      %cond3A_120 = arith.cmpi ne, %convert_element_type3A_118, %cond3A_119 : i32
      scf.if %cond3A_120 {
        %dma_wait3A_258 = arith.constant 0 : i32
        %dma_wait3A_259 = arith.constant 0 : i32
        %dma_wait3A_260 = tpu.memref_slice %arg4[%dma_wait3A_258, %dma_wait3A_259] : memref<8192x1024xf32, #tpu.memory_space<hbm>> -> memref<8x1024xf32, #tpu.memory_space<hbm>>
        %dma_wait3A_261 = arith.constant 0 : i32
        %dma_wait3A_262 = arith.constant 0 : i32
        %dma_wait3A_263 = tpu.memref_slice %arg4[%dma_wait3A_261, %dma_wait3A_262] : memref<8192x1024xf32, #tpu.memory_space<hbm>> -> memref<8x1024xf32, #tpu.memory_space<hbm>>
        tpu.wait_dma2 semaphore(%arg28 : memref<!tpu.dma_semaphore, #tpu.memory_space<semaphore_mem>>) src(%arg12 : memref<8x1024xf32, #tpu.memory_space<vmem>>) dst(%dma_wait3A_263 : memref<8x1024xf32, #tpu.memory_space<hbm>>)
      } else {
      }
      %add3A_121 = arith.constant 4 : i32
      %add3A_122 = arith.addi %add3A_103, %add3A_121 : i32
      %lt3A_123 = arith.constant 32 : i32
      %lt3A_124 = arith.cmpi slt, %add3A_122, %lt3A_123 : i32
      %convert_element_type3A_125 = arith.extui %lt3A_124 : i1 to i32
      %cond3A_126 = arith.constant 0 : i32
      %cond3A_127 = arith.cmpi ne, %convert_element_type3A_125, %cond3A_126 : i32
      scf.if %cond3A_127 {
        %add3A_258 = arith.constant 4 : i32
        %add3A_259 = arith.addi %add3A_103, %add3A_258 : i32
        %mul3A_260 = arith.constant 8 : i32
        %mul3A_261 = arith.muli %add3A_259, %mul3A_260 : i32
        %dma_start3A_262 = tpu.memref_slice %arg5[%mul3A_261] : memref<256xi32, #tpu.memory_space<vmem>> -> memref<8xi32, #tpu.memory_space<vmem>>
        %dma_start3A_263 = arith.constant 0 : i32
        %dma_start3A_264 = arith.constant 0 : i32
        %dma_start3A_265 = tpu.memref_slice %arg3[%dma_start3A_263, %dma_start3A_264] : memref<8192x1024xf32, #tpu.memory_space<hbm>> -> memref<8192x1024xf32, #tpu.memory_space<hbm>>
        tpu.enqueue_indirect_dma source(%dma_start3A_265 : memref<8192x1024xf32, #tpu.memory_space<hbm>>) target(%arg12 : memref<8x1024xf32, #tpu.memory_space<vmem>>) offsets(%dma_start3A_262 : memref<8xi32, #tpu.memory_space<vmem>>) semaphore(%arg20 : memref<!tpu.dma_semaphore, #tpu.memory_space<semaphore_mem>>)
      } else {
      }
      %add3A_128 = arith.constant 3 : i32
      %add3A_129 = arith.addi %add3A_53, %add3A_128 : i32
      %dma_wait3A_130 = arith.constant 0 : i32
      %dma_wait3A_131 = tpu.memref_slice %arg5[%dma_wait3A_130] : memref<256xi32, #tpu.memory_space<vmem>> -> memref<8xi32, #tpu.memory_space<vmem>>
      %dma_wait3A_132 = arith.constant 0 : i32
      %dma_wait3A_133 = arith.constant 0 : i32
      %dma_wait3A_134 = tpu.memref_slice %arg3[%dma_wait3A_132, %dma_wait3A_133] : memref<8192x1024xf32, #tpu.memory_space<hbm>> -> memref<8192x1024xf32, #tpu.memory_space<hbm>>
      tpu.wait_indirect_dma semaphore(%arg17 : memref<!tpu.dma_semaphore, #tpu.memory_space<semaphore_mem>>) src(%dma_wait3A_134 : memref<8192x1024xf32, #tpu.memory_space<hbm>>) dst(%arg9 : memref<8x1024xf32, #tpu.memory_space<vmem>>)
      %mul3A_135 = arith.constant 8 : i32
      %mul3A_136 = arith.muli %add3A_129, %mul3A_135 : i32
      %add3A_137 = arith.addi %mul3A_2, %mul3A_136 : i32
      %dma_start3A_138 = arith.constant 0 : i32
      %dma_start3A_139 = tpu.memref_slice %arg4[%add3A_137, %dma_start3A_138] : memref<8192x1024xf32, #tpu.memory_space<hbm>> -> memref<8x1024xf32, #tpu.memory_space<hbm>>
      %dma_start3A_140 = arith.constant 0 : i32
      %dma_start3A_141 = tpu.memref_slice %arg4[%add3A_137, %dma_start3A_140] : memref<8192x1024xf32, #tpu.memory_space<hbm>> -> memref<8x1024xf32, #tpu.memory_space<hbm>>
      tpu.enqueue_dma source(%arg9 : memref<8x1024xf32, #tpu.memory_space<vmem>>) target(%dma_start3A_141 : memref<8x1024xf32, #tpu.memory_space<hbm>>) target_semaphore(%arg25 : memref<!tpu.dma_semaphore, #tpu.memory_space<semaphore_mem>>)
      %ge3A_142 = arith.constant 4 : i32
      %ge3A_143 = arith.cmpi sge, %add3A_129, %ge3A_142 : i32
      %convert_element_type3A_144 = arith.extui %ge3A_143 : i1 to i32
      %cond3A_145 = arith.constant 0 : i32
      %cond3A_146 = arith.cmpi ne, %convert_element_type3A_144, %cond3A_145 : i32
      scf.if %cond3A_146 {
        %dma_wait3A_258 = arith.constant 0 : i32
        %dma_wait3A_259 = arith.constant 0 : i32
        %dma_wait3A_260 = tpu.memref_slice %arg4[%dma_wait3A_258, %dma_wait3A_259] : memref<8192x1024xf32, #tpu.memory_space<hbm>> -> memref<8x1024xf32, #tpu.memory_space<hbm>>
        %dma_wait3A_261 = arith.constant 0 : i32
        %dma_wait3A_262 = arith.constant 0 : i32
        %dma_wait3A_263 = tpu.memref_slice %arg4[%dma_wait3A_261, %dma_wait3A_262] : memref<8192x1024xf32, #tpu.memory_space<hbm>> -> memref<8x1024xf32, #tpu.memory_space<hbm>>
        tpu.wait_dma2 semaphore(%arg29 : memref<!tpu.dma_semaphore, #tpu.memory_space<semaphore_mem>>) src(%arg13 : memref<8x1024xf32, #tpu.memory_space<vmem>>) dst(%dma_wait3A_263 : memref<8x1024xf32, #tpu.memory_space<hbm>>)
      } else {
      }
      %add3A_147 = arith.constant 4 : i32
      %add3A_148 = arith.addi %add3A_129, %add3A_147 : i32
      %lt3A_149 = arith.constant 32 : i32
      %lt3A_150 = arith.cmpi slt, %add3A_148, %lt3A_149 : i32
      %convert_element_type3A_151 = arith.extui %lt3A_150 : i1 to i32
      %cond3A_152 = arith.constant 0 : i32
      %cond3A_153 = arith.cmpi ne, %convert_element_type3A_151, %cond3A_152 : i32
      scf.if %cond3A_153 {
        %add3A_258 = arith.constant 4 : i32
        %add3A_259 = arith.addi %add3A_129, %add3A_258 : i32
        %mul3A_260 = arith.constant 8 : i32
        %mul3A_261 = arith.muli %add3A_259, %mul3A_260 : i32
        %dma_start3A_262 = tpu.memref_slice %arg5[%mul3A_261] : memref<256xi32, #tpu.memory_space<vmem>> -> memref<8xi32, #tpu.memory_space<vmem>>
        %dma_start3A_263 = arith.constant 0 : i32
        %dma_start3A_264 = arith.constant 0 : i32
        %dma_start3A_265 = tpu.memref_slice %arg3[%dma_start3A_263, %dma_start3A_264] : memref<8192x1024xf32, #tpu.memory_space<hbm>> -> memref<8192x1024xf32, #tpu.memory_space<hbm>>
        tpu.enqueue_indirect_dma source(%dma_start3A_265 : memref<8192x1024xf32, #tpu.memory_space<hbm>>) target(%arg13 : memref<8x1024xf32, #tpu.memory_space<vmem>>) offsets(%dma_start3A_262 : memref<8xi32, #tpu.memory_space<vmem>>) semaphore(%arg21 : memref<!tpu.dma_semaphore, #tpu.memory_space<semaphore_mem>>)
      } else {
      }
      %add3A_154 = arith.constant 4 : i32
      %add3A_155 = arith.addi %add3A_53, %add3A_154 : i32
      %dma_wait3A_156 = arith.constant 0 : i32
      %dma_wait3A_157 = tpu.memref_slice %arg5[%dma_wait3A_156] : memref<256xi32, #tpu.memory_space<vmem>> -> memref<8xi32, #tpu.memory_space<vmem>>
      %dma_wait3A_158 = arith.constant 0 : i32
      %dma_wait3A_159 = arith.constant 0 : i32
      %dma_wait3A_160 = tpu.memref_slice %arg3[%dma_wait3A_158, %dma_wait3A_159] : memref<8192x1024xf32, #tpu.memory_space<hbm>> -> memref<8192x1024xf32, #tpu.memory_space<hbm>>
      tpu.wait_indirect_dma semaphore(%arg18 : memref<!tpu.dma_semaphore, #tpu.memory_space<semaphore_mem>>) src(%dma_wait3A_160 : memref<8192x1024xf32, #tpu.memory_space<hbm>>) dst(%arg10 : memref<8x1024xf32, #tpu.memory_space<vmem>>)
      %mul3A_161 = arith.constant 8 : i32
      %mul3A_162 = arith.muli %add3A_155, %mul3A_161 : i32
      %add3A_163 = arith.addi %mul3A_2, %mul3A_162 : i32
      %dma_start3A_164 = arith.constant 0 : i32
      %dma_start3A_165 = tpu.memref_slice %arg4[%add3A_163, %dma_start3A_164] : memref<8192x1024xf32, #tpu.memory_space<hbm>> -> memref<8x1024xf32, #tpu.memory_space<hbm>>
      %dma_start3A_166 = arith.constant 0 : i32
      %dma_start3A_167 = tpu.memref_slice %arg4[%add3A_163, %dma_start3A_166] : memref<8192x1024xf32, #tpu.memory_space<hbm>> -> memref<8x1024xf32, #tpu.memory_space<hbm>>
      tpu.enqueue_dma source(%arg10 : memref<8x1024xf32, #tpu.memory_space<vmem>>) target(%dma_start3A_167 : memref<8x1024xf32, #tpu.memory_space<hbm>>) target_semaphore(%arg26 : memref<!tpu.dma_semaphore, #tpu.memory_space<semaphore_mem>>)
      %ge3A_168 = arith.constant 4 : i32
      %ge3A_169 = arith.cmpi sge, %add3A_155, %ge3A_168 : i32
      %convert_element_type3A_170 = arith.extui %ge3A_169 : i1 to i32
      %cond3A_171 = arith.constant 0 : i32
      %cond3A_172 = arith.cmpi ne, %convert_element_type3A_170, %cond3A_171 : i32
      scf.if %cond3A_172 {
        %dma_wait3A_258 = arith.constant 0 : i32
        %dma_wait3A_259 = arith.constant 0 : i32
        %dma_wait3A_260 = tpu.memref_slice %arg4[%dma_wait3A_258, %dma_wait3A_259] : memref<8192x1024xf32, #tpu.memory_space<hbm>> -> memref<8x1024xf32, #tpu.memory_space<hbm>>
        %dma_wait3A_261 = arith.constant 0 : i32
        %dma_wait3A_262 = arith.constant 0 : i32
        %dma_wait3A_263 = tpu.memref_slice %arg4[%dma_wait3A_261, %dma_wait3A_262] : memref<8192x1024xf32, #tpu.memory_space<hbm>> -> memref<8x1024xf32, #tpu.memory_space<hbm>>
        tpu.wait_dma2 semaphore(%arg22 : memref<!tpu.dma_semaphore, #tpu.memory_space<semaphore_mem>>) src(%arg6 : memref<8x1024xf32, #tpu.memory_space<vmem>>) dst(%dma_wait3A_263 : memref<8x1024xf32, #tpu.memory_space<hbm>>)
      } else {
      }
      %add3A_173 = arith.constant 4 : i32
      %add3A_174 = arith.addi %add3A_155, %add3A_173 : i32
      %lt3A_175 = arith.constant 32 : i32
      %lt3A_176 = arith.cmpi slt, %add3A_174, %lt3A_175 : i32
      %convert_element_type3A_177 = arith.extui %lt3A_176 : i1 to i32
      %cond3A_178 = arith.constant 0 : i32
      %cond3A_179 = arith.cmpi ne, %convert_element_type3A_177, %cond3A_178 : i32
      scf.if %cond3A_179 {
        %add3A_258 = arith.constant 4 : i32
        %add3A_259 = arith.addi %add3A_155, %add3A_258 : i32
        %mul3A_260 = arith.constant 8 : i32
        %mul3A_261 = arith.muli %add3A_259, %mul3A_260 : i32
        %dma_start3A_262 = tpu.memref_slice %arg5[%mul3A_261] : memref<256xi32, #tpu.memory_space<vmem>> -> memref<8xi32, #tpu.memory_space<vmem>>
        %dma_start3A_263 = arith.constant 0 : i32
        %dma_start3A_264 = arith.constant 0 : i32
        %dma_start3A_265 = tpu.memref_slice %arg3[%dma_start3A_263, %dma_start3A_264] : memref<8192x1024xf32, #tpu.memory_space<hbm>> -> memref<8192x1024xf32, #tpu.memory_space<hbm>>
        tpu.enqueue_indirect_dma source(%dma_start3A_265 : memref<8192x1024xf32, #tpu.memory_space<hbm>>) target(%arg6 : memref<8x1024xf32, #tpu.memory_space<vmem>>) offsets(%dma_start3A_262 : memref<8xi32, #tpu.memory_space<vmem>>) semaphore(%arg14 : memref<!tpu.dma_semaphore, #tpu.memory_space<semaphore_mem>>)
      } else {
      }
      %add3A_180 = arith.constant 5 : i32
      %add3A_181 = arith.addi %add3A_53, %add3A_180 : i32
      %dma_wait3A_182 = arith.constant 0 : i32
      %dma_wait3A_183 = tpu.memref_slice %arg5[%dma_wait3A_182] : memref<256xi32, #tpu.memory_space<vmem>> -> memref<8xi32, #tpu.memory_space<vmem>>
      %dma_wait3A_184 = arith.constant 0 : i32
      %dma_wait3A_185 = arith.constant 0 : i32
      %dma_wait3A_186 = tpu.memref_slice %arg3[%dma_wait3A_184, %dma_wait3A_185] : memref<8192x1024xf32, #tpu.memory_space<hbm>> -> memref<8192x1024xf32, #tpu.memory_space<hbm>>
      tpu.wait_indirect_dma semaphore(%arg19 : memref<!tpu.dma_semaphore, #tpu.memory_space<semaphore_mem>>) src(%dma_wait3A_186 : memref<8192x1024xf32, #tpu.memory_space<hbm>>) dst(%arg11 : memref<8x1024xf32, #tpu.memory_space<vmem>>)
      %mul3A_187 = arith.constant 8 : i32
      %mul3A_188 = arith.muli %add3A_181, %mul3A_187 : i32
      %add3A_189 = arith.addi %mul3A_2, %mul3A_188 : i32
      %dma_start3A_190 = arith.constant 0 : i32
      %dma_start3A_191 = tpu.memref_slice %arg4[%add3A_189, %dma_start3A_190] : memref<8192x1024xf32, #tpu.memory_space<hbm>> -> memref<8x1024xf32, #tpu.memory_space<hbm>>
      %dma_start3A_192 = arith.constant 0 : i32
      %dma_start3A_193 = tpu.memref_slice %arg4[%add3A_189, %dma_start3A_192] : memref<8192x1024xf32, #tpu.memory_space<hbm>> -> memref<8x1024xf32, #tpu.memory_space<hbm>>
      tpu.enqueue_dma source(%arg11 : memref<8x1024xf32, #tpu.memory_space<vmem>>) target(%dma_start3A_193 : memref<8x1024xf32, #tpu.memory_space<hbm>>) target_semaphore(%arg27 : memref<!tpu.dma_semaphore, #tpu.memory_space<semaphore_mem>>)
      %ge3A_194 = arith.constant 4 : i32
      %ge3A_195 = arith.cmpi sge, %add3A_181, %ge3A_194 : i32
      %convert_element_type3A_196 = arith.extui %ge3A_195 : i1 to i32
      %cond3A_197 = arith.constant 0 : i32
      %cond3A_198 = arith.cmpi ne, %convert_element_type3A_196, %cond3A_197 : i32
      scf.if %cond3A_198 {
        %dma_wait3A_258 = arith.constant 0 : i32
        %dma_wait3A_259 = arith.constant 0 : i32
        %dma_wait3A_260 = tpu.memref_slice %arg4[%dma_wait3A_258, %dma_wait3A_259] : memref<8192x1024xf32, #tpu.memory_space<hbm>> -> memref<8x1024xf32, #tpu.memory_space<hbm>>
        %dma_wait3A_261 = arith.constant 0 : i32
        %dma_wait3A_262 = arith.constant 0 : i32
        %dma_wait3A_263 = tpu.memref_slice %arg4[%dma_wait3A_261, %dma_wait3A_262] : memref<8192x1024xf32, #tpu.memory_space<hbm>> -> memref<8x1024xf32, #tpu.memory_space<hbm>>
        tpu.wait_dma2 semaphore(%arg23 : memref<!tpu.dma_semaphore, #tpu.memory_space<semaphore_mem>>) src(%arg7 : memref<8x1024xf32, #tpu.memory_space<vmem>>) dst(%dma_wait3A_263 : memref<8x1024xf32, #tpu.memory_space<hbm>>)
      } else {
      }
      %add3A_199 = arith.constant 4 : i32
      %add3A_200 = arith.addi %add3A_181, %add3A_199 : i32
      %lt3A_201 = arith.constant 32 : i32
      %lt3A_202 = arith.cmpi slt, %add3A_200, %lt3A_201 : i32
      %convert_element_type3A_203 = arith.extui %lt3A_202 : i1 to i32
      %cond3A_204 = arith.constant 0 : i32
      %cond3A_205 = arith.cmpi ne, %convert_element_type3A_203, %cond3A_204 : i32
      scf.if %cond3A_205 {
        %add3A_258 = arith.constant 4 : i32
        %add3A_259 = arith.addi %add3A_181, %add3A_258 : i32
        %mul3A_260 = arith.constant 8 : i32
        %mul3A_261 = arith.muli %add3A_259, %mul3A_260 : i32
        %dma_start3A_262 = tpu.memref_slice %arg5[%mul3A_261] : memref<256xi32, #tpu.memory_space<vmem>> -> memref<8xi32, #tpu.memory_space<vmem>>
        %dma_start3A_263 = arith.constant 0 : i32
        %dma_start3A_264 = arith.constant 0 : i32
        %dma_start3A_265 = tpu.memref_slice %arg3[%dma_start3A_263, %dma_start3A_264] : memref<8192x1024xf32, #tpu.memory_space<hbm>> -> memref<8192x1024xf32, #tpu.memory_space<hbm>>
        tpu.enqueue_indirect_dma source(%dma_start3A_265 : memref<8192x1024xf32, #tpu.memory_space<hbm>>) target(%arg7 : memref<8x1024xf32, #tpu.memory_space<vmem>>) offsets(%dma_start3A_262 : memref<8xi32, #tpu.memory_space<vmem>>) semaphore(%arg15 : memref<!tpu.dma_semaphore, #tpu.memory_space<semaphore_mem>>)
      } else {
      }
      %add3A_206 = arith.constant 6 : i32
      %add3A_207 = arith.addi %add3A_53, %add3A_206 : i32
      %dma_wait3A_208 = arith.constant 0 : i32
      %dma_wait3A_209 = tpu.memref_slice %arg5[%dma_wait3A_208] : memref<256xi32, #tpu.memory_space<vmem>> -> memref<8xi32, #tpu.memory_space<vmem>>
      %dma_wait3A_210 = arith.constant 0 : i32
      %dma_wait3A_211 = arith.constant 0 : i32
      %dma_wait3A_212 = tpu.memref_slice %arg3[%dma_wait3A_210, %dma_wait3A_211] : memref<8192x1024xf32, #tpu.memory_space<hbm>> -> memref<8192x1024xf32, #tpu.memory_space<hbm>>
      tpu.wait_indirect_dma semaphore(%arg20 : memref<!tpu.dma_semaphore, #tpu.memory_space<semaphore_mem>>) src(%dma_wait3A_212 : memref<8192x1024xf32, #tpu.memory_space<hbm>>) dst(%arg12 : memref<8x1024xf32, #tpu.memory_space<vmem>>)
      %mul3A_213 = arith.constant 8 : i32
      %mul3A_214 = arith.muli %add3A_207, %mul3A_213 : i32
      %add3A_215 = arith.addi %mul3A_2, %mul3A_214 : i32
      %dma_start3A_216 = arith.constant 0 : i32
      %dma_start3A_217 = tpu.memref_slice %arg4[%add3A_215, %dma_start3A_216] : memref<8192x1024xf32, #tpu.memory_space<hbm>> -> memref<8x1024xf32, #tpu.memory_space<hbm>>
      %dma_start3A_218 = arith.constant 0 : i32
      %dma_start3A_219 = tpu.memref_slice %arg4[%add3A_215, %dma_start3A_218] : memref<8192x1024xf32, #tpu.memory_space<hbm>> -> memref<8x1024xf32, #tpu.memory_space<hbm>>
      tpu.enqueue_dma source(%arg12 : memref<8x1024xf32, #tpu.memory_space<vmem>>) target(%dma_start3A_219 : memref<8x1024xf32, #tpu.memory_space<hbm>>) target_semaphore(%arg28 : memref<!tpu.dma_semaphore, #tpu.memory_space<semaphore_mem>>)
      %ge3A_220 = arith.constant 4 : i32
      %ge3A_221 = arith.cmpi sge, %add3A_207, %ge3A_220 : i32
      %convert_element_type3A_222 = arith.extui %ge3A_221 : i1 to i32
      %cond3A_223 = arith.constant 0 : i32
      %cond3A_224 = arith.cmpi ne, %convert_element_type3A_222, %cond3A_223 : i32
      scf.if %cond3A_224 {
        %dma_wait3A_258 = arith.constant 0 : i32
        %dma_wait3A_259 = arith.constant 0 : i32
        %dma_wait3A_260 = tpu.memref_slice %arg4[%dma_wait3A_258, %dma_wait3A_259] : memref<8192x1024xf32, #tpu.memory_space<hbm>> -> memref<8x1024xf32, #tpu.memory_space<hbm>>
        %dma_wait3A_261 = arith.constant 0 : i32
        %dma_wait3A_262 = arith.constant 0 : i32
        %dma_wait3A_263 = tpu.memref_slice %arg4[%dma_wait3A_261, %dma_wait3A_262] : memref<8192x1024xf32, #tpu.memory_space<hbm>> -> memref<8x1024xf32, #tpu.memory_space<hbm>>
        tpu.wait_dma2 semaphore(%arg24 : memref<!tpu.dma_semaphore, #tpu.memory_space<semaphore_mem>>) src(%arg8 : memref<8x1024xf32, #tpu.memory_space<vmem>>) dst(%dma_wait3A_263 : memref<8x1024xf32, #tpu.memory_space<hbm>>)
      } else {
      }
      %add3A_225 = arith.constant 4 : i32
      %add3A_226 = arith.addi %add3A_207, %add3A_225 : i32
      %lt3A_227 = arith.constant 32 : i32
      %lt3A_228 = arith.cmpi slt, %add3A_226, %lt3A_227 : i32
      %convert_element_type3A_229 = arith.extui %lt3A_228 : i1 to i32
      %cond3A_230 = arith.constant 0 : i32
      %cond3A_231 = arith.cmpi ne, %convert_element_type3A_229, %cond3A_230 : i32
      scf.if %cond3A_231 {
        %add3A_258 = arith.constant 4 : i32
        %add3A_259 = arith.addi %add3A_207, %add3A_258 : i32
        %mul3A_260 = arith.constant 8 : i32
        %mul3A_261 = arith.muli %add3A_259, %mul3A_260 : i32
        %dma_start3A_262 = tpu.memref_slice %arg5[%mul3A_261] : memref<256xi32, #tpu.memory_space<vmem>> -> memref<8xi32, #tpu.memory_space<vmem>>
        %dma_start3A_263 = arith.constant 0 : i32
        %dma_start3A_264 = arith.constant 0 : i32
        %dma_start3A_265 = tpu.memref_slice %arg3[%dma_start3A_263, %dma_start3A_264] : memref<8192x1024xf32, #tpu.memory_space<hbm>> -> memref<8192x1024xf32, #tpu.memory_space<hbm>>
        tpu.enqueue_indirect_dma source(%dma_start3A_265 : memref<8192x1024xf32, #tpu.memory_space<hbm>>) target(%arg8 : memref<8x1024xf32, #tpu.memory_space<vmem>>) offsets(%dma_start3A_262 : memref<8xi32, #tpu.memory_space<vmem>>) semaphore(%arg16 : memref<!tpu.dma_semaphore, #tpu.memory_space<semaphore_mem>>)
      } else {
      }
      %add3A_232 = arith.constant 7 : i32
      %add3A_233 = arith.addi %add3A_53, %add3A_232 : i32
      %dma_wait3A_234 = arith.constant 0 : i32
      %dma_wait3A_235 = tpu.memref_slice %arg5[%dma_wait3A_234] : memref<256xi32, #tpu.memory_space<vmem>> -> memref<8xi32, #tpu.memory_space<vmem>>
      %dma_wait3A_236 = arith.constant 0 : i32
      %dma_wait3A_237 = arith.constant 0 : i32
      %dma_wait3A_238 = tpu.memref_slice %arg3[%dma_wait3A_236, %dma_wait3A_237] : memref<8192x1024xf32, #tpu.memory_space<hbm>> -> memref<8192x1024xf32, #tpu.memory_space<hbm>>
      tpu.wait_indirect_dma semaphore(%arg21 : memref<!tpu.dma_semaphore, #tpu.memory_space<semaphore_mem>>) src(%dma_wait3A_238 : memref<8192x1024xf32, #tpu.memory_space<hbm>>) dst(%arg13 : memref<8x1024xf32, #tpu.memory_space<vmem>>)
      %mul3A_239 = arith.constant 8 : i32
      %mul3A_240 = arith.muli %add3A_233, %mul3A_239 : i32
      %add3A_241 = arith.addi %mul3A_2, %mul3A_240 : i32
      %dma_start3A_242 = arith.constant 0 : i32
      %dma_start3A_243 = tpu.memref_slice %arg4[%add3A_241, %dma_start3A_242] : memref<8192x1024xf32, #tpu.memory_space<hbm>> -> memref<8x1024xf32, #tpu.memory_space<hbm>>
      %dma_start3A_244 = arith.constant 0 : i32
      %dma_start3A_245 = tpu.memref_slice %arg4[%add3A_241, %dma_start3A_244] : memref<8192x1024xf32, #tpu.memory_space<hbm>> -> memref<8x1024xf32, #tpu.memory_space<hbm>>
      tpu.enqueue_dma source(%arg13 : memref<8x1024xf32, #tpu.memory_space<vmem>>) target(%dma_start3A_245 : memref<8x1024xf32, #tpu.memory_space<hbm>>) target_semaphore(%arg29 : memref<!tpu.dma_semaphore, #tpu.memory_space<semaphore_mem>>)
      %ge3A_246 = arith.constant 4 : i32
      %ge3A_247 = arith.cmpi sge, %add3A_233, %ge3A_246 : i32
      %convert_element_type3A_248 = arith.extui %ge3A_247 : i1 to i32
      %cond3A_249 = arith.constant 0 : i32
      %cond3A_250 = arith.cmpi ne, %convert_element_type3A_248, %cond3A_249 : i32
      scf.if %cond3A_250 {
        %dma_wait3A_258 = arith.constant 0 : i32
        %dma_wait3A_259 = arith.constant 0 : i32
        %dma_wait3A_260 = tpu.memref_slice %arg4[%dma_wait3A_258, %dma_wait3A_259] : memref<8192x1024xf32, #tpu.memory_space<hbm>> -> memref<8x1024xf32, #tpu.memory_space<hbm>>
        %dma_wait3A_261 = arith.constant 0 : i32
        %dma_wait3A_262 = arith.constant 0 : i32
        %dma_wait3A_263 = tpu.memref_slice %arg4[%dma_wait3A_261, %dma_wait3A_262] : memref<8192x1024xf32, #tpu.memory_space<hbm>> -> memref<8x1024xf32, #tpu.memory_space<hbm>>
        tpu.wait_dma2 semaphore(%arg25 : memref<!tpu.dma_semaphore, #tpu.memory_space<semaphore_mem>>) src(%arg9 : memref<8x1024xf32, #tpu.memory_space<vmem>>) dst(%dma_wait3A_263 : memref<8x1024xf32, #tpu.memory_space<hbm>>)
      } else {
      }
      %add3A_251 = arith.constant 4 : i32
      %add3A_252 = arith.addi %add3A_233, %add3A_251 : i32
      %lt3A_253 = arith.constant 32 : i32
      %lt3A_254 = arith.cmpi slt, %add3A_252, %lt3A_253 : i32
      %convert_element_type3A_255 = arith.extui %lt3A_254 : i1 to i32
      %cond3A_256 = arith.constant 0 : i32
      %cond3A_257 = arith.cmpi ne, %convert_element_type3A_255, %cond3A_256 : i32
      scf.if %cond3A_257 {
        %add3A_258 = arith.constant 4 : i32
        %add3A_259 = arith.addi %add3A_233, %add3A_258 : i32
        %mul3A_260 = arith.constant 8 : i32
        %mul3A_261 = arith.muli %add3A_259, %mul3A_260 : i32
        %dma_start3A_262 = tpu.memref_slice %arg5[%mul3A_261] : memref<256xi32, #tpu.memory_space<vmem>> -> memref<8xi32, #tpu.memory_space<vmem>>
        %dma_start3A_263 = arith.constant 0 : i32
        %dma_start3A_264 = arith.constant 0 : i32
        %dma_start3A_265 = tpu.memref_slice %arg3[%dma_start3A_263, %dma_start3A_264] : memref<8192x1024xf32, #tpu.memory_space<hbm>> -> memref<8192x1024xf32, #tpu.memory_space<hbm>>
        tpu.enqueue_indirect_dma source(%dma_start3A_265 : memref<8192x1024xf32, #tpu.memory_space<hbm>>) target(%arg9 : memref<8x1024xf32, #tpu.memory_space<vmem>>) offsets(%dma_start3A_262 : memref<8xi32, #tpu.memory_space<vmem>>) semaphore(%arg17 : memref<!tpu.dma_semaphore, #tpu.memory_space<semaphore_mem>>)
      } else {
      }
    }
    %scan3A_25 = arith.constant 4 : i32
    %dma_wait3A = arith.constant 0 : i32
    %dma_wait3A_26 = arith.constant 0 : i32
    %dma_wait3A_27 = tpu.memref_slice %arg4[%dma_wait3A, %dma_wait3A_26] : memref<8192x1024xf32, #tpu.memory_space<hbm>> -> memref<8x1024xf32, #tpu.memory_space<hbm>>
    %dma_wait3A_28 = arith.constant 0 : i32
    %dma_wait3A_29 = arith.constant 0 : i32
    %dma_wait3A_30 = tpu.memref_slice %arg4[%dma_wait3A_28, %dma_wait3A_29] : memref<8192x1024xf32, #tpu.memory_space<hbm>> -> memref<8x1024xf32, #tpu.memory_space<hbm>>
    tpu.wait_dma2 semaphore(%arg26 : memref<!tpu.dma_semaphore, #tpu.memory_space<semaphore_mem>>) src(%arg10 : memref<8x1024xf32, #tpu.memory_space<vmem>>) dst(%dma_wait3A_30 : memref<8x1024xf32, #tpu.memory_space<hbm>>)
    %dma_wait3A_31 = arith.constant 0 : i32
    %dma_wait3A_32 = arith.constant 0 : i32
    %dma_wait3A_33 = tpu.memref_slice %arg4[%dma_wait3A_31, %dma_wait3A_32] : memref<8192x1024xf32, #tpu.memory_space<hbm>> -> memref<8x1024xf32, #tpu.memory_space<hbm>>
    %dma_wait3A_34 = arith.constant 0 : i32
    %dma_wait3A_35 = arith.constant 0 : i32
    %dma_wait3A_36 = tpu.memref_slice %arg4[%dma_wait3A_34, %dma_wait3A_35] : memref<8192x1024xf32, #tpu.memory_space<hbm>> -> memref<8x1024xf32, #tpu.memory_space<hbm>>
    tpu.wait_dma2 semaphore(%arg27 : memref<!tpu.dma_semaphore, #tpu.memory_space<semaphore_mem>>) src(%arg11 : memref<8x1024xf32, #tpu.memory_space<vmem>>) dst(%dma_wait3A_36 : memref<8x1024xf32, #tpu.memory_space<hbm>>)
    %dma_wait3A_37 = arith.constant 0 : i32
    %dma_wait3A_38 = arith.constant 0 : i32
    %dma_wait3A_39 = tpu.memref_slice %arg4[%dma_wait3A_37, %dma_wait3A_38] : memref<8192x1024xf32, #tpu.memory_space<hbm>> -> memref<8x1024xf32, #tpu.memory_space<hbm>>
    %dma_wait3A_40 = arith.constant 0 : i32
    %dma_wait3A_41 = arith.constant 0 : i32
    %dma_wait3A_42 = tpu.memref_slice %arg4[%dma_wait3A_40, %dma_wait3A_41] : memref<8192x1024xf32, #tpu.memory_space<hbm>> -> memref<8x1024xf32, #tpu.memory_space<hbm>>
    tpu.wait_dma2 semaphore(%arg28 : memref<!tpu.dma_semaphore, #tpu.memory_space<semaphore_mem>>) src(%arg12 : memref<8x1024xf32, #tpu.memory_space<vmem>>) dst(%dma_wait3A_42 : memref<8x1024xf32, #tpu.memory_space<hbm>>)
    %dma_wait3A_43 = arith.constant 0 : i32
    %dma_wait3A_44 = arith.constant 0 : i32
    %dma_wait3A_45 = tpu.memref_slice %arg4[%dma_wait3A_43, %dma_wait3A_44] : memref<8192x1024xf32, #tpu.memory_space<hbm>> -> memref<8x1024xf32, #tpu.memory_space<hbm>>
    %dma_wait3A_46 = arith.constant 0 : i32
    %dma_wait3A_47 = arith.constant 0 : i32
    %dma_wait3A_48 = tpu.memref_slice %arg4[%dma_wait3A_46, %dma_wait3A_47] : memref<8192x1024xf32, #tpu.memory_space<hbm>> -> memref<8x1024xf32, #tpu.memory_space<hbm>>
    tpu.wait_dma2 semaphore(%arg29 : memref<!tpu.dma_semaphore, #tpu.memory_space<semaphore_mem>>) src(%arg13 : memref<8x1024xf32, #tpu.memory_space<vmem>>) dst(%dma_wait3A_48 : memref<8x1024xf32, #tpu.memory_space<hbm>>)
    return
  }
}

module attributes {stable_mosaic.version = 14 : i64} {
  func.func @add_body(%arg0: i32, %arg1: memref<256x1024xf32, #tpu.memory_space<vmem>>, %arg2: memref<256x1024xf32, #tpu.memory_space<vmem>>, %arg3: memref<256x1024xf32, #tpu.memory_space<vmem>>) attributes {dimension_semantics = [#tpu.dimension_semantics<arbitrary>], iteration_bounds = array<i64: 32>, scalar_prefetch = 0 : i64, scratch_operands = 0 : i64, tpu.core_type = #tpu.core_type<tc>, window_params = [{transform_indices = @transform_0, window_bounds = array<i64: 256, 1024>}, {transform_indices = @transform_1, window_bounds = array<i64: 256, 1024>}, {transform_indices = @transform_2, window_bounds = array<i64: 256, 1024>}]} {
    %get3A = arith.constant 0 : index
    %get3A_0 = arith.constant 0 : index
    %get3A_1 = vector.load %arg1[%get3A, %get3A_0] : memref<256x1024xf32, #tpu.memory_space<vmem>>, vector<256x1024xf32>
    %get3A_2 = arith.constant 0 : index
    %get3A_3 = arith.constant 0 : index
    %get3A_4 = vector.load %arg2[%get3A_2, %get3A_3] : memref<256x1024xf32, #tpu.memory_space<vmem>>, vector<256x1024xf32>
    %add3A = arith.addf %get3A_1, %get3A_4 : vector<256x1024xf32>
    %swap3A = arith.constant 0 : index
    %swap3A_5 = arith.constant 0 : index
    %swap3A_6 = vector.load %arg3[%swap3A, %swap3A_5] : memref<256x1024xf32, #tpu.memory_space<vmem>>, vector<256x1024xf32>
    tpu.vector_store %arg3[%swap3A, %swap3A_5], %add3A {strides = array<i32>} : memref<256x1024xf32, #tpu.memory_space<vmem>>, vector<256x1024xf32>,
    return
  }
  func.func @transform_0(%arg0: i32) -> (i32, i32) {
    %add3A = arith.constant 0 : i32
    %add3A_0 = arith.addi %arg0, %add3A : i32
    %c0_i32 = arith.constant 0 : i32
    %c0_i32_1 = arith.constant 0 : i32
    return %add3A_0, %c0_i32 : i32, i32
  }
  func.func @transform_1(%arg0: i32) -> (i32, i32) {
    %c0_i32 = arith.constant 0 : i32
    %c0_i32_0 = arith.constant 0 : i32
    return %arg0, %c0_i32 : i32, i32
  }
  func.func @transform_2(%arg0: i32) -> (i32, i32) {
    %add3A = arith.constant 0 : i32
    %add3A_0 = arith.addi %arg0, %add3A : i32
    %c0_i32 = arith.constant 0 : i32
    %c0_i32_1 = arith.constant 0 : i32
    return %add3A_0, %c0_i32 : i32, i32
  }
}

module attributes {stable_mosaic.version = 14 : i64} {
  func.func @add_body_acc(%arg0: i32, %arg1: memref<32768x1024xf32, #tpu.memory_space<any>>, %arg2: memref<256x1024xf32, #tpu.memory_space<vmem>>, %arg3: memref<256x1024xf32, #tpu.memory_space<vmem>>, %arg4: memref<256x1024xf32, #tpu.memory_space<vmem>>) attributes {dimension_semantics = [#tpu.dimension_semantics<arbitrary>], iteration_bounds = array<i64: 32>, scalar_prefetch = 0 : i64, scratch_operands = 0 : i64, tpu.core_type = #tpu.core_type<tc>, window_params = [{}, {transform_indices = @transform_1, window_bounds = array<i64: 256, 1024>}, {transform_indices = @transform_2, window_bounds = array<i64: 256, 1024>}, {transform_indices = @transform_3, window_bounds = array<i64: 256, 1024>}]} {
    %get3A = arith.constant 0 : index
    %get3A_0 = arith.constant 0 : index
    %get3A_1 = vector.load %arg2[%get3A, %get3A_0] : memref<256x1024xf32, #tpu.memory_space<vmem>>, vector<256x1024xf32>
    %get3A_2 = arith.constant 0 : index
    %get3A_3 = arith.constant 0 : index
    %get3A_4 = vector.load %arg3[%get3A_2, %get3A_3] : memref<256x1024xf32, #tpu.memory_space<vmem>>, vector<256x1024xf32>
    %add3A = arith.addf %get3A_1, %get3A_4 : vector<256x1024xf32>
    %swap3A = arith.constant 0 : index
    %swap3A_5 = arith.constant 0 : index
    %swap3A_6 = vector.load %arg4[%swap3A, %swap3A_5] : memref<256x1024xf32, #tpu.memory_space<vmem>>, vector<256x1024xf32>
    tpu.vector_store %arg4[%swap3A, %swap3A_5], %add3A {strides = array<i32>} : memref<256x1024xf32, #tpu.memory_space<vmem>>, vector<256x1024xf32>,
    return
  }
  func.func @transform_1(%arg0: i32) -> (i32, i32) {
    %add3A = arith.constant 32 : i32
    %add3A_0 = arith.addi %arg0, %add3A : i32
    %c0_i32 = arith.constant 0 : i32
    %c0_i32_1 = arith.constant 0 : i32
    return %add3A_0, %c0_i32 : i32, i32
  }
  func.func @transform_2(%arg0: i32) -> (i32, i32) {
    %c0_i32 = arith.constant 0 : i32
    %c0_i32_0 = arith.constant 0 : i32
    return %arg0, %c0_i32 : i32, i32
  }
  func.func @transform_3(%arg0: i32) -> (i32, i32) {
    %add3A = arith.constant 32 : i32
    %add3A_0 = arith.addi %arg0, %add3A : i32
    %c0_i32 = arith.constant 0 : i32
    %c0_i32_1 = arith.constant 0 : i32
    return %add3A_0, %c0_i32 : i32, i32
  }
}

module attributes {stable_mosaic.version = 14 : i64} {
  func.func @add_body_acc(%arg0: i32, %arg1: memref<32768x1024xf32, #tpu.memory_space<any>>, %arg2: memref<256x1024xf32, #tpu.memory_space<vmem>>, %arg3: memref<256x1024xf32, #tpu.memory_space<vmem>>, %arg4: memref<256x1024xf32, #tpu.memory_space<vmem>>) attributes {dimension_semantics = [#tpu.dimension_semantics<arbitrary>], iteration_bounds = array<i64: 32>, scalar_prefetch = 0 : i64, scratch_operands = 0 : i64, tpu.core_type = #tpu.core_type<tc>, window_params = [{}, {transform_indices = @transform_1, window_bounds = array<i64: 256, 1024>}, {transform_indices = @transform_2, window_bounds = array<i64: 256, 1024>}, {transform_indices = @transform_3, window_bounds = array<i64: 256, 1024>}]} {
    %get3A = arith.constant 0 : index
    %get3A_0 = arith.constant 0 : index
    %get3A_1 = vector.load %arg2[%get3A, %get3A_0] : memref<256x1024xf32, #tpu.memory_space<vmem>>, vector<256x1024xf32>
    %get3A_2 = arith.constant 0 : index
    %get3A_3 = arith.constant 0 : index
    %get3A_4 = vector.load %arg3[%get3A_2, %get3A_3] : memref<256x1024xf32, #tpu.memory_space<vmem>>, vector<256x1024xf32>
    %add3A = arith.addf %get3A_1, %get3A_4 : vector<256x1024xf32>
    %swap3A = arith.constant 0 : index
    %swap3A_5 = arith.constant 0 : index
    %swap3A_6 = vector.load %arg4[%swap3A, %swap3A_5] : memref<256x1024xf32, #tpu.memory_space<vmem>>, vector<256x1024xf32>
    tpu.vector_store %arg4[%swap3A, %swap3A_5], %add3A {strides = array<i32>} : memref<256x1024xf32, #tpu.memory_space<vmem>>, vector<256x1024xf32>,
    return
  }
  func.func @transform_1(%arg0: i32) -> (i32, i32) {
    %add3A = arith.constant 64 : i32
    %add3A_0 = arith.addi %arg0, %add3A : i32
    %c0_i32 = arith.constant 0 : i32
    %c0_i32_1 = arith.constant 0 : i32
    return %add3A_0, %c0_i32 : i32, i32
  }
  func.func @transform_2(%arg0: i32) -> (i32, i32) {
    %c0_i32 = arith.constant 0 : i32
    %c0_i32_0 = arith.constant 0 : i32
    return %arg0, %c0_i32 : i32, i32
  }
  func.func @transform_3(%arg0: i32) -> (i32, i32) {
    %add3A = arith.constant 64 : i32
    %add3A_0 = arith.addi %arg0, %add3A : i32
    %c0_i32 = arith.constant 0 : i32
    %c0_i32_1 = arith.constant 0 : i32
    return %add3A_0, %c0_i32 : i32, i32
  }
}

module attributes {stable_mosaic.version = 14 : i64} {
  func.func @add_body_acc(%arg0: i32, %arg1: memref<32768x1024xf32, #tpu.memory_space<any>>, %arg2: memref<256x1024xf32, #tpu.memory_space<vmem>>, %arg3: memref<256x1024xf32, #tpu.memory_space<vmem>>, %arg4: memref<256x1024xf32, #tpu.memory_space<vmem>>) attributes {dimension_semantics = [#tpu.dimension_semantics<arbitrary>], iteration_bounds = array<i64: 32>, scalar_prefetch = 0 : i64, scratch_operands = 0 : i64, tpu.core_type = #tpu.core_type<tc>, window_params = [{}, {transform_indices = @transform_1, window_bounds = array<i64: 256, 1024>}, {transform_indices = @transform_2, window_bounds = array<i64: 256, 1024>}, {transform_indices = @transform_3, window_bounds = array<i64: 256, 1024>}]} {
    %get3A = arith.constant 0 : index
    %get3A_0 = arith.constant 0 : index
    %get3A_1 = vector.load %arg2[%get3A, %get3A_0] : memref<256x1024xf32, #tpu.memory_space<vmem>>, vector<256x1024xf32>
    %get3A_2 = arith.constant 0 : index
    %get3A_3 = arith.constant 0 : index
    %get3A_4 = vector.load %arg3[%get3A_2, %get3A_3] : memref<256x1024xf32, #tpu.memory_space<vmem>>, vector<256x1024xf32>
    %add3A = arith.addf %get3A_1, %get3A_4 : vector<256x1024xf32>
    %swap3A = arith.constant 0 : index
    %swap3A_5 = arith.constant 0 : index
    %swap3A_6 = vector.load %arg4[%swap3A, %swap3A_5] : memref<256x1024xf32, #tpu.memory_space<vmem>>, vector<256x1024xf32>
    tpu.vector_store %arg4[%swap3A, %swap3A_5], %add3A {strides = array<i32>} : memref<256x1024xf32, #tpu.memory_space<vmem>>, vector<256x1024xf32>,
    return
  }
  func.func @transform_1(%arg0: i32) -> (i32, i32) {
    %add3A = arith.constant 96 : i32
    %add3A_0 = arith.addi %arg0, %add3A : i32
    %c0_i32 = arith.constant 0 : i32
    %c0_i32_1 = arith.constant 0 : i32
    return %add3A_0, %c0_i32 : i32, i32
  }
  func.func @transform_2(%arg0: i32) -> (i32, i32) {
    %c0_i32 = arith.constant 0 : i32
    %c0_i32_0 = arith.constant 0 : i32
    return %arg0, %c0_i32 : i32, i32
  }
  func.func @transform_3(%arg0: i32) -> (i32, i32) {
    %add3A = arith.constant 96 : i32
    %add3A_0 = arith.addi %arg0, %add3A : i32
    %c0_i32 = arith.constant 0 : i32
    %c0_i32_1 = arith.constant 0 : i32
    return %add3A_0, %c0_i32 : i32, i32
  }
}

</mosaic_0001>

<sc_bundles>
// kernel: kernel.10.cloned.1.call-start
scs
__scs_entry_jumppad:
0x0: {  	(pc) =	sbr.rel $0x88, $3  }
0x1: {  	(tag) =	ssettag $0x0;
	lr =	simm.s32 $0x1  }
0x2: {  	[smem:$0x3F9E] =	sst lr;
	_ =	strace $0xD0000000  }
0x3: {  	_ = 	snop  }
0x4: {  	_ = 	snop  }
0x5: {  	_ = 	snop  }
0x6: {  	_ = 	snop  }
0x7: {  	_ = 	snop  }
__scs_overlays_trampoline_lowered:
0x8: {  	[smem:$0x3FAD] =	sst s0  }
0x9: {  	[smem:$0x3FAE] =	sst s1  }
0xa: {  	[smem:$0x3FAF] =	sst s2  }
0xb: {  	[smem:$0x3FB0] =	sst s3  }
0xc: {  	[smem:$0x3FB1] =	sst s4  }
0xd: {  	[smem:$0x3FB2] =	sst s5  }
0xe: {  	[smem:$0x3FB3] =	sst s6  }
0xf: {  	[smem:$0x3FB4] =	sst s7  }
0x10: {  	[smem:$0x3FB5] =	sst s8  }
0x11: {  	[smem:$0x3FB6] =	sst s9;
	s0 =	simm.s32 @!p0 $0x0  }
0x12: {  	s1 =	sld [smem:$0x3F9C];
	s0 =	simm.s32 @p0 $0x1  }
0x13: {  	[smem:$0x3FB7] =	sst s0;
	s0 =	simm.s32 @!p1 $0x0  }
0x14: {  	s2 =	sld [smem:$0x3F9B];
	s0 =	simm.s32 @p1 $0x1  }
0x15: {  	[smem:$0x3FB8] =	sst s0;
	s0 =	simm.s32 @!p2 $0x0  }
0x16: {  	s3 =	sld [smem:$0x3FDB];
	s0 =	simm.s32 @p2 $0x1  }
0x17: {  	s4 =	simm.s32 $0x1BF5;
	[smem:$0x3FBA] =	sst s0  }
0x18: {  	s0 =	sld [smem:$0x3F9D];
	_ =	swait.ge [sflag:s4], $0x0  }
0x19: {  	s7 =	sld [smem:$0x3F9E]  }
0x1a: {  	s8 =	sadd.s32 $0xFFFFE003, lr  }
0x1b: {  	s9 =	sadd.s32 $0xFFFFFEF7, lr;
	s5 =	simm.s32 $0xFFFFFFFF;
	p2 =	slt.u32 s8, $0xFFFFF086  }
0x1c: {  	p1 =	slt.u32 s9, $0xF7A;
	s5 =	simm.s32 @!p2 $0x0  }
0x1d: {  	s5 =	simm.s32 @p1 $0x1;
	p0 =	seq.s32 s7, s2  }
0x1e: {  	s7 =	smul.u32 @!p0 $0xF7A, s2;
	p2 =	seq.s32 @!p0 s5, $0x0  }
0x1f: {  	s9 =	smul.u32 $0xF7A, s1;
	s8 =	simm.s32 @!p0 $0x1BF5;
	p2 =	por !p2, p0  }
0x20: {  	[sflag:s8] =	ssyncset.s32 @!p0 $0xFFFFF086;
	s6 =	sadd.s32 @!p0 s3, s7;
	s7 =	simm.s32 @!p0 $0x108  }
0x21: {  	s3 =	sadd.s32 s3, s9;
	s6 =	sadd.s32 @!p0 $0x88, s6;
	s7 =	simm.s32 @p2 $0x1082  }
0x22: {  	[simem:s7], [sflag:s8] =	dma.local @!p0 [hbm:s6], $0xF7A  }
0x23: {  	s9 =	sor.u32 $0xD0000000, s2;
	s6 =	simm.s32 $0x108;
	_ =	swait.ge @!p0 [sflag:s8], $0x0  }
0x24: {  	s3 =	sadd.s32 $0x88, s3;
	s6 =	simm.s32 @!p1 $0x1082;
	[sflag:s4] =	ssyncset.s32 $0xFFFFF086  }
0x25: {  	[simem:s6], [sflag:s4] =	dma.local [hbm:s3], $0xF7A  }
0x26: {  	[smem:$0x3F9E] =	sst s1;
	(tag) =	ssettag s2;
	_ =	strace s9  }
0x27: {  	s1 =	sld [smem:$0x3FAE]  }
0x28: {  	s2 =	sld [smem:$0x3FAF]  }
0x29: {  	s4 =	sld [smem:$0x3FB1]  }
0x2a: {  	p0 =	seq.s32 s5, $0x0;
	s5 =	sld [smem:$0x3FB2]  }
0x2b: {  	s6 =	sld [smem:$0x3FB3]  }
0x2c: {  	s7 =	sld [smem:$0x3FB4]  }
0x2d: {  	s3 =	simm.s32 $0x108;
	s8 =	sld [smem:$0x3FB5]  }
0x2e: {  	s3 =	simm.s32 @!p0 $0x1082;
	s9 =	sld [smem:$0x3FB6]  }
0x2f: {  	lr =	sadd.s32 s0, s3;
	s0 =	sld [smem:$0x3FAD]  }
0x30: {  	s3 =	sld [smem:$0x3FB0]  }
0x31: {  	[smem:$0x3FB9] =	sst s10  }
0x32: {  	s10 =	sld [smem:$0x3FB7];
	_ =	sdelay $0x3  }
0x33: {  	p0 =	seq.s32 s10, $0x1;
	s10 =	sld [smem:$0x3FB9];
	_ =	sdelay $0x3  }
0x34: {  	[smem:$0x3FB9] =	sst s10  }
0x35: {  	s10 =	sld [smem:$0x3FB8];
	_ =	sdelay $0x3  }
0x36: {  	p1 =	seq.s32 s10, $0x1;
	s10 =	sld [smem:$0x3FB9];
	_ =	sdelay $0x3  }
0x37: {  	[smem:$0x3FB9] =	sst s10  }
0x38: {  	s10 =	sld [smem:$0x3FBA]  }
0x39: {  	_ = 	snop;
	(pc) =	sbr.ind lr, $3  }
0x3a: {  	_ = 	snop  }
0x3b: {  	_ = 	snop  }
0x3c: {  	p2 =	seq.s32 s10, $0x1;
	s10 =	sld [smem:$0x3FB9]  }
0x3d: {  	_ =	shalt  }
0x3e: {  	_ =	shalt  }
0x3f: {  	_ =	shalt  }
0x40: {  	_ =	shalt  }
0x41: {  	_ =	shalt  }
0x42: {  	_ =	shalt  }
0x43: {  	_ =	shalt  }
0x44: {  	_ =	shalt  }
0x45: {  	_ =	shalt  }
0x46: {  	_ =	shalt  }
0x47: {  	_ =	shalt  }
0x48: {  	_ =	shalt  }
0x49: {  	_ =	shalt  }
0x4a: {  	_ =	shalt  }
0x4b: {  	_ =	shalt  }
0x4c: {  	_ =	shalt  }
0x4d: {  	_ =	shalt  }
0x4e: {  	_ =	shalt  }
0x4f: {  	_ =	shalt  }
0x50: {  	_ =	shalt  }
0x51: {  	_ =	shalt  }
0x52: {  	_ =	shalt  }
0x53: {  	_ =	shalt  }
0x54: {  	_ =	shalt  }
0x55: {  	_ =	shalt  }
0x56: {  	_ =	shalt  }
0x57: {  	_ =	shalt  }
0x58: {  	_ =	shalt  }
0x59: {  	_ =	shalt  }
0x5a: {  	_ =	shalt  }
0x5b: {  	_ =	shalt  }
0x5c: {  	_ =	shalt  }
0x5d: {  	_ =	shalt  }
0x5e: {  	_ =	shalt  }
0x5f: {  	_ =	shalt  }
0x60: {  	_ =	shalt  }
0x61: {  	_ =	shalt  }
0x62: {  	_ =	shalt  }
0x63: {  	_ =	shalt  }
0x64: {  	_ =	shalt  }
0x65: {  	_ =	shalt  }
0x66: {  	_ =	shalt  }
0x67: {  	_ =	shalt  }
0x68: {  	_ =	shalt  }
0x69: {  	_ =	shalt  }
0x6a: {  	_ =	shalt  }
0x6b: {  	_ =	shalt  }
0x6c: {  	_ =	shalt  }
0x6d: {  	_ =	shalt  }
0x6e: {  	_ =	shalt  }
0x6f: {  	_ =	shalt  }
0x70: {  	_ =	shalt  }
0x71: {  	_ =	shalt  }
0x72: {  	_ =	shalt  }
0x73: {  	_ =	shalt  }
0x74: {  	_ =	shalt  }
0x75: {  	_ =	shalt  }
0x76: {  	_ =	shalt  }
0x77: {  	_ =	shalt  }
0x78: {  	_ =	shalt  }
0x79: {  	_ =	shalt  }
0x7a: {  	_ =	shalt  }
0x7b: {  	_ =	shalt  }
0x7c: {  	_ =	shalt  }
0x7d: {  	_ =	shalt  }
0x7e: {  	_ =	shalt  }
0x7f: {  	_ =	shalt  }
0x80: {  	_ =	shalt  }
0x81: {  	_ =	shalt  }
0x82: {  	_ =	shalt  }
0x83: {  	_ =	shalt  }
0x84: {  	_ =	shalt  }
0x85: {  	_ =	shalt  }
0x86: {  	_ =	shalt  }
0x87: {  	_ =	shalt  }
.Lfunc_end0:
.L_simem_size_0:
called_computation_lowered:
.L_overlay_start_0:
0x88: {  	s2 =	sld [smem:$0x3FD9]  }
0x89: {  	s3 =	sld [smem:$0x3FFE];
	_ =	sdelay $0x1  }
0x8a: {  	s1 =	srdreg.scid  }
0x8b: {  	s0 =	sand.u32 $0x1, s1  }
0x8c: {  	s17 =	sshll.u32 s0, $0xA;
	s2 =	sadd.s32 s3, s2  }
0x8d: {  	s2 =	sadd.s32 s2, s17  }
0x8e: {  	[smem:$0x3FC5] =	sst s2  }
0x8f: {  	_ = 	snop  }
0x90: {  	s2 =	sld [smem:$0x3FC7]  }
0x91: {  	s18 =	sld [smem:$0x3FD0];
	(tm) =	ssettm $0x1  }
0x92: {  	s4 =	sld [smem:$0x3FFB];
	_ =	sdelay $0x3  }
0x93: {  	_ =	strace s4  }
0x94: {  	s4 =	sld [smem:$0x3FFC];
	_ =	sdelay $0x3  }
0x95: {  	_ =	strace s4  }
0x96: {  	s4 =	sld [smem:$0x3FFD];
	_ =	sdelay $0x3  }
0x97: {  	_ =	strace s4  }
0x98: {  	_ =	strace $0x8FFFFFFF  }
0x99: {  	s19 =	sld [smem:$0x3FDB];
	_ =	sdelay $0x1  }
0x9a: {  	s5 =	simm.s32 $_scs_section_size  }
0x9b: {  	s6 =	simm.s32 $_size__tile_overlayer_lowered;
	s7 =	simm.s32 $_tile_overlayer_lowered  }
0x9c: {  	s22 =	simm.s32 $0x1BFF;
	s21 =	sshll.u32 s7, $0x1;
	s4 =	sadd.s32 s5, s19  }
0x9d: {  	s8 =	simm.s32 $0x0;
	s20 =	sshll.u32 s6, $0x1;
	s6 =	sadd.s32 s21, s4  }
0x9e: {  	[timem:s8], [sflag:s22] =	dma.local [hbm:s6], s20  }
0x9f: {  	_ =	swait.ge [sflag:s22], s20  }
0xa0: {  	s5 =	ssub.s32 $0x0, s20;
	[sflag:s22] =	ssyncset.done $0x0  }
0xa1: {  	[sflag:s22] =	ssyncadd.s32 s5;
	_ =	sdelay $0x1  }
0xa2: {  	s23 =	simm.s32 $0x1B8B  }
0xa3: {  	_ =	swait.ge [sflag:s23], $0x1  }
0xa4: {  	[sflag:s23] =	ssyncset.done $0x0  }
0xa5: {  	s25 =	simm.s32 $0x1B8E;
	s24 =	sld [smem:$0x3FFE];
	[sflag:s23] =	ssyncadd.s32 $0xFFFFFFFF  }
0xa6: {  	s26 =	simm.s32 $execute0_lowered;
	[smem:$0x3FD2] =	sst s25  }
0xa7: {  	s6 =	sshll.u32 s26, $0x1;
	_ =	strace $0x80000046;
	[dreg:$0x1] =	wrdreg $0xFFFFFFFF  }
0xa8: {  	s28 =	simm.s32 $_size_execute0_lowered;
	s4 =	sadd.s32 s4, s6;
	[dreg:$0x0] =	wrdreg $0x0  }
0xa9: {  	s6 =	sshll.u32 s28, $0x1;
	[dreg:$0x2] =	wrdreg s4  }
0xaa: {  	[dreg:$0x3] =	wrdreg s6  }
0xab: {  	[dreg:$0x4] =	wrdreg $0xC0  }
0xac: {  	_ =	task [dreg:s8], $0x5FFFF  }
0xad: {  	[dreg:$0x1] =	wrdreg $0xFFFFFFFF  }
0xae: {  	[dreg:$0x0] =	wrdreg $0x60  }
0xaf: {  	[dreg:$0x2] =	wrdreg s18  }
0xb0: {  	[dreg:$0x3] =	wrdreg s2  }
0xb1: {  	[dreg:$0x4] =	wrdreg s24  }
0xb2: {  	[dreg:$0x5] =	wrdreg $0x9  }
0xb3: {  	_ =	task.clear_ibuf [dreg:s8], $0x6FFFF;
	_ =	strace $0x90000046  }
0xb4: {  	s29 =	simm.s32 $0x9;
	_ =	strace $0x80000048  }
0xb5: {  	_ =	swait.ge [sflag:s29], $0x1  }
0xb6: {  	[sflag:s29] =	ssyncadd.s32 $0xFFFFFFFF  }
0xb7: {  	_ =	strace $0x90000048  }
0xb8: {  	_ =	sfence  }
0xb9: {  	s30 =	sld [smem:$0x0];
	_ =	sdelay $0x2  }
0xba: {  	s31 =	sshll.u32 s1, $0xD;
	s1 =	sshrl.u32 s1, $0x2  }
0xbb: {  	s3 =	sand.u32 $0x4000, s31;
	s1 =	sadd.s32 s1, s30  }
0xbc: {  	s0 =	sor.u32 s3, s0;
	s1 =	sshll.u32 s1, $0x11  }
0xbd: {  	s0 =	sor.u32 s1, s0  }
0xbe: {  	s0 =	sadd.s32 $0x8F2B, s0  }
0xbf: {  	[sflag:s0] =	ssyncadd.remote.s32 $0x1  }
0xc0: {  	_ =	sfence.sel $0xFFFF  }
0xc1: {  	[dreg:$0x0] =	wrdreg $0xFFFFFFFF;
	(pc) =	sbr.abs _section_cstart, $3  }
0xc2: {  	[dreg:$0x1] =	wrdreg $0xFFFFFFFF  }
0xc3: {  	_ =	task.clear_ibuf [dreg:s8], $0x2FFFF;
	_ =	strace $0x9FFFFFFF  }
0xc4: {  	(tm) =	ssettm $0x7FFFFFFF  }
0xc5: {  	_ =	shalt  }
tec
execute0_lowered:
.L_overlay_start_1:
0x0: {  	(tag) =	ssettag $0x1  }
0x1: {  	s0 =	rddreg [dreg:$0x0]  }
0x2: {  	s2 =	rddreg [dreg:$0x1]  }
0x3: {  	s1 =	rddreg [dreg:$0x2]  }
0x4: {  	s3 =	srdreg.scid;
	s10 =	stileid.u32;
	s28 =	simm.s32 $0x6100  }
0x5: {  	s20 =	simm.s32 $0x2;
	s29 =	simm.s32 $0x4;
	s19 =	simm.s32 $0xE100  }
0x6: {  	s16 =	simm.s32 $0x5;
	s17 =	simm.s32 $0x9;
	s18 =	simm.s32 $0x6  }
0x7: {  	s14 =	simm.s32 $0xC;
	s4 =	sand.u32 $0x1, s3;
	s3 =	simm.s32 $0x0  }
0x8: {  	s5 =	sshll.u32 s10, $0x9;
	s1 =	sadd.s32 $0x1400, s1;
	s24 =	sshll.u32 s10, $0x10  }
0x9: {  	s6 =	sshll.u32 s4, $0x8;
	[smem:$0x7FF] =	sst s3;
	s7 =	ssub.s32 $0x2, s4  }
0xa: {  	s26 =	sadd.s32 s24, s1;
	s30 =	sshll.u32 s4, $0xF;
	s4 =	simm.s32 $0xC100  }
0xb: {  	s24 =	simm.s32 $0x7;
	s8 =	sor.u32 s6, s5;
	_ =	strace $0x80000047  }
0xc: {  	s21 =	sshrl.u32 s7, $0x1;
	s5 =	sadd.s32 $0x100, s2;
	s11 =	sadd.s32 s30, s26  }
0xd: {  	s26 =	simm.s32 $0x3;
	s6 =	sshrl.u32 s8, $0x3;
	s9 =	ssub.s32 s7, s21  }
0xe: {  	s7 =	sadd.s32 $0x300, s2;
	s23 =	sshll.u32 s8, $0x7;
	s21 =	simm.s32 $0xA100  }
0xf: {  	s8 =	simm.s32 $0x8;
	s0 =	sadd.s32 s0, s6;
	s6 =	sadd.s32 $0x200, s2  }
.Ltmp0:
0x10: {  	s22 =	smax.u32 s9, $0x1;
	s25 =	sadd.s32 s23, s1;
	(pc) =	sbr.rel .LBB2_1-.Ltmp0, $4  }
0x11: {  	s1 =	simm.s32 $0x8100;
	s23 =	simm.s32 $0x0;
	[dreg:$0x4] =	wrdreg s0  }
0x12: {  	v0 =	vlaneseq.u32;
	[dreg:$0x5] =	wrdreg s22;
	s31 =	sadd.s32 $0x1000, s25;
	s12 =	sadd.s32 $0x1800, s25  }
0x13: {  	v1 =	vshrl.u32 v0, $0x3;
	s10 =	smov.u32 s25;
	s13 =	sadd.s32 $0x800, s25;
	s0 =	simm.s32 $0x1  }
0x14: {  	vm0 =	vmmov $0xffff;
	v0 =	vand.u32 $0x7, v0;
	v1 =	vmul.u32 $0x8, v1;
	s22 =	simm.s32 $0xA;
	s25 =	simm.s32 $0xB;
	[dreg:$0x6] =	wrdreg s31  }
.LBB2_4:
0x15: {  	s9 =	simm.s32 $0xD  }
0x16: {  	_ =	swait.ge [sflag:s9], $0x2000  }
0x17: {  	[sflag:s9] =	ssyncset.done $0x0  }
0x18: {  	s23 =	simm.s32 $0xE;
	[sflag:s9] =	ssyncadd.s32 $0xFFFFE000  }
0x19: {  	_ =	swait.ge [sflag:s23], $0x2000  }
0x1a: {  	[sflag:s23] =	ssyncset.done $0x0  }
0x1b: {  	s30 =	simm.s32 $0xF;
	[sflag:s23] =	ssyncadd.s32 $0xFFFFE000  }
0x1c: {  	_ =	swait.ge [sflag:s30], $0x2000  }
0x1d: {  	[sflag:s30] =	ssyncset.done $0x0  }
0x1e: {  	s15 =	simm.s32 $0x10;
	[sflag:s30] =	ssyncadd.s32 $0xFFFFE000  }
0x1f: {  	_ =	swait.ge [sflag:s15], $0x2000  }
0x20: {  	s23 =	rddreg [dreg:$0x7]  }
0x21: {  	s31 =	rddreg [dreg:$0x5];
	s23 =	sadd.s32 $0x1, s23  }
0x22: {  	p0 =	sne.s32 s23, s31  }
.Ltmp1:
0x23: {  	_ = 	snop;
	(pc) =	sbr.rel @!p0 .LBB2_5-.Ltmp1, $3  }
0x24: {  	_ =	sdelay $0x1  }
0x25: {  	[sflag:s15] =	ssyncset.done $0x0  }
0x26: {  	[sflag:s15] =	ssyncadd.s32 $0xFFFFE000  }
.LBB2_1:
0x27: {  	[dreg:$0x7] =	wrdreg s23  }
0x28: {  	s9 =	rddreg [dreg:$0x4];
	s31 =	simm.s32 $0x11  }
0x29: {  	[tilespmem:s3], [sflag:$0x11] =	stream.linear.gather [hbm4b:s9+s3], $0x100, $0x38;
	[tilespmem:$0x10100] =	vst v63  }
0x2a: {  	_ =	swait.ge [sflag:s31], $0x100  }
0x2b: {  	[sflag:s31] =	ssyncset.done $0x0  }
0x2c: {  	[sflag:s31] =	ssyncadd.s32 $0xFFFFFF00  }
0x2d: {  	v2 =	vld.msk [tilespmem:$0x0], $0xff;
	_ =	sdelay $0x4  }
0x2e: {  	v3 =	vshll.u32 v2, $0x3  }
0x2f: {  	v2 =	vand.u32 $0x7, v2;
	v3 =	vand.u32 $0xFFFFFFC0, v3  }
0x30: {  	v2 =	vor.u32 v2, v3  }
0x31: {  	v2 =	vperm.xlane v2, v0;
	_ =	sdelay $0x1  }
0x32: {  	v2 =	vadd.s32 v1, v2;
	_ =	sdelay $0x3  }
0x33: {  	s15 =	simm.s32 $0x100  }
0x34: {  	[tilespmem:s15], [sflag:$0x1] =	stream.indirect_vreg.gather [hbm4b:s2+s3], $0x80, v2, vm0, $0xb8;
	[tilespmem:$0x10100] =	vst v63  }
0x35: {  	s23 =	simm.s32 $0x900  }
0x36: {  	[tilespmem:s23], [sflag:$0x1] =	stream.indirect_vreg.gather [hbm4b:s5+s3], $0x80, v2, vm0, $0xb8;
	[tilespmem:$0x10100] =	vst v63  }
0x37: {  	s31 =	simm.s32 $0x1100  }
0x38: {  	[tilespmem:s31], [sflag:$0x1] =	stream.indirect_vreg.gather [hbm4b:s6+s3], $0x80, v2, vm0, $0xb8;
	[tilespmem:$0x10100] =	vst v63  }
0x39: {  	s15 =	simm.s32 $0x1900  }
0x3a: {  	[tilespmem:s15], [sflag:$0x1] =	stream.indirect_vreg.gather [hbm4b:s7+s3], $0x80, v2, vm0, $0xb8;
	[tilespmem:$0x10100] =	vst v63  }
0x3b: {  	v2 =	vld.msk [tilespmem:$0x8], $0xff;
	_ =	sdelay $0x4  }
0x3c: {  	v3 =	vshll.u32 v2, $0x3  }
0x3d: {  	v2 =	vand.u32 $0x7, v2;
	v3 =	vand.u32 $0xFFFFFFC0, v3  }
0x3e: {  	v2 =	vor.u32 v2, v3  }
0x3f: {  	v2 =	vperm.xlane v2, v0;
	_ =	sdelay $0x1  }
0x40: {  	v2 =	vadd.s32 v1, v2;
	_ =	sdelay $0x3  }
0x41: {  	s23 =	simm.s32 $0x2100  }
0x42: {  	[tilespmem:s23], [sflag:$0x2] =	stream.indirect_vreg.gather [hbm4b:s2+s3], $0x80, v2, vm0, $0xb8;
	[tilespmem:$0x10100] =	vst v63  }
0x43: {  	s31 =	simm.s32 $0x2900  }
0x44: {  	[tilespmem:s31], [sflag:$0x2] =	stream.indirect_vreg.gather [hbm4b:s5+s3], $0x80, v2, vm0, $0xb8;
	[tilespmem:$0x10100] =	vst v63  }
0x45: {  	s15 =	simm.s32 $0x3100  }
0x46: {  	[tilespmem:s15], [sflag:$0x2] =	stream.indirect_vreg.gather [hbm4b:s6+s3], $0x80, v2, vm0, $0xb8;
	[tilespmem:$0x10100] =	vst v63  }
0x47: {  	s23 =	simm.s32 $0x3900  }
0x48: {  	[tilespmem:s23], [sflag:$0x2] =	stream.indirect_vreg.gather [hbm4b:s7+s3], $0x80, v2, vm0, $0xb8;
	[tilespmem:$0x10100] =	vst v63  }
0x49: {  	v2 =	vld.msk [tilespmem:$0x10], $0xff;
	_ =	sdelay $0x4  }
0x4a: {  	v3 =	vshll.u32 v2, $0x3  }
0x4b: {  	v2 =	vand.u32 $0x7, v2;
	v3 =	vand.u32 $0xFFFFFFC0, v3  }
0x4c: {  	v2 =	vor.u32 v2, v3  }
0x4d: {  	v2 =	vperm.xlane v2, v0;
	_ =	sdelay $0x1  }
0x4e: {  	v2 =	vadd.s32 v1, v2;
	_ =	sdelay $0x3  }
0x4f: {  	s31 =	simm.s32 $0x4100  }
0x50: {  	[tilespmem:s31], [sflag:$0x3] =	stream.indirect_vreg.gather [hbm4b:s2+s3], $0x80, v2, vm0, $0xb8;
	[tilespmem:$0x10100] =	vst v63  }
0x51: {  	s15 =	simm.s32 $0x4900  }
0x52: {  	[tilespmem:s15], [sflag:$0x3] =	stream.indirect_vreg.gather [hbm4b:s5+s3], $0x80, v2, vm0, $0xb8;
	[tilespmem:$0x10100] =	vst v63  }
0x53: {  	s23 =	simm.s32 $0x5100  }
0x54: {  	[tilespmem:s23], [sflag:$0x3] =	stream.indirect_vreg.gather [hbm4b:s6+s3], $0x80, v2, vm0, $0xb8;
	[tilespmem:$0x10100] =	vst v63  }
0x55: {  	s31 =	simm.s32 $0x5900  }
0x56: {  	[tilespmem:s31], [sflag:$0x3] =	stream.indirect_vreg.gather [hbm4b:s7+s3], $0x80, v2, vm0, $0xb8;
	[tilespmem:$0x10100] =	vst v63  }
0x57: {  	v2 =	vld.msk [tilespmem:$0x18], $0xff;
	_ =	sdelay $0x4  }
0x58: {  	v3 =	vshll.u32 v2, $0x3  }
0x59: {  	v2 =	vand.u32 $0x7, v2;
	v3 =	vand.u32 $0xFFFFFFC0, v3  }
0x5a: {  	v2 =	vor.u32 v2, v3  }
0x5b: {  	v2 =	vperm.xlane v2, v0;
	_ =	sdelay $0x1  }
0x5c: {  	v2 =	vadd.s32 v1, v2;
	_ =	sdelay $0x4  }
0x5d: {  	[tilespmem:s28], [sflag:$0x4] =	stream.indirect_vreg.gather [hbm4b:s2+s3], $0x80, v2, vm0, $0xb8;
	[tilespmem:$0x10100] =	vst v63  }
0x5e: {  	s15 =	simm.s32 $0x6900  }
0x5f: {  	[tilespmem:s15], [sflag:$0x4] =	stream.indirect_vreg.gather [hbm4b:s5+s3], $0x80, v2, vm0, $0xb8;
	[tilespmem:$0x10100] =	vst v63  }
0x60: {  	s23 =	simm.s32 $0x7100  }
0x61: {  	[tilespmem:s23], [sflag:$0x4] =	stream.indirect_vreg.gather [hbm4b:s6+s3], $0x80, v2, vm0, $0xb8;
	[tilespmem:$0x10100] =	vst v63  }
0x62: {  	s30 =	simm.s32 $0x0;
	s31 =	simm.s32 $0x7900;
	s15 =	simm.s32 $0x30  }
0x63: {  	[tilespmem:s31], [sflag:$0x4] =	stream.indirect_vreg.gather [hbm4b:s7+s3], $0x80, v2, vm0, $0xb8;
	[tilespmem:$0x10100] =	vst v63  }
.LBB2_2:
0x64: {  	_ =	swait.ge [sflag:s0], $0x2000  }
0x65: {  	s31 =	sadd.s32 s30, s11;
	[sflag:s0] =	ssyncset.done $0x0  }
0x66: {  	s9 =	simm.s32 $0x100;
	p0 =	seq.s32 s30, $0x0;
	[sflag:s0] =	ssyncadd.s32 $0xFFFFE000  }
0x67: {  	[hbm4b:s31+s3] =	stream.linear.scatter [tilespmem:s9], [sflag:$0x9], $0x2000, $0x38;
	[tilespmem:$0x10100] =	vst v63  }
0x68: {  	s31 =	simm.s32 @!p0 $0xD  }
0x69: {  	_ =	swait.ge @!p0 [sflag:s31], $0x2000  }
0x6a: {  	[sflag:s31] =	ssyncset.done @!p0 $0x0  }
0x6b: {  	[sflag:s31] =	ssyncadd.s32 @!p0 $0xFFFFE000  }
0x6c: {  	v2 =	vld.msk [tilespmem:s15+$0xFFFFFFF0], $0xff;
	_ =	sdelay $0x4  }
0x6d: {  	v3 =	vshll.u32 v2, $0x3  }
0x6e: {  	v2 =	vand.u32 $0x7, v2;
	v3 =	vand.u32 $0xFFFFFFC0, v3  }
0x6f: {  	v2 =	vor.u32 v2, v3  }
0x70: {  	v2 =	vperm.xlane v2, v0;
	_ =	sdelay $0x1  }
0x71: {  	v2 =	vadd.s32 v1, v2;
	_ =	sdelay $0x4  }
0x72: {  	[tilespmem:s1], [sflag:$0x5] =	stream.indirect_vreg.gather [hbm4b:s2+s3], $0x80, v2, vm0, $0xb8;
	[tilespmem:$0x10100] =	vst v63  }
0x73: {  	s31 =	simm.s32 $0x8900  }
0x74: {  	[tilespmem:s31], [sflag:$0x5] =	stream.indirect_vreg.gather [hbm4b:s5+s3], $0x80, v2, vm0, $0xb8;
	[tilespmem:$0x10100] =	vst v63  }
0x75: {  	s23 =	simm.s32 $0x9100  }
0x76: {  	[tilespmem:s23], [sflag:$0x5] =	stream.indirect_vreg.gather [hbm4b:s6+s3], $0x80, v2, vm0, $0xb8;
	[tilespmem:$0x10100] =	vst v63  }
0x77: {  	s31 =	simm.s32 $0x9900  }
0x78: {  	[tilespmem:s31], [sflag:$0x5] =	stream.indirect_vreg.gather [hbm4b:s7+s3], $0x80, v2, vm0, $0xb8;
	[tilespmem:$0x10100] =	vst v63  }
0x79: {  	_ =	swait.ge [sflag:s20], $0x2000  }
0x7a: {  	s31 =	sadd.s32 s30, s10;
	[sflag:s20] =	ssyncset.done $0x0  }
0x7b: {  	s9 =	simm.s32 $0x2100;
	s23 =	sadd.s32 $0x400, s31;
	[sflag:s20] =	ssyncadd.s32 $0xFFFFE000  }
0x7c: {  	[hbm4b:s23+s3] =	stream.linear.scatter [tilespmem:s9], [sflag:$0xA], $0x2000, $0x38;
	[tilespmem:$0x10100] =	vst v63  }
0x7d: {  	s23 =	simm.s32 @!p0 $0xE  }
0x7e: {  	_ =	swait.ge @!p0 [sflag:s23], $0x2000  }
0x7f: {  	[sflag:s23] =	ssyncset.done @!p0 $0x0  }
0x80: {  	[sflag:s23] =	ssyncadd.s32 @!p0 $0xFFFFE000  }
0x81: {  	v2 =	vld.msk [tilespmem:s15+$0xFFFFFFF8], $0xff;
	_ =	sdelay $0x4  }
0x82: {  	v3 =	vshll.u32 v2, $0x3  }
0x83: {  	v2 =	vand.u32 $0x7, v2;
	v3 =	vand.u32 $0xFFFFFFC0, v3  }
0x84: {  	v2 =	vor.u32 v2, v3  }
0x85: {  	v2 =	vperm.xlane v2, v0;
	_ =	sdelay $0x1  }
0x86: {  	v2 =	vadd.s32 v1, v2;
	_ =	sdelay $0x4  }
0x87: {  	[tilespmem:s21], [sflag:$0x6] =	stream.indirect_vreg.gather [hbm4b:s2+s3], $0x80, v2, vm0, $0xb8;
	[tilespmem:$0x10100] =	vst v63  }
0x88: {  	s23 =	simm.s32 $0xA900  }
0x89: {  	[tilespmem:s23], [sflag:$0x6] =	stream.indirect_vreg.gather [hbm4b:s5+s3], $0x80, v2, vm0, $0xb8;
	[tilespmem:$0x10100] =	vst v63  }
0x8a: {  	s23 =	simm.s32 $0xB100  }
0x8b: {  	[tilespmem:s23], [sflag:$0x6] =	stream.indirect_vreg.gather [hbm4b:s6+s3], $0x80, v2, vm0, $0xb8;
	[tilespmem:$0x10100] =	vst v63  }
0x8c: {  	s23 =	simm.s32 $0xB900  }
0x8d: {  	[tilespmem:s23], [sflag:$0x6] =	stream.indirect_vreg.gather [hbm4b:s7+s3], $0x80, v2, vm0, $0xb8;
	[tilespmem:$0x10100] =	vst v63  }
0x8e: {  	_ =	swait.ge [sflag:s26], $0x2000  }
0x8f: {  	[sflag:s26] =	ssyncset.done $0x0  }
0x90: {  	s9 =	simm.s32 $0x4100;
	s23 =	sadd.s32 s30, s13;
	[sflag:s26] =	ssyncadd.s32 $0xFFFFE000  }
0x91: {  	[hbm4b:s23+s3] =	stream.linear.scatter [tilespmem:s9], [sflag:$0xB], $0x2000, $0x38;
	[tilespmem:$0x10100] =	vst v63  }
0x92: {  	s23 =	simm.s32 @!p0 $0xF  }
0x93: {  	_ =	swait.ge @!p0 [sflag:s23], $0x2000  }
0x94: {  	[sflag:s23] =	ssyncset.done @!p0 $0x0  }
0x95: {  	[sflag:s23] =	ssyncadd.s32 @!p0 $0xFFFFE000  }
0x96: {  	v2 =	vld.msk [tilespmem:s15+$0x0], $0xff;
	_ =	sdelay $0x4  }
0x97: {  	v3 =	vshll.u32 v2, $0x3  }
0x98: {  	v2 =	vand.u32 $0x7, v2;
	v3 =	vand.u32 $0xFFFFFFC0, v3  }
0x99: {  	v2 =	vor.u32 v2, v3  }
0x9a: {  	v2 =	vperm.xlane v2, v0;
	_ =	sdelay $0x1  }
0x9b: {  	v2 =	vadd.s32 v1, v2;
	_ =	sdelay $0x4  }
0x9c: {  	[tilespmem:s4], [sflag:$0x7] =	stream.indirect_vreg.gather [hbm4b:s2+s3], $0x80, v2, vm0, $0xb8;
	[tilespmem:$0x10100] =	vst v63  }
0x9d: {  	s23 =	simm.s32 $0xC900  }
0x9e: {  	[tilespmem:s23], [sflag:$0x7] =	stream.indirect_vreg.gather [hbm4b:s5+s3], $0x80, v2, vm0, $0xb8;
	[tilespmem:$0x10100] =	vst v63  }
0x9f: {  	s23 =	simm.s32 $0xD100  }
0xa0: {  	[tilespmem:s23], [sflag:$0x7] =	stream.indirect_vreg.gather [hbm4b:s6+s3], $0x80, v2, vm0, $0xb8;
	[tilespmem:$0x10100] =	vst v63  }
0xa1: {  	s23 =	simm.s32 $0xD900  }
0xa2: {  	[tilespmem:s23], [sflag:$0x7] =	stream.indirect_vreg.gather [hbm4b:s7+s3], $0x80, v2, vm0, $0xb8;
	[tilespmem:$0x10100] =	vst v63  }
0xa3: {  	_ =	swait.ge [sflag:s29], $0x2000  }
0xa4: {  	[sflag:s29] =	ssyncset.done $0x0  }
0xa5: {  	s9 =	sadd.s32 $0xC00, s31;
	s23 =	simm.s32 @!p0 $0x10;
	[sflag:s29] =	ssyncadd.s32 $0xFFFFE000  }
0xa6: {  	[hbm4b:s9+s3] =	stream.linear.scatter [tilespmem:s28], [sflag:$0xC], $0x2000, $0x38;
	[tilespmem:$0x10100] =	vst v63  }
0xa7: {  	_ =	swait.ge @!p0 [sflag:s23], $0x2000  }
0xa8: {  	[sflag:s23] =	ssyncset.done @!p0 $0x0  }
0xa9: {  	[sflag:s23] =	ssyncadd.s32 @!p0 $0xFFFFE000  }
0xaa: {  	v2 =	vld.msk [tilespmem:s15+$0x8], $0xff;
	_ =	sdelay $0x4  }
0xab: {  	v3 =	vshll.u32 v2, $0x3  }
0xac: {  	v2 =	vand.u32 $0x7, v2;
	v3 =	vand.u32 $0xFFFFFFC0, v3  }
0xad: {  	v2 =	vor.u32 v2, v3  }
0xae: {  	v2 =	vperm.xlane v2, v0;
	_ =	sdelay $0x1  }
0xaf: {  	v2 =	vadd.s32 v1, v2;
	_ =	sdelay $0x4  }
0xb0: {  	[tilespmem:s19], [sflag:$0x8] =	stream.indirect_vreg.gather [hbm4b:s2+s3], $0x80, v2, vm0, $0xb8;
	[tilespmem:$0x10100] =	vst v63  }
0xb1: {  	s23 =	simm.s32 $0xE900  }
0xb2: {  	[tilespmem:s23], [sflag:$0x8] =	stream.indirect_vreg.gather [hbm4b:s5+s3], $0x80, v2, vm0, $0xb8;
	[tilespmem:$0x10100] =	vst v63  }
0xb3: {  	s23 =	simm.s32 $0xF100  }
0xb4: {  	[tilespmem:s23], [sflag:$0x8] =	stream.indirect_vreg.gather [hbm4b:s6+s3], $0x80, v2, vm0, $0xb8;
	[tilespmem:$0x10100] =	vst v63  }
0xb5: {  	s23 =	simm.s32 $0xF900  }
0xb6: {  	[tilespmem:s23], [sflag:$0x8] =	stream.indirect_vreg.gather [hbm4b:s7+s3], $0x80, v2, vm0, $0xb8;
	[tilespmem:$0x10100] =	vst v63  }
0xb7: {  	_ =	swait.ge [sflag:s16], $0x2000  }
0xb8: {  	[sflag:s16] =	ssyncset.done $0x0;
	s23 =	rddreg [dreg:$0x6]  }
0xb9: {  	[sflag:s16] =	ssyncadd.s32 $0xFFFFE000;
	s9 =	sadd.s32 s30, s23  }
0xba: {  	[hbm4b:s9+s3] =	stream.linear.scatter [tilespmem:s1], [sflag:$0xD], $0x2000, $0x38;
	[tilespmem:$0x10100] =	vst v63  }
0xbb: {  	_ =	swait.ge [sflag:s17], $0x2000  }
0xbc: {  	[sflag:s17] =	ssyncset.done $0x0  }
0xbd: {  	p0 =	seq.s32 s30, $0x6000;
	[sflag:s17] =	ssyncadd.s32 $0xFFFFE000  }
0xbe: {  	v2 =	vld.msk @!p0 [tilespmem:s15+$0x10], $0xff;
	_ =	sdelay $0x4  }
0xbf: {  	v3 =	vshll.u32 @!p0 v2, $0x3  }
0xc0: {  	v4 =	vlaneseq.u32 @!p0;
	v2 =	vand.u32 @!p0 $0x7, v2;
	v3 =	vand.u32 @!p0 $0xFFFFFFC0, v3  }
0xc1: {  	v2 =	vor.u32 @!p0 v2, v3;
	v3 =	vand.u32 @!p0 $0x7, v4;
	v4 =	vshrl.u32 @!p0 v4, $0x3  }
0xc2: {  	v2 =	vperm.xlane @!p0 v2, v3;
	v4 =	vmul.u32 @!p0 $0x8, v4;
	_ =	sdelay $0x1  }
0xc3: {  	v2 =	vadd.s32 @!p0 v4, v2;
	_ =	sdelay $0x3  }
0xc4: {  	vm1 =	vmmov @!p0 $0xffff;
	s23 =	simm.s32 @!p0 $0x0;
	s9 =	simm.s32 @!p0 $0x100  }
0xc5: {  	[tilespmem:s9], [sflag:$0x1] =	stream.indirect_vreg.gather @!p0 [hbm4b:s2+s23], $0x80, v2, vm1, $0xb8;
	[tilespmem:$0x10100] =	vst v63  }
0xc6: {  	s9 =	simm.s32 @!p0 $0x900  }
0xc7: {  	[tilespmem:s9], [sflag:$0x1] =	stream.indirect_vreg.gather @!p0 [hbm4b:s5+s23], $0x80, v2, vm1, $0xb8;
	[tilespmem:$0x10100] =	vst v63  }
0xc8: {  	s9 =	simm.s32 @!p0 $0x1100  }
0xc9: {  	[tilespmem:s9], [sflag:$0x1] =	stream.indirect_vreg.gather @!p0 [hbm4b:s6+s23], $0x80, v2, vm1, $0xb8;
	[tilespmem:$0x10100] =	vst v63  }
0xca: {  	s9 =	simm.s32 @!p0 $0x1900  }
0xcb: {  	[tilespmem:s9], [sflag:$0x1] =	stream.indirect_vreg.gather @!p0 [hbm4b:s7+s23], $0x80, v2, vm1, $0xb8;
	[tilespmem:$0x10100] =	vst v63  }
0xcc: {  	_ =	swait.ge [sflag:s18], $0x2000  }
0xcd: {  	[sflag:s18] =	ssyncset.done $0x0  }
0xce: {  	s9 =	sadd.s32 $0x1400, s31;
	[sflag:s18] =	ssyncadd.s32 $0xFFFFE000  }
0xcf: {  	[hbm4b:s9+s3] =	stream.linear.scatter [tilespmem:s21], [sflag:$0xE], $0x2000, $0x38;
	[tilespmem:$0x10100] =	vst v63  }
0xd0: {  	_ =	swait.ge [sflag:s22], $0x2000  }
0xd1: {  	[sflag:s22] =	ssyncset.done $0x0  }
0xd2: {  	[sflag:s22] =	ssyncadd.s32 $0xFFFFE000  }
0xd3: {  	v2 =	vld.msk @!p0 [tilespmem:s15+$0x18], $0xff;
	_ =	sdelay $0x4  }
0xd4: {  	v5 =	vshll.u32 @!p0 v2, $0x3  }
0xd5: {  	v2 =	vand.u32 @!p0 $0x7, v2;
	v5 =	vand.u32 @!p0 $0xFFFFFFC0, v5  }
0xd6: {  	v2 =	vor.u32 @!p0 v2, v5  }
0xd7: {  	v2 =	vperm.xlane @!p0 v2, v3;
	_ =	sdelay $0x1  }
0xd8: {  	v2 =	vadd.s32 @!p0 v4, v2;
	_ =	sdelay $0x3  }
0xd9: {  	s9 =	simm.s32 @!p0 $0x2100  }
0xda: {  	[tilespmem:s9], [sflag:$0x2] =	stream.indirect_vreg.gather @!p0 [hbm4b:s2+s23], $0x80, v2, vm1, $0xb8;
	[tilespmem:$0x10100] =	vst v63  }
0xdb: {  	s9 =	simm.s32 @!p0 $0x2900  }
0xdc: {  	[tilespmem:s9], [sflag:$0x2] =	stream.indirect_vreg.gather @!p0 [hbm4b:s5+s23], $0x80, v2, vm1, $0xb8;
	[tilespmem:$0x10100] =	vst v63  }
0xdd: {  	s9 =	simm.s32 @!p0 $0x3100  }
0xde: {  	[tilespmem:s9], [sflag:$0x2] =	stream.indirect_vreg.gather @!p0 [hbm4b:s6+s23], $0x80, v2, vm1, $0xb8;
	[tilespmem:$0x10100] =	vst v63  }
0xdf: {  	s9 =	simm.s32 @!p0 $0x3900  }
0xe0: {  	[tilespmem:s9], [sflag:$0x2] =	stream.indirect_vreg.gather @!p0 [hbm4b:s7+s23], $0x80, v2, vm1, $0xb8;
	[tilespmem:$0x10100] =	vst v63  }
0xe1: {  	_ =	swait.ge [sflag:s24], $0x2000  }
0xe2: {  	[sflag:s24] =	ssyncset.done $0x0  }
0xe3: {  	s9 =	sadd.s32 s30, s12;
	[sflag:s24] =	ssyncadd.s32 $0xFFFFE000  }
0xe4: {  	[hbm4b:s9+s3] =	stream.linear.scatter [tilespmem:s4], [sflag:$0xF], $0x2000, $0x38;
	[tilespmem:$0x10100] =	vst v63  }
0xe5: {  	_ =	swait.ge [sflag:s25], $0x2000  }
0xe6: {  	[sflag:s25] =	ssyncset.done $0x0  }
0xe7: {  	[sflag:s25] =	ssyncadd.s32 $0xFFFFE000  }
0xe8: {  	v2 =	vld.msk @!p0 [tilespmem:s15+$0x20], $0xff;
	_ =	sdelay $0x4  }
0xe9: {  	v5 =	vshll.u32 @!p0 v2, $0x3  }
0xea: {  	v2 =	vand.u32 @!p0 $0x7, v2;
	v5 =	vand.u32 @!p0 $0xFFFFFFC0, v5  }
0xeb: {  	v2 =	vor.u32 @!p0 v2, v5  }
0xec: {  	v2 =	vperm.xlane @!p0 v2, v3;
	_ =	sdelay $0x1  }
0xed: {  	v2 =	vadd.s32 @!p0 v4, v2;
	_ =	sdelay $0x3  }
0xee: {  	s9 =	simm.s32 @!p0 $0x4100  }
0xef: {  	[tilespmem:s9], [sflag:$0x3] =	stream.indirect_vreg.gather @!p0 [hbm4b:s2+s23], $0x80, v2, vm1, $0xb8;
	[tilespmem:$0x10100] =	vst v63  }
0xf0: {  	s9 =	simm.s32 @!p0 $0x4900  }
0xf1: {  	[tilespmem:s9], [sflag:$0x3] =	stream.indirect_vreg.gather @!p0 [hbm4b:s5+s23], $0x80, v2, vm1, $0xb8;
	[tilespmem:$0x10100] =	vst v63  }
0xf2: {  	s9 =	simm.s32 @!p0 $0x5100  }
0xf3: {  	[tilespmem:s9], [sflag:$0x3] =	stream.indirect_vreg.gather @!p0 [hbm4b:s6+s23], $0x80, v2, vm1, $0xb8;
	[tilespmem:$0x10100] =	vst v63  }
0xf4: {  	s9 =	simm.s32 @!p0 $0x5900  }
0xf5: {  	[tilespmem:s9], [sflag:$0x3] =	stream.indirect_vreg.gather @!p0 [hbm4b:s7+s23], $0x80, v2, vm1, $0xb8;
	[tilespmem:$0x10100] =	vst v63  }
0xf6: {  	_ =	swait.ge [sflag:s8], $0x2000  }
0xf7: {  	[sflag:s8] =	ssyncset.done $0x0  }
.Ltmp2:
0xf8: {  	s31 =	sadd.s32 $0x1C00, s31;
	[sflag:s8] =	ssyncadd.s32 $0xFFFFE000;
	(pc) =	sbr.rel @p0 .LBB2_4-.Ltmp2, $4  }
0xf9: {  	[hbm4b:s31+s3] =	stream.linear.scatter [tilespmem:s19], [sflag:$0x10], $0x2000, $0x38;
	[tilespmem:$0x10100] =	vst v63  }
0xfa: {  	_ =	swait.ge [sflag:s14], $0x2000  }
0xfb: {  	[sflag:s14] =	ssyncset.done $0x0  }
0xfc: {  	[sflag:s14] =	ssyncadd.s32 $0xFFFFE000  }
0xfd: {  	v2 =	vld.msk [tilespmem:s15+$0x28], $0xff;
	_ =	sdelay $0x4  }
0xfe: {  	v3 =	vshll.u32 v2, $0x3  }
0xff: {  	v2 =	vand.u32 $0x7, v2;
	v3 =	vand.u32 $0xFFFFFFC0, v3  }
0x100: {  	v2 =	vor.u32 v2, v3  }
0x101: {  	v2 =	vperm.xlane v2, v0;
	_ =	sdelay $0x1  }
0x102: {  	v2 =	vadd.s32 v1, v2;
	_ =	sdelay $0x4  }
0x103: {  	[tilespmem:s28], [sflag:$0x4] =	stream.indirect_vreg.gather [hbm4b:s2+s3], $0x80, v2, vm0, $0xb8;
	[tilespmem:$0x10100] =	vst v63  }
0x104: {  	s9 =	simm.s32 $0x6900  }
0x105: {  	[tilespmem:s9], [sflag:$0x4] =	stream.indirect_vreg.gather [hbm4b:s5+s3], $0x80, v2, vm0, $0xb8;
	[tilespmem:$0x10100] =	vst v63  }
.Ltmp3:
0x106: {  	_ = 	snop;
	(pc) =	sbr.rel .LBB2_2-.Ltmp3, $4  }
0x107: {  	s23 =	simm.s32 $0x7100  }
0x108: {  	[tilespmem:s23], [sflag:$0x4] =	stream.indirect_vreg.gather [hbm4b:s6+s3], $0x80, v2, vm0, $0xb8;
	[tilespmem:$0x10100] =	vst v63  }
0x109: {  	s31 =	simm.s32 $0x7900;
	s30 =	sadd.s32 $0x2000, s30;
	s15 =	sadd.s32 $0x40, s15  }
0x10a: {  	[tilespmem:s31], [sflag:$0x4] =	stream.indirect_vreg.gather [hbm4b:s7+s3], $0x80, v2, vm0, $0xb8;
	[tilespmem:$0x10100] =	vst v63  }
.LBB2_5:
0x10b: {  	_ =	sfence.sel $0x180000  }
0x10c: {  	[bflag:$0x0] =	sbarrier.arrive $0xFFFF  }
0x10d: {  	_ =	strace $0x90000047  }
0x10e: {  	s0 =	stileid.u32;
	[bflag:$0x2] =	sbarrier.arrive $0xFFFF  }
0x10f: {  	p0 =	sne.s32 s0, $0x0;
	s0 =	rddreg [dreg:$0x3]  }
0x110: {  	s0 =	sadd.s32 @!p0 $0x100000, s0  }
0x111: {  	[sflag:s0] =	ssyncadd.tile.s32 @!p0 $0x1;
	_ =	shalt  }
.Lfunc_end2:
_tile_overlayer_lowered:
.L_overlay_start_2:
0x112: {  	(tag) =	ssettag $0x2  }
0x113: {  	s0 =	rddreg [dreg:$0x0];
	s2 =	stileid.u32  }
0x114: {  	s1 =	rddreg [dreg:$0x1];
	p0 =	sne.s32 s2, $0x0  }
0x115: {  	s3 =	rddreg [dreg:$0x2];
	[bflag:$0x3] =	sbarrier.arrive $0xFFFF;
	s2 =	simm.s32 @!p0 $0x1C11  }
0x116: {  	[timem:s3], [sflag:s2] =	dma.local @!p0 [hbm:s0], s1  }
0x117: {  	s0 =	simm.s32 @!p0 $0x11  }
0x118: {  	_ =	swait.ge @!p0 [sflag:s0], s1  }
0x119: {  	s1 =	ssub.s32 @!p0 $0x0, s1;
	[sflag:s0] =	ssyncset.done @!p0 $0x0  }
0x11a: {  	[sflag:s0] =	ssyncadd.s32 @!p0 s1  }
0x11b: {  	[bflag:$0x3] =	sbarrier.arrive $0xFFFF  }
0x11c: {  	_ =	shalt  }

// kernel: kernel.13.cloned.1.call-start
scs
__scs_entry_jumppad:
0x0: {  	(pc) =	sbr.rel $0x88, $3  }
0x1: {  	(tag) =	ssettag $0x0;
	lr =	simm.s32 $0x1  }
0x2: {  	[smem:$0x3F9E] =	sst lr;
	_ =	strace $0xD0000000  }
0x3: {  	_ = 	snop  }
0x4: {  	_ = 	snop  }
0x5: {  	_ = 	snop  }
0x6: {  	_ = 	snop  }
0x7: {  	_ = 	snop  }
__scs_overlays_trampoline_lowered:
0x8: {  	[smem:$0x3FAD] =	sst s0  }
0x9: {  	[smem:$0x3FAE] =	sst s1  }
0xa: {  	[smem:$0x3FAF] =	sst s2  }
0xb: {  	[smem:$0x3FB0] =	sst s3  }
0xc: {  	[smem:$0x3FB1] =	sst s4  }
0xd: {  	[smem:$0x3FB2] =	sst s5  }
0xe: {  	[smem:$0x3FB3] =	sst s6  }
0xf: {  	[smem:$0x3FB4] =	sst s7  }
0x10: {  	[smem:$0x3FB5] =	sst s8  }
0x11: {  	[smem:$0x3FB6] =	sst s9;
	s0 =	simm.s32 @!p0 $0x0  }
0x12: {  	s1 =	sld [smem:$0x3F9C];
	s0 =	simm.s32 @p0 $0x1  }
0x13: {  	[smem:$0x3FB7] =	sst s0;
	s0 =	simm.s32 @!p1 $0x0  }
0x14: {  	s2 =	sld [smem:$0x3F9B];
	s0 =	simm.s32 @p1 $0x1  }
0x15: {  	[smem:$0x3FB8] =	sst s0;
	s0 =	simm.s32 @!p2 $0x0  }
0x16: {  	s3 =	sld [smem:$0x3FDB];
	s0 =	simm.s32 @p2 $0x1  }
0x17: {  	s4 =	simm.s32 $0x1BF5;
	[smem:$0x3FBA] =	sst s0  }
0x18: {  	s0 =	sld [smem:$0x3F9D];
	_ =	swait.ge [sflag:s4], $0x0  }
0x19: {  	s7 =	sld [smem:$0x3F9E]  }
0x1a: {  	s8 =	sadd.s32 $0xFFFFE003, lr  }
0x1b: {  	s9 =	sadd.s32 $0xFFFFFEF7, lr;
	s5 =	simm.s32 $0xFFFFFFFF;
	p2 =	slt.u32 s8, $0xFFFFF086  }
0x1c: {  	p1 =	slt.u32 s9, $0xF7A;
	s5 =	simm.s32 @!p2 $0x0  }
0x1d: {  	s5 =	simm.s32 @p1 $0x1;
	p0 =	seq.s32 s7, s2  }
0x1e: {  	s7 =	smul.u32 @!p0 $0xF7A, s2;
	p2 =	seq.s32 @!p0 s5, $0x0  }
0x1f: {  	s9 =	smul.u32 $0xF7A, s1;
	s8 =	simm.s32 @!p0 $0x1BF5;
	p2 =	por !p2, p0  }
0x20: {  	[sflag:s8] =	ssyncset.s32 @!p0 $0xFFFFF086;
	s6 =	sadd.s32 @!p0 s3, s7;
	s7 =	simm.s32 @!p0 $0x108  }
0x21: {  	s3 =	sadd.s32 s3, s9;
	s6 =	sadd.s32 @!p0 $0x88, s6;
	s7 =	simm.s32 @p2 $0x1082  }
0x22: {  	[simem:s7], [sflag:s8] =	dma.local @!p0 [hbm:s6], $0xF7A  }
0x23: {  	s9 =	sor.u32 $0xD0000000, s2;
	s6 =	simm.s32 $0x108;
	_ =	swait.ge @!p0 [sflag:s8], $0x0  }
0x24: {  	s3 =	sadd.s32 $0x88, s3;
	s6 =	simm.s32 @!p1 $0x1082;
	[sflag:s4] =	ssyncset.s32 $0xFFFFF086  }
0x25: {  	[simem:s6], [sflag:s4] =	dma.local [hbm:s3], $0xF7A  }
0x26: {  	[smem:$0x3F9E] =	sst s1;
	(tag) =	ssettag s2;
	_ =	strace s9  }
0x27: {  	s1 =	sld [smem:$0x3FAE]  }
0x28: {  	s2 =	sld [smem:$0x3FAF]  }
0x29: {  	s4 =	sld [smem:$0x3FB1]  }
0x2a: {  	p0 =	seq.s32 s5, $0x0;
	s5 =	sld [smem:$0x3FB2]  }
0x2b: {  	s6 =	sld [smem:$0x3FB3]  }
0x2c: {  	s7 =	sld [smem:$0x3FB4]  }
0x2d: {  	s3 =	simm.s32 $0x108;
	s8 =	sld [smem:$0x3FB5]  }
0x2e: {  	s3 =	simm.s32 @!p0 $0x1082;
	s9 =	sld [smem:$0x3FB6]  }
0x2f: {  	lr =	sadd.s32 s0, s3;
	s0 =	sld [smem:$0x3FAD]  }
0x30: {  	s3 =	sld [smem:$0x3FB0]  }
0x31: {  	[smem:$0x3FB9] =	sst s10  }
0x32: {  	s10 =	sld [smem:$0x3FB7];
	_ =	sdelay $0x3  }
0x33: {  	p0 =	seq.s32 s10, $0x1;
	s10 =	sld [smem:$0x3FB9];
	_ =	sdelay $0x3  }
0x34: {  	[smem:$0x3FB9] =	sst s10  }
0x35: {  	s10 =	sld [smem:$0x3FB8];
	_ =	sdelay $0x3  }
0x36: {  	p1 =	seq.s32 s10, $0x1;
	s10 =	sld [smem:$0x3FB9];
	_ =	sdelay $0x3  }
0x37: {  	[smem:$0x3FB9] =	sst s10  }
0x38: {  	s10 =	sld [smem:$0x3FBA]  }
0x39: {  	_ = 	snop;
	(pc) =	sbr.ind lr, $3  }
0x3a: {  	_ = 	snop  }
0x3b: {  	_ = 	snop  }
0x3c: {  	p2 =	seq.s32 s10, $0x1;
	s10 =	sld [smem:$0x3FB9]  }
0x3d: {  	_ =	shalt  }
0x3e: {  	_ =	shalt  }
0x3f: {  	_ =	shalt  }
0x40: {  	_ =	shalt  }
0x41: {  	_ =	shalt  }
0x42: {  	_ =	shalt  }
0x43: {  	_ =	shalt  }
0x44: {  	_ =	shalt  }
0x45: {  	_ =	shalt  }
0x46: {  	_ =	shalt  }
0x47: {  	_ =	shalt  }
0x48: {  	_ =	shalt  }
0x49: {  	_ =	shalt  }
0x4a: {  	_ =	shalt  }
0x4b: {  	_ =	shalt  }
0x4c: {  	_ =	shalt  }
0x4d: {  	_ =	shalt  }
0x4e: {  	_ =	shalt  }
0x4f: {  	_ =	shalt  }
0x50: {  	_ =	shalt  }
0x51: {  	_ =	shalt  }
0x52: {  	_ =	shalt  }
0x53: {  	_ =	shalt  }
0x54: {  	_ =	shalt  }
0x55: {  	_ =	shalt  }
0x56: {  	_ =	shalt  }
0x57: {  	_ =	shalt  }
0x58: {  	_ =	shalt  }
0x59: {  	_ =	shalt  }
0x5a: {  	_ =	shalt  }
0x5b: {  	_ =	shalt  }
0x5c: {  	_ =	shalt  }
0x5d: {  	_ =	shalt  }
0x5e: {  	_ =	shalt  }
0x5f: {  	_ =	shalt  }
0x60: {  	_ =	shalt  }
0x61: {  	_ =	shalt  }
0x62: {  	_ =	shalt  }
0x63: {  	_ =	shalt  }
0x64: {  	_ =	shalt  }
0x65: {  	_ =	shalt  }
0x66: {  	_ =	shalt  }
0x67: {  	_ =	shalt  }
0x68: {  	_ =	shalt  }
0x69: {  	_ =	shalt  }
0x6a: {  	_ =	shalt  }
0x6b: {  	_ =	shalt  }
0x6c: {  	_ =	shalt  }
0x6d: {  	_ =	shalt  }
0x6e: {  	_ =	shalt  }
0x6f: {  	_ =	shalt  }
0x70: {  	_ =	shalt  }
0x71: {  	_ =	shalt  }
0x72: {  	_ =	shalt  }
0x73: {  	_ =	shalt  }
0x74: {  	_ =	shalt  }
0x75: {  	_ =	shalt  }
0x76: {  	_ =	shalt  }
0x77: {  	_ =	shalt  }
0x78: {  	_ =	shalt  }
0x79: {  	_ =	shalt  }
0x7a: {  	_ =	shalt  }
0x7b: {  	_ =	shalt  }
0x7c: {  	_ =	shalt  }
0x7d: {  	_ =	shalt  }
0x7e: {  	_ =	shalt  }
0x7f: {  	_ =	shalt  }
0x80: {  	_ =	shalt  }
0x81: {  	_ =	shalt  }
0x82: {  	_ =	shalt  }
0x83: {  	_ =	shalt  }
0x84: {  	_ =	shalt  }
0x85: {  	_ =	shalt  }
0x86: {  	_ =	shalt  }
0x87: {  	_ =	shalt  }
.Lfunc_end0:
.L_simem_size_0:
called_computation.1_lowered:
.L_overlay_start_0:
0x88: {  	s2 =	sld [smem:$0x3FD9]  }
0x89: {  	s3 =	sld [smem:$0x3FFE];
	_ =	sdelay $0x1  }
0x8a: {  	s1 =	srdreg.scid  }
0x8b: {  	s0 =	sand.u32 $0x1, s1  }
0x8c: {  	s17 =	sshll.u32 s0, $0xA;
	s2 =	sadd.s32 s3, s2  }
0x8d: {  	s2 =	sadd.s32 s2, s17  }
0x8e: {  	[smem:$0x3FC5] =	sst s2  }
0x8f: {  	_ = 	snop  }
0x90: {  	s18 =	sld [smem:$0x3FC7];
	(tm) =	ssettm $0x1  }
0x91: {  	s19 =	sld [smem:$0x3FFB];
	_ =	sdelay $0x3  }
0x92: {  	_ =	strace s19  }
0x93: {  	s2 =	sld [smem:$0x3FFC];
	_ =	sdelay $0x3  }
0x94: {  	_ =	strace s2  }
0x95: {  	s2 =	sld [smem:$0x3FFD];
	_ =	sdelay $0x3  }
0x96: {  	_ =	strace s2  }
0x97: {  	_ =	strace $0x8FFFFFFF  }
0x98: {  	s20 =	sld [smem:$0x3FDB];
	_ =	sdelay $0x1  }
0x99: {  	s4 =	simm.s32 $_scs_section_size  }
0x9a: {  	s5 =	simm.s32 $_size__tile_overlayer_lowered;
	s6 =	simm.s32 $_tile_overlayer_lowered  }
0x9b: {  	s7 =	simm.s32 $0x1BFF;
	s21 =	sshll.u32 s6, $0x1;
	s4 =	sadd.s32 s4, s20  }
0x9c: {  	s22 =	simm.s32 $0x0;
	s5 =	sshll.u32 s5, $0x1;
	s6 =	sadd.s32 s21, s4  }
0x9d: {  	[timem:s22], [sflag:s7] =	dma.local [hbm:s6], s5  }
0x9e: {  	_ =	swait.ge [sflag:s7], s5  }
0x9f: {  	s5 =	ssub.s32 $0x0, s5;
	[sflag:s7] =	ssyncset.done $0x0  }
0xa0: {  	[sflag:s7] =	ssyncadd.s32 s5;
	_ =	sdelay $0x1  }
0xa1: {  	s23 =	simm.s32 $0x1B8B  }
0xa2: {  	_ =	swait.ge [sflag:s23], $0x1  }
0xa3: {  	[sflag:s23] =	ssyncset.done $0x0  }
0xa4: {  	[sflag:s23] =	ssyncadd.s32 $0xFFFFFFFF  }
0xa5: {  	s5 =	sld [smem:$0x0]  }
0xa6: {  	s6 =	sand.u32 $0xFFFFFFFE, s1  }
0xa7: {  	p0 =	sne.s32 s1, s6  }
0xa8: {  	s6 =	sshll.u32 @p0 s6, $0xE  }
0xa9: {  	s6 =	sadd.s32 @p0 $0x11B8D, s6;
	s7 =	sshll.u32 @p0 s5, $0x11  }
0xaa: {  	s6 =	sor.u32 @p0 s7, s6  }
0xab: {  	[sflag:s6] =	ssyncadd.remote.s32 @p0 $0x1;
	_ =	sdelay $0x1  }
0xac: {  	s6 =	simm.s32 @p0 $0x1B8D  }
0xad: {  	_ =	swait.eq @p0 [sflag:s6], $0x1  }
0xae: {  	[sflag:s6] =	ssyncadd.s32 @p0 $0xFFFFFFFF  }
0xaf: {  	s7 =	sshll.u32 @!p0 s1, $0xE  }
0xb0: {  	s7 =	sor.u32 @!p0 $0x4000, s7;
	s6 =	simm.s32 @!p0 $0x1B8D  }
0xb1: {  	s5 =	sshll.u32 @!p0 s5, $0x11;
	s7 =	sadd.s32 @!p0 $0x11B8D, s7;
	_ =	swait.eq @!p0 [sflag:s6], $0x1  }
0xb2: {  	s5 =	sor.u32 @!p0 s5, s7;
	[sflag:s6] =	ssyncadd.s32 @!p0 $0xFFFFFFFF  }
0xb3: {  	s25 =	simm.s32 $0x1B8E;
	s24 =	sld [smem:$0x3FFE];
	[sflag:s5] =	ssyncadd.remote.s32 @!p0 $0x1  }
0xb4: {  	s26 =	simm.s32 $execute0_lowered;
	[smem:$0x3FD2] =	sst s25  }
0xb5: {  	s6 =	sshll.u32 s26, $0x1;
	_ =	strace $0x80000049;
	[dreg:$0x1] =	wrdreg $0xFFFFFFFF  }
0xb6: {  	s28 =	simm.s32 $_size_execute0_lowered;
	s4 =	sadd.s32 s4, s6;
	[dreg:$0x0] =	wrdreg $0x0  }
0xb7: {  	s6 =	sshll.u32 s28, $0x1;
	[dreg:$0x2] =	wrdreg s4  }
0xb8: {  	[dreg:$0x3] =	wrdreg s6  }
0xb9: {  	[dreg:$0x4] =	wrdreg $0xC0  }
0xba: {  	_ =	task [dreg:s22], $0x5FFFF  }
0xbb: {  	[dreg:$0x1] =	wrdreg $0xFFFFFFFF  }
0xbc: {  	[dreg:$0x0] =	wrdreg $0x60  }
0xbd: {  	[dreg:$0x2] =	wrdreg s24  }
0xbe: {  	[dreg:$0x3] =	wrdreg s18  }
0xbf: {  	[dreg:$0x4] =	wrdreg $0xA  }
0xc0: {  	_ =	task.clear_ibuf [dreg:s22], $0x5FFFF;
	_ =	strace $0x90000049  }
0xc1: {  	s29 =	simm.s32 $0xA;
	_ =	strace $0x8000004B  }
0xc2: {  	_ =	swait.ge [sflag:s29], $0x1  }
0xc3: {  	[sflag:s29] =	ssyncadd.s32 $0xFFFFFFFF  }
0xc4: {  	_ =	strace $0x9000004B  }
0xc5: {  	_ =	sfence  }
0xc6: {  	s30 =	sld [smem:$0x0];
	_ =	sdelay $0x2  }
0xc7: {  	s31 =	sshll.u32 s1, $0xD;
	s1 =	sshrl.u32 s1, $0x2  }
0xc8: {  	s4 =	sand.u32 $0x4000, s31;
	s1 =	sadd.s32 s1, s30  }
0xc9: {  	s0 =	sor.u32 s4, s0;
	s1 =	sshll.u32 s1, $0x11  }
0xca: {  	s0 =	sor.u32 s1, s0  }
0xcb: {  	s0 =	sadd.s32 $0x8F2B, s0  }
0xcc: {  	[sflag:s0] =	ssyncadd.remote.s32 $0x1  }
0xcd: {  	_ =	sfence.sel $0xFFFF  }
0xce: {  	[dreg:$0x0] =	wrdreg $0xFFFFFFFF;
	(pc) =	sbr.abs _section_cstart, $3  }
0xcf: {  	[dreg:$0x1] =	wrdreg $0xFFFFFFFF  }
0xd0: {  	_ =	task.clear_ibuf [dreg:s22], $0x2FFFF;
	_ =	strace $0x9FFFFFFF  }
0xd1: {  	(tm) =	ssettm $0x7FFFFFFF  }
tec
execute0_lowered:
.L_overlay_start_1:
0x0: {  	(tag) =	ssettag $0x1  }
0x1: {  	s0 =	srdreg.scid  }
0x2: {  	s1 =	rddreg [dreg:$0x0];
	s9 =	stileid.u32  }
0x3: {  	s2 =	rddreg [dreg:$0x1];
	s3 =	simm.s32 $0x0;
	s28 =	simm.s32 $0x6100  }
0x4: {  	s20 =	simm.s32 $0x2;
	s21 =	simm.s32 $0xA100;
	s26 =	simm.s32 $0x3  }
0x5: {  	s29 =	simm.s32 $0x4;
	s19 =	simm.s32 $0xE100;
	s16 =	simm.s32 $0x5  }
0x6: {  	s17 =	simm.s32 $0x9;
	s18 =	simm.s32 $0x6;
	s22 =	simm.s32 $0xA  }
0x7: {  	s24 =	simm.s32 $0x7;
	s25 =	simm.s32 $0xB;
	s14 =	simm.s32 $0xC  }
0x8: {  	s23 =	simm.s32 $0x0;
	s0 =	sand.u32 $0x1, s0;
	s4 =	sshll.u32 s9, $0x9  }
0x9: {  	[smem:$0x7FF] =	sst s3;
	s30 =	sshll.u32 s9, $0x10;
	s5 =	sshll.u32 s0, $0x8  }
0xa: {  	s6 =	ssub.s32 $0x2, s0;
	_ =	strace $0x8000004A;
	s4 =	sor.u32 s5, s4  }
0xb: {  	s0 =	sshll.u32 s0, $0xF;
	s7 =	sshrl.u32 s6, $0x1;
	s5 =	sshrl.u32 s4, $0x3  }
0xc: {  	s8 =	ssub.s32 s6, s7;
	s6 =	sadd.s32 $0x200, s2;
	s7 =	sadd.s32 $0x300, s2  }
0xd: {  	s4 =	sshll.u32 s4, $0x7;
	s5 =	sadd.s32 s5, s1;
	s8 =	smax.u32 s8, $0x1  }
0xe: {  	s1 =	sadd.s32 $0x102000, s1;
	s5 =	sadd.s32 $0x101400, s5;
	[dreg:$0x4] =	wrdreg s8  }
.Ltmp0:
0xf: {  	s4 =	sadd.s32 s4, s1;
	s1 =	sadd.s32 s30, s1;
	(pc) =	sbr.rel .LBB2_1-.Ltmp0, $4  }
0x10: {  	s8 =	simm.s32 $0x8;
	[dreg:$0x3] =	wrdreg s5;
	s5 =	sadd.s32 $0x100, s2  }
0x11: {  	v0 =	vlaneseq.u32;
	s31 =	sadd.s32 $0x1000, s4;
	s11 =	sadd.s32 s0, s1;
	s12 =	sadd.s32 $0x1800, s4  }
0x12: {  	v1 =	vshrl.u32 v0, $0x3;
	s10 =	smov.u32 s4;
	s13 =	sadd.s32 $0x800, s4;
	s1 =	simm.s32 $0x1  }
0x13: {  	vm0 =	vmmov $0xffff;
	v0 =	vand.u32 $0x7, v0;
	v1 =	vmul.u32 $0x8, v1;
	s0 =	simm.s32 $0x8100;
	s4 =	simm.s32 $0xC100;
	[dreg:$0x5] =	wrdreg s31  }
.LBB2_4:
0x14: {  	s9 =	simm.s32 $0xD  }
0x15: {  	_ =	swait.ge [sflag:s9], $0x2000  }
0x16: {  	[sflag:s9] =	ssyncset.done $0x0  }
0x17: {  	s23 =	simm.s32 $0xE;
	[sflag:s9] =	ssyncadd.s32 $0xFFFFE000  }
0x18: {  	_ =	swait.ge [sflag:s23], $0x2000  }
0x19: {  	[sflag:s23] =	ssyncset.done $0x0  }
0x1a: {  	s30 =	simm.s32 $0xF;
	[sflag:s23] =	ssyncadd.s32 $0xFFFFE000  }
0x1b: {  	_ =	swait.ge [sflag:s30], $0x2000  }
0x1c: {  	[sflag:s30] =	ssyncset.done $0x0  }
0x1d: {  	s15 =	simm.s32 $0x10;
	[sflag:s30] =	ssyncadd.s32 $0xFFFFE000  }
0x1e: {  	_ =	swait.ge [sflag:s15], $0x2000  }
0x1f: {  	s23 =	rddreg [dreg:$0x6]  }
0x20: {  	s31 =	rddreg [dreg:$0x4];
	s23 =	sadd.s32 $0x1, s23  }
0x21: {  	p0 =	sne.s32 s23, s31  }
.Ltmp1:
0x22: {  	_ = 	snop;
	(pc) =	sbr.rel @!p0 .LBB2_5-.Ltmp1, $3  }
0x23: {  	_ =	sdelay $0x1  }
0x24: {  	[sflag:s15] =	ssyncset.done $0x0  }
0x25: {  	[sflag:s15] =	ssyncadd.s32 $0xFFFFE000  }
.LBB2_1:
0x26: {  	[dreg:$0x6] =	wrdreg s23  }
0x27: {  	s9 =	rddreg [dreg:$0x3];
	s31 =	simm.s32 $0x11  }
0x28: {  	[tilespmem:s3], [sflag:$0x11] =	stream.linear.gather [hbm4b:s9+s3], $0x100, $0x38;
	[tilespmem:$0x10100] =	vst v63  }
0x29: {  	_ =	swait.ge [sflag:s31], $0x100  }
0x2a: {  	[sflag:s31] =	ssyncset.done $0x0  }
0x2b: {  	[sflag:s31] =	ssyncadd.s32 $0xFFFFFF00  }
0x2c: {  	v2 =	vld.msk [tilespmem:$0x0], $0xff;
	_ =	sdelay $0x4  }
0x2d: {  	v3 =	vshll.u32 v2, $0x3  }
0x2e: {  	v2 =	vand.u32 $0x7, v2;
	v3 =	vand.u32 $0xFFFFFFC0, v3  }
0x2f: {  	v2 =	vor.u32 v2, v3  }
0x30: {  	v2 =	vperm.xlane v2, v0;
	_ =	sdelay $0x1  }
0x31: {  	v2 =	vadd.s32 v1, v2;
	_ =	sdelay $0x3  }
0x32: {  	s15 =	simm.s32 $0x100  }
0x33: {  	[tilespmem:s15], [sflag:$0x1] =	stream.indirect_vreg.gather [hbm4b:s2+s3], $0x80, v2, vm0, $0xb8;
	[tilespmem:$0x10100] =	vst v63  }
0x34: {  	s23 =	simm.s32 $0x900  }
0x35: {  	[tilespmem:s23], [sflag:$0x1] =	stream.indirect_vreg.gather [hbm4b:s5+s3], $0x80, v2, vm0, $0xb8;
	[tilespmem:$0x10100] =	vst v63  }
0x36: {  	s31 =	simm.s32 $0x1100  }
0x37: {  	[tilespmem:s31], [sflag:$0x1] =	stream.indirect_vreg.gather [hbm4b:s6+s3], $0x80, v2, vm0, $0xb8;
	[tilespmem:$0x10100] =	vst v63  }
0x38: {  	s15 =	simm.s32 $0x1900  }
0x39: {  	[tilespmem:s15], [sflag:$0x1] =	stream.indirect_vreg.gather [hbm4b:s7+s3], $0x80, v2, vm0, $0xb8;
	[tilespmem:$0x10100] =	vst v63  }
0x3a: {  	v2 =	vld.msk [tilespmem:$0x8], $0xff;
	_ =	sdelay $0x4  }
0x3b: {  	v3 =	vshll.u32 v2, $0x3  }
0x3c: {  	v2 =	vand.u32 $0x7, v2;
	v3 =	vand.u32 $0xFFFFFFC0, v3  }
0x3d: {  	v2 =	vor.u32 v2, v3  }
0x3e: {  	v2 =	vperm.xlane v2, v0;
	_ =	sdelay $0x1  }
0x3f: {  	v2 =	vadd.s32 v1, v2;
	_ =	sdelay $0x3  }
0x40: {  	s23 =	simm.s32 $0x2100  }
0x41: {  	[tilespmem:s23], [sflag:$0x2] =	stream.indirect_vreg.gather [hbm4b:s2+s3], $0x80, v2, vm0, $0xb8;
	[tilespmem:$0x10100] =	vst v63  }
0x42: {  	s31 =	simm.s32 $0x2900  }
0x43: {  	[tilespmem:s31], [sflag:$0x2] =	stream.indirect_vreg.gather [hbm4b:s5+s3], $0x80, v2, vm0, $0xb8;
	[tilespmem:$0x10100] =	vst v63  }
0x44: {  	s15 =	simm.s32 $0x3100  }
0x45: {  	[tilespmem:s15], [sflag:$0x2] =	stream.indirect_vreg.gather [hbm4b:s6+s3], $0x80, v2, vm0, $0xb8;
	[tilespmem:$0x10100] =	vst v63  }
0x46: {  	s23 =	simm.s32 $0x3900  }
0x47: {  	[tilespmem:s23], [sflag:$0x2] =	stream.indirect_vreg.gather [hbm4b:s7+s3], $0x80, v2, vm0, $0xb8;
	[tilespmem:$0x10100] =	vst v63  }
0x48: {  	v2 =	vld.msk [tilespmem:$0x10], $0xff;
	_ =	sdelay $0x4  }
0x49: {  	v3 =	vshll.u32 v2, $0x3  }
0x4a: {  	v2 =	vand.u32 $0x7, v2;
	v3 =	vand.u32 $0xFFFFFFC0, v3  }
0x4b: {  	v2 =	vor.u32 v2, v3  }
0x4c: {  	v2 =	vperm.xlane v2, v0;
	_ =	sdelay $0x1  }
0x4d: {  	v2 =	vadd.s32 v1, v2;
	_ =	sdelay $0x3  }
0x4e: {  	s31 =	simm.s32 $0x4100  }
0x4f: {  	[tilespmem:s31], [sflag:$0x3] =	stream.indirect_vreg.gather [hbm4b:s2+s3], $0x80, v2, vm0, $0xb8;
	[tilespmem:$0x10100] =	vst v63  }
0x50: {  	s15 =	simm.s32 $0x4900  }
0x51: {  	[tilespmem:s15], [sflag:$0x3] =	stream.indirect_vreg.gather [hbm4b:s5+s3], $0x80, v2, vm0, $0xb8;
	[tilespmem:$0x10100] =	vst v63  }
0x52: {  	s23 =	simm.s32 $0x5100  }
0x53: {  	[tilespmem:s23], [sflag:$0x3] =	stream.indirect_vreg.gather [hbm4b:s6+s3], $0x80, v2, vm0, $0xb8;
	[tilespmem:$0x10100] =	vst v63  }
0x54: {  	s31 =	simm.s32 $0x5900  }
0x55: {  	[tilespmem:s31], [sflag:$0x3] =	stream.indirect_vreg.gather [hbm4b:s7+s3], $0x80, v2, vm0, $0xb8;
	[tilespmem:$0x10100] =	vst v63  }
0x56: {  	v2 =	vld.msk [tilespmem:$0x18], $0xff;
	_ =	sdelay $0x4  }
0x57: {  	v3 =	vshll.u32 v2, $0x3  }
0x58: {  	v2 =	vand.u32 $0x7, v2;
	v3 =	vand.u32 $0xFFFFFFC0, v3  }
0x59: {  	v2 =	vor.u32 v2, v3  }
0x5a: {  	v2 =	vperm.xlane v2, v0;
	_ =	sdelay $0x1  }
0x5b: {  	v2 =	vadd.s32 v1, v2;
	_ =	sdelay $0x4  }
0x5c: {  	[tilespmem:s28], [sflag:$0x4] =	stream.indirect_vreg.gather [hbm4b:s2+s3], $0x80, v2, vm0, $0xb8;
	[tilespmem:$0x10100] =	vst v63  }
0x5d: {  	s15 =	simm.s32 $0x6900  }
0x5e: {  	[tilespmem:s15], [sflag:$0x4] =	stream.indirect_vreg.gather [hbm4b:s5+s3], $0x80, v2, vm0, $0xb8;
	[tilespmem:$0x10100] =	vst v63  }
0x5f: {  	s23 =	simm.s32 $0x7100  }
0x60: {  	[tilespmem:s23], [sflag:$0x4] =	stream.indirect_vreg.gather [hbm4b:s6+s3], $0x80, v2, vm0, $0xb8;
	[tilespmem:$0x10100] =	vst v63  }
0x61: {  	s30 =	simm.s32 $0x0;
	s31 =	simm.s32 $0x7900;
	s15 =	simm.s32 $0x30  }
0x62: {  	[tilespmem:s31], [sflag:$0x4] =	stream.indirect_vreg.gather [hbm4b:s7+s3], $0x80, v2, vm0, $0xb8;
	[tilespmem:$0x10100] =	vst v63  }
.LBB2_2:
0x63: {  	_ =	swait.ge [sflag:s1], $0x2000  }
0x64: {  	s31 =	sadd.s32 s30, s11;
	[sflag:s1] =	ssyncset.done $0x0  }
0x65: {  	s9 =	simm.s32 $0x100;
	p0 =	seq.s32 s30, $0x0;
	[sflag:s1] =	ssyncadd.s32 $0xFFFFE000  }
0x66: {  	[hbm4b:s31+s3] =	stream.linear.scatter [tilespmem:s9], [sflag:$0x9], $0x2000, $0x38;
	[tilespmem:$0x10100] =	vst v63  }
0x67: {  	s31 =	simm.s32 @!p0 $0xD  }
0x68: {  	_ =	swait.ge @!p0 [sflag:s31], $0x2000  }
0x69: {  	[sflag:s31] =	ssyncset.done @!p0 $0x0  }
0x6a: {  	[sflag:s31] =	ssyncadd.s32 @!p0 $0xFFFFE000  }
0x6b: {  	v2 =	vld.msk [tilespmem:s15+$0xFFFFFFF0], $0xff;
	_ =	sdelay $0x4  }
0x6c: {  	v3 =	vshll.u32 v2, $0x3  }
0x6d: {  	v2 =	vand.u32 $0x7, v2;
	v3 =	vand.u32 $0xFFFFFFC0, v3  }
0x6e: {  	v2 =	vor.u32 v2, v3  }
0x6f: {  	v2 =	vperm.xlane v2, v0;
	_ =	sdelay $0x1  }
0x70: {  	v2 =	vadd.s32 v1, v2;
	_ =	sdelay $0x4  }
0x71: {  	[tilespmem:s0], [sflag:$0x5] =	stream.indirect_vreg.gather [hbm4b:s2+s3], $0x80, v2, vm0, $0xb8;
	[tilespmem:$0x10100] =	vst v63  }
0x72: {  	s31 =	simm.s32 $0x8900  }
0x73: {  	[tilespmem:s31], [sflag:$0x5] =	stream.indirect_vreg.gather [hbm4b:s5+s3], $0x80, v2, vm0, $0xb8;
	[tilespmem:$0x10100] =	vst v63  }
0x74: {  	s23 =	simm.s32 $0x9100  }
0x75: {  	[tilespmem:s23], [sflag:$0x5] =	stream.indirect_vreg.gather [hbm4b:s6+s3], $0x80, v2, vm0, $0xb8;
	[tilespmem:$0x10100] =	vst v63  }
0x76: {  	s31 =	simm.s32 $0x9900  }
0x77: {  	[tilespmem:s31], [sflag:$0x5] =	stream.indirect_vreg.gather [hbm4b:s7+s3], $0x80, v2, vm0, $0xb8;
	[tilespmem:$0x10100] =	vst v63  }
0x78: {  	_ =	swait.ge [sflag:s20], $0x2000  }
0x79: {  	s31 =	sadd.s32 s30, s10;
	[sflag:s20] =	ssyncset.done $0x0  }
0x7a: {  	s9 =	simm.s32 $0x2100;
	s23 =	sadd.s32 $0x400, s31;
	[sflag:s20] =	ssyncadd.s32 $0xFFFFE000  }
0x7b: {  	[hbm4b:s23+s3] =	stream.linear.scatter [tilespmem:s9], [sflag:$0xA], $0x2000, $0x38;
	[tilespmem:$0x10100] =	vst v63  }
0x7c: {  	s23 =	simm.s32 @!p0 $0xE  }
0x7d: {  	_ =	swait.ge @!p0 [sflag:s23], $0x2000  }
0x7e: {  	[sflag:s23] =	ssyncset.done @!p0 $0x0  }
0x7f: {  	[sflag:s23] =	ssyncadd.s32 @!p0 $0xFFFFE000  }
0x80: {  	v2 =	vld.msk [tilespmem:s15+$0xFFFFFFF8], $0xff;
	_ =	sdelay $0x4  }
0x81: {  	v3 =	vshll.u32 v2, $0x3  }
0x82: {  	v2 =	vand.u32 $0x7, v2;
	v3 =	vand.u32 $0xFFFFFFC0, v3  }
0x83: {  	v2 =	vor.u32 v2, v3  }
0x84: {  	v2 =	vperm.xlane v2, v0;
	_ =	sdelay $0x1  }
0x85: {  	v2 =	vadd.s32 v1, v2;
	_ =	sdelay $0x4  }
0x86: {  	[tilespmem:s21], [sflag:$0x6] =	stream.indirect_vreg.gather [hbm4b:s2+s3], $0x80, v2, vm0, $0xb8;
	[tilespmem:$0x10100] =	vst v63  }
0x87: {  	s23 =	simm.s32 $0xA900  }
0x88: {  	[tilespmem:s23], [sflag:$0x6] =	stream.indirect_vreg.gather [hbm4b:s5+s3], $0x80, v2, vm0, $0xb8;
	[tilespmem:$0x10100] =	vst v63  }
0x89: {  	s23 =	simm.s32 $0xB100  }
0x8a: {  	[tilespmem:s23], [sflag:$0x6] =	stream.indirect_vreg.gather [hbm4b:s6+s3], $0x80, v2, vm0, $0xb8;
	[tilespmem:$0x10100] =	vst v63  }
0x8b: {  	s23 =	simm.s32 $0xB900  }
0x8c: {  	[tilespmem:s23], [sflag:$0x6] =	stream.indirect_vreg.gather [hbm4b:s7+s3], $0x80, v2, vm0, $0xb8;
	[tilespmem:$0x10100] =	vst v63  }
0x8d: {  	_ =	swait.ge [sflag:s26], $0x2000  }
0x8e: {  	[sflag:s26] =	ssyncset.done $0x0  }
0x8f: {  	s9 =	simm.s32 $0x4100;
	s23 =	sadd.s32 s30, s13;
	[sflag:s26] =	ssyncadd.s32 $0xFFFFE000  }
0x90: {  	[hbm4b:s23+s3] =	stream.linear.scatter [tilespmem:s9], [sflag:$0xB], $0x2000, $0x38;
	[tilespmem:$0x10100] =	vst v63  }
0x91: {  	s23 =	simm.s32 @!p0 $0xF  }
0x92: {  	_ =	swait.ge @!p0 [sflag:s23], $0x2000  }
0x93: {  	[sflag:s23] =	ssyncset.done @!p0 $0x0  }
0x94: {  	[sflag:s23] =	ssyncadd.s32 @!p0 $0xFFFFE000  }
0x95: {  	v2 =	vld.msk [tilespmem:s15+$0x0], $0xff;
	_ =	sdelay $0x4  }
0x96: {  	v3 =	vshll.u32 v2, $0x3  }
0x97: {  	v2 =	vand.u32 $0x7, v2;
	v3 =	vand.u32 $0xFFFFFFC0, v3  }
0x98: {  	v2 =	vor.u32 v2, v3  }
0x99: {  	v2 =	vperm.xlane v2, v0;
	_ =	sdelay $0x1  }
0x9a: {  	v2 =	vadd.s32 v1, v2;
	_ =	sdelay $0x4  }
0x9b: {  	[tilespmem:s4], [sflag:$0x7] =	stream.indirect_vreg.gather [hbm4b:s2+s3], $0x80, v2, vm0, $0xb8;
	[tilespmem:$0x10100] =	vst v63  }
0x9c: {  	s23 =	simm.s32 $0xC900  }
0x9d: {  	[tilespmem:s23], [sflag:$0x7] =	stream.indirect_vreg.gather [hbm4b:s5+s3], $0x80, v2, vm0, $0xb8;
	[tilespmem:$0x10100] =	vst v63  }
0x9e: {  	s23 =	simm.s32 $0xD100  }
0x9f: {  	[tilespmem:s23], [sflag:$0x7] =	stream.indirect_vreg.gather [hbm4b:s6+s3], $0x80, v2, vm0, $0xb8;
	[tilespmem:$0x10100] =	vst v63  }
0xa0: {  	s23 =	simm.s32 $0xD900  }
0xa1: {  	[tilespmem:s23], [sflag:$0x7] =	stream.indirect_vreg.gather [hbm4b:s7+s3], $0x80, v2, vm0, $0xb8;
	[tilespmem:$0x10100] =	vst v63  }
0xa2: {  	_ =	swait.ge [sflag:s29], $0x2000  }
0xa3: {  	[sflag:s29] =	ssyncset.done $0x0  }
0xa4: {  	s9 =	sadd.s32 $0xC00, s31;
	s23 =	simm.s32 @!p0 $0x10;
	[sflag:s29] =	ssyncadd.s32 $0xFFFFE000  }
0xa5: {  	[hbm4b:s9+s3] =	stream.linear.scatter [tilespmem:s28], [sflag:$0xC], $0x2000, $0x38;
	[tilespmem:$0x10100] =	vst v63  }
0xa6: {  	_ =	swait.ge @!p0 [sflag:s23], $0x2000  }
0xa7: {  	[sflag:s23] =	ssyncset.done @!p0 $0x0  }
0xa8: {  	[sflag:s23] =	ssyncadd.s32 @!p0 $0xFFFFE000  }
0xa9: {  	v2 =	vld.msk [tilespmem:s15+$0x8], $0xff;
	_ =	sdelay $0x4  }
0xaa: {  	v3 =	vshll.u32 v2, $0x3  }
0xab: {  	v2 =	vand.u32 $0x7, v2;
	v3 =	vand.u32 $0xFFFFFFC0, v3  }
0xac: {  	v2 =	vor.u32 v2, v3  }
0xad: {  	v2 =	vperm.xlane v2, v0;
	_ =	sdelay $0x1  }
0xae: {  	v2 =	vadd.s32 v1, v2;
	_ =	sdelay $0x4  }
0xaf: {  	[tilespmem:s19], [sflag:$0x8] =	stream.indirect_vreg.gather [hbm4b:s2+s3], $0x80, v2, vm0, $0xb8;
	[tilespmem:$0x10100] =	vst v63  }
0xb0: {  	s23 =	simm.s32 $0xE900  }
0xb1: {  	[tilespmem:s23], [sflag:$0x8] =	stream.indirect_vreg.gather [hbm4b:s5+s3], $0x80, v2, vm0, $0xb8;
	[tilespmem:$0x10100] =	vst v63  }
0xb2: {  	s23 =	simm.s32 $0xF100  }
0xb3: {  	[tilespmem:s23], [sflag:$0x8] =	stream.indirect_vreg.gather [hbm4b:s6+s3], $0x80, v2, vm0, $0xb8;
	[tilespmem:$0x10100] =	vst v63  }
0xb4: {  	s23 =	simm.s32 $0xF900  }
0xb5: {  	[tilespmem:s23], [sflag:$0x8] =	stream.indirect_vreg.gather [hbm4b:s7+s3], $0x80, v2, vm0, $0xb8;
	[tilespmem:$0x10100] =	vst v63  }
0xb6: {  	_ =	swait.ge [sflag:s16], $0x2000  }
0xb7: {  	[sflag:s16] =	ssyncset.done $0x0;
	s23 =	rddreg [dreg:$0x5]  }
0xb8: {  	[sflag:s16] =	ssyncadd.s32 $0xFFFFE000;
	s9 =	sadd.s32 s30, s23  }
0xb9: {  	[hbm4b:s9+s3] =	stream.linear.scatter [tilespmem:s0], [sflag:$0xD], $0x2000, $0x38;
	[tilespmem:$0x10100] =	vst v63  }
0xba: {  	_ =	swait.ge [sflag:s17], $0x2000  }
0xbb: {  	[sflag:s17] =	ssyncset.done $0x0  }
0xbc: {  	p0 =	seq.s32 s30, $0x6000;
	[sflag:s17] =	ssyncadd.s32 $0xFFFFE000  }
0xbd: {  	v2 =	vld.msk @!p0 [tilespmem:s15+$0x10], $0xff;
	_ =	sdelay $0x4  }
0xbe: {  	v3 =	vshll.u32 @!p0 v2, $0x3  }
0xbf: {  	v4 =	vlaneseq.u32 @!p0;
	v2 =	vand.u32 @!p0 $0x7, v2;
	v3 =	vand.u32 @!p0 $0xFFFFFFC0, v3  }
0xc0: {  	v2 =	vor.u32 @!p0 v2, v3;
	v3 =	vand.u32 @!p0 $0x7, v4;
	v4 =	vshrl.u32 @!p0 v4, $0x3  }
0xc1: {  	v2 =	vperm.xlane @!p0 v2, v3;
	v4 =	vmul.u32 @!p0 $0x8, v4;
	_ =	sdelay $0x1  }
0xc2: {  	v2 =	vadd.s32 @!p0 v4, v2;
	_ =	sdelay $0x3  }
0xc3: {  	vm1 =	vmmov @!p0 $0xffff;
	s23 =	simm.s32 @!p0 $0x0;
	s9 =	simm.s32 @!p0 $0x100  }
0xc4: {  	[tilespmem:s9], [sflag:$0x1] =	stream.indirect_vreg.gather @!p0 [hbm4b:s2+s23], $0x80, v2, vm1, $0xb8;
	[tilespmem:$0x10100] =	vst v63  }
0xc5: {  	s9 =	simm.s32 @!p0 $0x900  }
0xc6: {  	[tilespmem:s9], [sflag:$0x1] =	stream.indirect_vreg.gather @!p0 [hbm4b:s5+s23], $0x80, v2, vm1, $0xb8;
	[tilespmem:$0x10100] =	vst v63  }
0xc7: {  	s9 =	simm.s32 @!p0 $0x1100  }
0xc8: {  	[tilespmem:s9], [sflag:$0x1] =	stream.indirect_vreg.gather @!p0 [hbm4b:s6+s23], $0x80, v2, vm1, $0xb8;
	[tilespmem:$0x10100] =	vst v63  }
0xc9: {  	s9 =	simm.s32 @!p0 $0x1900  }
0xca: {  	[tilespmem:s9], [sflag:$0x1] =	stream.indirect_vreg.gather @!p0 [hbm4b:s7+s23], $0x80, v2, vm1, $0xb8;
	[tilespmem:$0x10100] =	vst v63  }
0xcb: {  	_ =	swait.ge [sflag:s18], $0x2000  }
0xcc: {  	[sflag:s18] =	ssyncset.done $0x0  }
0xcd: {  	s9 =	sadd.s32 $0x1400, s31;
	[sflag:s18] =	ssyncadd.s32 $0xFFFFE000  }
0xce: {  	[hbm4b:s9+s3] =	stream.linear.scatter [tilespmem:s21], [sflag:$0xE], $0x2000, $0x38;
	[tilespmem:$0x10100] =	vst v63  }
0xcf: {  	_ =	swait.ge [sflag:s22], $0x2000  }
0xd0: {  	[sflag:s22] =	ssyncset.done $0x0  }
0xd1: {  	[sflag:s22] =	ssyncadd.s32 $0xFFFFE000  }
0xd2: {  	v2 =	vld.msk @!p0 [tilespmem:s15+$0x18], $0xff;
	_ =	sdelay $0x4  }
0xd3: {  	v5 =	vshll.u32 @!p0 v2, $0x3  }
0xd4: {  	v2 =	vand.u32 @!p0 $0x7, v2;
	v5 =	vand.u32 @!p0 $0xFFFFFFC0, v5  }
0xd5: {  	v2 =	vor.u32 @!p0 v2, v5  }
0xd6: {  	v2 =	vperm.xlane @!p0 v2, v3;
	_ =	sdelay $0x1  }
0xd7: {  	v2 =	vadd.s32 @!p0 v4, v2;
	_ =	sdelay $0x3  }
0xd8: {  	s9 =	simm.s32 @!p0 $0x2100  }
0xd9: {  	[tilespmem:s9], [sflag:$0x2] =	stream.indirect_vreg.gather @!p0 [hbm4b:s2+s23], $0x80, v2, vm1, $0xb8;
	[tilespmem:$0x10100] =	vst v63  }
0xda: {  	s9 =	simm.s32 @!p0 $0x2900  }
0xdb: {  	[tilespmem:s9], [sflag:$0x2] =	stream.indirect_vreg.gather @!p0 [hbm4b:s5+s23], $0x80, v2, vm1, $0xb8;
	[tilespmem:$0x10100] =	vst v63  }
0xdc: {  	s9 =	simm.s32 @!p0 $0x3100  }
0xdd: {  	[tilespmem:s9], [sflag:$0x2] =	stream.indirect_vreg.gather @!p0 [hbm4b:s6+s23], $0x80, v2, vm1, $0xb8;
	[tilespmem:$0x10100] =	vst v63  }
0xde: {  	s9 =	simm.s32 @!p0 $0x3900  }
0xdf: {  	[tilespmem:s9], [sflag:$0x2] =	stream.indirect_vreg.gather @!p0 [hbm4b:s7+s23], $0x80, v2, vm1, $0xb8;
	[tilespmem:$0x10100] =	vst v63  }
0xe0: {  	_ =	swait.ge [sflag:s24], $0x2000  }
0xe1: {  	[sflag:s24] =	ssyncset.done $0x0  }
0xe2: {  	s9 =	sadd.s32 s30, s12;
	[sflag:s24] =	ssyncadd.s32 $0xFFFFE000  }
0xe3: {  	[hbm4b:s9+s3] =	stream.linear.scatter [tilespmem:s4], [sflag:$0xF], $0x2000, $0x38;
	[tilespmem:$0x10100] =	vst v63  }
0xe4: {  	_ =	swait.ge [sflag:s25], $0x2000  }
0xe5: {  	[sflag:s25] =	ssyncset.done $0x0  }
0xe6: {  	[sflag:s25] =	ssyncadd.s32 $0xFFFFE000  }
0xe7: {  	v2 =	vld.msk @!p0 [tilespmem:s15+$0x20], $0xff;
	_ =	sdelay $0x4  }
0xe8: {  	v5 =	vshll.u32 @!p0 v2, $0x3  }
0xe9: {  	v2 =	vand.u32 @!p0 $0x7, v2;
	v5 =	vand.u32 @!p0 $0xFFFFFFC0, v5  }
0xea: {  	v2 =	vor.u32 @!p0 v2, v5  }
0xeb: {  	v2 =	vperm.xlane @!p0 v2, v3;
	_ =	sdelay $0x1  }
0xec: {  	v2 =	vadd.s32 @!p0 v4, v2;
	_ =	sdelay $0x3  }
0xed: {  	s9 =	simm.s32 @!p0 $0x4100  }
0xee: {  	[tilespmem:s9], [sflag:$0x3] =	stream.indirect_vreg.gather @!p0 [hbm4b:s2+s23], $0x80, v2, vm1, $0xb8;
	[tilespmem:$0x10100] =	vst v63  }
0xef: {  	s9 =	simm.s32 @!p0 $0x4900  }
0xf0: {  	[tilespmem:s9], [sflag:$0x3] =	stream.indirect_vreg.gather @!p0 [hbm4b:s5+s23], $0x80, v2, vm1, $0xb8;
	[tilespmem:$0x10100] =	vst v63  }
0xf1: {  	s9 =	simm.s32 @!p0 $0x5100  }
0xf2: {  	[tilespmem:s9], [sflag:$0x3] =	stream.indirect_vreg.gather @!p0 [hbm4b:s6+s23], $0x80, v2, vm1, $0xb8;
	[tilespmem:$0x10100] =	vst v63  }
0xf3: {  	s9 =	simm.s32 @!p0 $0x5900  }
0xf4: {  	[tilespmem:s9], [sflag:$0x3] =	stream.indirect_vreg.gather @!p0 [hbm4b:s7+s23], $0x80, v2, vm1, $0xb8;
	[tilespmem:$0x10100] =	vst v63  }
0xf5: {  	_ =	swait.ge [sflag:s8], $0x2000  }
0xf6: {  	[sflag:s8] =	ssyncset.done $0x0  }
.Ltmp2:
0xf7: {  	s31 =	sadd.s32 $0x1C00, s31;
	[sflag:s8] =	ssyncadd.s32 $0xFFFFE000;
	(pc) =	sbr.rel @p0 .LBB2_4-.Ltmp2, $4  }
0xf8: {  	[hbm4b:s31+s3] =	stream.linear.scatter [tilespmem:s19], [sflag:$0x10], $0x2000, $0x38;
	[tilespmem:$0x10100] =	vst v63  }
0xf9: {  	_ =	swait.ge [sflag:s14], $0x2000  }
0xfa: {  	[sflag:s14] =	ssyncset.done $0x0  }
0xfb: {  	[sflag:s14] =	ssyncadd.s32 $0xFFFFE000  }
0xfc: {  	v2 =	vld.msk [tilespmem:s15+$0x28], $0xff;
	_ =	sdelay $0x4  }
0xfd: {  	v3 =	vshll.u32 v2, $0x3  }
0xfe: {  	v2 =	vand.u32 $0x7, v2;
	v3 =	vand.u32 $0xFFFFFFC0, v3  }
0xff: {  	v2 =	vor.u32 v2, v3  }
0x100: {  	v2 =	vperm.xlane v2, v0;
	_ =	sdelay $0x1  }
0x101: {  	v2 =	vadd.s32 v1, v2;
	_ =	sdelay $0x4  }
0x102: {  	[tilespmem:s28], [sflag:$0x4] =	stream.indirect_vreg.gather [hbm4b:s2+s3], $0x80, v2, vm0, $0xb8;
	[tilespmem:$0x10100] =	vst v63  }
0x103: {  	s9 =	simm.s32 $0x6900  }
0x104: {  	[tilespmem:s9], [sflag:$0x4] =	stream.indirect_vreg.gather [hbm4b:s5+s3], $0x80, v2, vm0, $0xb8;
	[tilespmem:$0x10100] =	vst v63  }
.Ltmp3:
0x105: {  	_ = 	snop;
	(pc) =	sbr.rel .LBB2_2-.Ltmp3, $4  }
0x106: {  	s23 =	simm.s32 $0x7100  }
0x107: {  	[tilespmem:s23], [sflag:$0x4] =	stream.indirect_vreg.gather [hbm4b:s6+s3], $0x80, v2, vm0, $0xb8;
	[tilespmem:$0x10100] =	vst v63  }
0x108: {  	s31 =	simm.s32 $0x7900;
	s30 =	sadd.s32 $0x2000, s30;
	s15 =	sadd.s32 $0x40, s15  }
0x109: {  	[tilespmem:s31], [sflag:$0x4] =	stream.indirect_vreg.gather [hbm4b:s7+s3], $0x80, v2, vm0, $0xb8;
	[tilespmem:$0x10100] =	vst v63  }
.LBB2_5:
0x10a: {  	_ =	sfence.sel $0x180000  }
0x10b: {  	[bflag:$0x0] =	sbarrier.arrive $0xFFFF  }
0x10c: {  	_ =	strace $0x9000004A  }
0x10d: {  	s0 =	stileid.u32;
	[bflag:$0x2] =	sbarrier.arrive $0xFFFF  }
0x10e: {  	p0 =	sne.s32 s0, $0x0;
	s0 =	rddreg [dreg:$0x2]  }
0x10f: {  	s0 =	sadd.s32 @!p0 $0x100000, s0  }
0x110: {  	[sflag:s0] =	ssyncadd.tile.s32 @!p0 $0x1;
	_ =	shalt  }
.Lfunc_end2:
_tile_overlayer_lowered:
.L_overlay_start_2:
0x111: {  	(tag) =	ssettag $0x2  }
0x112: {  	s0 =	rddreg [dreg:$0x0];
	s2 =	stileid.u32  }
0x113: {  	s1 =	rddreg [dreg:$0x1];
	p0 =	sne.s32 s2, $0x0  }
0x114: {  	s3 =	rddreg [dreg:$0x2];
	[bflag:$0x3] =	sbarrier.arrive $0xFFFF;
	s2 =	simm.s32 @!p0 $0x1C11  }
0x115: {  	[timem:s3], [sflag:s2] =	dma.local @!p0 [hbm:s0], s1  }
0x116: {  	s0 =	simm.s32 @!p0 $0x11  }
0x117: {  	_ =	swait.ge @!p0 [sflag:s0], s1  }
0x118: {  	s1 =	ssub.s32 @!p0 $0x0, s1;
	[sflag:s0] =	ssyncset.done @!p0 $0x0  }
0x119: {  	[sflag:s0] =	ssyncadd.s32 @!p0 s1  }
0x11a: {  	[bflag:$0x3] =	sbarrier.arrive $0xFFFF  }
0x11b: {  	_ =	shalt  }

// kernel: kernel.16.cloned.1.call-start
scs
__scs_entry_jumppad:
0x0: {  	(pc) =	sbr.rel $0x88, $3  }
0x1: {  	(tag) =	ssettag $0x0;
	lr =	simm.s32 $0x1  }
0x2: {  	[smem:$0x3F9E] =	sst lr;
	_ =	strace $0xD0000000  }
0x3: {  	_ = 	snop  }
0x4: {  	_ = 	snop  }
0x5: {  	_ = 	snop  }
0x6: {  	_ = 	snop  }
0x7: {  	_ = 	snop  }
__scs_overlays_trampoline_lowered:
0x8: {  	[smem:$0x3FAD] =	sst s0  }
0x9: {  	[smem:$0x3FAE] =	sst s1  }
0xa: {  	[smem:$0x3FAF] =	sst s2  }
0xb: {  	[smem:$0x3FB0] =	sst s3  }
0xc: {  	[smem:$0x3FB1] =	sst s4  }
0xd: {  	[smem:$0x3FB2] =	sst s5  }
0xe: {  	[smem:$0x3FB3] =	sst s6  }
0xf: {  	[smem:$0x3FB4] =	sst s7  }
0x10: {  	[smem:$0x3FB5] =	sst s8  }
0x11: {  	[smem:$0x3FB6] =	sst s9;
	s0 =	simm.s32 @!p0 $0x0  }
0x12: {  	s1 =	sld [smem:$0x3F9C];
	s0 =	simm.s32 @p0 $0x1  }
0x13: {  	[smem:$0x3FB7] =	sst s0;
	s0 =	simm.s32 @!p1 $0x0  }
0x14: {  	s2 =	sld [smem:$0x3F9B];
	s0 =	simm.s32 @p1 $0x1  }
0x15: {  	[smem:$0x3FB8] =	sst s0;
	s0 =	simm.s32 @!p2 $0x0  }
0x16: {  	s3 =	sld [smem:$0x3FDB];
	s0 =	simm.s32 @p2 $0x1  }
0x17: {  	s4 =	simm.s32 $0x1BF5;
	[smem:$0x3FBA] =	sst s0  }
0x18: {  	s0 =	sld [smem:$0x3F9D];
	_ =	swait.ge [sflag:s4], $0x0  }
0x19: {  	s7 =	sld [smem:$0x3F9E]  }
0x1a: {  	s8 =	sadd.s32 $0xFFFFE003, lr  }
0x1b: {  	s9 =	sadd.s32 $0xFFFFFEF7, lr;
	s5 =	simm.s32 $0xFFFFFFFF;
	p2 =	slt.u32 s8, $0xFFFFF086  }
0x1c: {  	p1 =	slt.u32 s9, $0xF7A;
	s5 =	simm.s32 @!p2 $0x0  }
0x1d: {  	s5 =	simm.s32 @p1 $0x1;
	p0 =	seq.s32 s7, s2  }
0x1e: {  	s7 =	smul.u32 @!p0 $0xF7A, s2;
	p2 =	seq.s32 @!p0 s5, $0x0  }
0x1f: {  	s9 =	smul.u32 $0xF7A, s1;
	s8 =	simm.s32 @!p0 $0x1BF5;
	p2 =	por !p2, p0  }
0x20: {  	[sflag:s8] =	ssyncset.s32 @!p0 $0xFFFFF086;
	s6 =	sadd.s32 @!p0 s3, s7;
	s7 =	simm.s32 @!p0 $0x108  }
0x21: {  	s3 =	sadd.s32 s3, s9;
	s6 =	sadd.s32 @!p0 $0x88, s6;
	s7 =	simm.s32 @p2 $0x1082  }
0x22: {  	[simem:s7], [sflag:s8] =	dma.local @!p0 [hbm:s6], $0xF7A  }
0x23: {  	s9 =	sor.u32 $0xD0000000, s2;
	s6 =	simm.s32 $0x108;
	_ =	swait.ge @!p0 [sflag:s8], $0x0  }
0x24: {  	s3 =	sadd.s32 $0x88, s3;
	s6 =	simm.s32 @!p1 $0x1082;
	[sflag:s4] =	ssyncset.s32 $0xFFFFF086  }
0x25: {  	[simem:s6], [sflag:s4] =	dma.local [hbm:s3], $0xF7A  }
0x26: {  	[smem:$0x3F9E] =	sst s1;
	(tag) =	ssettag s2;
	_ =	strace s9  }
0x27: {  	s1 =	sld [smem:$0x3FAE]  }
0x28: {  	s2 =	sld [smem:$0x3FAF]  }
0x29: {  	s4 =	sld [smem:$0x3FB1]  }
0x2a: {  	p0 =	seq.s32 s5, $0x0;
	s5 =	sld [smem:$0x3FB2]  }
0x2b: {  	s6 =	sld [smem:$0x3FB3]  }
0x2c: {  	s7 =	sld [smem:$0x3FB4]  }
0x2d: {  	s3 =	simm.s32 $0x108;
	s8 =	sld [smem:$0x3FB5]  }
0x2e: {  	s3 =	simm.s32 @!p0 $0x1082;
	s9 =	sld [smem:$0x3FB6]  }
0x2f: {  	lr =	sadd.s32 s0, s3;
	s0 =	sld [smem:$0x3FAD]  }
0x30: {  	s3 =	sld [smem:$0x3FB0]  }
0x31: {  	[smem:$0x3FB9] =	sst s10  }
0x32: {  	s10 =	sld [smem:$0x3FB7];
	_ =	sdelay $0x3  }
0x33: {  	p0 =	seq.s32 s10, $0x1;
	s10 =	sld [smem:$0x3FB9];
	_ =	sdelay $0x3  }
0x34: {  	[smem:$0x3FB9] =	sst s10  }
0x35: {  	s10 =	sld [smem:$0x3FB8];
	_ =	sdelay $0x3  }
0x36: {  	p1 =	seq.s32 s10, $0x1;
	s10 =	sld [smem:$0x3FB9];
	_ =	sdelay $0x3  }
0x37: {  	[smem:$0x3FB9] =	sst s10  }
0x38: {  	s10 =	sld [smem:$0x3FBA]  }
0x39: {  	_ = 	snop;
	(pc) =	sbr.ind lr, $3  }
0x3a: {  	_ = 	snop  }
0x3b: {  	_ = 	snop  }
0x3c: {  	p2 =	seq.s32 s10, $0x1;
	s10 =	sld [smem:$0x3FB9]  }
0x3d: {  	_ =	shalt  }
0x3e: {  	_ =	shalt  }
0x3f: {  	_ =	shalt  }
0x40: {  	_ =	shalt  }
0x41: {  	_ =	shalt  }
0x42: {  	_ =	shalt  }
0x43: {  	_ =	shalt  }
0x44: {  	_ =	shalt  }
0x45: {  	_ =	shalt  }
0x46: {  	_ =	shalt  }
0x47: {  	_ =	shalt  }
0x48: {  	_ =	shalt  }
0x49: {  	_ =	shalt  }
0x4a: {  	_ =	shalt  }
0x4b: {  	_ =	shalt  }
0x4c: {  	_ =	shalt  }
0x4d: {  	_ =	shalt  }
0x4e: {  	_ =	shalt  }
0x4f: {  	_ =	shalt  }
0x50: {  	_ =	shalt  }
0x51: {  	_ =	shalt  }
0x52: {  	_ =	shalt  }
0x53: {  	_ =	shalt  }
0x54: {  	_ =	shalt  }
0x55: {  	_ =	shalt  }
0x56: {  	_ =	shalt  }
0x57: {  	_ =	shalt  }
0x58: {  	_ =	shalt  }
0x59: {  	_ =	shalt  }
0x5a: {  	_ =	shalt  }
0x5b: {  	_ =	shalt  }
0x5c: {  	_ =	shalt  }
0x5d: {  	_ =	shalt  }
0x5e: {  	_ =	shalt  }
0x5f: {  	_ =	shalt  }
0x60: {  	_ =	shalt  }
0x61: {  	_ =	shalt  }
0x62: {  	_ =	shalt  }
0x63: {  	_ =	shalt  }
0x64: {  	_ =	shalt  }
0x65: {  	_ =	shalt  }
0x66: {  	_ =	shalt  }
0x67: {  	_ =	shalt  }
0x68: {  	_ =	shalt  }
0x69: {  	_ =	shalt  }
0x6a: {  	_ =	shalt  }
0x6b: {  	_ =	shalt  }
0x6c: {  	_ =	shalt  }
0x6d: {  	_ =	shalt  }
0x6e: {  	_ =	shalt  }
0x6f: {  	_ =	shalt  }
0x70: {  	_ =	shalt  }
0x71: {  	_ =	shalt  }
0x72: {  	_ =	shalt  }
0x73: {  	_ =	shalt  }
0x74: {  	_ =	shalt  }
0x75: {  	_ =	shalt  }
0x76: {  	_ =	shalt  }
0x77: {  	_ =	shalt  }
0x78: {  	_ =	shalt  }
0x79: {  	_ =	shalt  }
0x7a: {  	_ =	shalt  }
0x7b: {  	_ =	shalt  }
0x7c: {  	_ =	shalt  }
0x7d: {  	_ =	shalt  }
0x7e: {  	_ =	shalt  }
0x7f: {  	_ =	shalt  }
0x80: {  	_ =	shalt  }
0x81: {  	_ =	shalt  }
0x82: {  	_ =	shalt  }
0x83: {  	_ =	shalt  }
0x84: {  	_ =	shalt  }
0x85: {  	_ =	shalt  }
0x86: {  	_ =	shalt  }
0x87: {  	_ =	shalt  }
.Lfunc_end0:
.L_simem_size_0:
called_computation.2_lowered:
.L_overlay_start_0:
0x88: {  	s2 =	sld [smem:$0x3FD9]  }
0x89: {  	s3 =	sld [smem:$0x3FFE];
	_ =	sdelay $0x1  }
0x8a: {  	s1 =	srdreg.scid  }
0x8b: {  	s0 =	sand.u32 $0x1, s1  }
0x8c: {  	s17 =	sshll.u32 s0, $0xA;
	s2 =	sadd.s32 s3, s2  }
0x8d: {  	s2 =	sadd.s32 s2, s17  }
0x8e: {  	[smem:$0x3FC5] =	sst s2  }
0x8f: {  	_ = 	snop  }
0x90: {  	s18 =	sld [smem:$0x3FC7];
	(tm) =	ssettm $0x1  }
0x91: {  	s19 =	sld [smem:$0x3FFB];
	_ =	sdelay $0x3  }
0x92: {  	_ =	strace s19  }
0x93: {  	s2 =	sld [smem:$0x3FFC];
	_ =	sdelay $0x3  }
0x94: {  	_ =	strace s2  }
0x95: {  	s2 =	sld [smem:$0x3FFD];
	_ =	sdelay $0x3  }
0x96: {  	_ =	strace s2  }
0x97: {  	_ =	strace $0x8FFFFFFF  }
0x98: {  	s20 =	sld [smem:$0x3FDB];
	_ =	sdelay $0x1  }
0x99: {  	s4 =	simm.s32 $_scs_section_size  }
0x9a: {  	s5 =	simm.s32 $_size__tile_overlayer_lowered;
	s6 =	simm.s32 $_tile_overlayer_lowered  }
0x9b: {  	s7 =	simm.s32 $0x1BFF;
	s21 =	sshll.u32 s6, $0x1;
	s4 =	sadd.s32 s4, s20  }
0x9c: {  	s22 =	simm.s32 $0x0;
	s5 =	sshll.u32 s5, $0x1;
	s6 =	sadd.s32 s21, s4  }
0x9d: {  	[timem:s22], [sflag:s7] =	dma.local [hbm:s6], s5  }
0x9e: {  	_ =	swait.ge [sflag:s7], s5  }
0x9f: {  	s5 =	ssub.s32 $0x0, s5;
	[sflag:s7] =	ssyncset.done $0x0  }
0xa0: {  	[sflag:s7] =	ssyncadd.s32 s5;
	_ =	sdelay $0x1  }
0xa1: {  	s23 =	simm.s32 $0x1B8B  }
0xa2: {  	_ =	swait.ge [sflag:s23], $0x1  }
0xa3: {  	[sflag:s23] =	ssyncset.done $0x0  }
0xa4: {  	[sflag:s23] =	ssyncadd.s32 $0xFFFFFFFF  }
0xa5: {  	s5 =	sld [smem:$0x0]  }
0xa6: {  	s6 =	sand.u32 $0xFFFFFFFE, s1  }
0xa7: {  	p0 =	sne.s32 s1, s6  }
0xa8: {  	s6 =	sshll.u32 @p0 s6, $0xE  }
0xa9: {  	s6 =	sadd.s32 @p0 $0x11B8D, s6;
	s7 =	sshll.u32 @p0 s5, $0x11  }
0xaa: {  	s6 =	sor.u32 @p0 s7, s6  }
0xab: {  	[sflag:s6] =	ssyncadd.remote.s32 @p0 $0x1;
	_ =	sdelay $0x1  }
0xac: {  	s6 =	simm.s32 @p0 $0x1B8D  }
0xad: {  	_ =	swait.eq @p0 [sflag:s6], $0x1  }
0xae: {  	[sflag:s6] =	ssyncadd.s32 @p0 $0xFFFFFFFF  }
0xaf: {  	s7 =	sshll.u32 @!p0 s1, $0xE  }
0xb0: {  	s7 =	sor.u32 @!p0 $0x4000, s7;
	s6 =	simm.s32 @!p0 $0x1B8D  }
0xb1: {  	s5 =	sshll.u32 @!p0 s5, $0x11;
	s7 =	sadd.s32 @!p0 $0x11B8D, s7;
	_ =	swait.eq @!p0 [sflag:s6], $0x1  }
0xb2: {  	s5 =	sor.u32 @!p0 s5, s7;
	[sflag:s6] =	ssyncadd.s32 @!p0 $0xFFFFFFFF  }
0xb3: {  	s25 =	simm.s32 $0x1B8E;
	s24 =	sld [smem:$0x3FFE];
	[sflag:s5] =	ssyncadd.remote.s32 @!p0 $0x1  }
0xb4: {  	s26 =	simm.s32 $execute0_lowered;
	[smem:$0x3FD2] =	sst s25  }
0xb5: {  	s6 =	sshll.u32 s26, $0x1;
	_ =	strace $0x8000004C;
	[dreg:$0x1] =	wrdreg $0xFFFFFFFF  }
0xb6: {  	s28 =	simm.s32 $_size_execute0_lowered;
	s4 =	sadd.s32 s4, s6;
	[dreg:$0x0] =	wrdreg $0x0  }
0xb7: {  	s6 =	sshll.u32 s28, $0x1;
	[dreg:$0x2] =	wrdreg s4  }
0xb8: {  	[dreg:$0x3] =	wrdreg s6  }
0xb9: {  	[dreg:$0x4] =	wrdreg $0xC0  }
0xba: {  	_ =	task [dreg:s22], $0x5FFFF  }
0xbb: {  	[dreg:$0x1] =	wrdreg $0xFFFFFFFF  }
0xbc: {  	[dreg:$0x0] =	wrdreg $0x60  }
0xbd: {  	[dreg:$0x2] =	wrdreg s24  }
0xbe: {  	[dreg:$0x3] =	wrdreg s18  }
0xbf: {  	[dreg:$0x4] =	wrdreg $0xB  }
0xc0: {  	_ =	task.clear_ibuf [dreg:s22], $0x5FFFF;
	_ =	strace $0x9000004C  }
0xc1: {  	s29 =	simm.s32 $0xB;
	_ =	strace $0x8000004E  }
0xc2: {  	_ =	swait.ge [sflag:s29], $0x1  }
0xc3: {  	[sflag:s29] =	ssyncadd.s32 $0xFFFFFFFF  }
0xc4: {  	_ =	strace $0x9000004E  }
0xc5: {  	_ =	sfence  }
0xc6: {  	s30 =	sld [smem:$0x0];
	_ =	sdelay $0x2  }
0xc7: {  	s31 =	sshll.u32 s1, $0xD;
	s1 =	sshrl.u32 s1, $0x2  }
0xc8: {  	s4 =	sand.u32 $0x4000, s31;
	s1 =	sadd.s32 s1, s30  }
0xc9: {  	s0 =	sor.u32 s4, s0;
	s1 =	sshll.u32 s1, $0x11  }
0xca: {  	s0 =	sor.u32 s1, s0  }
0xcb: {  	s0 =	sadd.s32 $0x8F2B, s0  }
0xcc: {  	[sflag:s0] =	ssyncadd.remote.s32 $0x1  }
0xcd: {  	_ =	sfence.sel $0xFFFF  }
0xce: {  	[dreg:$0x0] =	wrdreg $0xFFFFFFFF;
	(pc) =	sbr.abs _section_cstart, $3  }
0xcf: {  	[dreg:$0x1] =	wrdreg $0xFFFFFFFF  }
0xd0: {  	_ =	task.clear_ibuf [dreg:s22], $0x2FFFF;
	_ =	strace $0x9FFFFFFF  }
0xd1: {  	(tm) =	ssettm $0x7FFFFFFF  }
tec
execute0_lowered:
.L_overlay_start_1:
0x0: {  	(tag) =	ssettag $0x1  }
0x1: {  	s0 =	srdreg.scid  }
0x2: {  	s1 =	rddreg [dreg:$0x0];
	s9 =	stileid.u32  }
0x3: {  	s2 =	rddreg [dreg:$0x1];
	s3 =	simm.s32 $0x0;
	s28 =	simm.s32 $0x6100  }
0x4: {  	s20 =	simm.s32 $0x2;
	s21 =	simm.s32 $0xA100;
	s26 =	simm.s32 $0x3  }
0x5: {  	s29 =	simm.s32 $0x4;
	s19 =	simm.s32 $0xE100;
	s16 =	simm.s32 $0x5  }
0x6: {  	s17 =	simm.s32 $0x9;
	s18 =	simm.s32 $0x6;
	s22 =	simm.s32 $0xA  }
0x7: {  	s24 =	simm.s32 $0x7;
	s25 =	simm.s32 $0xB;
	s14 =	simm.s32 $0xC  }
0x8: {  	s23 =	simm.s32 $0x0;
	s0 =	sand.u32 $0x1, s0;
	s4 =	sshll.u32 s9, $0x9  }
0x9: {  	[smem:$0x7FF] =	sst s3;
	s30 =	sshll.u32 s9, $0x10;
	s5 =	sshll.u32 s0, $0x8  }
0xa: {  	s6 =	ssub.s32 $0x2, s0;
	_ =	strace $0x8000004D;
	s4 =	sor.u32 s5, s4  }
0xb: {  	s0 =	sshll.u32 s0, $0xF;
	s7 =	sshrl.u32 s6, $0x1;
	s5 =	sshrl.u32 s4, $0x3  }
0xc: {  	s8 =	ssub.s32 s6, s7;
	s6 =	sadd.s32 $0x200, s2;
	s7 =	sadd.s32 $0x300, s2  }
0xd: {  	s4 =	sshll.u32 s4, $0x7;
	s5 =	sadd.s32 s5, s1;
	s8 =	smax.u32 s8, $0x1  }
0xe: {  	s1 =	sadd.s32 $0x202000, s1;
	s5 =	sadd.s32 $0x101800, s5;
	[dreg:$0x4] =	wrdreg s8  }
.Ltmp0:
0xf: {  	s4 =	sadd.s32 s4, s1;
	s1 =	sadd.s32 s30, s1;
	(pc) =	sbr.rel .LBB2_1-.Ltmp0, $4  }
0x10: {  	s8 =	simm.s32 $0x8;
	[dreg:$0x3] =	wrdreg s5;
	s5 =	sadd.s32 $0x100, s2  }
0x11: {  	v0 =	vlaneseq.u32;
	s31 =	sadd.s32 $0x1000, s4;
	s11 =	sadd.s32 s0, s1;
	s12 =	sadd.s32 $0x1800, s4  }
0x12: {  	v1 =	vshrl.u32 v0, $0x3;
	s10 =	smov.u32 s4;
	s13 =	sadd.s32 $0x800, s4;
	s1 =	simm.s32 $0x1  }
0x13: {  	vm0 =	vmmov $0xffff;
	v0 =	vand.u32 $0x7, v0;
	v1 =	vmul.u32 $0x8, v1;
	s0 =	simm.s32 $0x8100;
	s4 =	simm.s32 $0xC100;
	[dreg:$0x5] =	wrdreg s31  }
.LBB2_4:
0x14: {  	s9 =	simm.s32 $0xD  }
0x15: {  	_ =	swait.ge [sflag:s9], $0x2000  }
0x16: {  	[sflag:s9] =	ssyncset.done $0x0  }
0x17: {  	s23 =	simm.s32 $0xE;
	[sflag:s9] =	ssyncadd.s32 $0xFFFFE000  }
0x18: {  	_ =	swait.ge [sflag:s23], $0x2000  }
0x19: {  	[sflag:s23] =	ssyncset.done $0x0  }
0x1a: {  	s30 =	simm.s32 $0xF;
	[sflag:s23] =	ssyncadd.s32 $0xFFFFE000  }
0x1b: {  	_ =	swait.ge [sflag:s30], $0x2000  }
0x1c: {  	[sflag:s30] =	ssyncset.done $0x0  }
0x1d: {  	s15 =	simm.s32 $0x10;
	[sflag:s30] =	ssyncadd.s32 $0xFFFFE000  }
0x1e: {  	_ =	swait.ge [sflag:s15], $0x2000  }
0x1f: {  	s23 =	rddreg [dreg:$0x6]  }
0x20: {  	s31 =	rddreg [dreg:$0x4];
	s23 =	sadd.s32 $0x1, s23  }
0x21: {  	p0 =	sne.s32 s23, s31  }
.Ltmp1:
0x22: {  	_ = 	snop;
	(pc) =	sbr.rel @!p0 .LBB2_5-.Ltmp1, $3  }
0x23: {  	_ =	sdelay $0x1  }
0x24: {  	[sflag:s15] =	ssyncset.done $0x0  }
0x25: {  	[sflag:s15] =	ssyncadd.s32 $0xFFFFE000  }
.LBB2_1:
0x26: {  	[dreg:$0x6] =	wrdreg s23  }
0x27: {  	s9 =	rddreg [dreg:$0x3];
	s31 =	simm.s32 $0x11  }
0x28: {  	[tilespmem:s3], [sflag:$0x11] =	stream.linear.gather [hbm4b:s9+s3], $0x100, $0x38;
	[tilespmem:$0x10100] =	vst v63  }
0x29: {  	_ =	swait.ge [sflag:s31], $0x100  }
0x2a: {  	[sflag:s31] =	ssyncset.done $0x0  }
0x2b: {  	[sflag:s31] =	ssyncadd.s32 $0xFFFFFF00  }
0x2c: {  	v2 =	vld.msk [tilespmem:$0x0], $0xff;
	_ =	sdelay $0x4  }
0x2d: {  	v3 =	vshll.u32 v2, $0x3  }
0x2e: {  	v2 =	vand.u32 $0x7, v2;
	v3 =	vand.u32 $0xFFFFFFC0, v3  }
0x2f: {  	v2 =	vor.u32 v2, v3  }
0x30: {  	v2 =	vperm.xlane v2, v0;
	_ =	sdelay $0x1  }
0x31: {  	v2 =	vadd.s32 v1, v2;
	_ =	sdelay $0x3  }
0x32: {  	s15 =	simm.s32 $0x100  }
0x33: {  	[tilespmem:s15], [sflag:$0x1] =	stream.indirect_vreg.gather [hbm4b:s2+s3], $0x80, v2, vm0, $0xb8;
	[tilespmem:$0x10100] =	vst v63  }
0x34: {  	s23 =	simm.s32 $0x900  }
0x35: {  	[tilespmem:s23], [sflag:$0x1] =	stream.indirect_vreg.gather [hbm4b:s5+s3], $0x80, v2, vm0, $0xb8;
	[tilespmem:$0x10100] =	vst v63  }
0x36: {  	s31 =	simm.s32 $0x1100  }
0x37: {  	[tilespmem:s31], [sflag:$0x1] =	stream.indirect_vreg.gather [hbm4b:s6+s3], $0x80, v2, vm0, $0xb8;
	[tilespmem:$0x10100] =	vst v63  }
0x38: {  	s15 =	simm.s32 $0x1900  }
0x39: {  	[tilespmem:s15], [sflag:$0x1] =	stream.indirect_vreg.gather [hbm4b:s7+s3], $0x80, v2, vm0, $0xb8;
	[tilespmem:$0x10100] =	vst v63  }
0x3a: {  	v2 =	vld.msk [tilespmem:$0x8], $0xff;
	_ =	sdelay $0x4  }
0x3b: {  	v3 =	vshll.u32 v2, $0x3  }
0x3c: {  	v2 =	vand.u32 $0x7, v2;
	v3 =	vand.u32 $0xFFFFFFC0, v3  }
0x3d: {  	v2 =	vor.u32 v2, v3  }
0x3e: {  	v2 =	vperm.xlane v2, v0;
	_ =	sdelay $0x1  }
0x3f: {  	v2 =	vadd.s32 v1, v2;
	_ =	sdelay $0x3  }
0x40: {  	s23 =	simm.s32 $0x2100  }
0x41: {  	[tilespmem:s23], [sflag:$0x2] =	stream.indirect_vreg.gather [hbm4b:s2+s3], $0x80, v2, vm0, $0xb8;
	[tilespmem:$0x10100] =	vst v63  }
0x42: {  	s31 =	simm.s32 $0x2900  }
0x43: {  	[tilespmem:s31], [sflag:$0x2] =	stream.indirect_vreg.gather [hbm4b:s5+s3], $0x80, v2, vm0, $0xb8;
	[tilespmem:$0x10100] =	vst v63  }
0x44: {  	s15 =	simm.s32 $0x3100  }
0x45: {  	[tilespmem:s15], [sflag:$0x2] =	stream.indirect_vreg.gather [hbm4b:s6+s3], $0x80, v2, vm0, $0xb8;
	[tilespmem:$0x10100] =	vst v63  }
0x46: {  	s23 =	simm.s32 $0x3900  }
0x47: {  	[tilespmem:s23], [sflag:$0x2] =	stream.indirect_vreg.gather [hbm4b:s7+s3], $0x80, v2, vm0, $0xb8;
	[tilespmem:$0x10100] =	vst v63  }
0x48: {  	v2 =	vld.msk [tilespmem:$0x10], $0xff;
	_ =	sdelay $0x4  }
0x49: {  	v3 =	vshll.u32 v2, $0x3  }
0x4a: {  	v2 =	vand.u32 $0x7, v2;
	v3 =	vand.u32 $0xFFFFFFC0, v3  }
0x4b: {  	v2 =	vor.u32 v2, v3  }
0x4c: {  	v2 =	vperm.xlane v2, v0;
	_ =	sdelay $0x1  }
0x4d: {  	v2 =	vadd.s32 v1, v2;
	_ =	sdelay $0x3  }
0x4e: {  	s31 =	simm.s32 $0x4100  }
0x4f: {  	[tilespmem:s31], [sflag:$0x3] =	stream.indirect_vreg.gather [hbm4b:s2+s3], $0x80, v2, vm0, $0xb8;
	[tilespmem:$0x10100] =	vst v63  }
0x50: {  	s15 =	simm.s32 $0x4900  }
0x51: {  	[tilespmem:s15], [sflag:$0x3] =	stream.indirect_vreg.gather [hbm4b:s5+s3], $0x80, v2, vm0, $0xb8;
	[tilespmem:$0x10100] =	vst v63  }
0x52: {  	s23 =	simm.s32 $0x5100  }
0x53: {  	[tilespmem:s23], [sflag:$0x3] =	stream.indirect_vreg.gather [hbm4b:s6+s3], $0x80, v2, vm0, $0xb8;
	[tilespmem:$0x10100] =	vst v63  }
0x54: {  	s31 =	simm.s32 $0x5900  }
0x55: {  	[tilespmem:s31], [sflag:$0x3] =	stream.indirect_vreg.gather [hbm4b:s7+s3], $0x80, v2, vm0, $0xb8;
	[tilespmem:$0x10100] =	vst v63  }
0x56: {  	v2 =	vld.msk [tilespmem:$0x18], $0xff;
	_ =	sdelay $0x4  }
0x57: {  	v3 =	vshll.u32 v2, $0x3  }
0x58: {  	v2 =	vand.u32 $0x7, v2;
	v3 =	vand.u32 $0xFFFFFFC0, v3  }
0x59: {  	v2 =	vor.u32 v2, v3  }
0x5a: {  	v2 =	vperm.xlane v2, v0;
	_ =	sdelay $0x1  }
0x5b: {  	v2 =	vadd.s32 v1, v2;
	_ =	sdelay $0x4  }
0x5c: {  	[tilespmem:s28], [sflag:$0x4] =	stream.indirect_vreg.gather [hbm4b:s2+s3], $0x80, v2, vm0, $0xb8;
	[tilespmem:$0x10100] =	vst v63  }
0x5d: {  	s15 =	simm.s32 $0x6900  }
0x5e: {  	[tilespmem:s15], [sflag:$0x4] =	stream.indirect_vreg.gather [hbm4b:s5+s3], $0x80, v2, vm0, $0xb8;
	[tilespmem:$0x10100] =	vst v63  }
0x5f: {  	s23 =	simm.s32 $0x7100  }
0x60: {  	[tilespmem:s23], [sflag:$0x4] =	stream.indirect_vreg.gather [hbm4b:s6+s3], $0x80, v2, vm0, $0xb8;
	[tilespmem:$0x10100] =	vst v63  }
0x61: {  	s30 =	simm.s32 $0x0;
	s31 =	simm.s32 $0x7900;
	s15 =	simm.s32 $0x30  }
0x62: {  	[tilespmem:s31], [sflag:$0x4] =	stream.indirect_vreg.gather [hbm4b:s7+s3], $0x80, v2, vm0, $0xb8;
	[tilespmem:$0x10100] =	vst v63  }
.LBB2_2:
0x63: {  	_ =	swait.ge [sflag:s1], $0x2000  }
0x64: {  	s31 =	sadd.s32 s30, s11;
	[sflag:s1] =	ssyncset.done $0x0  }
0x65: {  	s9 =	simm.s32 $0x100;
	p0 =	seq.s32 s30, $0x0;
	[sflag:s1] =	ssyncadd.s32 $0xFFFFE000  }
0x66: {  	[hbm4b:s31+s3] =	stream.linear.scatter [tilespmem:s9], [sflag:$0x9], $0x2000, $0x38;
	[tilespmem:$0x10100] =	vst v63  }
0x67: {  	s31 =	simm.s32 @!p0 $0xD  }
0x68: {  	_ =	swait.ge @!p0 [sflag:s31], $0x2000  }
0x69: {  	[sflag:s31] =	ssyncset.done @!p0 $0x0  }
0x6a: {  	[sflag:s31] =	ssyncadd.s32 @!p0 $0xFFFFE000  }
0x6b: {  	v2 =	vld.msk [tilespmem:s15+$0xFFFFFFF0], $0xff;
	_ =	sdelay $0x4  }
0x6c: {  	v3 =	vshll.u32 v2, $0x3  }
0x6d: {  	v2 =	vand.u32 $0x7, v2;
	v3 =	vand.u32 $0xFFFFFFC0, v3  }
0x6e: {  	v2 =	vor.u32 v2, v3  }
0x6f: {  	v2 =	vperm.xlane v2, v0;
	_ =	sdelay $0x1  }
0x70: {  	v2 =	vadd.s32 v1, v2;
	_ =	sdelay $0x4  }
0x71: {  	[tilespmem:s0], [sflag:$0x5] =	stream.indirect_vreg.gather [hbm4b:s2+s3], $0x80, v2, vm0, $0xb8;
	[tilespmem:$0x10100] =	vst v63  }
0x72: {  	s31 =	simm.s32 $0x8900  }
0x73: {  	[tilespmem:s31], [sflag:$0x5] =	stream.indirect_vreg.gather [hbm4b:s5+s3], $0x80, v2, vm0, $0xb8;
	[tilespmem:$0x10100] =	vst v63  }
0x74: {  	s23 =	simm.s32 $0x9100  }
0x75: {  	[tilespmem:s23], [sflag:$0x5] =	stream.indirect_vreg.gather [hbm4b:s6+s3], $0x80, v2, vm0, $0xb8;
	[tilespmem:$0x10100] =	vst v63  }
0x76: {  	s31 =	simm.s32 $0x9900  }
0x77: {  	[tilespmem:s31], [sflag:$0x5] =	stream.indirect_vreg.gather [hbm4b:s7+s3], $0x80, v2, vm0, $0xb8;
	[tilespmem:$0x10100] =	vst v63  }
0x78: {  	_ =	swait.ge [sflag:s20], $0x2000  }
0x79: {  	s31 =	sadd.s32 s30, s10;
	[sflag:s20] =	ssyncset.done $0x0  }
0x7a: {  	s9 =	simm.s32 $0x2100;
	s23 =	sadd.s32 $0x400, s31;
	[sflag:s20] =	ssyncadd.s32 $0xFFFFE000  }
0x7b: {  	[hbm4b:s23+s3] =	stream.linear.scatter [tilespmem:s9], [sflag:$0xA], $0x2000, $0x38;
	[tilespmem:$0x10100] =	vst v63  }
0x7c: {  	s23 =	simm.s32 @!p0 $0xE  }
0x7d: {  	_ =	swait.ge @!p0 [sflag:s23], $0x2000  }
0x7e: {  	[sflag:s23] =	ssyncset.done @!p0 $0x0  }
0x7f: {  	[sflag:s23] =	ssyncadd.s32 @!p0 $0xFFFFE000  }
0x80: {  	v2 =	vld.msk [tilespmem:s15+$0xFFFFFFF8], $0xff;
	_ =	sdelay $0x4  }
0x81: {  	v3 =	vshll.u32 v2, $0x3  }
0x82: {  	v2 =	vand.u32 $0x7, v2;
	v3 =	vand.u32 $0xFFFFFFC0, v3  }
0x83: {  	v2 =	vor.u32 v2, v3  }
0x84: {  	v2 =	vperm.xlane v2, v0;
	_ =	sdelay $0x1  }
0x85: {  	v2 =	vadd.s32 v1, v2;
	_ =	sdelay $0x4  }
0x86: {  	[tilespmem:s21], [sflag:$0x6] =	stream.indirect_vreg.gather [hbm4b:s2+s3], $0x80, v2, vm0, $0xb8;
	[tilespmem:$0x10100] =	vst v63  }
0x87: {  	s23 =	simm.s32 $0xA900  }
0x88: {  	[tilespmem:s23], [sflag:$0x6] =	stream.indirect_vreg.gather [hbm4b:s5+s3], $0x80, v2, vm0, $0xb8;
	[tilespmem:$0x10100] =	vst v63  }
0x89: {  	s23 =	simm.s32 $0xB100  }
0x8a: {  	[tilespmem:s23], [sflag:$0x6] =	stream.indirect_vreg.gather [hbm4b:s6+s3], $0x80, v2, vm0, $0xb8;
	[tilespmem:$0x10100] =	vst v63  }
0x8b: {  	s23 =	simm.s32 $0xB900  }
0x8c: {  	[tilespmem:s23], [sflag:$0x6] =	stream.indirect_vreg.gather [hbm4b:s7+s3], $0x80, v2, vm0, $0xb8;
	[tilespmem:$0x10100] =	vst v63  }
0x8d: {  	_ =	swait.ge [sflag:s26], $0x2000  }
0x8e: {  	[sflag:s26] =	ssyncset.done $0x0  }
0x8f: {  	s9 =	simm.s32 $0x4100;
	s23 =	sadd.s32 s30, s13;
	[sflag:s26] =	ssyncadd.s32 $0xFFFFE000  }
0x90: {  	[hbm4b:s23+s3] =	stream.linear.scatter [tilespmem:s9], [sflag:$0xB], $0x2000, $0x38;
	[tilespmem:$0x10100] =	vst v63  }
0x91: {  	s23 =	simm.s32 @!p0 $0xF  }
0x92: {  	_ =	swait.ge @!p0 [sflag:s23], $0x2000  }
0x93: {  	[sflag:s23] =	ssyncset.done @!p0 $0x0  }
0x94: {  	[sflag:s23] =	ssyncadd.s32 @!p0 $0xFFFFE000  }
0x95: {  	v2 =	vld.msk [tilespmem:s15+$0x0], $0xff;
	_ =	sdelay $0x4  }
0x96: {  	v3 =	vshll.u32 v2, $0x3  }
0x97: {  	v2 =	vand.u32 $0x7, v2;
	v3 =	vand.u32 $0xFFFFFFC0, v3  }
0x98: {  	v2 =	vor.u32 v2, v3  }
0x99: {  	v2 =	vperm.xlane v2, v0;
	_ =	sdelay $0x1  }
0x9a: {  	v2 =	vadd.s32 v1, v2;
	_ =	sdelay $0x4  }
0x9b: {  	[tilespmem:s4], [sflag:$0x7] =	stream.indirect_vreg.gather [hbm4b:s2+s3], $0x80, v2, vm0, $0xb8;
	[tilespmem:$0x10100] =	vst v63  }
0x9c: {  	s23 =	simm.s32 $0xC900  }
0x9d: {  	[tilespmem:s23], [sflag:$0x7] =	stream.indirect_vreg.gather [hbm4b:s5+s3], $0x80, v2, vm0, $0xb8;
	[tilespmem:$0x10100] =	vst v63  }
0x9e: {  	s23 =	simm.s32 $0xD100  }
0x9f: {  	[tilespmem:s23], [sflag:$0x7] =	stream.indirect_vreg.gather [hbm4b:s6+s3], $0x80, v2, vm0, $0xb8;
	[tilespmem:$0x10100] =	vst v63  }
0xa0: {  	s23 =	simm.s32 $0xD900  }
0xa1: {  	[tilespmem:s23], [sflag:$0x7] =	stream.indirect_vreg.gather [hbm4b:s7+s3], $0x80, v2, vm0, $0xb8;
	[tilespmem:$0x10100] =	vst v63  }
0xa2: {  	_ =	swait.ge [sflag:s29], $0x2000  }
0xa3: {  	[sflag:s29] =	ssyncset.done $0x0  }
0xa4: {  	s9 =	sadd.s32 $0xC00, s31;
	s23 =	simm.s32 @!p0 $0x10;
	[sflag:s29] =	ssyncadd.s32 $0xFFFFE000  }
0xa5: {  	[hbm4b:s9+s3] =	stream.linear.scatter [tilespmem:s28], [sflag:$0xC], $0x2000, $0x38;
	[tilespmem:$0x10100] =	vst v63  }
0xa6: {  	_ =	swait.ge @!p0 [sflag:s23], $0x2000  }
0xa7: {  	[sflag:s23] =	ssyncset.done @!p0 $0x0  }
0xa8: {  	[sflag:s23] =	ssyncadd.s32 @!p0 $0xFFFFE000  }
0xa9: {  	v2 =	vld.msk [tilespmem:s15+$0x8], $0xff;
	_ =	sdelay $0x4  }
0xaa: {  	v3 =	vshll.u32 v2, $0x3  }
0xab: {  	v2 =	vand.u32 $0x7, v2;
	v3 =	vand.u32 $0xFFFFFFC0, v3  }
0xac: {  	v2 =	vor.u32 v2, v3  }
0xad: {  	v2 =	vperm.xlane v2, v0;
	_ =	sdelay $0x1  }
0xae: {  	v2 =	vadd.s32 v1, v2;
	_ =	sdelay $0x4  }
0xaf: {  	[tilespmem:s19], [sflag:$0x8] =	stream.indirect_vreg.gather [hbm4b:s2+s3], $0x80, v2, vm0, $0xb8;
	[tilespmem:$0x10100] =	vst v63  }
0xb0: {  	s23 =	simm.s32 $0xE900  }
0xb1: {  	[tilespmem:s23], [sflag:$0x8] =	stream.indirect_vreg.gather [hbm4b:s5+s3], $0x80, v2, vm0, $0xb8;
	[tilespmem:$0x10100] =	vst v63  }
0xb2: {  	s23 =	simm.s32 $0xF100  }
0xb3: {  	[tilespmem:s23], [sflag:$0x8] =	stream.indirect_vreg.gather [hbm4b:s6+s3], $0x80, v2, vm0, $0xb8;
	[tilespmem:$0x10100] =	vst v63  }
0xb4: {  	s23 =	simm.s32 $0xF900  }
0xb5: {  	[tilespmem:s23], [sflag:$0x8] =	stream.indirect_vreg.gather [hbm4b:s7+s3], $0x80, v2, vm0, $0xb8;
	[tilespmem:$0x10100] =	vst v63  }
0xb6: {  	_ =	swait.ge [sflag:s16], $0x2000  }
0xb7: {  	[sflag:s16] =	ssyncset.done $0x0;
	s23 =	rddreg [dreg:$0x5]  }
0xb8: {  	[sflag:s16] =	ssyncadd.s32 $0xFFFFE000;
	s9 =	sadd.s32 s30, s23  }
0xb9: {  	[hbm4b:s9+s3] =	stream.linear.scatter [tilespmem:s0], [sflag:$0xD], $0x2000, $0x38;
	[tilespmem:$0x10100] =	vst v63  }
0xba: {  	_ =	swait.ge [sflag:s17], $0x2000  }
0xbb: {  	[sflag:s17] =	ssyncset.done $0x0  }
0xbc: {  	p0 =	seq.s32 s30, $0x6000;
	[sflag:s17] =	ssyncadd.s32 $0xFFFFE000  }
0xbd: {  	v2 =	vld.msk @!p0 [tilespmem:s15+$0x10], $0xff;
	_ =	sdelay $0x4  }
0xbe: {  	v3 =	vshll.u32 @!p0 v2, $0x3  }
0xbf: {  	v4 =	vlaneseq.u32 @!p0;
	v2 =	vand.u32 @!p0 $0x7, v2;
	v3 =	vand.u32 @!p0 $0xFFFFFFC0, v3  }
0xc0: {  	v2 =	vor.u32 @!p0 v2, v3;
	v3 =	vand.u32 @!p0 $0x7, v4;
	v4 =	vshrl.u32 @!p0 v4, $0x3  }
0xc1: {  	v2 =	vperm.xlane @!p0 v2, v3;
	v4 =	vmul.u32 @!p0 $0x8, v4;
	_ =	sdelay $0x1  }
0xc2: {  	v2 =	vadd.s32 @!p0 v4, v2;
	_ =	sdelay $0x3  }
0xc3: {  	vm1 =	vmmov @!p0 $0xffff;
	s23 =	simm.s32 @!p0 $0x0;
	s9 =	simm.s32 @!p0 $0x100  }
0xc4: {  	[tilespmem:s9], [sflag:$0x1] =	stream.indirect_vreg.gather @!p0 [hbm4b:s2+s23], $0x80, v2, vm1, $0xb8;
	[tilespmem:$0x10100] =	vst v63  }
0xc5: {  	s9 =	simm.s32 @!p0 $0x900  }
0xc6: {  	[tilespmem:s9], [sflag:$0x1] =	stream.indirect_vreg.gather @!p0 [hbm4b:s5+s23], $0x80, v2, vm1, $0xb8;
	[tilespmem:$0x10100] =	vst v63  }
0xc7: {  	s9 =	simm.s32 @!p0 $0x1100  }
0xc8: {  	[tilespmem:s9], [sflag:$0x1] =	stream.indirect_vreg.gather @!p0 [hbm4b:s6+s23], $0x80, v2, vm1, $0xb8;
	[tilespmem:$0x10100] =	vst v63  }
0xc9: {  	s9 =	simm.s32 @!p0 $0x1900  }
0xca: {  	[tilespmem:s9], [sflag:$0x1] =	stream.indirect_vreg.gather @!p0 [hbm4b:s7+s23], $0x80, v2, vm1, $0xb8;
	[tilespmem:$0x10100] =	vst v63  }
0xcb: {  	_ =	swait.ge [sflag:s18], $0x2000  }
0xcc: {  	[sflag:s18] =	ssyncset.done $0x0  }
0xcd: {  	s9 =	sadd.s32 $0x1400, s31;
	[sflag:s18] =	ssyncadd.s32 $0xFFFFE000  }
0xce: {  	[hbm4b:s9+s3] =	stream.linear.scatter [tilespmem:s21], [sflag:$0xE], $0x2000, $0x38;
	[tilespmem:$0x10100] =	vst v63  }
0xcf: {  	_ =	swait.ge [sflag:s22], $0x2000  }
0xd0: {  	[sflag:s22] =	ssyncset.done $0x0  }
0xd1: {  	[sflag:s22] =	ssyncadd.s32 $0xFFFFE000  }
0xd2: {  	v2 =	vld.msk @!p0 [tilespmem:s15+$0x18], $0xff;
	_ =	sdelay $0x4  }
0xd3: {  	v5 =	vshll.u32 @!p0 v2, $0x3  }
0xd4: {  	v2 =	vand.u32 @!p0 $0x7, v2;
	v5 =	vand.u32 @!p0 $0xFFFFFFC0, v5  }
0xd5: {  	v2 =	vor.u32 @!p0 v2, v5  }
0xd6: {  	v2 =	vperm.xlane @!p0 v2, v3;
	_ =	sdelay $0x1  }
0xd7: {  	v2 =	vadd.s32 @!p0 v4, v2;
	_ =	sdelay $0x3  }
0xd8: {  	s9 =	simm.s32 @!p0 $0x2100  }
0xd9: {  	[tilespmem:s9], [sflag:$0x2] =	stream.indirect_vreg.gather @!p0 [hbm4b:s2+s23], $0x80, v2, vm1, $0xb8;
	[tilespmem:$0x10100] =	vst v63  }
0xda: {  	s9 =	simm.s32 @!p0 $0x2900  }
0xdb: {  	[tilespmem:s9], [sflag:$0x2] =	stream.indirect_vreg.gather @!p0 [hbm4b:s5+s23], $0x80, v2, vm1, $0xb8;
	[tilespmem:$0x10100] =	vst v63  }
0xdc: {  	s9 =	simm.s32 @!p0 $0x3100  }
0xdd: {  	[tilespmem:s9], [sflag:$0x2] =	stream.indirect_vreg.gather @!p0 [hbm4b:s6+s23], $0x80, v2, vm1, $0xb8;
	[tilespmem:$0x10100] =	vst v63  }
0xde: {  	s9 =	simm.s32 @!p0 $0x3900  }
0xdf: {  	[tilespmem:s9], [sflag:$0x2] =	stream.indirect_vreg.gather @!p0 [hbm4b:s7+s23], $0x80, v2, vm1, $0xb8;
	[tilespmem:$0x10100] =	vst v63  }
0xe0: {  	_ =	swait.ge [sflag:s24], $0x2000  }
0xe1: {  	[sflag:s24] =	ssyncset.done $0x0  }
0xe2: {  	s9 =	sadd.s32 s30, s12;
	[sflag:s24] =	ssyncadd.s32 $0xFFFFE000  }
0xe3: {  	[hbm4b:s9+s3] =	stream.linear.scatter [tilespmem:s4], [sflag:$0xF], $0x2000, $0x38;
	[tilespmem:$0x10100] =	vst v63  }
0xe4: {  	_ =	swait.ge [sflag:s25], $0x2000  }
0xe5: {  	[sflag:s25] =	ssyncset.done $0x0  }
0xe6: {  	[sflag:s25] =	ssyncadd.s32 $0xFFFFE000  }
0xe7: {  	v2 =	vld.msk @!p0 [tilespmem:s15+$0x20], $0xff;
	_ =	sdelay $0x4  }
0xe8: {  	v5 =	vshll.u32 @!p0 v2, $0x3  }
0xe9: {  	v2 =	vand.u32 @!p0 $0x7, v2;
	v5 =	vand.u32 @!p0 $0xFFFFFFC0, v5  }
0xea: {  	v2 =	vor.u32 @!p0 v2, v5  }
0xeb: {  	v2 =	vperm.xlane @!p0 v2, v3;
	_ =	sdelay $0x1  }
0xec: {  	v2 =	vadd.s32 @!p0 v4, v2;
	_ =	sdelay $0x3  }
0xed: {  	s9 =	simm.s32 @!p0 $0x4100  }
0xee: {  	[tilespmem:s9], [sflag:$0x3] =	stream.indirect_vreg.gather @!p0 [hbm4b:s2+s23], $0x80, v2, vm1, $0xb8;
	[tilespmem:$0x10100] =	vst v63  }
0xef: {  	s9 =	simm.s32 @!p0 $0x4900  }
0xf0: {  	[tilespmem:s9], [sflag:$0x3] =	stream.indirect_vreg.gather @!p0 [hbm4b:s5+s23], $0x80, v2, vm1, $0xb8;
	[tilespmem:$0x10100] =	vst v63  }
0xf1: {  	s9 =	simm.s32 @!p0 $0x5100  }
0xf2: {  	[tilespmem:s9], [sflag:$0x3] =	stream.indirect_vreg.gather @!p0 [hbm4b:s6+s23], $0x80, v2, vm1, $0xb8;
	[tilespmem:$0x10100] =	vst v63  }
0xf3: {  	s9 =	simm.s32 @!p0 $0x5900  }
0xf4: {  	[tilespmem:s9], [sflag:$0x3] =	stream.indirect_vreg.gather @!p0 [hbm4b:s7+s23], $0x80, v2, vm1, $0xb8;
	[tilespmem:$0x10100] =	vst v63  }
0xf5: {  	_ =	swait.ge [sflag:s8], $0x2000  }
0xf6: {  	[sflag:s8] =	ssyncset.done $0x0  }
.Ltmp2:
0xf7: {  	s31 =	sadd.s32 $0x1C00, s31;
	[sflag:s8] =	ssyncadd.s32 $0xFFFFE000;
	(pc) =	sbr.rel @p0 .LBB2_4-.Ltmp2, $4  }
0xf8: {  	[hbm4b:s31+s3] =	stream.linear.scatter [tilespmem:s19], [sflag:$0x10], $0x2000, $0x38;
	[tilespmem:$0x10100] =	vst v63  }
0xf9: {  	_ =	swait.ge [sflag:s14], $0x2000  }
0xfa: {  	[sflag:s14] =	ssyncset.done $0x0  }
0xfb: {  	[sflag:s14] =	ssyncadd.s32 $0xFFFFE000  }
0xfc: {  	v2 =	vld.msk [tilespmem:s15+$0x28], $0xff;
	_ =	sdelay $0x4  }
0xfd: {  	v3 =	vshll.u32 v2, $0x3  }
0xfe: {  	v2 =	vand.u32 $0x7, v2;
	v3 =	vand.u32 $0xFFFFFFC0, v3  }
0xff: {  	v2 =	vor.u32 v2, v3  }
0x100: {  	v2 =	vperm.xlane v2, v0;
	_ =	sdelay $0x1  }
0x101: {  	v2 =	vadd.s32 v1, v2;
	_ =	sdelay $0x4  }
0x102: {  	[tilespmem:s28], [sflag:$0x4] =	stream.indirect_vreg.gather [hbm4b:s2+s3], $0x80, v2, vm0, $0xb8;
	[tilespmem:$0x10100] =	vst v63  }
0x103: {  	s9 =	simm.s32 $0x6900  }
0x104: {  	[tilespmem:s9], [sflag:$0x4] =	stream.indirect_vreg.gather [hbm4b:s5+s3], $0x80, v2, vm0, $0xb8;
	[tilespmem:$0x10100] =	vst v63  }
.Ltmp3:
0x105: {  	_ = 	snop;
	(pc) =	sbr.rel .LBB2_2-.Ltmp3, $4  }
0x106: {  	s23 =	simm.s32 $0x7100  }
0x107: {  	[tilespmem:s23], [sflag:$0x4] =	stream.indirect_vreg.gather [hbm4b:s6+s3], $0x80, v2, vm0, $0xb8;
	[tilespmem:$0x10100] =	vst v63  }
0x108: {  	s31 =	simm.s32 $0x7900;
	s30 =	sadd.s32 $0x2000, s30;
	s15 =	sadd.s32 $0x40, s15  }
0x109: {  	[tilespmem:s31], [sflag:$0x4] =	stream.indirect_vreg.gather [hbm4b:s7+s3], $0x80, v2, vm0, $0xb8;
	[tilespmem:$0x10100] =	vst v63  }
.LBB2_5:
0x10a: {  	_ =	sfence.sel $0x180000  }
0x10b: {  	[bflag:$0x0] =	sbarrier.arrive $0xFFFF  }
0x10c: {  	_ =	strace $0x9000004D  }
0x10d: {  	s0 =	stileid.u32;
	[bflag:$0x2] =	sbarrier.arrive $0xFFFF  }
0x10e: {  	p0 =	sne.s32 s0, $0x0;
	s0 =	rddreg [dreg:$0x2]  }
0x10f: {  	s0 =	sadd.s32 @!p0 $0x100000, s0  }
0x110: {  	[sflag:s0] =	ssyncadd.tile.s32 @!p0 $0x1;
	_ =	shalt  }
.Lfunc_end2:
_tile_overlayer_lowered:
.L_overlay_start_2:
0x111: {  	(tag) =	ssettag $0x2  }
0x112: {  	s0 =	rddreg [dreg:$0x0];
	s2 =	stileid.u32  }
0x113: {  	s1 =	rddreg [dreg:$0x1];
	p0 =	sne.s32 s2, $0x0  }
0x114: {  	s3 =	rddreg [dreg:$0x2];
	[bflag:$0x3] =	sbarrier.arrive $0xFFFF;
	s2 =	simm.s32 @!p0 $0x1C11  }
0x115: {  	[timem:s3], [sflag:s2] =	dma.local @!p0 [hbm:s0], s1  }
0x116: {  	s0 =	simm.s32 @!p0 $0x11  }
0x117: {  	_ =	swait.ge @!p0 [sflag:s0], s1  }
0x118: {  	s1 =	ssub.s32 @!p0 $0x0, s1;
	[sflag:s0] =	ssyncset.done @!p0 $0x0  }
0x119: {  	[sflag:s0] =	ssyncadd.s32 @!p0 s1  }
0x11a: {  	[bflag:$0x3] =	sbarrier.arrive $0xFFFF  }
0x11b: {  	_ =	shalt  }

// kernel: kernel.19.cloned.1.call-start
scs
__scs_entry_jumppad:
0x0: {  	(pc) =	sbr.rel $0x88, $3  }
0x1: {  	(tag) =	ssettag $0x0;
	lr =	simm.s32 $0x1  }
0x2: {  	[smem:$0x3F9E] =	sst lr;
	_ =	strace $0xD0000000  }
0x3: {  	_ = 	snop  }
0x4: {  	_ = 	snop  }
0x5: {  	_ = 	snop  }
0x6: {  	_ = 	snop  }
0x7: {  	_ = 	snop  }
__scs_overlays_trampoline_lowered:
0x8: {  	[smem:$0x3FAD] =	sst s0  }
0x9: {  	[smem:$0x3FAE] =	sst s1  }
0xa: {  	[smem:$0x3FAF] =	sst s2  }
0xb: {  	[smem:$0x3FB0] =	sst s3  }
0xc: {  	[smem:$0x3FB1] =	sst s4  }
0xd: {  	[smem:$0x3FB2] =	sst s5  }
0xe: {  	[smem:$0x3FB3] =	sst s6  }
0xf: {  	[smem:$0x3FB4] =	sst s7  }
0x10: {  	[smem:$0x3FB5] =	sst s8  }
0x11: {  	[smem:$0x3FB6] =	sst s9;
	s0 =	simm.s32 @!p0 $0x0  }
0x12: {  	s1 =	sld [smem:$0x3F9C];
	s0 =	simm.s32 @p0 $0x1  }
0x13: {  	[smem:$0x3FB7] =	sst s0;
	s0 =	simm.s32 @!p1 $0x0  }
0x14: {  	s2 =	sld [smem:$0x3F9B];
	s0 =	simm.s32 @p1 $0x1  }
0x15: {  	[smem:$0x3FB8] =	sst s0;
	s0 =	simm.s32 @!p2 $0x0  }
0x16: {  	s3 =	sld [smem:$0x3FDB];
	s0 =	simm.s32 @p2 $0x1  }
0x17: {  	s4 =	simm.s32 $0x1BF5;
	[smem:$0x3FBA] =	sst s0  }
0x18: {  	s0 =	sld [smem:$0x3F9D];
	_ =	swait.ge [sflag:s4], $0x0  }
0x19: {  	s7 =	sld [smem:$0x3F9E]  }
0x1a: {  	s8 =	sadd.s32 $0xFFFFE003, lr  }
0x1b: {  	s9 =	sadd.s32 $0xFFFFFEF7, lr;
	s5 =	simm.s32 $0xFFFFFFFF;
	p2 =	slt.u32 s8, $0xFFFFF086  }
0x1c: {  	p1 =	slt.u32 s9, $0xF7A;
	s5 =	simm.s32 @!p2 $0x0  }
0x1d: {  	s5 =	simm.s32 @p1 $0x1;
	p0 =	seq.s32 s7, s2  }
0x1e: {  	s7 =	smul.u32 @!p0 $0xF7A, s2;
	p2 =	seq.s32 @!p0 s5, $0x0  }
0x1f: {  	s9 =	smul.u32 $0xF7A, s1;
	s8 =	simm.s32 @!p0 $0x1BF5;
	p2 =	por !p2, p0  }
0x20: {  	[sflag:s8] =	ssyncset.s32 @!p0 $0xFFFFF086;
	s6 =	sadd.s32 @!p0 s3, s7;
	s7 =	simm.s32 @!p0 $0x108  }
0x21: {  	s3 =	sadd.s32 s3, s9;
	s6 =	sadd.s32 @!p0 $0x88, s6;
	s7 =	simm.s32 @p2 $0x1082  }
0x22: {  	[simem:s7], [sflag:s8] =	dma.local @!p0 [hbm:s6], $0xF7A  }
0x23: {  	s9 =	sor.u32 $0xD0000000, s2;
	s6 =	simm.s32 $0x108;
	_ =	swait.ge @!p0 [sflag:s8], $0x0  }
0x24: {  	s3 =	sadd.s32 $0x88, s3;
	s6 =	simm.s32 @!p1 $0x1082;
	[sflag:s4] =	ssyncset.s32 $0xFFFFF086  }
0x25: {  	[simem:s6], [sflag:s4] =	dma.local [hbm:s3], $0xF7A  }
0x26: {  	[smem:$0x3F9E] =	sst s1;
	(tag) =	ssettag s2;
	_ =	strace s9  }
0x27: {  	s1 =	sld [smem:$0x3FAE]  }
0x28: {  	s2 =	sld [smem:$0x3FAF]  }
0x29: {  	s4 =	sld [smem:$0x3FB1]  }
0x2a: {  	p0 =	seq.s32 s5, $0x0;
	s5 =	sld [smem:$0x3FB2]  }
0x2b: {  	s6 =	sld [smem:$0x3FB3]  }
0x2c: {  	s7 =	sld [smem:$0x3FB4]  }
0x2d: {  	s3 =	simm.s32 $0x108;
	s8 =	sld [smem:$0x3FB5]  }
0x2e: {  	s3 =	simm.s32 @!p0 $0x1082;
	s9 =	sld [smem:$0x3FB6]  }
0x2f: {  	lr =	sadd.s32 s0, s3;
	s0 =	sld [smem:$0x3FAD]  }
0x30: {  	s3 =	sld [smem:$0x3FB0]  }
0x31: {  	[smem:$0x3FB9] =	sst s10  }
0x32: {  	s10 =	sld [smem:$0x3FB7];
	_ =	sdelay $0x3  }
0x33: {  	p0 =	seq.s32 s10, $0x1;
	s10 =	sld [smem:$0x3FB9];
	_ =	sdelay $0x3  }
0x34: {  	[smem:$0x3FB9] =	sst s10  }
0x35: {  	s10 =	sld [smem:$0x3FB8];
	_ =	sdelay $0x3  }
0x36: {  	p1 =	seq.s32 s10, $0x1;
	s10 =	sld [smem:$0x3FB9];
	_ =	sdelay $0x3  }
0x37: {  	[smem:$0x3FB9] =	sst s10  }
0x38: {  	s10 =	sld [smem:$0x3FBA]  }
0x39: {  	_ = 	snop;
	(pc) =	sbr.ind lr, $3  }
0x3a: {  	_ = 	snop  }
0x3b: {  	_ = 	snop  }
0x3c: {  	p2 =	seq.s32 s10, $0x1;
	s10 =	sld [smem:$0x3FB9]  }
0x3d: {  	_ =	shalt  }
0x3e: {  	_ =	shalt  }
0x3f: {  	_ =	shalt  }
0x40: {  	_ =	shalt  }
0x41: {  	_ =	shalt  }
0x42: {  	_ =	shalt  }
0x43: {  	_ =	shalt  }
0x44: {  	_ =	shalt  }
0x45: {  	_ =	shalt  }
0x46: {  	_ =	shalt  }
0x47: {  	_ =	shalt  }
0x48: {  	_ =	shalt  }
0x49: {  	_ =	shalt  }
0x4a: {  	_ =	shalt  }
0x4b: {  	_ =	shalt  }
0x4c: {  	_ =	shalt  }
0x4d: {  	_ =	shalt  }
0x4e: {  	_ =	shalt  }
0x4f: {  	_ =	shalt  }
0x50: {  	_ =	shalt  }
0x51: {  	_ =	shalt  }
0x52: {  	_ =	shalt  }
0x53: {  	_ =	shalt  }
0x54: {  	_ =	shalt  }
0x55: {  	_ =	shalt  }
0x56: {  	_ =	shalt  }
0x57: {  	_ =	shalt  }
0x58: {  	_ =	shalt  }
0x59: {  	_ =	shalt  }
0x5a: {  	_ =	shalt  }
0x5b: {  	_ =	shalt  }
0x5c: {  	_ =	shalt  }
0x5d: {  	_ =	shalt  }
0x5e: {  	_ =	shalt  }
0x5f: {  	_ =	shalt  }
0x60: {  	_ =	shalt  }
0x61: {  	_ =	shalt  }
0x62: {  	_ =	shalt  }
0x63: {  	_ =	shalt  }
0x64: {  	_ =	shalt  }
0x65: {  	_ =	shalt  }
0x66: {  	_ =	shalt  }
0x67: {  	_ =	shalt  }
0x68: {  	_ =	shalt  }
0x69: {  	_ =	shalt  }
0x6a: {  	_ =	shalt  }
0x6b: {  	_ =	shalt  }
0x6c: {  	_ =	shalt  }
0x6d: {  	_ =	shalt  }
0x6e: {  	_ =	shalt  }
0x6f: {  	_ =	shalt  }
0x70: {  	_ =	shalt  }
0x71: {  	_ =	shalt  }
0x72: {  	_ =	shalt  }
0x73: {  	_ =	shalt  }
0x74: {  	_ =	shalt  }
0x75: {  	_ =	shalt  }
0x76: {  	_ =	shalt  }
0x77: {  	_ =	shalt  }
0x78: {  	_ =	shalt  }
0x79: {  	_ =	shalt  }
0x7a: {  	_ =	shalt  }
0x7b: {  	_ =	shalt  }
0x7c: {  	_ =	shalt  }
0x7d: {  	_ =	shalt  }
0x7e: {  	_ =	shalt  }
0x7f: {  	_ =	shalt  }
0x80: {  	_ =	shalt  }
0x81: {  	_ =	shalt  }
0x82: {  	_ =	shalt  }
0x83: {  	_ =	shalt  }
0x84: {  	_ =	shalt  }
0x85: {  	_ =	shalt  }
0x86: {  	_ =	shalt  }
0x87: {  	_ =	shalt  }
.Lfunc_end0:
.L_simem_size_0:
called_computation.3_lowered:
.L_overlay_start_0:
0x88: {  	s2 =	sld [smem:$0x3FD9]  }
0x89: {  	s3 =	sld [smem:$0x3FFE];
	_ =	sdelay $0x1  }
0x8a: {  	s1 =	srdreg.scid  }
0x8b: {  	s0 =	sand.u32 $0x1, s1  }
0x8c: {  	s17 =	sshll.u32 s0, $0xA;
	s2 =	sadd.s32 s3, s2  }
0x8d: {  	s2 =	sadd.s32 s2, s17  }
0x8e: {  	[smem:$0x3FC5] =	sst s2  }
0x8f: {  	_ = 	snop  }
0x90: {  	s18 =	sld [smem:$0x3FC7];
	(tm) =	ssettm $0x1  }
0x91: {  	s19 =	sld [smem:$0x3FFB];
	_ =	sdelay $0x3  }
0x92: {  	_ =	strace s19  }
0x93: {  	s2 =	sld [smem:$0x3FFC];
	_ =	sdelay $0x3  }
0x94: {  	_ =	strace s2  }
0x95: {  	s2 =	sld [smem:$0x3FFD];
	_ =	sdelay $0x3  }
0x96: {  	_ =	strace s2  }
0x97: {  	_ =	strace $0x8FFFFFFF  }
0x98: {  	s20 =	sld [smem:$0x3FDB];
	_ =	sdelay $0x1  }
0x99: {  	s4 =	simm.s32 $_scs_section_size  }
0x9a: {  	s5 =	simm.s32 $_size__tile_overlayer_lowered;
	s6 =	simm.s32 $_tile_overlayer_lowered  }
0x9b: {  	s7 =	simm.s32 $0x1BFF;
	s21 =	sshll.u32 s6, $0x1;
	s4 =	sadd.s32 s4, s20  }
0x9c: {  	s22 =	simm.s32 $0x0;
	s5 =	sshll.u32 s5, $0x1;
	s6 =	sadd.s32 s21, s4  }
0x9d: {  	[timem:s22], [sflag:s7] =	dma.local [hbm:s6], s5  }
0x9e: {  	_ =	swait.ge [sflag:s7], s5  }
0x9f: {  	s5 =	ssub.s32 $0x0, s5;
	[sflag:s7] =	ssyncset.done $0x0  }
0xa0: {  	[sflag:s7] =	ssyncadd.s32 s5;
	_ =	sdelay $0x1  }
0xa1: {  	s23 =	simm.s32 $0x1B8B  }
0xa2: {  	_ =	swait.ge [sflag:s23], $0x1  }
0xa3: {  	[sflag:s23] =	ssyncset.done $0x0  }
0xa4: {  	[sflag:s23] =	ssyncadd.s32 $0xFFFFFFFF  }
0xa5: {  	s5 =	sld [smem:$0x0]  }
0xa6: {  	s6 =	sand.u32 $0xFFFFFFFE, s1  }
0xa7: {  	p0 =	sne.s32 s1, s6  }
0xa8: {  	s6 =	sshll.u32 @p0 s6, $0xE  }
0xa9: {  	s6 =	sadd.s32 @p0 $0x11B8D, s6;
	s7 =	sshll.u32 @p0 s5, $0x11  }
0xaa: {  	s6 =	sor.u32 @p0 s7, s6  }
0xab: {  	[sflag:s6] =	ssyncadd.remote.s32 @p0 $0x1;
	_ =	sdelay $0x1  }
0xac: {  	s6 =	simm.s32 @p0 $0x1B8D  }
0xad: {  	_ =	swait.eq @p0 [sflag:s6], $0x1  }
0xae: {  	[sflag:s6] =	ssyncadd.s32 @p0 $0xFFFFFFFF  }
0xaf: {  	s7 =	sshll.u32 @!p0 s1, $0xE  }
0xb0: {  	s7 =	sor.u32 @!p0 $0x4000, s7;
	s6 =	simm.s32 @!p0 $0x1B8D  }
0xb1: {  	s5 =	sshll.u32 @!p0 s5, $0x11;
	s7 =	sadd.s32 @!p0 $0x11B8D, s7;
	_ =	swait.eq @!p0 [sflag:s6], $0x1  }
0xb2: {  	s5 =	sor.u32 @!p0 s5, s7;
	[sflag:s6] =	ssyncadd.s32 @!p0 $0xFFFFFFFF  }
0xb3: {  	s25 =	simm.s32 $0x1B8E;
	s24 =	sld [smem:$0x3FFE];
	[sflag:s5] =	ssyncadd.remote.s32 @!p0 $0x1  }
0xb4: {  	s26 =	simm.s32 $execute0_lowered;
	[smem:$0x3FD2] =	sst s25  }
0xb5: {  	s6 =	sshll.u32 s26, $0x1;
	_ =	strace $0x8000004F;
	[dreg:$0x1] =	wrdreg $0xFFFFFFFF  }
0xb6: {  	s28 =	simm.s32 $_size_execute0_lowered;
	s4 =	sadd.s32 s4, s6;
	[dreg:$0x0] =	wrdreg $0x0  }
0xb7: {  	s6 =	sshll.u32 s28, $0x1;
	[dreg:$0x2] =	wrdreg s4  }
0xb8: {  	[dreg:$0x3] =	wrdreg s6  }
0xb9: {  	[dreg:$0x4] =	wrdreg $0xC0  }
0xba: {  	_ =	task [dreg:s22], $0x5FFFF  }
0xbb: {  	[dreg:$0x1] =	wrdreg $0xFFFFFFFF  }
0xbc: {  	[dreg:$0x0] =	wrdreg $0x60  }
0xbd: {  	[dreg:$0x2] =	wrdreg s24  }
0xbe: {  	[dreg:$0x3] =	wrdreg s18  }
0xbf: {  	[dreg:$0x4] =	wrdreg $0xC  }
0xc0: {  	_ =	task.clear_ibuf [dreg:s22], $0x5FFFF;
	_ =	strace $0x9000004F  }
0xc1: {  	s29 =	simm.s32 $0xC;
	_ =	strace $0x80000051  }
0xc2: {  	_ =	swait.ge [sflag:s29], $0x1  }
0xc3: {  	[sflag:s29] =	ssyncadd.s32 $0xFFFFFFFF  }
0xc4: {  	_ =	strace $0x90000051  }
0xc5: {  	_ =	sfence  }
0xc6: {  	s30 =	sld [smem:$0x0];
	_ =	sdelay $0x2  }
0xc7: {  	s31 =	sshll.u32 s1, $0xD;
	s1 =	sshrl.u32 s1, $0x2  }
0xc8: {  	s4 =	sand.u32 $0x4000, s31;
	s1 =	sadd.s32 s1, s30  }
0xc9: {  	s0 =	sor.u32 s4, s0;
	s1 =	sshll.u32 s1, $0x11  }
0xca: {  	s0 =	sor.u32 s1, s0  }
0xcb: {  	s0 =	sadd.s32 $0x8F2B, s0  }
0xcc: {  	[sflag:s0] =	ssyncadd.remote.s32 $0x1  }
0xcd: {  	_ =	sfence.sel $0xFFFF  }
0xce: {  	[dreg:$0x0] =	wrdreg $0xFFFFFFFF;
	(pc) =	sbr.abs _section_cstart, $3  }
0xcf: {  	[dreg:$0x1] =	wrdreg $0xFFFFFFFF  }
0xd0: {  	_ =	task.clear_ibuf [dreg:s22], $0x2FFFF;
	_ =	strace $0x9FFFFFFF  }
0xd1: {  	(tm) =	ssettm $0x7FFFFFFF  }
tec
execute0_lowered:
.L_overlay_start_1:
0x0: {  	(tag) =	ssettag $0x1  }
0x1: {  	s0 =	srdreg.scid  }
0x2: {  	s1 =	rddreg [dreg:$0x0];
	s9 =	stileid.u32  }
0x3: {  	s2 =	rddreg [dreg:$0x1];
	s3 =	simm.s32 $0x0;
	s28 =	simm.s32 $0x6100  }
0x4: {  	s20 =	simm.s32 $0x2;
	s21 =	simm.s32 $0xA100;
	s26 =	simm.s32 $0x3  }
0x5: {  	s29 =	simm.s32 $0x4;
	s19 =	simm.s32 $0xE100;
	s16 =	simm.s32 $0x5  }
0x6: {  	s17 =	simm.s32 $0x9;
	s18 =	simm.s32 $0x6;
	s22 =	simm.s32 $0xA  }
0x7: {  	s24 =	simm.s32 $0x7;
	s25 =	simm.s32 $0xB;
	s14 =	simm.s32 $0xC  }
0x8: {  	s23 =	simm.s32 $0x0;
	s0 =	sand.u32 $0x1, s0;
	s4 =	sshll.u32 s9, $0x9  }
0x9: {  	[smem:$0x7FF] =	sst s3;
	s30 =	sshll.u32 s9, $0x10;
	s5 =	sshll.u32 s0, $0x8  }
0xa: {  	s6 =	ssub.s32 $0x2, s0;
	_ =	strace $0x80000050;
	s4 =	sor.u32 s5, s4  }
0xb: {  	s0 =	sshll.u32 s0, $0xF;
	s7 =	sshrl.u32 s6, $0x1;
	s5 =	sshrl.u32 s4, $0x3  }
0xc: {  	s8 =	ssub.s32 s6, s7;
	s6 =	sadd.s32 $0x200, s2;
	s7 =	sadd.s32 $0x300, s2  }
0xd: {  	s4 =	sshll.u32 s4, $0x7;
	s5 =	sadd.s32 s5, s1;
	s8 =	smax.u32 s8, $0x1  }
0xe: {  	s1 =	sadd.s32 $0x302000, s1;
	s5 =	sadd.s32 $0x101C00, s5;
	[dreg:$0x4] =	wrdreg s8  }
.Ltmp0:
0xf: {  	s4 =	sadd.s32 s4, s1;
	s1 =	sadd.s32 s30, s1;
	(pc) =	sbr.rel .LBB2_1-.Ltmp0, $4  }
0x10: {  	s8 =	simm.s32 $0x8;
	[dreg:$0x3] =	wrdreg s5;
	s5 =	sadd.s32 $0x100, s2  }
0x11: {  	v0 =	vlaneseq.u32;
	s31 =	sadd.s32 $0x1000, s4;
	s11 =	sadd.s32 s0, s1;
	s12 =	sadd.s32 $0x1800, s4  }
0x12: {  	v1 =	vshrl.u32 v0, $0x3;
	s10 =	smov.u32 s4;
	s13 =	sadd.s32 $0x800, s4;
	s1 =	simm.s32 $0x1  }
0x13: {  	vm0 =	vmmov $0xffff;
	v0 =	vand.u32 $0x7, v0;
	v1 =	vmul.u32 $0x8, v1;
	s0 =	simm.s32 $0x8100;
	s4 =	simm.s32 $0xC100;
	[dreg:$0x5] =	wrdreg s31  }
.LBB2_4:
0x14: {  	s9 =	simm.s32 $0xD  }
0x15: {  	_ =	swait.ge [sflag:s9], $0x2000  }
0x16: {  	[sflag:s9] =	ssyncset.done $0x0  }
0x17: {  	s23 =	simm.s32 $0xE;
	[sflag:s9] =	ssyncadd.s32 $0xFFFFE000  }
0x18: {  	_ =	swait.ge [sflag:s23], $0x2000  }
0x19: {  	[sflag:s23] =	ssyncset.done $0x0  }
0x1a: {  	s30 =	simm.s32 $0xF;
	[sflag:s23] =	ssyncadd.s32 $0xFFFFE000  }
0x1b: {  	_ =	swait.ge [sflag:s30], $0x2000  }
0x1c: {  	[sflag:s30] =	ssyncset.done $0x0  }
0x1d: {  	s15 =	simm.s32 $0x10;
	[sflag:s30] =	ssyncadd.s32 $0xFFFFE000  }
0x1e: {  	_ =	swait.ge [sflag:s15], $0x2000  }
0x1f: {  	s23 =	rddreg [dreg:$0x6]  }
0x20: {  	s31 =	rddreg [dreg:$0x4];
	s23 =	sadd.s32 $0x1, s23  }
0x21: {  	p0 =	sne.s32 s23, s31  }
.Ltmp1:
0x22: {  	_ = 	snop;
	(pc) =	sbr.rel @!p0 .LBB2_5-.Ltmp1, $3  }
0x23: {  	_ =	sdelay $0x1  }
0x24: {  	[sflag:s15] =	ssyncset.done $0x0  }
0x25: {  	[sflag:s15] =	ssyncadd.s32 $0xFFFFE000  }
.LBB2_1:
0x26: {  	[dreg:$0x6] =	wrdreg s23  }
0x27: {  	s9 =	rddreg [dreg:$0x3];
	s31 =	simm.s32 $0x11  }
0x28: {  	[tilespmem:s3], [sflag:$0x11] =	stream.linear.gather [hbm4b:s9+s3], $0x100, $0x38;
	[tilespmem:$0x10100] =	vst v63  }
0x29: {  	_ =	swait.ge [sflag:s31], $0x100  }
0x2a: {  	[sflag:s31] =	ssyncset.done $0x0  }
0x2b: {  	[sflag:s31] =	ssyncadd.s32 $0xFFFFFF00  }
0x2c: {  	v2 =	vld.msk [tilespmem:$0x0], $0xff;
	_ =	sdelay $0x4  }
0x2d: {  	v3 =	vshll.u32 v2, $0x3  }
0x2e: {  	v2 =	vand.u32 $0x7, v2;
	v3 =	vand.u32 $0xFFFFFFC0, v3  }
0x2f: {  	v2 =	vor.u32 v2, v3  }
0x30: {  	v2 =	vperm.xlane v2, v0;
	_ =	sdelay $0x1  }
0x31: {  	v2 =	vadd.s32 v1, v2;
	_ =	sdelay $0x3  }
0x32: {  	s15 =	simm.s32 $0x100  }
0x33: {  	[tilespmem:s15], [sflag:$0x1] =	stream.indirect_vreg.gather [hbm4b:s2+s3], $0x80, v2, vm0, $0xb8;
	[tilespmem:$0x10100] =	vst v63  }
0x34: {  	s23 =	simm.s32 $0x900  }
0x35: {  	[tilespmem:s23], [sflag:$0x1] =	stream.indirect_vreg.gather [hbm4b:s5+s3], $0x80, v2, vm0, $0xb8;
	[tilespmem:$0x10100] =	vst v63  }
0x36: {  	s31 =	simm.s32 $0x1100  }
0x37: {  	[tilespmem:s31], [sflag:$0x1] =	stream.indirect_vreg.gather [hbm4b:s6+s3], $0x80, v2, vm0, $0xb8;
	[tilespmem:$0x10100] =	vst v63  }
0x38: {  	s15 =	simm.s32 $0x1900  }
0x39: {  	[tilespmem:s15], [sflag:$0x1] =	stream.indirect_vreg.gather [hbm4b:s7+s3], $0x80, v2, vm0, $0xb8;
	[tilespmem:$0x10100] =	vst v63  }
0x3a: {  	v2 =	vld.msk [tilespmem:$0x8], $0xff;
	_ =	sdelay $0x4  }
0x3b: {  	v3 =	vshll.u32 v2, $0x3  }
0x3c: {  	v2 =	vand.u32 $0x7, v2;
	v3 =	vand.u32 $0xFFFFFFC0, v3  }
0x3d: {  	v2 =	vor.u32 v2, v3  }
0x3e: {  	v2 =	vperm.xlane v2, v0;
	_ =	sdelay $0x1  }
0x3f: {  	v2 =	vadd.s32 v1, v2;
	_ =	sdelay $0x3  }
0x40: {  	s23 =	simm.s32 $0x2100  }
0x41: {  	[tilespmem:s23], [sflag:$0x2] =	stream.indirect_vreg.gather [hbm4b:s2+s3], $0x80, v2, vm0, $0xb8;
	[tilespmem:$0x10100] =	vst v63  }
0x42: {  	s31 =	simm.s32 $0x2900  }
0x43: {  	[tilespmem:s31], [sflag:$0x2] =	stream.indirect_vreg.gather [hbm4b:s5+s3], $0x80, v2, vm0, $0xb8;
	[tilespmem:$0x10100] =	vst v63  }
0x44: {  	s15 =	simm.s32 $0x3100  }
0x45: {  	[tilespmem:s15], [sflag:$0x2] =	stream.indirect_vreg.gather [hbm4b:s6+s3], $0x80, v2, vm0, $0xb8;
	[tilespmem:$0x10100] =	vst v63  }
0x46: {  	s23 =	simm.s32 $0x3900  }
0x47: {  	[tilespmem:s23], [sflag:$0x2] =	stream.indirect_vreg.gather [hbm4b:s7+s3], $0x80, v2, vm0, $0xb8;
	[tilespmem:$0x10100] =	vst v63  }
0x48: {  	v2 =	vld.msk [tilespmem:$0x10], $0xff;
	_ =	sdelay $0x4  }
0x49: {  	v3 =	vshll.u32 v2, $0x3  }
0x4a: {  	v2 =	vand.u32 $0x7, v2;
	v3 =	vand.u32 $0xFFFFFFC0, v3  }
0x4b: {  	v2 =	vor.u32 v2, v3  }
0x4c: {  	v2 =	vperm.xlane v2, v0;
	_ =	sdelay $0x1  }
0x4d: {  	v2 =	vadd.s32 v1, v2;
	_ =	sdelay $0x3  }
0x4e: {  	s31 =	simm.s32 $0x4100  }
0x4f: {  	[tilespmem:s31], [sflag:$0x3] =	stream.indirect_vreg.gather [hbm4b:s2+s3], $0x80, v2, vm0, $0xb8;
	[tilespmem:$0x10100] =	vst v63  }
0x50: {  	s15 =	simm.s32 $0x4900  }
0x51: {  	[tilespmem:s15], [sflag:$0x3] =	stream.indirect_vreg.gather [hbm4b:s5+s3], $0x80, v2, vm0, $0xb8;
	[tilespmem:$0x10100] =	vst v63  }
0x52: {  	s23 =	simm.s32 $0x5100  }
0x53: {  	[tilespmem:s23], [sflag:$0x3] =	stream.indirect_vreg.gather [hbm4b:s6+s3], $0x80, v2, vm0, $0xb8;
	[tilespmem:$0x10100] =	vst v63  }
0x54: {  	s31 =	simm.s32 $0x5900  }
0x55: {  	[tilespmem:s31], [sflag:$0x3] =	stream.indirect_vreg.gather [hbm4b:s7+s3], $0x80, v2, vm0, $0xb8;
	[tilespmem:$0x10100] =	vst v63  }
0x56: {  	v2 =	vld.msk [tilespmem:$0x18], $0xff;
	_ =	sdelay $0x4  }
0x57: {  	v3 =	vshll.u32 v2, $0x3  }
0x58: {  	v2 =	vand.u32 $0x7, v2;
	v3 =	vand.u32 $0xFFFFFFC0, v3  }
0x59: {  	v2 =	vor.u32 v2, v3  }
0x5a: {  	v2 =	vperm.xlane v2, v0;
	_ =	sdelay $0x1  }
0x5b: {  	v2 =	vadd.s32 v1, v2;
	_ =	sdelay $0x4  }
0x5c: {  	[tilespmem:s28], [sflag:$0x4] =	stream.indirect_vreg.gather [hbm4b:s2+s3], $0x80, v2, vm0, $0xb8;
	[tilespmem:$0x10100] =	vst v63  }
0x5d: {  	s15 =	simm.s32 $0x6900  }
0x5e: {  	[tilespmem:s15], [sflag:$0x4] =	stream.indirect_vreg.gather [hbm4b:s5+s3], $0x80, v2, vm0, $0xb8;
	[tilespmem:$0x10100] =	vst v63  }
0x5f: {  	s23 =	simm.s32 $0x7100  }
0x60: {  	[tilespmem:s23], [sflag:$0x4] =	stream.indirect_vreg.gather [hbm4b:s6+s3], $0x80, v2, vm0, $0xb8;
	[tilespmem:$0x10100] =	vst v63  }
0x61: {  	s30 =	simm.s32 $0x0;
	s31 =	simm.s32 $0x7900;
	s15 =	simm.s32 $0x30  }
0x62: {  	[tilespmem:s31], [sflag:$0x4] =	stream.indirect_vreg.gather [hbm4b:s7+s3], $0x80, v2, vm0, $0xb8;
	[tilespmem:$0x10100] =	vst v63  }
.LBB2_2:
0x63: {  	_ =	swait.ge [sflag:s1], $0x2000  }
0x64: {  	s31 =	sadd.s32 s30, s11;
	[sflag:s1] =	ssyncset.done $0x0  }
0x65: {  	s9 =	simm.s32 $0x100;
	p0 =	seq.s32 s30, $0x0;
	[sflag:s1] =	ssyncadd.s32 $0xFFFFE000  }
0x66: {  	[hbm4b:s31+s3] =	stream.linear.scatter [tilespmem:s9], [sflag:$0x9], $0x2000, $0x38;
	[tilespmem:$0x10100] =	vst v63  }
0x67: {  	s31 =	simm.s32 @!p0 $0xD  }
0x68: {  	_ =	swait.ge @!p0 [sflag:s31], $0x2000  }
0x69: {  	[sflag:s31] =	ssyncset.done @!p0 $0x0  }
0x6a: {  	[sflag:s31] =	ssyncadd.s32 @!p0 $0xFFFFE000  }
0x6b: {  	v2 =	vld.msk [tilespmem:s15+$0xFFFFFFF0], $0xff;
	_ =	sdelay $0x4  }
0x6c: {  	v3 =	vshll.u32 v2, $0x3  }
0x6d: {  	v2 =	vand.u32 $0x7, v2;
	v3 =	vand.u32 $0xFFFFFFC0, v3  }
0x6e: {  	v2 =	vor.u32 v2, v3  }
0x6f: {  	v2 =	vperm.xlane v2, v0;
	_ =	sdelay $0x1  }
0x70: {  	v2 =	vadd.s32 v1, v2;
	_ =	sdelay $0x4  }
0x71: {  	[tilespmem:s0], [sflag:$0x5] =	stream.indirect_vreg.gather [hbm4b:s2+s3], $0x80, v2, vm0, $0xb8;
	[tilespmem:$0x10100] =	vst v63  }
0x72: {  	s31 =	simm.s32 $0x8900  }
0x73: {  	[tilespmem:s31], [sflag:$0x5] =	stream.indirect_vreg.gather [hbm4b:s5+s3], $0x80, v2, vm0, $0xb8;
	[tilespmem:$0x10100] =	vst v63  }
0x74: {  	s23 =	simm.s32 $0x9100  }
0x75: {  	[tilespmem:s23], [sflag:$0x5] =	stream.indirect_vreg.gather [hbm4b:s6+s3], $0x80, v2, vm0, $0xb8;
	[tilespmem:$0x10100] =	vst v63  }
0x76: {  	s31 =	simm.s32 $0x9900  }
0x77: {  	[tilespmem:s31], [sflag:$0x5] =	stream.indirect_vreg.gather [hbm4b:s7+s3], $0x80, v2, vm0, $0xb8;
	[tilespmem:$0x10100] =	vst v63  }
0x78: {  	_ =	swait.ge [sflag:s20], $0x2000  }
0x79: {  	s31 =	sadd.s32 s30, s10;
	[sflag:s20] =	ssyncset.done $0x0  }
0x7a: {  	s9 =	simm.s32 $0x2100;
	s23 =	sadd.s32 $0x400, s31;
	[sflag:s20] =	ssyncadd.s32 $0xFFFFE000  }
0x7b: {  	[hbm4b:s23+s3] =	stream.linear.scatter [tilespmem:s9], [sflag:$0xA], $0x2000, $0x38;
	[tilespmem:$0x10100] =	vst v63  }
0x7c: {  	s23 =	simm.s32 @!p0 $0xE  }
0x7d: {  	_ =	swait.ge @!p0 [sflag:s23], $0x2000  }
0x7e: {  	[sflag:s23] =	ssyncset.done @!p0 $0x0  }
0x7f: {  	[sflag:s23] =	ssyncadd.s32 @!p0 $0xFFFFE000  }
0x80: {  	v2 =	vld.msk [tilespmem:s15+$0xFFFFFFF8], $0xff;
	_ =	sdelay $0x4  }
0x81: {  	v3 =	vshll.u32 v2, $0x3  }
0x82: {  	v2 =	vand.u32 $0x7, v2;
	v3 =	vand.u32 $0xFFFFFFC0, v3  }
0x83: {  	v2 =	vor.u32 v2, v3  }
0x84: {  	v2 =	vperm.xlane v2, v0;
	_ =	sdelay $0x1  }
0x85: {  	v2 =	vadd.s32 v1, v2;
	_ =	sdelay $0x4  }
0x86: {  	[tilespmem:s21], [sflag:$0x6] =	stream.indirect_vreg.gather [hbm4b:s2+s3], $0x80, v2, vm0, $0xb8;
	[tilespmem:$0x10100] =	vst v63  }
0x87: {  	s23 =	simm.s32 $0xA900  }
0x88: {  	[tilespmem:s23], [sflag:$0x6] =	stream.indirect_vreg.gather [hbm4b:s5+s3], $0x80, v2, vm0, $0xb8;
	[tilespmem:$0x10100] =	vst v63  }
0x89: {  	s23 =	simm.s32 $0xB100  }
0x8a: {  	[tilespmem:s23], [sflag:$0x6] =	stream.indirect_vreg.gather [hbm4b:s6+s3], $0x80, v2, vm0, $0xb8;
	[tilespmem:$0x10100] =	vst v63  }
0x8b: {  	s23 =	simm.s32 $0xB900  }
0x8c: {  	[tilespmem:s23], [sflag:$0x6] =	stream.indirect_vreg.gather [hbm4b:s7+s3], $0x80, v2, vm0, $0xb8;
	[tilespmem:$0x10100] =	vst v63  }
0x8d: {  	_ =	swait.ge [sflag:s26], $0x2000  }
0x8e: {  	[sflag:s26] =	ssyncset.done $0x0  }
0x8f: {  	s9 =	simm.s32 $0x4100;
	s23 =	sadd.s32 s30, s13;
	[sflag:s26] =	ssyncadd.s32 $0xFFFFE000  }
0x90: {  	[hbm4b:s23+s3] =	stream.linear.scatter [tilespmem:s9], [sflag:$0xB], $0x2000, $0x38;
	[tilespmem:$0x10100] =	vst v63  }
0x91: {  	s23 =	simm.s32 @!p0 $0xF  }
0x92: {  	_ =	swait.ge @!p0 [sflag:s23], $0x2000  }
0x93: {  	[sflag:s23] =	ssyncset.done @!p0 $0x0  }
0x94: {  	[sflag:s23] =	ssyncadd.s32 @!p0 $0xFFFFE000  }
0x95: {  	v2 =	vld.msk [tilespmem:s15+$0x0], $0xff;
	_ =	sdelay $0x4  }
0x96: {  	v3 =	vshll.u32 v2, $0x3  }
0x97: {  	v2 =	vand.u32 $0x7, v2;
	v3 =	vand.u32 $0xFFFFFFC0, v3  }
0x98: {  	v2 =	vor.u32 v2, v3  }
0x99: {  	v2 =	vperm.xlane v2, v0;
	_ =	sdelay $0x1  }
0x9a: {  	v2 =	vadd.s32 v1, v2;
	_ =	sdelay $0x4  }
0x9b: {  	[tilespmem:s4], [sflag:$0x7] =	stream.indirect_vreg.gather [hbm4b:s2+s3], $0x80, v2, vm0, $0xb8;
	[tilespmem:$0x10100] =	vst v63  }
0x9c: {  	s23 =	simm.s32 $0xC900  }
0x9d: {  	[tilespmem:s23], [sflag:$0x7] =	stream.indirect_vreg.gather [hbm4b:s5+s3], $0x80, v2, vm0, $0xb8;
	[tilespmem:$0x10100] =	vst v63  }
0x9e: {  	s23 =	simm.s32 $0xD100  }
0x9f: {  	[tilespmem:s23], [sflag:$0x7] =	stream.indirect_vreg.gather [hbm4b:s6+s3], $0x80, v2, vm0, $0xb8;
	[tilespmem:$0x10100] =	vst v63  }
0xa0: {  	s23 =	simm.s32 $0xD900  }
0xa1: {  	[tilespmem:s23], [sflag:$0x7] =	stream.indirect_vreg.gather [hbm4b:s7+s3], $0x80, v2, vm0, $0xb8;
	[tilespmem:$0x10100] =	vst v63  }
0xa2: {  	_ =	swait.ge [sflag:s29], $0x2000  }
0xa3: {  	[sflag:s29] =	ssyncset.done $0x0  }
0xa4: {  	s9 =	sadd.s32 $0xC00, s31;
	s23 =	simm.s32 @!p0 $0x10;
	[sflag:s29] =	ssyncadd.s32 $0xFFFFE000  }
0xa5: {  	[hbm4b:s9+s3] =	stream.linear.scatter [tilespmem:s28], [sflag:$0xC], $0x2000, $0x38;
	[tilespmem:$0x10100] =	vst v63  }
0xa6: {  	_ =	swait.ge @!p0 [sflag:s23], $0x2000  }
0xa7: {  	[sflag:s23] =	ssyncset.done @!p0 $0x0  }
0xa8: {  	[sflag:s23] =	ssyncadd.s32 @!p0 $0xFFFFE000  }
0xa9: {  	v2 =	vld.msk [tilespmem:s15+$0x8], $0xff;
	_ =	sdelay $0x4  }
0xaa: {  	v3 =	vshll.u32 v2, $0x3  }
0xab: {  	v2 =	vand.u32 $0x7, v2;
	v3 =	vand.u32 $0xFFFFFFC0, v3  }
0xac: {  	v2 =	vor.u32 v2, v3  }
0xad: {  	v2 =	vperm.xlane v2, v0;
	_ =	sdelay $0x1  }
0xae: {  	v2 =	vadd.s32 v1, v2;
	_ =	sdelay $0x4  }
0xaf: {  	[tilespmem:s19], [sflag:$0x8] =	stream.indirect_vreg.gather [hbm4b:s2+s3], $0x80, v2, vm0, $0xb8;
	[tilespmem:$0x10100] =	vst v63  }
0xb0: {  	s23 =	simm.s32 $0xE900  }
0xb1: {  	[tilespmem:s23], [sflag:$0x8] =	stream.indirect_vreg.gather [hbm4b:s5+s3], $0x80, v2, vm0, $0xb8;
	[tilespmem:$0x10100] =	vst v63  }
0xb2: {  	s23 =	simm.s32 $0xF100  }
0xb3: {  	[tilespmem:s23], [sflag:$0x8] =	stream.indirect_vreg.gather [hbm4b:s6+s3], $0x80, v2, vm0, $0xb8;
	[tilespmem:$0x10100] =	vst v63  }
0xb4: {  	s23 =	simm.s32 $0xF900  }
0xb5: {  	[tilespmem:s23], [sflag:$0x8] =	stream.indirect_vreg.gather [hbm4b:s7+s3], $0x80, v2, vm0, $0xb8;
	[tilespmem:$0x10100] =	vst v63  }
0xb6: {  	_ =	swait.ge [sflag:s16], $0x2000  }
0xb7: {  	[sflag:s16] =	ssyncset.done $0x0;
	s23 =	rddreg [dreg:$0x5]  }
0xb8: {  	[sflag:s16] =	ssyncadd.s32 $0xFFFFE000;
	s9 =	sadd.s32 s30, s23  }
0xb9: {  	[hbm4b:s9+s3] =	stream.linear.scatter [tilespmem:s0], [sflag:$0xD], $0x2000, $0x38;
	[tilespmem:$0x10100] =	vst v63  }
0xba: {  	_ =	swait.ge [sflag:s17], $0x2000  }
0xbb: {  	[sflag:s17] =	ssyncset.done $0x0  }
0xbc: {  	p0 =	seq.s32 s30, $0x6000;
	[sflag:s17] =	ssyncadd.s32 $0xFFFFE000  }
0xbd: {  	v2 =	vld.msk @!p0 [tilespmem:s15+$0x10], $0xff;
	_ =	sdelay $0x4  }
0xbe: {  	v3 =	vshll.u32 @!p0 v2, $0x3  }
0xbf: {  	v4 =	vlaneseq.u32 @!p0;
	v2 =	vand.u32 @!p0 $0x7, v2;
	v3 =	vand.u32 @!p0 $0xFFFFFFC0, v3  }
0xc0: {  	v2 =	vor.u32 @!p0 v2, v3;
	v3 =	vand.u32 @!p0 $0x7, v4;
	v4 =	vshrl.u32 @!p0 v4, $0x3  }
0xc1: {  	v2 =	vperm.xlane @!p0 v2, v3;
	v4 =	vmul.u32 @!p0 $0x8, v4;
	_ =	sdelay $0x1  }
0xc2: {  	v2 =	vadd.s32 @!p0 v4, v2;
	_ =	sdelay $0x3  }
0xc3: {  	vm1 =	vmmov @!p0 $0xffff;
	s23 =	simm.s32 @!p0 $0x0;
	s9 =	simm.s32 @!p0 $0x100  }
0xc4: {  	[tilespmem:s9], [sflag:$0x1] =	stream.indirect_vreg.gather @!p0 [hbm4b:s2+s23], $0x80, v2, vm1, $0xb8;
	[tilespmem:$0x10100] =	vst v63  }
0xc5: {  	s9 =	simm.s32 @!p0 $0x900  }
0xc6: {  	[tilespmem:s9], [sflag:$0x1] =	stream.indirect_vreg.gather @!p0 [hbm4b:s5+s23], $0x80, v2, vm1, $0xb8;
	[tilespmem:$0x10100] =	vst v63  }
0xc7: {  	s9 =	simm.s32 @!p0 $0x1100  }
0xc8: {  	[tilespmem:s9], [sflag:$0x1] =	stream.indirect_vreg.gather @!p0 [hbm4b:s6+s23], $0x80, v2, vm1, $0xb8;
	[tilespmem:$0x10100] =	vst v63  }
0xc9: {  	s9 =	simm.s32 @!p0 $0x1900  }
0xca: {  	[tilespmem:s9], [sflag:$0x1] =	stream.indirect_vreg.gather @!p0 [hbm4b:s7+s23], $0x80, v2, vm1, $0xb8;
	[tilespmem:$0x10100] =	vst v63  }
0xcb: {  	_ =	swait.ge [sflag:s18], $0x2000  }
0xcc: {  	[sflag:s18] =	ssyncset.done $0x0  }
0xcd: {  	s9 =	sadd.s32 $0x1400, s31;
	[sflag:s18] =	ssyncadd.s32 $0xFFFFE000  }
0xce: {  	[hbm4b:s9+s3] =	stream.linear.scatter [tilespmem:s21], [sflag:$0xE], $0x2000, $0x38;
	[tilespmem:$0x10100] =	vst v63  }
0xcf: {  	_ =	swait.ge [sflag:s22], $0x2000  }
0xd0: {  	[sflag:s22] =	ssyncset.done $0x0  }
0xd1: {  	[sflag:s22] =	ssyncadd.s32 $0xFFFFE000  }
0xd2: {  	v2 =	vld.msk @!p0 [tilespmem:s15+$0x18], $0xff;
	_ =	sdelay $0x4  }
0xd3: {  	v5 =	vshll.u32 @!p0 v2, $0x3  }
0xd4: {  	v2 =	vand.u32 @!p0 $0x7, v2;
	v5 =	vand.u32 @!p0 $0xFFFFFFC0, v5  }
0xd5: {  	v2 =	vor.u32 @!p0 v2, v5  }
0xd6: {  	v2 =	vperm.xlane @!p0 v2, v3;
	_ =	sdelay $0x1  }
0xd7: {  	v2 =	vadd.s32 @!p0 v4, v2;
	_ =	sdelay $0x3  }
0xd8: {  	s9 =	simm.s32 @!p0 $0x2100  }
0xd9: {  	[tilespmem:s9], [sflag:$0x2] =	stream.indirect_vreg.gather @!p0 [hbm4b:s2+s23], $0x80, v2, vm1, $0xb8;
	[tilespmem:$0x10100] =	vst v63  }
0xda: {  	s9 =	simm.s32 @!p0 $0x2900  }
0xdb: {  	[tilespmem:s9], [sflag:$0x2] =	stream.indirect_vreg.gather @!p0 [hbm4b:s5+s23], $0x80, v2, vm1, $0xb8;
	[tilespmem:$0x10100] =	vst v63  }
0xdc: {  	s9 =	simm.s32 @!p0 $0x3100  }
0xdd: {  	[tilespmem:s9], [sflag:$0x2] =	stream.indirect_vreg.gather @!p0 [hbm4b:s6+s23], $0x80, v2, vm1, $0xb8;
	[tilespmem:$0x10100] =	vst v63  }
0xde: {  	s9 =	simm.s32 @!p0 $0x3900  }
0xdf: {  	[tilespmem:s9], [sflag:$0x2] =	stream.indirect_vreg.gather @!p0 [hbm4b:s7+s23], $0x80, v2, vm1, $0xb8;
	[tilespmem:$0x10100] =	vst v63  }
0xe0: {  	_ =	swait.ge [sflag:s24], $0x2000  }
0xe1: {  	[sflag:s24] =	ssyncset.done $0x0  }
0xe2: {  	s9 =	sadd.s32 s30, s12;
	[sflag:s24] =	ssyncadd.s32 $0xFFFFE000  }
0xe3: {  	[hbm4b:s9+s3] =	stream.linear.scatter [tilespmem:s4], [sflag:$0xF], $0x2000, $0x38;
	[tilespmem:$0x10100] =	vst v63  }
0xe4: {  	_ =	swait.ge [sflag:s25], $0x2000  }
0xe5: {  	[sflag:s25] =	ssyncset.done $0x0  }
0xe6: {  	[sflag:s25] =	ssyncadd.s32 $0xFFFFE000  }
0xe7: {  	v2 =	vld.msk @!p0 [tilespmem:s15+$0x20], $0xff;
	_ =	sdelay $0x4  }
0xe8: {  	v5 =	vshll.u32 @!p0 v2, $0x3  }
0xe9: {  	v2 =	vand.u32 @!p0 $0x7, v2;
	v5 =	vand.u32 @!p0 $0xFFFFFFC0, v5  }
0xea: {  	v2 =	vor.u32 @!p0 v2, v5  }
0xeb: {  	v2 =	vperm.xlane @!p0 v2, v3;
	_ =	sdelay $0x1  }
0xec: {  	v2 =	vadd.s32 @!p0 v4, v2;
	_ =	sdelay $0x3  }
0xed: {  	s9 =	simm.s32 @!p0 $0x4100  }
0xee: {  	[tilespmem:s9], [sflag:$0x3] =	stream.indirect_vreg.gather @!p0 [hbm4b:s2+s23], $0x80, v2, vm1, $0xb8;
	[tilespmem:$0x10100] =	vst v63  }
0xef: {  	s9 =	simm.s32 @!p0 $0x4900  }
0xf0: {  	[tilespmem:s9], [sflag:$0x3] =	stream.indirect_vreg.gather @!p0 [hbm4b:s5+s23], $0x80, v2, vm1, $0xb8;
	[tilespmem:$0x10100] =	vst v63  }
0xf1: {  	s9 =	simm.s32 @!p0 $0x5100  }
0xf2: {  	[tilespmem:s9], [sflag:$0x3] =	stream.indirect_vreg.gather @!p0 [hbm4b:s6+s23], $0x80, v2, vm1, $0xb8;
	[tilespmem:$0x10100] =	vst v63  }
0xf3: {  	s9 =	simm.s32 @!p0 $0x5900  }
0xf4: {  	[tilespmem:s9], [sflag:$0x3] =	stream.indirect_vreg.gather @!p0 [hbm4b:s7+s23], $0x80, v2, vm1, $0xb8;
	[tilespmem:$0x10100] =	vst v63  }
0xf5: {  	_ =	swait.ge [sflag:s8], $0x2000  }
0xf6: {  	[sflag:s8] =	ssyncset.done $0x0  }
.Ltmp2:
0xf7: {  	s31 =	sadd.s32 $0x1C00, s31;
	[sflag:s8] =	ssyncadd.s32 $0xFFFFE000;
	(pc) =	sbr.rel @p0 .LBB2_4-.Ltmp2, $4  }
0xf8: {  	[hbm4b:s31+s3] =	stream.linear.scatter [tilespmem:s19], [sflag:$0x10], $0x2000, $0x38;
	[tilespmem:$0x10100] =	vst v63  }
0xf9: {  	_ =	swait.ge [sflag:s14], $0x2000  }
0xfa: {  	[sflag:s14] =	ssyncset.done $0x0  }
0xfb: {  	[sflag:s14] =	ssyncadd.s32 $0xFFFFE000  }
0xfc: {  	v2 =	vld.msk [tilespmem:s15+$0x28], $0xff;
	_ =	sdelay $0x4  }
0xfd: {  	v3 =	vshll.u32 v2, $0x3  }
0xfe: {  	v2 =	vand.u32 $0x7, v2;
	v3 =	vand.u32 $0xFFFFFFC0, v3  }
0xff: {  	v2 =	vor.u32 v2, v3  }
0x100: {  	v2 =	vperm.xlane v2, v0;
	_ =	sdelay $0x1  }
0x101: {  	v2 =	vadd.s32 v1, v2;
	_ =	sdelay $0x4  }
0x102: {  	[tilespmem:s28], [sflag:$0x4] =	stream.indirect_vreg.gather [hbm4b:s2+s3], $0x80, v2, vm0, $0xb8;
	[tilespmem:$0x10100] =	vst v63  }
0x103: {  	s9 =	simm.s32 $0x6900  }
0x104: {  	[tilespmem:s9], [sflag:$0x4] =	stream.indirect_vreg.gather [hbm4b:s5+s3], $0x80, v2, vm0, $0xb8;
	[tilespmem:$0x10100] =	vst v63  }
.Ltmp3:
0x105: {  	_ = 	snop;
	(pc) =	sbr.rel .LBB2_2-.Ltmp3, $4  }
0x106: {  	s23 =	simm.s32 $0x7100  }
0x107: {  	[tilespmem:s23], [sflag:$0x4] =	stream.indirect_vreg.gather [hbm4b:s6+s3], $0x80, v2, vm0, $0xb8;
	[tilespmem:$0x10100] =	vst v63  }
0x108: {  	s31 =	simm.s32 $0x7900;
	s30 =	sadd.s32 $0x2000, s30;
	s15 =	sadd.s32 $0x40, s15  }
0x109: {  	[tilespmem:s31], [sflag:$0x4] =	stream.indirect_vreg.gather [hbm4b:s7+s3], $0x80, v2, vm0, $0xb8;
	[tilespmem:$0x10100] =	vst v63  }
.LBB2_5:
0x10a: {  	_ =	sfence.sel $0x180000  }
0x10b: {  	[bflag:$0x0] =	sbarrier.arrive $0xFFFF  }
0x10c: {  	_ =	strace $0x90000050  }
0x10d: {  	s0 =	stileid.u32;
	[bflag:$0x2] =	sbarrier.arrive $0xFFFF  }
0x10e: {  	p0 =	sne.s32 s0, $0x0;
	s0 =	rddreg [dreg:$0x2]  }
0x10f: {  	s0 =	sadd.s32 @!p0 $0x100000, s0  }
0x110: {  	[sflag:s0] =	ssyncadd.tile.s32 @!p0 $0x1;
	_ =	shalt  }
.Lfunc_end2:
_tile_overlayer_lowered:
.L_overlay_start_2:
0x111: {  	(tag) =	ssettag $0x2  }
0x112: {  	s0 =	rddreg [dreg:$0x0];
	s2 =	stileid.u32  }
0x113: {  	s1 =	rddreg [dreg:$0x1];
	p0 =	sne.s32 s2, $0x0  }
0x114: {  	s3 =	rddreg [dreg:$0x2];
	[bflag:$0x3] =	sbarrier.arrive $0xFFFF;
	s2 =	simm.s32 @!p0 $0x1C11  }
0x115: {  	[timem:s3], [sflag:s2] =	dma.local @!p0 [hbm:s0], s1  }
0x116: {  	s0 =	simm.s32 @!p0 $0x11  }
0x117: {  	_ =	swait.ge @!p0 [sflag:s0], s1  }
0x118: {  	s1 =	ssub.s32 @!p0 $0x0, s1;
	[sflag:s0] =	ssyncset.done @!p0 $0x0  }
0x119: {  	[sflag:s0] =	ssyncadd.s32 @!p0 s1  }
0x11a: {  	[bflag:$0x3] =	sbarrier.arrive $0xFFFF  }
0x11b: {  	_ =	shalt  }

</sc_bundles>
